<compile_context>
chip_gen: v7x
topology: tpu7x:2x2x1
jax: 0.10.2.dev20260603
libtpu: 0.0.44.dev20260713+nightly
codegen_flags: <defaults>
</compile_context>

<pallas_src>
import functools

import numpy as np
import jax
import jax.numpy as jnp
from jax import lax
from jax.experimental import pallas as pl
from jax.experimental.pallas import tpu as pltpu
from jax.experimental.pallas import tpu_sc as plsc

N = 10000
E = 160000
D = 16
H = 4
HD = D // H
NB = 16
RH = 64

NC = 2
NS = 16
NW = NC * NS
EPW = E // NW
IC = 125
KCH = EPW // IC
EP8 = E // 8
NP8 = N // 8

_SC_MESH = dict(core_axis_name="c", subcore_axis_name="s")


def _gather_body(nf_hbm, srcr_hbm, dstr_hbm, xg_hbm, xd_hbm,
                 idx_v, rows_v, sem):
    wid = lax.axis_index("s") * NC + lax.axis_index("c")
    kch = idx_v.shape[0]
    epw = kch * IC
    base = wid * epw
    for idxr_hbm, out_hbm in ((srcr_hbm, xg_hbm), (dstr_hbm, xd_hbm)):
        pltpu.sync_copy(idxr_hbm.at[wid], idx_v)

        @pl.loop(0, kch, step=8)
        def _grp(r0):
            descs = []
            for j in range(8):
                descs.append(pltpu.async_copy(
                    nf_hbm.at[idx_v.at[r0 + j]],
                    rows_v.at[pl.ds((r0 + j) * IC, IC)], sem))
            for dsc in descs:
                dsc.wait()

        pltpu.sync_copy(rows_v, out_hbm.at[pl.ds(base, epw)])


def _sc_gather(nf, src_r, dst_r, ne):
    epw = ne // NW
    kch = epw // IC
    f = functools.partial(
        pl.kernel,
        out_type=(jax.ShapeDtypeStruct((ne, D), jnp.float32),
                  jax.ShapeDtypeStruct((ne, D), jnp.float32)),
        mesh=plsc.VectorSubcoreMesh(**_SC_MESH),
        compiler_params=pltpu.CompilerParams(use_tc_tiling_on_sc=False),
        scratch_types=[
            pltpu.VMEM((kch, IC), jnp.int32),
            pltpu.VMEM((epw, D), jnp.float32),
            pltpu.SemaphoreType.DMA,
        ],
    )(_gather_body)
    return f(nf, src_r, dst_r)


def _scatter_body(wv_hbm, z_hbm, dstr_hbm, out_hbm,
                  idx_v, wv_v, z_v, acc_wv, acc_z, sem):
    c = lax.axis_index("c")
    s = lax.axis_index("s")
    wid = s * NC + c
    kch = idx_v.shape[0]
    base = wid * kch * IC
    rps = N // NS

    @pl.loop(0, IC)
    def _z(i):
        wv_v[0, i, pl.ds(0, 16)] = jnp.zeros((16,), jnp.float32)

    for acc in (acc_wv, acc_z):
        for j in range(rps // IC):
            pltpu.sync_copy(wv_v.at[0], acc.at[pl.ds(s * rps + j * IC, IC)])
    plsc.subcore_barrier()

    pltpu.sync_copy(dstr_hbm.at[wid], idx_v)

    def _load(r, b):
        pltpu.async_copy(wv_hbm.at[pl.ds(base + r * IC, IC)], wv_v.at[b], sem)
        pltpu.async_copy(z_hbm.at[pl.ds(base + r * IC, IC)], z_v.at[b], sem)

    def _wait(r, b):
        pltpu.make_async_copy(
            wv_hbm.at[pl.ds(base + r * IC, IC)], wv_v.at[b], sem).wait()
        pltpu.make_async_copy(
            z_hbm.at[pl.ds(base + r * IC, IC)], z_v.at[b], sem).wait()

    _load(0, 0)

    @pl.loop(0, kch, step=2)
    def _chunk(r0):
        for b in range(2):
            r = r0 + b

            @pl.when(r + 1 < kch)
            def _prefetch():
                _load(r + 1, 1 - b)

            _wait(r, b)
            pltpu.sync_copy(wv_v.at[b], acc_wv.at[idx_v.at[r]], add=True)
            pltpu.sync_copy(z_v.at[b], acc_z.at[idx_v.at[r]], add=True)

    plsc.subcore_barrier()
    pltpu.sync_copy(acc_wv.at[pl.ds(s * rps, rps)],
                    out_hbm.at[pl.ds(2 * c * N + s * rps, rps)])
    pltpu.sync_copy(acc_z.at[pl.ds(s * rps, rps)],
                    out_hbm.at[pl.ds((2 * c + 1) * N + s * rps, rps)])


def _sc_scatter(wv_lin, z_lin, dst_r, ne):
    kch = ne // NW // IC
    f = functools.partial(
        pl.kernel,
        out_type=jax.ShapeDtypeStruct((4 * N, D), jnp.float32),
        mesh=plsc.VectorSubcoreMesh(**_SC_MESH),
        compiler_params=pltpu.CompilerParams(use_tc_tiling_on_sc=False),
        scratch_types=[
            pltpu.VMEM((kch, IC), jnp.int32),
            pltpu.VMEM((2, IC, D), jnp.float32),
            pltpu.VMEM((2, IC, D), jnp.float32),
            pltpu.VMEM_SHARED((N, D), jnp.float32),
            pltpu.VMEM_SHARED((N, D), jnp.float32),
            pltpu.SemaphoreType.DMA,
        ],
    )(_scatter_body)
    return f(wv_lin, z_lin, dst_r)


EB = 3200
EBP = EB // 8


_BF = jnp.bfloat16


def _mm(a, b):
    return jax.lax.dot(a, b, preferred_element_type=jnp.float32)


def _spread(rows, bsel):
    w = _mm(rows.astype(_BF), bsel[...])
    pieces = [w[:, q * 128:(q + 1) * 128] for q in range(16)]
    return jnp.stack(pieces, axis=1).reshape(EBP, 128)


def _edge_body(xgp, xdp, remb, shv, elv, scal,
               w1k, b1k, w2k, b2k, w1v, b1v, w2v, b2v,
               wqd, s2r, rbd, sm, bsel, owv, oz):
    shb = _spread(shv[...].reshape(EB // 128, 128), bsel)
    elb = _spread(elv[...].reshape(EB // 128, 128), bsel)
    xs_p = xgp[...] * shb
    hk = jax.nn.silu(_mm(remb[...].astype(_BF), w1k[...]) + b1k[...])
    hv = jax.nn.silu(_mm(remb[...].astype(_BF), w1v[...]) + b1v[...])
    hkb = hk.astype(_BF)
    hvb = hv.astype(_BF)
    xsb = _mm(xs_p.astype(_BF), rbd[...])
    ks, vs = [], []
    for j in range(8):
        kw = _mm(hkb[:, j * RH:(j + 1) * RH], w2k[...]) + b2k[...]
        vw = _mm(hvb[:, j * RH:(j + 1) * RH], w2v[...]) + b2v[...]
        xj = xsb[:, j * 256:(j + 1) * 256]
        ks.append((xj * kw).astype(_BF))
        vs.append((xj * vw).astype(_BF))
    k_p = _mm(jnp.concatenate(ks, axis=1), sm[...])
    v_p = _mm(jnp.concatenate(vs, axis=1), sm[...])
    qw_p = _mm(xdp[...].astype(_BF), wqd[...])
    lb = _mm((qw_p * k_p).astype(_BF), s2r[...])
    cut = jax.nn.sigmoid(10.0 - elb * scal[...])
    z = jnp.exp(lb * cut)
    owv[...] = v_p * z
    oz[...] = z


def _tc_edges(xgp, xdp, remb, shv, elv, scal, weights):
    full = lambda a: pl.BlockSpec(a.shape, lambda i: (0,) * a.ndim)
    blk = lambda r, w: pl.BlockSpec((r, w), lambda i: (i, 0))
    sblk = pl.BlockSpec((1, EB // 128, 128), lambda i: (i, 0, 0))
    ne8 = xgp.shape[0]
    return pl.pallas_call(
        _edge_body,
        grid=(ne8 * 8 // EB,),
        in_specs=[blk(EBP, 128), blk(EBP, 128), blk(EBP, 128),
                  sblk, sblk, full(scal)]
                 + [full(w) for w in weights],
        out_specs=(blk(EBP, 128), blk(EBP, 128)),
        out_shape=(jax.ShapeDtypeStruct((ne8, 128), jnp.float32),
                   jax.ShapeDtypeStruct((ne8, 128), jnp.float32)),
    )(xgp, xdp, remb, shv, elv, scal, *weights)


def _node_body(acc1, nfp, wout, wf1, wf2, out):
    a = acc1[...]
    wv = a[0:NP8] + a[2 * NP8:3 * NP8]
    z = a[NP8:2 * NP8] + a[3 * NP8:4 * NP8]
    agg = wv / (z + 1e-9)
    y = nfp[...] + agg @ wout[...]
    h1 = y @ wf1[...]
    nrm = jnp.abs(h1)
    act = h1 * (nrm * jax.nn.sigmoid(nrm)) / (nrm + 1e-8)
    out[...] = y + act @ wf2[...]


def _tc_nodes(acc1, nfp, wout, wf1, wf2):
    full = lambda a: pl.BlockSpec(a.shape, lambda i: (0,) * a.ndim)
    return pl.pallas_call(
        _node_body,
        grid=(1,),
        in_specs=[full(acc1), full(nfp),
                  full(wout), full(wf1), full(wf2)],
        out_specs=full(nfp),
        out_shape=jax.ShapeDtypeStruct((NP8, 128), jnp.float32),
    )(acc1, nfp, wout, wf1, wf2)


def _bd8(w):
    return jnp.kron(jnp.eye(8, dtype=jnp.float32), w)


def kernel(node_features, edge_index, edge_sh, edge_radial_emb, edge_length,
           max_radius, W_q, W1k, b1k, W2k, b2k, W1v, b1v, W2v, b2v, W_dot,
           W_out, W_ffn1, W_ffn2):
    f32 = jnp.float32
    sm = _bd8(jnp.asarray(np.tile(np.eye(D, dtype=np.float32), (D, 1)) * 0.25))
    s2r = _bd8(jnp.asarray(
        np.kron(np.eye(H, dtype=np.float32),
                np.ones((HD, HD), dtype=np.float32)) * 0.25))
    rbd = _bd8(jnp.asarray(
        np.kron(np.eye(D, dtype=np.float32),
                np.ones((1, D), dtype=np.float32))))
    wdbd = jnp.kron(jnp.eye(H, dtype=f32), W_dot)
    wqd = _bd8((W_q * 0.25) @ wdbd)
    w1k = _bd8(W1k)
    w1v = _bd8(W1v)
    b1k8 = jnp.tile(b1k, 8).reshape(1, 8 * RH)
    b1v8 = jnp.tile(b1v, 8).reshape(1, 8 * RH)
    scal = (10.0 / jnp.asarray(max_radius, f32)).reshape(1, 1)
    bsel = np.zeros((128, 2048), dtype=np.float32)
    for q in range(16):
        for p in range(8):
            bsel[8 * q + p, q * 128 + p * 16:q * 128 + p * 16 + 16] = 1.0
    bfc = lambda w: w.astype(jnp.bfloat16)
    weights = [bfc(w1k), b1k8, bfc(W2k), b2k.reshape(1, D * D),
               bfc(w1v), b1v8, bfc(W2v), b2v.reshape(1, D * D),
               bfc(wqd), bfc(s2r), bfc(rbd), bfc(sm),
               jnp.asarray(bsel).astype(jnp.bfloat16)]

    shv = edge_sh[:, 0].reshape(E // EB, EB // 128, 128)
    elv = edge_length[:, 0].reshape(E // EB, EB // 128, 128)
    remb_p = edge_radial_emb.reshape(E * NB).reshape(EP8, 128)
    src_r = edge_index[0].reshape(NW, KCH, IC)
    dst_r = edge_index[1].reshape(NW, KCH, IC)

    xg, xd = _sc_gather(node_features, src_r, dst_r, E)
    wv_p, z_p = _tc_edges(xg.reshape(EP8, 128), xd.reshape(EP8, 128),
                          remb_p, shv, elv, scal, weights)
    acc = _sc_scatter(wv_p.reshape(E, D), z_p.reshape(E, D), dst_r, E)

    out_p = _tc_nodes(acc.reshape(4 * NP8, 128),
                      node_features.reshape(NP8, 128),
                      _bd8(W_out * 0.25), _bd8(W_ffn1 * 0.25),
                      _bd8(W_ffn2 * (1.0 / np.sqrt(2 * D).astype(np.float32))))
    return out_p.reshape(N, D)

# --- scband reference (transcript-rebuilt; emitter-appended) ---
"""Pipeline reference for scband-se3-invariant-graph-encoder-51058571215446 (READ-ONLY COPY).

The authoritative reference and input builder live on the scoring server;
editing this copy changes nothing except your own understanding.
"""

import jax, jax.numpy as jnp
import numpy as np

N = 10000
E = 160000
D = 16
H = 4
HD = D // H
NB = 16
RH = 64


def _mlp(r, W1, b1, W2, b2):
    h = jax.nn.silu(r @ W1 + b1)
    return h @ W2 + b2


def _norm_act(x):
    n = jnp.abs(x)
    return x * jax.nn.silu(n) / (n + 1e-8)


def setup_inputs(seed: int = 0):
    key = jax.random.key(seed)
    ks = jax.random.split(key, 20)
    inp = {}
    inp['node_features'] = jax.random.normal(ks[0], (N, D), dtype=jnp.float32)
    inp['edge_index'] = jax.random.randint(ks[1], (2, E), 0, N)
    inp['edge_sh'] = jax.random.uniform(ks[2], (E, 1), dtype=jnp.float32)
    inp['edge_radial_emb'] = jax.random.normal(ks[3], (E, NB), dtype=jnp.float32)
    inp['edge_length'] = jax.random.uniform(ks[4], (E, 1), dtype=jnp.float32)
    inp['max_radius'] = 5
    s = 0.1
    inp['W_q'] = jax.random.normal(ks[5], (D, D), dtype=jnp.float32) * s
    inp['W1k'] = jax.random.normal(ks[6], (NB, RH), dtype=jnp.float32) * s
    inp['b1k'] = jnp.zeros((RH,), dtype=jnp.float32)
    inp['W2k'] = jax.random.normal(ks[7], (RH, D * D), dtype=jnp.float32) * s
    inp['b2k'] = jnp.zeros((D * D,), dtype=jnp.float32)
    inp['W1v'] = jax.random.normal(ks[8], (NB, RH), dtype=jnp.float32) * s
    inp['b1v'] = jnp.zeros((RH,), dtype=jnp.float32)
    inp['W2v'] = jax.random.normal(ks[9], (RH, D * D), dtype=jnp.float32) * s
    inp['b2v'] = jnp.zeros((D * D,), dtype=jnp.float32)
    inp['W_dot'] = jax.random.normal(ks[10], (HD, HD), dtype=jnp.float32) * s
    inp['W_out'] = jax.random.normal(ks[11], (D, D), dtype=jnp.float32) * s
    inp['W_ffn1'] = jax.random.normal(ks[12], (D, 2 * D), dtype=jnp.float32) * s
    inp['W_ffn2'] = jax.random.normal(ks[13], (2 * D, D), dtype=jnp.float32) * s
    return inp


def reference(node_features, edge_index, edge_sh, edge_radial_emb, edge_length, max_radius,
              W_q, W1k, b1k, W2k, b2k, W1v, b1v, W2v, b2v, W_dot, W_out, W_ffn1, W_ffn2):
    src = edge_index[0]
    dst = edge_index[1]
    # query network (e3nn Linear on scalar irreps -> dense, fan-in normalized)
    q = node_features @ W_q / jnp.sqrt(D)
    # edge key/value: radial MLP generates per-edge TP weights; scalar-irreps
    # FullyConnectedTensorProduct(x_src, sh; w) -> einsum over per-edge weight matrices
    x_src = node_features[src]
    xs = x_src * edge_sh  # [E, D] * [E, 1]
    kw = _mlp(edge_radial_emb, W1k, b1k, W2k, b2k).reshape(E, D, D)
    k_edge = jnp.einsum('ei,eij->ej', xs, kw) / jnp.sqrt(D)
    vw = _mlp(edge_radial_emb, W1v, b1v, W2v, b2v).reshape(E, D, D)
    v_edge = jnp.einsum('ei,eij->ej', xs, vw) / jnp.sqrt(D)
    qh = q.reshape(N, H, HD)
    kh = k_edge.reshape(E, H, HD)
    vh = v_edge.reshape(E, H, HD)
    qe = qh[dst]  # gather queries onto edges
    # per-head dot-product TP to 0e (shared across heads), then * scale
    logits = jnp.einsum('ehi,ehj,ij->eh', qe, kh, W_dot) / jnp.sqrt(HD)
    logits = logits * (1.0 / jnp.sqrt(HD))
    # soft radial cutoff
    cutoff = jax.nn.sigmoid(10.0 * (1.0 - edge_length[:, 0] / jnp.asarray(max_radius).astype(jnp.float32)))
    logits = logits * cutoff[:, None]
    # scatter_softmax over incoming edges of each dst node
    seg_max = jax.ops.segment_max(logits, dst, num_segments=N)
    seg_max = jnp.where(jnp.isfinite(seg_max), seg_max, 0.0)
    zexp = jnp.exp(logits - jax.lax.stop_gradient(seg_max)[dst])
    denom = jax.ops.segment_sum(zexp, dst, num_segments=N)
    attn = zexp / (denom[dst] + 1e-9)
    # weighted scatter-sum aggregation
    wv = vh * attn[:, :, None]
    agg = jax.ops.segment_sum(wv, dst, num_segments=N).reshape(N, D)
    projected = agg @ W_out / jnp.sqrt(D)
    attn_block_output = node_features + projected  # irreps match -> identity skip
    # FFN: Linear -> NormActivation(silu) -> Linear, residual
    h1 = attn_block_output @ W_ffn1 / jnp.sqrt(D)
    a = _norm_act(h1)
    ffn_out = a @ W_ffn2 / jnp.sqrt(2 * D)
    return attn_block_output + ffn_out

if __name__ == "__main__":
    import jax
    _d = setup_inputs()
    print(jax.jit(kernel)(*tuple(_d.values())))

</pallas_src>

<mosaic_0001>
#map = affine_map<(d0, d1) -> (0, 0)>
#map1 = affine_map<(d0, d1) -> (0, 0, 0)>
module attributes {stable_mosaic.version = 14 : i64} {
  func.func @_gather_body(%arg0: i32, %arg1: i32, %arg2: memref<10000x16xf32, #tpu.memory_space<hbm>>, %arg3: memref<32x40x125xi32, #tpu.memory_space<hbm>>, %arg4: memref<32x40x125xi32, #tpu.memory_space<hbm>>, %arg5: memref<160000x16xf32, #tpu.memory_space<hbm>>, %arg6: memref<160000x16xf32, #tpu.memory_space<hbm>>, %arg7: memref<40x125xi32, #tpu.memory_space<vmem>>, %arg8: memref<5000x16xf32, #tpu.memory_space<vmem>>, %arg9: memref<!tpu.dma_semaphore, #tpu.memory_space<semaphore_mem>>) attributes {dimension_semantics = [#tpu.dimension_semantics<core_parallel>, #tpu.dimension_semantics<subcore_parallel>], iteration_bounds = array<i64: 2, 16>, scalar_prefetch = 0 : i64, scratch_operands = 3 : i64, tpu.core_type = #tpu.core_type<sc_vector_subcore>, window_params = [{transform_indices = #map}, {transform_indices = #map1}, {transform_indices = #map1}, {transform_indices = #map}, {transform_indices = #map}]} {
    %mul3A = arith.constant 2 : i32
    %mul3A_0 = arith.muli %arg1, %mul3A : i32
    %add3A = arith.addi %mul3A_0, %arg0 : i32
    %mul3A_1 = arith.constant 5000 : i32
    %mul3A_2 = arith.muli %add3A, %mul3A_1 : i32
    "tpu.region"() ({
      %run_scoped3A = tpu.sem_alloc : memref<!tpu.dma_semaphore, #tpu.memory_space<semaphore_mem>>
      %dma_start3A = arith.constant 0 : i32
      %dma_start3A_12 = arith.constant 0 : i32
      %dma_start3A_13 = tpu.memref_slice %arg3[%add3A, %dma_start3A, %dma_start3A_12] : memref<32x40x125xi32, #tpu.memory_space<hbm>> -> memref<1x40x125xi32, #tpu.memory_space<hbm>>
      %dma_start3A_14 = tpu.memref_squeeze %dma_start3A_13 : memref<1x40x125xi32, #tpu.memory_space<hbm>> -> memref<40x125xi32, #tpu.memory_space<hbm>>
      %dma_start3A_15 = arith.constant 0 : i32
      %dma_start3A_16 = arith.constant 0 : i32
      %dma_start3A_17 = tpu.memref_slice %arg3[%add3A, %dma_start3A_15, %dma_start3A_16] : memref<32x40x125xi32, #tpu.memory_space<hbm>> -> memref<1x40x125xi32, #tpu.memory_space<hbm>>
      %dma_start3A_18 = tpu.memref_squeeze %dma_start3A_17 : memref<1x40x125xi32, #tpu.memory_space<hbm>> -> memref<40x125xi32, #tpu.memory_space<hbm>>
      tpu.enqueue_dma source(%dma_start3A_18 : memref<40x125xi32, #tpu.memory_space<hbm>>) target(%arg7 : memref<40x125xi32, #tpu.memory_space<vmem>>) target_semaphore(%run_scoped3A : memref<!tpu.dma_semaphore, #tpu.memory_space<semaphore_mem>>)
      %dma_wait3A = arith.constant 0 : i32
      %dma_wait3A_19 = arith.constant 0 : i32
      %dma_wait3A_20 = tpu.memref_slice %arg3[%add3A, %dma_wait3A, %dma_wait3A_19] : memref<32x40x125xi32, #tpu.memory_space<hbm>> -> memref<1x40x125xi32, #tpu.memory_space<hbm>>
      %dma_wait3A_21 = tpu.memref_squeeze %dma_wait3A_20 : memref<1x40x125xi32, #tpu.memory_space<hbm>> -> memref<40x125xi32, #tpu.memory_space<hbm>>
      %dma_wait3A_22 = arith.constant 0 : i32
      %dma_wait3A_23 = arith.constant 0 : i32
      %dma_wait3A_24 = tpu.memref_slice %arg3[%add3A, %dma_wait3A_22, %dma_wait3A_23] : memref<32x40x125xi32, #tpu.memory_space<hbm>> -> memref<1x40x125xi32, #tpu.memory_space<hbm>>
      %dma_wait3A_25 = tpu.memref_squeeze %dma_wait3A_24 : memref<1x40x125xi32, #tpu.memory_space<hbm>> -> memref<40x125xi32, #tpu.memory_space<hbm>>
      tpu.wait_dma2 semaphore(%run_scoped3A : memref<!tpu.dma_semaphore, #tpu.memory_space<semaphore_mem>>) src(%dma_wait3A_25 : memref<40x125xi32, #tpu.memory_space<hbm>>) dst(%arg7 : memref<40x125xi32, #tpu.memory_space<vmem>>)
      tpu.yield
    }) : () -> ()
    %scan3A = arith.constant 0 : i32
    %scan3A_3 = arith.constant 5 : i32
    %scan3A_4 = arith.addi %scan3A, %scan3A_3 : i32
    %scan3A_5 = arith.constant 1 : i32
    scf.for %scan3A_12 = %scan3A to %scan3A_4 step %scan3A_5  : i32 {
      %mul3A_13 = arith.constant 8 : i32
      %mul3A_14 = arith.muli %scan3A_12, %mul3A_13 : i32
      %add3A_15 = arith.constant 0 : i32
      %add3A_16 = arith.addi %add3A_15, %mul3A_14 : i32
      %add3A_17 = arith.constant 0 : i32
      %add3A_18 = arith.addi %add3A_16, %add3A_17 : i32
      %add3A_19 = arith.constant 0 : i32
      %add3A_20 = arith.addi %add3A_16, %add3A_19 : i32
      %mul3A_21 = arith.constant 125 : i32
      %mul3A_22 = arith.muli %add3A_20, %mul3A_21 : i32
      %dma_start3A = arith.constant 0 : i32
      %dma_start3A_23 = tpu.memref_slice %arg8[%mul3A_22, %dma_start3A] : memref<5000x16xf32, #tpu.memory_space<vmem>> -> memref<125x16xf32, #tpu.memory_space<vmem>>
      %dma_start3A_24 = arith.constant 0 : i32
      %dma_start3A_25 = tpu.memref_slice %arg7[%add3A_18, %dma_start3A_24] : memref<40x125xi32, #tpu.memory_space<vmem>> -> memref<1x125xi32, #tpu.memory_space<vmem>>
      %dma_start3A_26 = tpu.memref_squeeze %dma_start3A_25 : memref<1x125xi32, #tpu.memory_space<vmem>> -> memref<125xi32, #tpu.memory_space<vmem>>
      %dma_start3A_27 = arith.constant 0 : i32
      %dma_start3A_28 = arith.constant 0 : i32
      %dma_start3A_29 = tpu.memref_slice %arg2[%dma_start3A_27, %dma_start3A_28] : memref<10000x16xf32, #tpu.memory_space<hbm>> -> memref<10000x16xf32, #tpu.memory_space<hbm>>
      tpu.enqueue_indirect_dma source(%dma_start3A_29 : memref<10000x16xf32, #tpu.memory_space<hbm>>) target(%dma_start3A_23 : memref<125x16xf32, #tpu.memory_space<vmem>>) offsets(%dma_start3A_26 : memref<125xi32, #tpu.memory_space<vmem>>) semaphore(%arg9 : memref<!tpu.dma_semaphore, #tpu.memory_space<semaphore_mem>>)
      %add3A_30 = arith.constant 1 : i32
      %add3A_31 = arith.addi %add3A_16, %add3A_30 : i32
      %add3A_32 = arith.constant 1 : i32
      %add3A_33 = arith.addi %add3A_16, %add3A_32 : i32
      %mul3A_34 = arith.constant 125 : i32
      %mul3A_35 = arith.muli %add3A_33, %mul3A_34 : i32
      %dma_start3A_36 = arith.constant 0 : i32
      %dma_start3A_37 = tpu.memref_slice %arg8[%mul3A_35, %dma_start3A_36] : memref<5000x16xf32, #tpu.memory_space<vmem>> -> memref<125x16xf32, #tpu.memory_space<vmem>>
      %dma_start3A_38 = arith.constant 0 : i32
      %dma_start3A_39 = tpu.memref_slice %arg7[%add3A_31, %dma_start3A_38] : memref<40x125xi32, #tpu.memory_space<vmem>> -> memref<1x125xi32, #tpu.memory_space<vmem>>
      %dma_start3A_40 = tpu.memref_squeeze %dma_start3A_39 : memref<1x125xi32, #tpu.memory_space<vmem>> -> memref<125xi32, #tpu.memory_space<vmem>>
      %dma_start3A_41 = arith.constant 0 : i32
      %dma_start3A_42 = arith.constant 0 : i32
      %dma_start3A_43 = tpu.memref_slice %arg2[%dma_start3A_41, %dma_start3A_42] : memref<10000x16xf32, #tpu.memory_space<hbm>> -> memref<10000x16xf32, #tpu.memory_space<hbm>>
      tpu.enqueue_indirect_dma source(%dma_start3A_43 : memref<10000x16xf32, #tpu.memory_space<hbm>>) target(%dma_start3A_37 : memref<125x16xf32, #tpu.memory_space<vmem>>) offsets(%dma_start3A_40 : memref<125xi32, #tpu.memory_space<vmem>>) semaphore(%arg9 : memref<!tpu.dma_semaphore, #tpu.memory_space<semaphore_mem>>)
      %add3A_44 = arith.constant 2 : i32
      %add3A_45 = arith.addi %add3A_16, %add3A_44 : i32
      %add3A_46 = arith.constant 2 : i32
      %add3A_47 = arith.addi %add3A_16, %add3A_46 : i32
      %mul3A_48 = arith.constant 125 : i32
      %mul3A_49 = arith.muli %add3A_47, %mul3A_48 : i32
      %dma_start3A_50 = arith.constant 0 : i32
      %dma_start3A_51 = tpu.memref_slice %arg8[%mul3A_49, %dma_start3A_50] : memref<5000x16xf32, #tpu.memory_space<vmem>> -> memref<125x16xf32, #tpu.memory_space<vmem>>
      %dma_start3A_52 = arith.constant 0 : i32
      %dma_start3A_53 = tpu.memref_slice %arg7[%add3A_45, %dma_start3A_52] : memref<40x125xi32, #tpu.memory_space<vmem>> -> memref<1x125xi32, #tpu.memory_space<vmem>>
      %dma_start3A_54 = tpu.memref_squeeze %dma_start3A_53 : memref<1x125xi32, #tpu.memory_space<vmem>> -> memref<125xi32, #tpu.memory_space<vmem>>
      %dma_start3A_55 = arith.constant 0 : i32
      %dma_start3A_56 = arith.constant 0 : i32
      %dma_start3A_57 = tpu.memref_slice %arg2[%dma_start3A_55, %dma_start3A_56] : memref<10000x16xf32, #tpu.memory_space<hbm>> -> memref<10000x16xf32, #tpu.memory_space<hbm>>
      tpu.enqueue_indirect_dma source(%dma_start3A_57 : memref<10000x16xf32, #tpu.memory_space<hbm>>) target(%dma_start3A_51 : memref<125x16xf32, #tpu.memory_space<vmem>>) offsets(%dma_start3A_54 : memref<125xi32, #tpu.memory_space<vmem>>) semaphore(%arg9 : memref<!tpu.dma_semaphore, #tpu.memory_space<semaphore_mem>>)
      %add3A_58 = arith.constant 3 : i32
      %add3A_59 = arith.addi %add3A_16, %add3A_58 : i32
      %add3A_60 = arith.constant 3 : i32
      %add3A_61 = arith.addi %add3A_16, %add3A_60 : i32
      %mul3A_62 = arith.constant 125 : i32
      %mul3A_63 = arith.muli %add3A_61, %mul3A_62 : i32
      %dma_start3A_64 = arith.constant 0 : i32
      %dma_start3A_65 = tpu.memref_slice %arg8[%mul3A_63, %dma_start3A_64] : memref<5000x16xf32, #tpu.memory_space<vmem>> -> memref<125x16xf32, #tpu.memory_space<vmem>>
      %dma_start3A_66 = arith.constant 0 : i32
      %dma_start3A_67 = tpu.memref_slice %arg7[%add3A_59, %dma_start3A_66] : memref<40x125xi32, #tpu.memory_space<vmem>> -> memref<1x125xi32, #tpu.memory_space<vmem>>
      %dma_start3A_68 = tpu.memref_squeeze %dma_start3A_67 : memref<1x125xi32, #tpu.memory_space<vmem>> -> memref<125xi32, #tpu.memory_space<vmem>>
      %dma_start3A_69 = arith.constant 0 : i32
      %dma_start3A_70 = arith.constant 0 : i32
      %dma_start3A_71 = tpu.memref_slice %arg2[%dma_start3A_69, %dma_start3A_70] : memref<10000x16xf32, #tpu.memory_space<hbm>> -> memref<10000x16xf32, #tpu.memory_space<hbm>>
      tpu.enqueue_indirect_dma source(%dma_start3A_71 : memref<10000x16xf32, #tpu.memory_space<hbm>>) target(%dma_start3A_65 : memref<125x16xf32, #tpu.memory_space<vmem>>) offsets(%dma_start3A_68 : memref<125xi32, #tpu.memory_space<vmem>>) semaphore(%arg9 : memref<!tpu.dma_semaphore, #tpu.memory_space<semaphore_mem>>)
      %add3A_72 = arith.constant 4 : i32
      %add3A_73 = arith.addi %add3A_16, %add3A_72 : i32
      %add3A_74 = arith.constant 4 : i32
      %add3A_75 = arith.addi %add3A_16, %add3A_74 : i32
      %mul3A_76 = arith.constant 125 : i32
      %mul3A_77 = arith.muli %add3A_75, %mul3A_76 : i32
      %dma_start3A_78 = arith.constant 0 : i32
      %dma_start3A_79 = tpu.memref_slice %arg8[%mul3A_77, %dma_start3A_78] : memref<5000x16xf32, #tpu.memory_space<vmem>> -> memref<125x16xf32, #tpu.memory_space<vmem>>
      %dma_start3A_80 = arith.constant 0 : i32
      %dma_start3A_81 = tpu.memref_slice %arg7[%add3A_73, %dma_start3A_80] : memref<40x125xi32, #tpu.memory_space<vmem>> -> memref<1x125xi32, #tpu.memory_space<vmem>>
      %dma_start3A_82 = tpu.memref_squeeze %dma_start3A_81 : memref<1x125xi32, #tpu.memory_space<vmem>> -> memref<125xi32, #tpu.memory_space<vmem>>
      %dma_start3A_83 = arith.constant 0 : i32
      %dma_start3A_84 = arith.constant 0 : i32
      %dma_start3A_85 = tpu.memref_slice %arg2[%dma_start3A_83, %dma_start3A_84] : memref<10000x16xf32, #tpu.memory_space<hbm>> -> memref<10000x16xf32, #tpu.memory_space<hbm>>
      tpu.enqueue_indirect_dma source(%dma_start3A_85 : memref<10000x16xf32, #tpu.memory_space<hbm>>) target(%dma_start3A_79 : memref<125x16xf32, #tpu.memory_space<vmem>>) offsets(%dma_start3A_82 : memref<125xi32, #tpu.memory_space<vmem>>) semaphore(%arg9 : memref<!tpu.dma_semaphore, #tpu.memory_space<semaphore_mem>>)
      %add3A_86 = arith.constant 5 : i32
      %add3A_87 = arith.addi %add3A_16, %add3A_86 : i32
      %add3A_88 = arith.constant 5 : i32
      %add3A_89 = arith.addi %add3A_16, %add3A_88 : i32
      %mul3A_90 = arith.constant 125 : i32
      %mul3A_91 = arith.muli %add3A_89, %mul3A_90 : i32
      %dma_start3A_92 = arith.constant 0 : i32
      %dma_start3A_93 = tpu.memref_slice %arg8[%mul3A_91, %dma_start3A_92] : memref<5000x16xf32, #tpu.memory_space<vmem>> -> memref<125x16xf32, #tpu.memory_space<vmem>>
      %dma_start3A_94 = arith.constant 0 : i32
      %dma_start3A_95 = tpu.memref_slice %arg7[%add3A_87, %dma_start3A_94] : memref<40x125xi32, #tpu.memory_space<vmem>> -> memref<1x125xi32, #tpu.memory_space<vmem>>
      %dma_start3A_96 = tpu.memref_squeeze %dma_start3A_95 : memref<1x125xi32, #tpu.memory_space<vmem>> -> memref<125xi32, #tpu.memory_space<vmem>>
      %dma_start3A_97 = arith.constant 0 : i32
      %dma_start3A_98 = arith.constant 0 : i32
      %dma_start3A_99 = tpu.memref_slice %arg2[%dma_start3A_97, %dma_start3A_98] : memref<10000x16xf32, #tpu.memory_space<hbm>> -> memref<10000x16xf32, #tpu.memory_space<hbm>>
      tpu.enqueue_indirect_dma source(%dma_start3A_99 : memref<10000x16xf32, #tpu.memory_space<hbm>>) target(%dma_start3A_93 : memref<125x16xf32, #tpu.memory_space<vmem>>) offsets(%dma_start3A_96 : memref<125xi32, #tpu.memory_space<vmem>>) semaphore(%arg9 : memref<!tpu.dma_semaphore, #tpu.memory_space<semaphore_mem>>)
      %add3A_100 = arith.constant 6 : i32
      %add3A_101 = arith.addi %add3A_16, %add3A_100 : i32
      %add3A_102 = arith.constant 6 : i32
      %add3A_103 = arith.addi %add3A_16, %add3A_102 : i32
      %mul3A_104 = arith.constant 125 : i32
      %mul3A_105 = arith.muli %add3A_103, %mul3A_104 : i32
      %dma_start3A_106 = arith.constant 0 : i32
      %dma_start3A_107 = tpu.memref_slice %arg8[%mul3A_105, %dma_start3A_106] : memref<5000x16xf32, #tpu.memory_space<vmem>> -> memref<125x16xf32, #tpu.memory_space<vmem>>
      %dma_start3A_108 = arith.constant 0 : i32
      %dma_start3A_109 = tpu.memref_slice %arg7[%add3A_101, %dma_start3A_108] : memref<40x125xi32, #tpu.memory_space<vmem>> -> memref<1x125xi32, #tpu.memory_space<vmem>>
      %dma_start3A_110 = tpu.memref_squeeze %dma_start3A_109 : memref<1x125xi32, #tpu.memory_space<vmem>> -> memref<125xi32, #tpu.memory_space<vmem>>
      %dma_start3A_111 = arith.constant 0 : i32
      %dma_start3A_112 = arith.constant 0 : i32
      %dma_start3A_113 = tpu.memref_slice %arg2[%dma_start3A_111, %dma_start3A_112] : memref<10000x16xf32, #tpu.memory_space<hbm>> -> memref<10000x16xf32, #tpu.memory_space<hbm>>
      tpu.enqueue_indirect_dma source(%dma_start3A_113 : memref<10000x16xf32, #tpu.memory_space<hbm>>) target(%dma_start3A_107 : memref<125x16xf32, #tpu.memory_space<vmem>>) offsets(%dma_start3A_110 : memref<125xi32, #tpu.memory_space<vmem>>) semaphore(%arg9 : memref<!tpu.dma_semaphore, #tpu.memory_space<semaphore_mem>>)
      %add3A_114 = arith.constant 7 : i32
      %add3A_115 = arith.addi %add3A_16, %add3A_114 : i32
      %add3A_116 = arith.constant 7 : i32
      %add3A_117 = arith.addi %add3A_16, %add3A_116 : i32
      %mul3A_118 = arith.constant 125 : i32
      %mul3A_119 = arith.muli %add3A_117, %mul3A_118 : i32
      %dma_start3A_120 = arith.constant 0 : i32
      %dma_start3A_121 = tpu.memref_slice %arg8[%mul3A_119, %dma_start3A_120] : memref<5000x16xf32, #tpu.memory_space<vmem>> -> memref<125x16xf32, #tpu.memory_space<vmem>>
      %dma_start3A_122 = arith.constant 0 : i32
      %dma_start3A_123 = tpu.memref_slice %arg7[%add3A_115, %dma_start3A_122] : memref<40x125xi32, #tpu.memory_space<vmem>> -> memref<1x125xi32, #tpu.memory_space<vmem>>
      %dma_start3A_124 = tpu.memref_squeeze %dma_start3A_123 : memref<1x125xi32, #tpu.memory_space<vmem>> -> memref<125xi32, #tpu.memory_space<vmem>>
      %dma_start3A_125 = arith.constant 0 : i32
      %dma_start3A_126 = arith.constant 0 : i32
      %dma_start3A_127 = tpu.memref_slice %arg2[%dma_start3A_125, %dma_start3A_126] : memref<10000x16xf32, #tpu.memory_space<hbm>> -> memref<10000x16xf32, #tpu.memory_space<hbm>>
      tpu.enqueue_indirect_dma source(%dma_start3A_127 : memref<10000x16xf32, #tpu.memory_space<hbm>>) target(%dma_start3A_121 : memref<125x16xf32, #tpu.memory_space<vmem>>) offsets(%dma_start3A_124 : memref<125xi32, #tpu.memory_space<vmem>>) semaphore(%arg9 : memref<!tpu.dma_semaphore, #tpu.memory_space<semaphore_mem>>)
      %dma_wait3A = arith.constant 0 : i32
      %dma_wait3A_128 = tpu.memref_slice %arg8[%mul3A_22, %dma_wait3A] : memref<5000x16xf32, #tpu.memory_space<vmem>> -> memref<125x16xf32, #tpu.memory_space<vmem>>
      %dma_wait3A_129 = arith.constant 0 : i32
      %dma_wait3A_130 = tpu.memref_slice %arg7[%add3A_18, %dma_wait3A_129] : memref<40x125xi32, #tpu.memory_space<vmem>> -> memref<1x125xi32, #tpu.memory_space<vmem>>
      %dma_wait3A_131 = tpu.memref_squeeze %dma_wait3A_130 : memref<1x125xi32, #tpu.memory_space<vmem>> -> memref<125xi32, #tpu.memory_space<vmem>>
      %dma_wait3A_132 = arith.constant 0 : i32
      %dma_wait3A_133 = arith.constant 0 : i32
      %dma_wait3A_134 = tpu.memref_slice %arg2[%dma_wait3A_132, %dma_wait3A_133] : memref<10000x16xf32, #tpu.memory_space<hbm>> -> memref<10000x16xf32, #tpu.memory_space<hbm>>
      tpu.wait_indirect_dma semaphore(%arg9 : memref<!tpu.dma_semaphore, #tpu.memory_space<semaphore_mem>>) src(%dma_wait3A_134 : memref<10000x16xf32, #tpu.memory_space<hbm>>) dst(%dma_wait3A_128 : memref<125x16xf32, #tpu.memory_space<vmem>>)
      %dma_wait3A_135 = arith.constant 0 : i32
      %dma_wait3A_136 = tpu.memref_slice %arg8[%mul3A_35, %dma_wait3A_135] : memref<5000x16xf32, #tpu.memory_space<vmem>> -> memref<125x16xf32, #tpu.memory_space<vmem>>
      %dma_wait3A_137 = arith.constant 0 : i32
      %dma_wait3A_138 = tpu.memref_slice %arg7[%add3A_31, %dma_wait3A_137] : memref<40x125xi32, #tpu.memory_space<vmem>> -> memref<1x125xi32, #tpu.memory_space<vmem>>
      %dma_wait3A_139 = tpu.memref_squeeze %dma_wait3A_138 : memref<1x125xi32, #tpu.memory_space<vmem>> -> memref<125xi32, #tpu.memory_space<vmem>>
      %dma_wait3A_140 = arith.constant 0 : i32
      %dma_wait3A_141 = arith.constant 0 : i32
      %dma_wait3A_142 = tpu.memref_slice %arg2[%dma_wait3A_140, %dma_wait3A_141] : memref<10000x16xf32, #tpu.memory_space<hbm>> -> memref<10000x16xf32, #tpu.memory_space<hbm>>
      tpu.wait_indirect_dma semaphore(%arg9 : memref<!tpu.dma_semaphore, #tpu.memory_space<semaphore_mem>>) src(%dma_wait3A_142 : memref<10000x16xf32, #tpu.memory_space<hbm>>) dst(%dma_wait3A_136 : memref<125x16xf32, #tpu.memory_space<vmem>>)
      %dma_wait3A_143 = arith.constant 0 : i32
      %dma_wait3A_144 = tpu.memref_slice %arg8[%mul3A_49, %dma_wait3A_143] : memref<5000x16xf32, #tpu.memory_space<vmem>> -> memref<125x16xf32, #tpu.memory_space<vmem>>
      %dma_wait3A_145 = arith.constant 0 : i32
      %dma_wait3A_146 = tpu.memref_slice %arg7[%add3A_45, %dma_wait3A_145] : memref<40x125xi32, #tpu.memory_space<vmem>> -> memref<1x125xi32, #tpu.memory_space<vmem>>
      %dma_wait3A_147 = tpu.memref_squeeze %dma_wait3A_146 : memref<1x125xi32, #tpu.memory_space<vmem>> -> memref<125xi32, #tpu.memory_space<vmem>>
      %dma_wait3A_148 = arith.constant 0 : i32
      %dma_wait3A_149 = arith.constant 0 : i32
      %dma_wait3A_150 = tpu.memref_slice %arg2[%dma_wait3A_148, %dma_wait3A_149] : memref<10000x16xf32, #tpu.memory_space<hbm>> -> memref<10000x16xf32, #tpu.memory_space<hbm>>
      tpu.wait_indirect_dma semaphore(%arg9 : memref<!tpu.dma_semaphore, #tpu.memory_space<semaphore_mem>>) src(%dma_wait3A_150 : memref<10000x16xf32, #tpu.memory_space<hbm>>) dst(%dma_wait3A_144 : memref<125x16xf32, #tpu.memory_space<vmem>>)
      %dma_wait3A_151 = arith.constant 0 : i32
      %dma_wait3A_152 = tpu.memref_slice %arg8[%mul3A_63, %dma_wait3A_151] : memref<5000x16xf32, #tpu.memory_space<vmem>> -> memref<125x16xf32, #tpu.memory_space<vmem>>
      %dma_wait3A_153 = arith.constant 0 : i32
      %dma_wait3A_154 = tpu.memref_slice %arg7[%add3A_59, %dma_wait3A_153] : memref<40x125xi32, #tpu.memory_space<vmem>> -> memref<1x125xi32, #tpu.memory_space<vmem>>
      %dma_wait3A_155 = tpu.memref_squeeze %dma_wait3A_154 : memref<1x125xi32, #tpu.memory_space<vmem>> -> memref<125xi32, #tpu.memory_space<vmem>>
      %dma_wait3A_156 = arith.constant 0 : i32
      %dma_wait3A_157 = arith.constant 0 : i32
      %dma_wait3A_158 = tpu.memref_slice %arg2[%dma_wait3A_156, %dma_wait3A_157] : memref<10000x16xf32, #tpu.memory_space<hbm>> -> memref<10000x16xf32, #tpu.memory_space<hbm>>
      tpu.wait_indirect_dma semaphore(%arg9 : memref<!tpu.dma_semaphore, #tpu.memory_space<semaphore_mem>>) src(%dma_wait3A_158 : memref<10000x16xf32, #tpu.memory_space<hbm>>) dst(%dma_wait3A_152 : memref<125x16xf32, #tpu.memory_space<vmem>>)
      %dma_wait3A_159 = arith.constant 0 : i32
      %dma_wait3A_160 = tpu.memref_slice %arg8[%mul3A_77, %dma_wait3A_159] : memref<5000x16xf32, #tpu.memory_space<vmem>> -> memref<125x16xf32, #tpu.memory_space<vmem>>
      %dma_wait3A_161 = arith.constant 0 : i32
      %dma_wait3A_162 = tpu.memref_slice %arg7[%add3A_73, %dma_wait3A_161] : memref<40x125xi32, #tpu.memory_space<vmem>> -> memref<1x125xi32, #tpu.memory_space<vmem>>
      %dma_wait3A_163 = tpu.memref_squeeze %dma_wait3A_162 : memref<1x125xi32, #tpu.memory_space<vmem>> -> memref<125xi32, #tpu.memory_space<vmem>>
      %dma_wait3A_164 = arith.constant 0 : i32
      %dma_wait3A_165 = arith.constant 0 : i32
      %dma_wait3A_166 = tpu.memref_slice %arg2[%dma_wait3A_164, %dma_wait3A_165] : memref<10000x16xf32, #tpu.memory_space<hbm>> -> memref<10000x16xf32, #tpu.memory_space<hbm>>
      tpu.wait_indirect_dma semaphore(%arg9 : memref<!tpu.dma_semaphore, #tpu.memory_space<semaphore_mem>>) src(%dma_wait3A_166 : memref<10000x16xf32, #tpu.memory_space<hbm>>) dst(%dma_wait3A_160 : memref<125x16xf32, #tpu.memory_space<vmem>>)
      %dma_wait3A_167 = arith.constant 0 : i32
      %dma_wait3A_168 = tpu.memref_slice %arg8[%mul3A_91, %dma_wait3A_167] : memref<5000x16xf32, #tpu.memory_space<vmem>> -> memref<125x16xf32, #tpu.memory_space<vmem>>
      %dma_wait3A_169 = arith.constant 0 : i32
      %dma_wait3A_170 = tpu.memref_slice %arg7[%add3A_87, %dma_wait3A_169] : memref<40x125xi32, #tpu.memory_space<vmem>> -> memref<1x125xi32, #tpu.memory_space<vmem>>
      %dma_wait3A_171 = tpu.memref_squeeze %dma_wait3A_170 : memref<1x125xi32, #tpu.memory_space<vmem>> -> memref<125xi32, #tpu.memory_space<vmem>>
      %dma_wait3A_172 = arith.constant 0 : i32
      %dma_wait3A_173 = arith.constant 0 : i32
      %dma_wait3A_174 = tpu.memref_slice %arg2[%dma_wait3A_172, %dma_wait3A_173] : memref<10000x16xf32, #tpu.memory_space<hbm>> -> memref<10000x16xf32, #tpu.memory_space<hbm>>
      tpu.wait_indirect_dma semaphore(%arg9 : memref<!tpu.dma_semaphore, #tpu.memory_space<semaphore_mem>>) src(%dma_wait3A_174 : memref<10000x16xf32, #tpu.memory_space<hbm>>) dst(%dma_wait3A_168 : memref<125x16xf32, #tpu.memory_space<vmem>>)
      %dma_wait3A_175 = arith.constant 0 : i32
      %dma_wait3A_176 = tpu.memref_slice %arg8[%mul3A_105, %dma_wait3A_175] : memref<5000x16xf32, #tpu.memory_space<vmem>> -> memref<125x16xf32, #tpu.memory_space<vmem>>
      %dma_wait3A_177 = arith.constant 0 : i32
      %dma_wait3A_178 = tpu.memref_slice %arg7[%add3A_101, %dma_wait3A_177] : memref<40x125xi32, #tpu.memory_space<vmem>> -> memref<1x125xi32, #tpu.memory_space<vmem>>
      %dma_wait3A_179 = tpu.memref_squeeze %dma_wait3A_178 : memref<1x125xi32, #tpu.memory_space<vmem>> -> memref<125xi32, #tpu.memory_space<vmem>>
      %dma_wait3A_180 = arith.constant 0 : i32
      %dma_wait3A_181 = arith.constant 0 : i32
      %dma_wait3A_182 = tpu.memref_slice %arg2[%dma_wait3A_180, %dma_wait3A_181] : memref<10000x16xf32, #tpu.memory_space<hbm>> -> memref<10000x16xf32, #tpu.memory_space<hbm>>
      tpu.wait_indirect_dma semaphore(%arg9 : memref<!tpu.dma_semaphore, #tpu.memory_space<semaphore_mem>>) src(%dma_wait3A_182 : memref<10000x16xf32, #tpu.memory_space<hbm>>) dst(%dma_wait3A_176 : memref<125x16xf32, #tpu.memory_space<vmem>>)
      %dma_wait3A_183 = arith.constant 0 : i32
      %dma_wait3A_184 = tpu.memref_slice %arg8[%mul3A_119, %dma_wait3A_183] : memref<5000x16xf32, #tpu.memory_space<vmem>> -> memref<125x16xf32, #tpu.memory_space<vmem>>
      %dma_wait3A_185 = arith.constant 0 : i32
      %dma_wait3A_186 = tpu.memref_slice %arg7[%add3A_115, %dma_wait3A_185] : memref<40x125xi32, #tpu.memory_space<vmem>> -> memref<1x125xi32, #tpu.memory_space<vmem>>
      %dma_wait3A_187 = tpu.memref_squeeze %dma_wait3A_186 : memref<1x125xi32, #tpu.memory_space<vmem>> -> memref<125xi32, #tpu.memory_space<vmem>>
      %dma_wait3A_188 = arith.constant 0 : i32
      %dma_wait3A_189 = arith.constant 0 : i32
      %dma_wait3A_190 = tpu.memref_slice %arg2[%dma_wait3A_188, %dma_wait3A_189] : memref<10000x16xf32, #tpu.memory_space<hbm>> -> memref<10000x16xf32, #tpu.memory_space<hbm>>
      tpu.wait_indirect_dma semaphore(%arg9 : memref<!tpu.dma_semaphore, #tpu.memory_space<semaphore_mem>>) src(%dma_wait3A_190 : memref<10000x16xf32, #tpu.memory_space<hbm>>) dst(%dma_wait3A_184 : memref<125x16xf32, #tpu.memory_space<vmem>>)
    }
    %scan3A_6 = arith.constant 5 : i32
    "tpu.region"() ({
      %run_scoped3A = tpu.sem_alloc : memref<!tpu.dma_semaphore, #tpu.memory_space<semaphore_mem>>
      %dma_start3A = arith.constant 0 : i32
      %dma_start3A_12 = tpu.memref_slice %arg5[%mul3A_2, %dma_start3A] : memref<160000x16xf32, #tpu.memory_space<hbm>> -> memref<5000x16xf32, #tpu.memory_space<hbm>>
      %dma_start3A_13 = arith.constant 0 : i32
      %dma_start3A_14 = tpu.memref_slice %arg5[%mul3A_2, %dma_start3A_13] : memref<160000x16xf32, #tpu.memory_space<hbm>> -> memref<5000x16xf32, #tpu.memory_space<hbm>>
      tpu.enqueue_dma source(%arg8 : memref<5000x16xf32, #tpu.memory_space<vmem>>) target(%dma_start3A_14 : memref<5000x16xf32, #tpu.memory_space<hbm>>) target_semaphore(%run_scoped3A : memref<!tpu.dma_semaphore, #tpu.memory_space<semaphore_mem>>)
      %dma_wait3A = arith.constant 0 : i32
      %dma_wait3A_15 = tpu.memref_slice %arg5[%mul3A_2, %dma_wait3A] : memref<160000x16xf32, #tpu.memory_space<hbm>> -> memref<5000x16xf32, #tpu.memory_space<hbm>>
      %dma_wait3A_16 = arith.constant 0 : i32
      %dma_wait3A_17 = tpu.memref_slice %arg5[%mul3A_2, %dma_wait3A_16] : memref<160000x16xf32, #tpu.memory_space<hbm>> -> memref<5000x16xf32, #tpu.memory_space<hbm>>
      tpu.wait_dma2 semaphore(%run_scoped3A : memref<!tpu.dma_semaphore, #tpu.memory_space<semaphore_mem>>) src(%arg8 : memref<5000x16xf32, #tpu.memory_space<vmem>>) dst(%dma_wait3A_17 : memref<5000x16xf32, #tpu.memory_space<hbm>>)
      tpu.yield
    }) : () -> ()
    "tpu.region"() ({
      %run_scoped3A = tpu.sem_alloc : memref<!tpu.dma_semaphore, #tpu.memory_space<semaphore_mem>>
      %dma_start3A = arith.constant 0 : i32
      %dma_start3A_12 = arith.constant 0 : i32
      %dma_start3A_13 = tpu.memref_slice %arg4[%add3A, %dma_start3A, %dma_start3A_12] : memref<32x40x125xi32, #tpu.memory_space<hbm>> -> memref<1x40x125xi32, #tpu.memory_space<hbm>>
      %dma_start3A_14 = tpu.memref_squeeze %dma_start3A_13 : memref<1x40x125xi32, #tpu.memory_space<hbm>> -> memref<40x125xi32, #tpu.memory_space<hbm>>
      %dma_start3A_15 = arith.constant 0 : i32
      %dma_start3A_16 = arith.constant 0 : i32
      %dma_start3A_17 = tpu.memref_slice %arg4[%add3A, %dma_start3A_15, %dma_start3A_16] : memref<32x40x125xi32, #tpu.memory_space<hbm>> -> memref<1x40x125xi32, #tpu.memory_space<hbm>>
      %dma_start3A_18 = tpu.memref_squeeze %dma_start3A_17 : memref<1x40x125xi32, #tpu.memory_space<hbm>> -> memref<40x125xi32, #tpu.memory_space<hbm>>
      tpu.enqueue_dma source(%dma_start3A_18 : memref<40x125xi32, #tpu.memory_space<hbm>>) target(%arg7 : memref<40x125xi32, #tpu.memory_space<vmem>>) target_semaphore(%run_scoped3A : memref<!tpu.dma_semaphore, #tpu.memory_space<semaphore_mem>>)
      %dma_wait3A = arith.constant 0 : i32
      %dma_wait3A_19 = arith.constant 0 : i32
      %dma_wait3A_20 = tpu.memref_slice %arg4[%add3A, %dma_wait3A, %dma_wait3A_19] : memref<32x40x125xi32, #tpu.memory_space<hbm>> -> memref<1x40x125xi32, #tpu.memory_space<hbm>>
      %dma_wait3A_21 = tpu.memref_squeeze %dma_wait3A_20 : memref<1x40x125xi32, #tpu.memory_space<hbm>> -> memref<40x125xi32, #tpu.memory_space<hbm>>
      %dma_wait3A_22 = arith.constant 0 : i32
      %dma_wait3A_23 = arith.constant 0 : i32
      %dma_wait3A_24 = tpu.memref_slice %arg4[%add3A, %dma_wait3A_22, %dma_wait3A_23] : memref<32x40x125xi32, #tpu.memory_space<hbm>> -> memref<1x40x125xi32, #tpu.memory_space<hbm>>
      %dma_wait3A_25 = tpu.memref_squeeze %dma_wait3A_24 : memref<1x40x125xi32, #tpu.memory_space<hbm>> -> memref<40x125xi32, #tpu.memory_space<hbm>>
      tpu.wait_dma2 semaphore(%run_scoped3A : memref<!tpu.dma_semaphore, #tpu.memory_space<semaphore_mem>>) src(%dma_wait3A_25 : memref<40x125xi32, #tpu.memory_space<hbm>>) dst(%arg7 : memref<40x125xi32, #tpu.memory_space<vmem>>)
      tpu.yield
    }) : () -> ()
    %scan3A_7 = arith.constant 0 : i32
    %scan3A_8 = arith.constant 5 : i32
    %scan3A_9 = arith.addi %scan3A_7, %scan3A_8 : i32
    %scan3A_10 = arith.constant 1 : i32
    scf.for %scan3A_12 = %scan3A_7 to %scan3A_9 step %scan3A_10  : i32 {
      %mul3A_13 = arith.constant 8 : i32
      %mul3A_14 = arith.muli %scan3A_12, %mul3A_13 : i32
      %add3A_15 = arith.constant 0 : i32
      %add3A_16 = arith.addi %add3A_15, %mul3A_14 : i32
      %add3A_17 = arith.constant 0 : i32
      %add3A_18 = arith.addi %add3A_16, %add3A_17 : i32
      %add3A_19 = arith.constant 0 : i32
      %add3A_20 = arith.addi %add3A_16, %add3A_19 : i32
      %mul3A_21 = arith.constant 125 : i32
      %mul3A_22 = arith.muli %add3A_20, %mul3A_21 : i32
      %dma_start3A = arith.constant 0 : i32
      %dma_start3A_23 = tpu.memref_slice %arg8[%mul3A_22, %dma_start3A] : memref<5000x16xf32, #tpu.memory_space<vmem>> -> memref<125x16xf32, #tpu.memory_space<vmem>>
      %dma_start3A_24 = arith.constant 0 : i32
      %dma_start3A_25 = tpu.memref_slice %arg7[%add3A_18, %dma_start3A_24] : memref<40x125xi32, #tpu.memory_space<vmem>> -> memref<1x125xi32, #tpu.memory_space<vmem>>
      %dma_start3A_26 = tpu.memref_squeeze %dma_start3A_25 : memref<1x125xi32, #tpu.memory_space<vmem>> -> memref<125xi32, #tpu.memory_space<vmem>>
      %dma_start3A_27 = arith.constant 0 : i32
      %dma_start3A_28 = arith.constant 0 : i32
      %dma_start3A_29 = tpu.memref_slice %arg2[%dma_start3A_27, %dma_start3A_28] : memref<10000x16xf32, #tpu.memory_space<hbm>> -> memref<10000x16xf32, #tpu.memory_space<hbm>>
      tpu.enqueue_indirect_dma source(%dma_start3A_29 : memref<10000x16xf32, #tpu.memory_space<hbm>>) target(%dma_start3A_23 : memref<125x16xf32, #tpu.memory_space<vmem>>) offsets(%dma_start3A_26 : memref<125xi32, #tpu.memory_space<vmem>>) semaphore(%arg9 : memref<!tpu.dma_semaphore, #tpu.memory_space<semaphore_mem>>)
      %add3A_30 = arith.constant 1 : i32
      %add3A_31 = arith.addi %add3A_16, %add3A_30 : i32
      %add3A_32 = arith.constant 1 : i32
      %add3A_33 = arith.addi %add3A_16, %add3A_32 : i32
      %mul3A_34 = arith.constant 125 : i32
      %mul3A_35 = arith.muli %add3A_33, %mul3A_34 : i32
      %dma_start3A_36 = arith.constant 0 : i32
      %dma_start3A_37 = tpu.memref_slice %arg8[%mul3A_35, %dma_start3A_36] : memref<5000x16xf32, #tpu.memory_space<vmem>> -> memref<125x16xf32, #tpu.memory_space<vmem>>
      %dma_start3A_38 = arith.constant 0 : i32
      %dma_start3A_39 = tpu.memref_slice %arg7[%add3A_31, %dma_start3A_38] : memref<40x125xi32, #tpu.memory_space<vmem>> -> memref<1x125xi32, #tpu.memory_space<vmem>>
      %dma_start3A_40 = tpu.memref_squeeze %dma_start3A_39 : memref<1x125xi32, #tpu.memory_space<vmem>> -> memref<125xi32, #tpu.memory_space<vmem>>
      %dma_start3A_41 = arith.constant 0 : i32
      %dma_start3A_42 = arith.constant 0 : i32
      %dma_start3A_43 = tpu.memref_slice %arg2[%dma_start3A_41, %dma_start3A_42] : memref<10000x16xf32, #tpu.memory_space<hbm>> -> memref<10000x16xf32, #tpu.memory_space<hbm>>
      tpu.enqueue_indirect_dma source(%dma_start3A_43 : memref<10000x16xf32, #tpu.memory_space<hbm>>) target(%dma_start3A_37 : memref<125x16xf32, #tpu.memory_space<vmem>>) offsets(%dma_start3A_40 : memref<125xi32, #tpu.memory_space<vmem>>) semaphore(%arg9 : memref<!tpu.dma_semaphore, #tpu.memory_space<semaphore_mem>>)
      %add3A_44 = arith.constant 2 : i32
      %add3A_45 = arith.addi %add3A_16, %add3A_44 : i32
      %add3A_46 = arith.constant 2 : i32
      %add3A_47 = arith.addi %add3A_16, %add3A_46 : i32
      %mul3A_48 = arith.constant 125 : i32
      %mul3A_49 = arith.muli %add3A_47, %mul3A_48 : i32
      %dma_start3A_50 = arith.constant 0 : i32
      %dma_start3A_51 = tpu.memref_slice %arg8[%mul3A_49, %dma_start3A_50] : memref<5000x16xf32, #tpu.memory_space<vmem>> -> memref<125x16xf32, #tpu.memory_space<vmem>>
      %dma_start3A_52 = arith.constant 0 : i32
      %dma_start3A_53 = tpu.memref_slice %arg7[%add3A_45, %dma_start3A_52] : memref<40x125xi32, #tpu.memory_space<vmem>> -> memref<1x125xi32, #tpu.memory_space<vmem>>
      %dma_start3A_54 = tpu.memref_squeeze %dma_start3A_53 : memref<1x125xi32, #tpu.memory_space<vmem>> -> memref<125xi32, #tpu.memory_space<vmem>>
      %dma_start3A_55 = arith.constant 0 : i32
      %dma_start3A_56 = arith.constant 0 : i32
      %dma_start3A_57 = tpu.memref_slice %arg2[%dma_start3A_55, %dma_start3A_56] : memref<10000x16xf32, #tpu.memory_space<hbm>> -> memref<10000x16xf32, #tpu.memory_space<hbm>>
      tpu.enqueue_indirect_dma source(%dma_start3A_57 : memref<10000x16xf32, #tpu.memory_space<hbm>>) target(%dma_start3A_51 : memref<125x16xf32, #tpu.memory_space<vmem>>) offsets(%dma_start3A_54 : memref<125xi32, #tpu.memory_space<vmem>>) semaphore(%arg9 : memref<!tpu.dma_semaphore, #tpu.memory_space<semaphore_mem>>)
      %add3A_58 = arith.constant 3 : i32
      %add3A_59 = arith.addi %add3A_16, %add3A_58 : i32
      %add3A_60 = arith.constant 3 : i32
      %add3A_61 = arith.addi %add3A_16, %add3A_60 : i32
      %mul3A_62 = arith.constant 125 : i32
      %mul3A_63 = arith.muli %add3A_61, %mul3A_62 : i32
      %dma_start3A_64 = arith.constant 0 : i32
      %dma_start3A_65 = tpu.memref_slice %arg8[%mul3A_63, %dma_start3A_64] : memref<5000x16xf32, #tpu.memory_space<vmem>> -> memref<125x16xf32, #tpu.memory_space<vmem>>
      %dma_start3A_66 = arith.constant 0 : i32
      %dma_start3A_67 = tpu.memref_slice %arg7[%add3A_59, %dma_start3A_66] : memref<40x125xi32, #tpu.memory_space<vmem>> -> memref<1x125xi32, #tpu.memory_space<vmem>>
      %dma_start3A_68 = tpu.memref_squeeze %dma_start3A_67 : memref<1x125xi32, #tpu.memory_space<vmem>> -> memref<125xi32, #tpu.memory_space<vmem>>
      %dma_start3A_69 = arith.constant 0 : i32
      %dma_start3A_70 = arith.constant 0 : i32
      %dma_start3A_71 = tpu.memref_slice %arg2[%dma_start3A_69, %dma_start3A_70] : memref<10000x16xf32, #tpu.memory_space<hbm>> -> memref<10000x16xf32, #tpu.memory_space<hbm>>
      tpu.enqueue_indirect_dma source(%dma_start3A_71 : memref<10000x16xf32, #tpu.memory_space<hbm>>) target(%dma_start3A_65 : memref<125x16xf32, #tpu.memory_space<vmem>>) offsets(%dma_start3A_68 : memref<125xi32, #tpu.memory_space<vmem>>) semaphore(%arg9 : memref<!tpu.dma_semaphore, #tpu.memory_space<semaphore_mem>>)
      %add3A_72 = arith.constant 4 : i32
      %add3A_73 = arith.addi %add3A_16, %add3A_72 : i32
      %add3A_74 = arith.constant 4 : i32
      %add3A_75 = arith.addi %add3A_16, %add3A_74 : i32
      %mul3A_76 = arith.constant 125 : i32
      %mul3A_77 = arith.muli %add3A_75, %mul3A_76 : i32
      %dma_start3A_78 = arith.constant 0 : i32
      %dma_start3A_79 = tpu.memref_slice %arg8[%mul3A_77, %dma_start3A_78] : memref<5000x16xf32, #tpu.memory_space<vmem>> -> memref<125x16xf32, #tpu.memory_space<vmem>>
      %dma_start3A_80 = arith.constant 0 : i32
      %dma_start3A_81 = tpu.memref_slice %arg7[%add3A_73, %dma_start3A_80] : memref<40x125xi32, #tpu.memory_space<vmem>> -> memref<1x125xi32, #tpu.memory_space<vmem>>
      %dma_start3A_82 = tpu.memref_squeeze %dma_start3A_81 : memref<1x125xi32, #tpu.memory_space<vmem>> -> memref<125xi32, #tpu.memory_space<vmem>>
      %dma_start3A_83 = arith.constant 0 : i32
      %dma_start3A_84 = arith.constant 0 : i32
      %dma_start3A_85 = tpu.memref_slice %arg2[%dma_start3A_83, %dma_start3A_84] : memref<10000x16xf32, #tpu.memory_space<hbm>> -> memref<10000x16xf32, #tpu.memory_space<hbm>>
      tpu.enqueue_indirect_dma source(%dma_start3A_85 : memref<10000x16xf32, #tpu.memory_space<hbm>>) target(%dma_start3A_79 : memref<125x16xf32, #tpu.memory_space<vmem>>) offsets(%dma_start3A_82 : memref<125xi32, #tpu.memory_space<vmem>>) semaphore(%arg9 : memref<!tpu.dma_semaphore, #tpu.memory_space<semaphore_mem>>)
      %add3A_86 = arith.constant 5 : i32
      %add3A_87 = arith.addi %add3A_16, %add3A_86 : i32
      %add3A_88 = arith.constant 5 : i32
      %add3A_89 = arith.addi %add3A_16, %add3A_88 : i32
      %mul3A_90 = arith.constant 125 : i32
      %mul3A_91 = arith.muli %add3A_89, %mul3A_90 : i32
      %dma_start3A_92 = arith.constant 0 : i32
      %dma_start3A_93 = tpu.memref_slice %arg8[%mul3A_91, %dma_start3A_92] : memref<5000x16xf32, #tpu.memory_space<vmem>> -> memref<125x16xf32, #tpu.memory_space<vmem>>
      %dma_start3A_94 = arith.constant 0 : i32
      %dma_start3A_95 = tpu.memref_slice %arg7[%add3A_87, %dma_start3A_94] : memref<40x125xi32, #tpu.memory_space<vmem>> -> memref<1x125xi32, #tpu.memory_space<vmem>>
      %dma_start3A_96 = tpu.memref_squeeze %dma_start3A_95 : memref<1x125xi32, #tpu.memory_space<vmem>> -> memref<125xi32, #tpu.memory_space<vmem>>
      %dma_start3A_97 = arith.constant 0 : i32
      %dma_start3A_98 = arith.constant 0 : i32
      %dma_start3A_99 = tpu.memref_slice %arg2[%dma_start3A_97, %dma_start3A_98] : memref<10000x16xf32, #tpu.memory_space<hbm>> -> memref<10000x16xf32, #tpu.memory_space<hbm>>
      tpu.enqueue_indirect_dma source(%dma_start3A_99 : memref<10000x16xf32, #tpu.memory_space<hbm>>) target(%dma_start3A_93 : memref<125x16xf32, #tpu.memory_space<vmem>>) offsets(%dma_start3A_96 : memref<125xi32, #tpu.memory_space<vmem>>) semaphore(%arg9 : memref<!tpu.dma_semaphore, #tpu.memory_space<semaphore_mem>>)
      %add3A_100 = arith.constant 6 : i32
      %add3A_101 = arith.addi %add3A_16, %add3A_100 : i32
      %add3A_102 = arith.constant 6 : i32
      %add3A_103 = arith.addi %add3A_16, %add3A_102 : i32
      %mul3A_104 = arith.constant 125 : i32
      %mul3A_105 = arith.muli %add3A_103, %mul3A_104 : i32
      %dma_start3A_106 = arith.constant 0 : i32
      %dma_start3A_107 = tpu.memref_slice %arg8[%mul3A_105, %dma_start3A_106] : memref<5000x16xf32, #tpu.memory_space<vmem>> -> memref<125x16xf32, #tpu.memory_space<vmem>>
      %dma_start3A_108 = arith.constant 0 : i32
      %dma_start3A_109 = tpu.memref_slice %arg7[%add3A_101, %dma_start3A_108] : memref<40x125xi32, #tpu.memory_space<vmem>> -> memref<1x125xi32, #tpu.memory_space<vmem>>
      %dma_start3A_110 = tpu.memref_squeeze %dma_start3A_109 : memref<1x125xi32, #tpu.memory_space<vmem>> -> memref<125xi32, #tpu.memory_space<vmem>>
      %dma_start3A_111 = arith.constant 0 : i32
      %dma_start3A_112 = arith.constant 0 : i32
      %dma_start3A_113 = tpu.memref_slice %arg2[%dma_start3A_111, %dma_start3A_112] : memref<10000x16xf32, #tpu.memory_space<hbm>> -> memref<10000x16xf32, #tpu.memory_space<hbm>>
      tpu.enqueue_indirect_dma source(%dma_start3A_113 : memref<10000x16xf32, #tpu.memory_space<hbm>>) target(%dma_start3A_107 : memref<125x16xf32, #tpu.memory_space<vmem>>) offsets(%dma_start3A_110 : memref<125xi32, #tpu.memory_space<vmem>>) semaphore(%arg9 : memref<!tpu.dma_semaphore, #tpu.memory_space<semaphore_mem>>)
      %add3A_114 = arith.constant 7 : i32
      %add3A_115 = arith.addi %add3A_16, %add3A_114 : i32
      %add3A_116 = arith.constant 7 : i32
      %add3A_117 = arith.addi %add3A_16, %add3A_116 : i32
      %mul3A_118 = arith.constant 125 : i32
      %mul3A_119 = arith.muli %add3A_117, %mul3A_118 : i32
      %dma_start3A_120 = arith.constant 0 : i32
      %dma_start3A_121 = tpu.memref_slice %arg8[%mul3A_119, %dma_start3A_120] : memref<5000x16xf32, #tpu.memory_space<vmem>> -> memref<125x16xf32, #tpu.memory_space<vmem>>
      %dma_start3A_122 = arith.constant 0 : i32
      %dma_start3A_123 = tpu.memref_slice %arg7[%add3A_115, %dma_start3A_122] : memref<40x125xi32, #tpu.memory_space<vmem>> -> memref<1x125xi32, #tpu.memory_space<vmem>>
      %dma_start3A_124 = tpu.memref_squeeze %dma_start3A_123 : memref<1x125xi32, #tpu.memory_space<vmem>> -> memref<125xi32, #tpu.memory_space<vmem>>
      %dma_start3A_125 = arith.constant 0 : i32
      %dma_start3A_126 = arith.constant 0 : i32
      %dma_start3A_127 = tpu.memref_slice %arg2[%dma_start3A_125, %dma_start3A_126] : memref<10000x16xf32, #tpu.memory_space<hbm>> -> memref<10000x16xf32, #tpu.memory_space<hbm>>
      tpu.enqueue_indirect_dma source(%dma_start3A_127 : memref<10000x16xf32, #tpu.memory_space<hbm>>) target(%dma_start3A_121 : memref<125x16xf32, #tpu.memory_space<vmem>>) offsets(%dma_start3A_124 : memref<125xi32, #tpu.memory_space<vmem>>) semaphore(%arg9 : memref<!tpu.dma_semaphore, #tpu.memory_space<semaphore_mem>>)
      %dma_wait3A = arith.constant 0 : i32
      %dma_wait3A_128 = tpu.memref_slice %arg8[%mul3A_22, %dma_wait3A] : memref<5000x16xf32, #tpu.memory_space<vmem>> -> memref<125x16xf32, #tpu.memory_space<vmem>>
      %dma_wait3A_129 = arith.constant 0 : i32
      %dma_wait3A_130 = tpu.memref_slice %arg7[%add3A_18, %dma_wait3A_129] : memref<40x125xi32, #tpu.memory_space<vmem>> -> memref<1x125xi32, #tpu.memory_space<vmem>>
      %dma_wait3A_131 = tpu.memref_squeeze %dma_wait3A_130 : memref<1x125xi32, #tpu.memory_space<vmem>> -> memref<125xi32, #tpu.memory_space<vmem>>
      %dma_wait3A_132 = arith.constant 0 : i32
      %dma_wait3A_133 = arith.constant 0 : i32
      %dma_wait3A_134 = tpu.memref_slice %arg2[%dma_wait3A_132, %dma_wait3A_133] : memref<10000x16xf32, #tpu.memory_space<hbm>> -> memref<10000x16xf32, #tpu.memory_space<hbm>>
      tpu.wait_indirect_dma semaphore(%arg9 : memref<!tpu.dma_semaphore, #tpu.memory_space<semaphore_mem>>) src(%dma_wait3A_134 : memref<10000x16xf32, #tpu.memory_space<hbm>>) dst(%dma_wait3A_128 : memref<125x16xf32, #tpu.memory_space<vmem>>)
      %dma_wait3A_135 = arith.constant 0 : i32
      %dma_wait3A_136 = tpu.memref_slice %arg8[%mul3A_35, %dma_wait3A_135] : memref<5000x16xf32, #tpu.memory_space<vmem>> -> memref<125x16xf32, #tpu.memory_space<vmem>>
      %dma_wait3A_137 = arith.constant 0 : i32
      %dma_wait3A_138 = tpu.memref_slice %arg7[%add3A_31, %dma_wait3A_137] : memref<40x125xi32, #tpu.memory_space<vmem>> -> memref<1x125xi32, #tpu.memory_space<vmem>>
      %dma_wait3A_139 = tpu.memref_squeeze %dma_wait3A_138 : memref<1x125xi32, #tpu.memory_space<vmem>> -> memref<125xi32, #tpu.memory_space<vmem>>
      %dma_wait3A_140 = arith.constant 0 : i32
      %dma_wait3A_141 = arith.constant 0 : i32
      %dma_wait3A_142 = tpu.memref_slice %arg2[%dma_wait3A_140, %dma_wait3A_141] : memref<10000x16xf32, #tpu.memory_space<hbm>> -> memref<10000x16xf32, #tpu.memory_space<hbm>>
      tpu.wait_indirect_dma semaphore(%arg9 : memref<!tpu.dma_semaphore, #tpu.memory_space<semaphore_mem>>) src(%dma_wait3A_142 : memref<10000x16xf32, #tpu.memory_space<hbm>>) dst(%dma_wait3A_136 : memref<125x16xf32, #tpu.memory_space<vmem>>)
      %dma_wait3A_143 = arith.constant 0 : i32
      %dma_wait3A_144 = tpu.memref_slice %arg8[%mul3A_49, %dma_wait3A_143] : memref<5000x16xf32, #tpu.memory_space<vmem>> -> memref<125x16xf32, #tpu.memory_space<vmem>>
      %dma_wait3A_145 = arith.constant 0 : i32
      %dma_wait3A_146 = tpu.memref_slice %arg7[%add3A_45, %dma_wait3A_145] : memref<40x125xi32, #tpu.memory_space<vmem>> -> memref<1x125xi32, #tpu.memory_space<vmem>>
      %dma_wait3A_147 = tpu.memref_squeeze %dma_wait3A_146 : memref<1x125xi32, #tpu.memory_space<vmem>> -> memref<125xi32, #tpu.memory_space<vmem>>
      %dma_wait3A_148 = arith.constant 0 : i32
      %dma_wait3A_149 = arith.constant 0 : i32
      %dma_wait3A_150 = tpu.memref_slice %arg2[%dma_wait3A_148, %dma_wait3A_149] : memref<10000x16xf32, #tpu.memory_space<hbm>> -> memref<10000x16xf32, #tpu.memory_space<hbm>>
      tpu.wait_indirect_dma semaphore(%arg9 : memref<!tpu.dma_semaphore, #tpu.memory_space<semaphore_mem>>) src(%dma_wait3A_150 : memref<10000x16xf32, #tpu.memory_space<hbm>>) dst(%dma_wait3A_144 : memref<125x16xf32, #tpu.memory_space<vmem>>)
      %dma_wait3A_151 = arith.constant 0 : i32
      %dma_wait3A_152 = tpu.memref_slice %arg8[%mul3A_63, %dma_wait3A_151] : memref<5000x16xf32, #tpu.memory_space<vmem>> -> memref<125x16xf32, #tpu.memory_space<vmem>>
      %dma_wait3A_153 = arith.constant 0 : i32
      %dma_wait3A_154 = tpu.memref_slice %arg7[%add3A_59, %dma_wait3A_153] : memref<40x125xi32, #tpu.memory_space<vmem>> -> memref<1x125xi32, #tpu.memory_space<vmem>>
      %dma_wait3A_155 = tpu.memref_squeeze %dma_wait3A_154 : memref<1x125xi32, #tpu.memory_space<vmem>> -> memref<125xi32, #tpu.memory_space<vmem>>
      %dma_wait3A_156 = arith.constant 0 : i32
      %dma_wait3A_157 = arith.constant 0 : i32
      %dma_wait3A_158 = tpu.memref_slice %arg2[%dma_wait3A_156, %dma_wait3A_157] : memref<10000x16xf32, #tpu.memory_space<hbm>> -> memref<10000x16xf32, #tpu.memory_space<hbm>>
      tpu.wait_indirect_dma semaphore(%arg9 : memref<!tpu.dma_semaphore, #tpu.memory_space<semaphore_mem>>) src(%dma_wait3A_158 : memref<10000x16xf32, #tpu.memory_space<hbm>>) dst(%dma_wait3A_152 : memref<125x16xf32, #tpu.memory_space<vmem>>)
      %dma_wait3A_159 = arith.constant 0 : i32
      %dma_wait3A_160 = tpu.memref_slice %arg8[%mul3A_77, %dma_wait3A_159] : memref<5000x16xf32, #tpu.memory_space<vmem>> -> memref<125x16xf32, #tpu.memory_space<vmem>>
      %dma_wait3A_161 = arith.constant 0 : i32
      %dma_wait3A_162 = tpu.memref_slice %arg7[%add3A_73, %dma_wait3A_161] : memref<40x125xi32, #tpu.memory_space<vmem>> -> memref<1x125xi32, #tpu.memory_space<vmem>>
      %dma_wait3A_163 = tpu.memref_squeeze %dma_wait3A_162 : memref<1x125xi32, #tpu.memory_space<vmem>> -> memref<125xi32, #tpu.memory_space<vmem>>
      %dma_wait3A_164 = arith.constant 0 : i32
      %dma_wait3A_165 = arith.constant 0 : i32
      %dma_wait3A_166 = tpu.memref_slice %arg2[%dma_wait3A_164, %dma_wait3A_165] : memref<10000x16xf32, #tpu.memory_space<hbm>> -> memref<10000x16xf32, #tpu.memory_space<hbm>>
      tpu.wait_indirect_dma semaphore(%arg9 : memref<!tpu.dma_semaphore, #tpu.memory_space<semaphore_mem>>) src(%dma_wait3A_166 : memref<10000x16xf32, #tpu.memory_space<hbm>>) dst(%dma_wait3A_160 : memref<125x16xf32, #tpu.memory_space<vmem>>)
      %dma_wait3A_167 = arith.constant 0 : i32
      %dma_wait3A_168 = tpu.memref_slice %arg8[%mul3A_91, %dma_wait3A_167] : memref<5000x16xf32, #tpu.memory_space<vmem>> -> memref<125x16xf32, #tpu.memory_space<vmem>>
      %dma_wait3A_169 = arith.constant 0 : i32
      %dma_wait3A_170 = tpu.memref_slice %arg7[%add3A_87, %dma_wait3A_169] : memref<40x125xi32, #tpu.memory_space<vmem>> -> memref<1x125xi32, #tpu.memory_space<vmem>>
      %dma_wait3A_171 = tpu.memref_squeeze %dma_wait3A_170 : memref<1x125xi32, #tpu.memory_space<vmem>> -> memref<125xi32, #tpu.memory_space<vmem>>
      %dma_wait3A_172 = arith.constant 0 : i32
      %dma_wait3A_173 = arith.constant 0 : i32
      %dma_wait3A_174 = tpu.memref_slice %arg2[%dma_wait3A_172, %dma_wait3A_173] : memref<10000x16xf32, #tpu.memory_space<hbm>> -> memref<10000x16xf32, #tpu.memory_space<hbm>>
      tpu.wait_indirect_dma semaphore(%arg9 : memref<!tpu.dma_semaphore, #tpu.memory_space<semaphore_mem>>) src(%dma_wait3A_174 : memref<10000x16xf32, #tpu.memory_space<hbm>>) dst(%dma_wait3A_168 : memref<125x16xf32, #tpu.memory_space<vmem>>)
      %dma_wait3A_175 = arith.constant 0 : i32
      %dma_wait3A_176 = tpu.memref_slice %arg8[%mul3A_105, %dma_wait3A_175] : memref<5000x16xf32, #tpu.memory_space<vmem>> -> memref<125x16xf32, #tpu.memory_space<vmem>>
      %dma_wait3A_177 = arith.constant 0 : i32
      %dma_wait3A_178 = tpu.memref_slice %arg7[%add3A_101, %dma_wait3A_177] : memref<40x125xi32, #tpu.memory_space<vmem>> -> memref<1x125xi32, #tpu.memory_space<vmem>>
      %dma_wait3A_179 = tpu.memref_squeeze %dma_wait3A_178 : memref<1x125xi32, #tpu.memory_space<vmem>> -> memref<125xi32, #tpu.memory_space<vmem>>
      %dma_wait3A_180 = arith.constant 0 : i32
      %dma_wait3A_181 = arith.constant 0 : i32
      %dma_wait3A_182 = tpu.memref_slice %arg2[%dma_wait3A_180, %dma_wait3A_181] : memref<10000x16xf32, #tpu.memory_space<hbm>> -> memref<10000x16xf32, #tpu.memory_space<hbm>>
      tpu.wait_indirect_dma semaphore(%arg9 : memref<!tpu.dma_semaphore, #tpu.memory_space<semaphore_mem>>) src(%dma_wait3A_182 : memref<10000x16xf32, #tpu.memory_space<hbm>>) dst(%dma_wait3A_176 : memref<125x16xf32, #tpu.memory_space<vmem>>)
      %dma_wait3A_183 = arith.constant 0 : i32
      %dma_wait3A_184 = tpu.memref_slice %arg8[%mul3A_119, %dma_wait3A_183] : memref<5000x16xf32, #tpu.memory_space<vmem>> -> memref<125x16xf32, #tpu.memory_space<vmem>>
      %dma_wait3A_185 = arith.constant 0 : i32
      %dma_wait3A_186 = tpu.memref_slice %arg7[%add3A_115, %dma_wait3A_185] : memref<40x125xi32, #tpu.memory_space<vmem>> -> memref<1x125xi32, #tpu.memory_space<vmem>>
      %dma_wait3A_187 = tpu.memref_squeeze %dma_wait3A_186 : memref<1x125xi32, #tpu.memory_space<vmem>> -> memref<125xi32, #tpu.memory_space<vmem>>
      %dma_wait3A_188 = arith.constant 0 : i32
      %dma_wait3A_189 = arith.constant 0 : i32
      %dma_wait3A_190 = tpu.memref_slice %arg2[%dma_wait3A_188, %dma_wait3A_189] : memref<10000x16xf32, #tpu.memory_space<hbm>> -> memref<10000x16xf32, #tpu.memory_space<hbm>>
      tpu.wait_indirect_dma semaphore(%arg9 : memref<!tpu.dma_semaphore, #tpu.memory_space<semaphore_mem>>) src(%dma_wait3A_190 : memref<10000x16xf32, #tpu.memory_space<hbm>>) dst(%dma_wait3A_184 : memref<125x16xf32, #tpu.memory_space<vmem>>)
    }
    %scan3A_11 = arith.constant 5 : i32
    "tpu.region"() ({
      %run_scoped3A = tpu.sem_alloc : memref<!tpu.dma_semaphore, #tpu.memory_space<semaphore_mem>>
      %dma_start3A = arith.constant 0 : i32
      %dma_start3A_12 = tpu.memref_slice %arg6[%mul3A_2, %dma_start3A] : memref<160000x16xf32, #tpu.memory_space<hbm>> -> memref<5000x16xf32, #tpu.memory_space<hbm>>
      %dma_start3A_13 = arith.constant 0 : i32
      %dma_start3A_14 = tpu.memref_slice %arg6[%mul3A_2, %dma_start3A_13] : memref<160000x16xf32, #tpu.memory_space<hbm>> -> memref<5000x16xf32, #tpu.memory_space<hbm>>
      tpu.enqueue_dma source(%arg8 : memref<5000x16xf32, #tpu.memory_space<vmem>>) target(%dma_start3A_14 : memref<5000x16xf32, #tpu.memory_space<hbm>>) target_semaphore(%run_scoped3A : memref<!tpu.dma_semaphore, #tpu.memory_space<semaphore_mem>>)
      %dma_wait3A = arith.constant 0 : i32
      %dma_wait3A_15 = tpu.memref_slice %arg6[%mul3A_2, %dma_wait3A] : memref<160000x16xf32, #tpu.memory_space<hbm>> -> memref<5000x16xf32, #tpu.memory_space<hbm>>
      %dma_wait3A_16 = arith.constant 0 : i32
      %dma_wait3A_17 = tpu.memref_slice %arg6[%mul3A_2, %dma_wait3A_16] : memref<160000x16xf32, #tpu.memory_space<hbm>> -> memref<5000x16xf32, #tpu.memory_space<hbm>>
      tpu.wait_dma2 semaphore(%run_scoped3A : memref<!tpu.dma_semaphore, #tpu.memory_space<semaphore_mem>>) src(%arg8 : memref<5000x16xf32, #tpu.memory_space<vmem>>) dst(%dma_wait3A_17 : memref<5000x16xf32, #tpu.memory_space<hbm>>)
      tpu.yield
    }) : () -> ()
    return
  }
}

#map = affine_map<(d0, d1) -> (0, 0)>
#map1 = affine_map<(d0, d1) -> (0, 0, 0)>
module attributes {stable_mosaic.version = 14 : i64} {
  func.func @_scatter_body(%arg0: i32, %arg1: i32, %arg2: memref<160000x16xf32, #tpu.memory_space<hbm>>, %arg3: memref<160000x16xf32, #tpu.memory_space<hbm>>, %arg4: memref<32x40x125xi32, #tpu.memory_space<hbm>>, %arg5: memref<40000x16xf32, #tpu.memory_space<hbm>>, %arg6: memref<40x125xi32, #tpu.memory_space<vmem>>, %arg7: memref<2x125x16xf32, #tpu.memory_space<vmem>>, %arg8: memref<2x125x16xf32, #tpu.memory_space<vmem>>, %arg9: memref<10000x16xf32, #tpu.memory_space<vmem_shared>>, %arg10: memref<10000x16xf32, #tpu.memory_space<vmem_shared>>, %arg11: memref<!tpu.dma_semaphore, #tpu.memory_space<semaphore_mem>>) attributes {dimension_semantics = [#tpu.dimension_semantics<core_parallel>, #tpu.dimension_semantics<subcore_parallel>], iteration_bounds = array<i64: 2, 16>, scalar_prefetch = 0 : i64, scratch_operands = 6 : i64, tpu.core_type = #tpu.core_type<sc_vector_subcore>, window_params = [{transform_indices = #map}, {transform_indices = #map}, {transform_indices = #map1}, {transform_indices = #map}]} {
    %mul3A = arith.constant 2 : i32
    %mul3A_0 = arith.muli %arg1, %mul3A : i32
    %add3A = arith.addi %mul3A_0, %arg0 : i32
    %mul3A_1 = arith.constant 40 : i32
    %mul3A_2 = arith.muli %add3A, %mul3A_1 : i32
    %mul3A_3 = arith.constant 125 : i32
    %mul3A_4 = arith.muli %mul3A_2, %mul3A_3 : i32
    %scan3A = arith.constant 0 : i32
    %scan3A_5 = arith.constant 125 : i32
    %scan3A_6 = arith.addi %scan3A, %scan3A_5 : i32
    %scan3A_7 = arith.constant 1 : i32
    scf.for %scan3A_113 = %scan3A to %scan3A_6 step %scan3A_7  : i32 {
      %mul3A_114 = arith.constant 1 : i32
      %mul3A_115 = arith.muli %scan3A_113, %mul3A_114 : i32
      %add3A_116 = arith.constant 0 : i32
      %add3A_117 = arith.addi %add3A_116, %mul3A_115 : i32
      %broadcast_in_dim3A = arith.constant 0.000000e+00 : f32
      %broadcast_in_dim3A_118 = vector.broadcast %broadcast_in_dim3A : f32 to vector<16xf32>
      %swap3A = arith.constant 0 : i32
      %swap3A_119 = arith.index_cast %swap3A : i32 to index
      %swap3A_120 = arith.index_cast %add3A_117 : i32 to index
      %swap3A_121 = arith.constant 0 : index
      %swap3A_122 = tpu.vector_load %arg7[%swap3A_119, %swap3A_120, %swap3A_121] {strides = array<i32>} : memref<2x125x16xf32, #tpu.memory_space<vmem>>, vector<1x1x16xf32>,
      %swap3A_123 = vector.shape_cast %swap3A_122 : vector<1x1x16xf32> to vector<16xf32>
      %swap3A_124 = vector.shape_cast %broadcast_in_dim3A_118 : vector<16xf32> to vector<1x1x16xf32>
      tpu.vector_store %arg7[%swap3A_119, %swap3A_120, %swap3A_121], %swap3A_124 {strides = array<i32>} : memref<2x125x16xf32, #tpu.memory_space<vmem>>, vector<1x1x16xf32>,
    }
    %scan3A_8 = arith.constant 125 : i32
    %mul3A_9 = arith.constant 625 : i32
    %mul3A_10 = arith.muli %arg1, %mul3A_9 : i32
    %add3A_11 = arith.constant 0 : i32
    %add3A_12 = arith.addi %mul3A_10, %add3A_11 : i32
    %run_scoped3A = arith.constant 0 : i32
    "tpu.region"() ({
      %run_scoped3A_113 = tpu.sem_alloc : memref<!tpu.dma_semaphore, #tpu.memory_space<semaphore_mem>>
      %dma_start3A_114 = arith.constant 0 : i32
      %dma_start3A_115 = arith.constant 0 : i32
      %dma_start3A_116 = tpu.memref_slice %arg7[%run_scoped3A, %dma_start3A_114, %dma_start3A_115] : memref<2x125x16xf32, #tpu.memory_space<vmem>> -> memref<1x125x16xf32, #tpu.memory_space<vmem>>
      %dma_start3A_117 = tpu.memref_squeeze %dma_start3A_116 : memref<1x125x16xf32, #tpu.memory_space<vmem>> -> memref<125x16xf32, #tpu.memory_space<vmem>>
      %dma_start3A_118 = arith.constant 0 : i32
      %dma_start3A_119 = tpu.memref_slice %arg9[%add3A_12, %dma_start3A_118] : memref<10000x16xf32, #tpu.memory_space<vmem_shared>> -> memref<125x16xf32, #tpu.memory_space<vmem_shared>>
      %dma_start3A_120 = arith.constant 0 : i32
      %dma_start3A_121 = tpu.memref_slice %arg9[%add3A_12, %dma_start3A_120] : memref<10000x16xf32, #tpu.memory_space<vmem_shared>> -> memref<125x16xf32, #tpu.memory_space<vmem_shared>>
      %dma_start3A_122 = arith.constant 0 : i32
      %dma_start3A_123 = arith.constant 0 : i32
      %dma_start3A_124 = tpu.memref_slice %arg7[%run_scoped3A, %dma_start3A_122, %dma_start3A_123] : memref<2x125x16xf32, #tpu.memory_space<vmem>> -> memref<1x125x16xf32, #tpu.memory_space<vmem>>
      %dma_start3A_125 = tpu.memref_squeeze %dma_start3A_124 : memref<1x125x16xf32, #tpu.memory_space<vmem>> -> memref<125x16xf32, #tpu.memory_space<vmem>>
      tpu.enqueue_dma source(%dma_start3A_125 : memref<125x16xf32, #tpu.memory_space<vmem>>) target(%dma_start3A_121 : memref<125x16xf32, #tpu.memory_space<vmem_shared>>) target_semaphore(%run_scoped3A_113 : memref<!tpu.dma_semaphore, #tpu.memory_space<semaphore_mem>>)
      %dma_wait3A = arith.constant 0 : i32
      %dma_wait3A_126 = arith.constant 0 : i32
      %dma_wait3A_127 = tpu.memref_slice %arg7[%run_scoped3A, %dma_wait3A, %dma_wait3A_126] : memref<2x125x16xf32, #tpu.memory_space<vmem>> -> memref<1x125x16xf32, #tpu.memory_space<vmem>>
      %dma_wait3A_128 = tpu.memref_squeeze %dma_wait3A_127 : memref<1x125x16xf32, #tpu.memory_space<vmem>> -> memref<125x16xf32, #tpu.memory_space<vmem>>
      %dma_wait3A_129 = arith.constant 0 : i32
      %dma_wait3A_130 = tpu.memref_slice %arg9[%add3A_12, %dma_wait3A_129] : memref<10000x16xf32, #tpu.memory_space<vmem_shared>> -> memref<125x16xf32, #tpu.memory_space<vmem_shared>>
      %dma_wait3A_131 = arith.constant 0 : i32
      %dma_wait3A_132 = tpu.memref_slice %arg9[%add3A_12, %dma_wait3A_131] : memref<10000x16xf32, #tpu.memory_space<vmem_shared>> -> memref<125x16xf32, #tpu.memory_space<vmem_shared>>
      %dma_wait3A_133 = arith.constant 0 : i32
      %dma_wait3A_134 = arith.constant 0 : i32
      %dma_wait3A_135 = tpu.memref_slice %arg7[%run_scoped3A, %dma_wait3A_133, %dma_wait3A_134] : memref<2x125x16xf32, #tpu.memory_space<vmem>> -> memref<1x125x16xf32, #tpu.memory_space<vmem>>
      %dma_wait3A_136 = tpu.memref_squeeze %dma_wait3A_135 : memref<1x125x16xf32, #tpu.memory_space<vmem>> -> memref<125x16xf32, #tpu.memory_space<vmem>>
      tpu.wait_dma2 semaphore(%run_scoped3A_113 : memref<!tpu.dma_semaphore, #tpu.memory_space<semaphore_mem>>) src(%dma_wait3A_136 : memref<125x16xf32, #tpu.memory_space<vmem>>) dst(%dma_wait3A_132 : memref<125x16xf32, #tpu.memory_space<vmem_shared>>)
      tpu.yield
    }) : () -> ()
    %mul3A_13 = arith.constant 625 : i32
    %mul3A_14 = arith.muli %arg1, %mul3A_13 : i32
    %add3A_15 = arith.constant 125 : i32
    %add3A_16 = arith.addi %mul3A_14, %add3A_15 : i32
    %run_scoped3A_17 = arith.constant 0 : i32
    "tpu.region"() ({
      %run_scoped3A_113 = tpu.sem_alloc : memref<!tpu.dma_semaphore, #tpu.memory_space<semaphore_mem>>
      %dma_start3A_114 = arith.constant 0 : i32
      %dma_start3A_115 = arith.constant 0 : i32
      %dma_start3A_116 = tpu.memref_slice %arg7[%run_scoped3A_17, %dma_start3A_114, %dma_start3A_115] : memref<2x125x16xf32, #tpu.memory_space<vmem>> -> memref<1x125x16xf32, #tpu.memory_space<vmem>>
      %dma_start3A_117 = tpu.memref_squeeze %dma_start3A_116 : memref<1x125x16xf32, #tpu.memory_space<vmem>> -> memref<125x16xf32, #tpu.memory_space<vmem>>
      %dma_start3A_118 = arith.constant 0 : i32
      %dma_start3A_119 = tpu.memref_slice %arg9[%add3A_16, %dma_start3A_118] : memref<10000x16xf32, #tpu.memory_space<vmem_shared>> -> memref<125x16xf32, #tpu.memory_space<vmem_shared>>
      %dma_start3A_120 = arith.constant 0 : i32
      %dma_start3A_121 = tpu.memref_slice %arg9[%add3A_16, %dma_start3A_120] : memref<10000x16xf32, #tpu.memory_space<vmem_shared>> -> memref<125x16xf32, #tpu.memory_space<vmem_shared>>
      %dma_start3A_122 = arith.constant 0 : i32
      %dma_start3A_123 = arith.constant 0 : i32
      %dma_start3A_124 = tpu.memref_slice %arg7[%run_scoped3A_17, %dma_start3A_122, %dma_start3A_123] : memref<2x125x16xf32, #tpu.memory_space<vmem>> -> memref<1x125x16xf32, #tpu.memory_space<vmem>>
      %dma_start3A_125 = tpu.memref_squeeze %dma_start3A_124 : memref<1x125x16xf32, #tpu.memory_space<vmem>> -> memref<125x16xf32, #tpu.memory_space<vmem>>
      tpu.enqueue_dma source(%dma_start3A_125 : memref<125x16xf32, #tpu.memory_space<vmem>>) target(%dma_start3A_121 : memref<125x16xf32, #tpu.memory_space<vmem_shared>>) target_semaphore(%run_scoped3A_113 : memref<!tpu.dma_semaphore, #tpu.memory_space<semaphore_mem>>)
      %dma_wait3A = arith.constant 0 : i32
      %dma_wait3A_126 = arith.constant 0 : i32
      %dma_wait3A_127 = tpu.memref_slice %arg7[%run_scoped3A_17, %dma_wait3A, %dma_wait3A_126] : memref<2x125x16xf32, #tpu.memory_space<vmem>> -> memref<1x125x16xf32, #tpu.memory_space<vmem>>
      %dma_wait3A_128 = tpu.memref_squeeze %dma_wait3A_127 : memref<1x125x16xf32, #tpu.memory_space<vmem>> -> memref<125x16xf32, #tpu.memory_space<vmem>>
      %dma_wait3A_129 = arith.constant 0 : i32
      %dma_wait3A_130 = tpu.memref_slice %arg9[%add3A_16, %dma_wait3A_129] : memref<10000x16xf32, #tpu.memory_space<vmem_shared>> -> memref<125x16xf32, #tpu.memory_space<vmem_shared>>
      %dma_wait3A_131 = arith.constant 0 : i32
      %dma_wait3A_132 = tpu.memref_slice %arg9[%add3A_16, %dma_wait3A_131] : memref<10000x16xf32, #tpu.memory_space<vmem_shared>> -> memref<125x16xf32, #tpu.memory_space<vmem_shared>>
      %dma_wait3A_133 = arith.constant 0 : i32
      %dma_wait3A_134 = arith.constant 0 : i32
      %dma_wait3A_135 = tpu.memref_slice %arg7[%run_scoped3A_17, %dma_wait3A_133, %dma_wait3A_134] : memref<2x125x16xf32, #tpu.memory_space<vmem>> -> memref<1x125x16xf32, #tpu.memory_space<vmem>>
      %dma_wait3A_136 = tpu.memref_squeeze %dma_wait3A_135 : memref<1x125x16xf32, #tpu.memory_space<vmem>> -> memref<125x16xf32, #tpu.memory_space<vmem>>
      tpu.wait_dma2 semaphore(%run_scoped3A_113 : memref<!tpu.dma_semaphore, #tpu.memory_space<semaphore_mem>>) src(%dma_wait3A_136 : memref<125x16xf32, #tpu.memory_space<vmem>>) dst(%dma_wait3A_132 : memref<125x16xf32, #tpu.memory_space<vmem_shared>>)
      tpu.yield
    }) : () -> ()
    %mul3A_18 = arith.constant 625 : i32
    %mul3A_19 = arith.muli %arg1, %mul3A_18 : i32
    %add3A_20 = arith.constant 250 : i32
    %add3A_21 = arith.addi %mul3A_19, %add3A_20 : i32
    %run_scoped3A_22 = arith.constant 0 : i32
    "tpu.region"() ({
      %run_scoped3A_113 = tpu.sem_alloc : memref<!tpu.dma_semaphore, #tpu.memory_space<semaphore_mem>>
      %dma_start3A_114 = arith.constant 0 : i32
      %dma_start3A_115 = arith.constant 0 : i32
      %dma_start3A_116 = tpu.memref_slice %arg7[%run_scoped3A_22, %dma_start3A_114, %dma_start3A_115] : memref<2x125x16xf32, #tpu.memory_space<vmem>> -> memref<1x125x16xf32, #tpu.memory_space<vmem>>
      %dma_start3A_117 = tpu.memref_squeeze %dma_start3A_116 : memref<1x125x16xf32, #tpu.memory_space<vmem>> -> memref<125x16xf32, #tpu.memory_space<vmem>>
      %dma_start3A_118 = arith.constant 0 : i32
      %dma_start3A_119 = tpu.memref_slice %arg9[%add3A_21, %dma_start3A_118] : memref<10000x16xf32, #tpu.memory_space<vmem_shared>> -> memref<125x16xf32, #tpu.memory_space<vmem_shared>>
      %dma_start3A_120 = arith.constant 0 : i32
      %dma_start3A_121 = tpu.memref_slice %arg9[%add3A_21, %dma_start3A_120] : memref<10000x16xf32, #tpu.memory_space<vmem_shared>> -> memref<125x16xf32, #tpu.memory_space<vmem_shared>>
      %dma_start3A_122 = arith.constant 0 : i32
      %dma_start3A_123 = arith.constant 0 : i32
      %dma_start3A_124 = tpu.memref_slice %arg7[%run_scoped3A_22, %dma_start3A_122, %dma_start3A_123] : memref<2x125x16xf32, #tpu.memory_space<vmem>> -> memref<1x125x16xf32, #tpu.memory_space<vmem>>
      %dma_start3A_125 = tpu.memref_squeeze %dma_start3A_124 : memref<1x125x16xf32, #tpu.memory_space<vmem>> -> memref<125x16xf32, #tpu.memory_space<vmem>>
      tpu.enqueue_dma source(%dma_start3A_125 : memref<125x16xf32, #tpu.memory_space<vmem>>) target(%dma_start3A_121 : memref<125x16xf32, #tpu.memory_space<vmem_shared>>) target_semaphore(%run_scoped3A_113 : memref<!tpu.dma_semaphore, #tpu.memory_space<semaphore_mem>>)
      %dma_wait3A = arith.constant 0 : i32
      %dma_wait3A_126 = arith.constant 0 : i32
      %dma_wait3A_127 = tpu.memref_slice %arg7[%run_scoped3A_22, %dma_wait3A, %dma_wait3A_126] : memref<2x125x16xf32, #tpu.memory_space<vmem>> -> memref<1x125x16xf32, #tpu.memory_space<vmem>>
      %dma_wait3A_128 = tpu.memref_squeeze %dma_wait3A_127 : memref<1x125x16xf32, #tpu.memory_space<vmem>> -> memref<125x16xf32, #tpu.memory_space<vmem>>
      %dma_wait3A_129 = arith.constant 0 : i32
      %dma_wait3A_130 = tpu.memref_slice %arg9[%add3A_21, %dma_wait3A_129] : memref<10000x16xf32, #tpu.memory_space<vmem_shared>> -> memref<125x16xf32, #tpu.memory_space<vmem_shared>>
      %dma_wait3A_131 = arith.constant 0 : i32
      %dma_wait3A_132 = tpu.memref_slice %arg9[%add3A_21, %dma_wait3A_131] : memref<10000x16xf32, #tpu.memory_space<vmem_shared>> -> memref<125x16xf32, #tpu.memory_space<vmem_shared>>
      %dma_wait3A_133 = arith.constant 0 : i32
      %dma_wait3A_134 = arith.constant 0 : i32
      %dma_wait3A_135 = tpu.memref_slice %arg7[%run_scoped3A_22, %dma_wait3A_133, %dma_wait3A_134] : memref<2x125x16xf32, #tpu.memory_space<vmem>> -> memref<1x125x16xf32, #tpu.memory_space<vmem>>
      %dma_wait3A_136 = tpu.memref_squeeze %dma_wait3A_135 : memref<1x125x16xf32, #tpu.memory_space<vmem>> -> memref<125x16xf32, #tpu.memory_space<vmem>>
      tpu.wait_dma2 semaphore(%run_scoped3A_113 : memref<!tpu.dma_semaphore, #tpu.memory_space<semaphore_mem>>) src(%dma_wait3A_136 : memref<125x16xf32, #tpu.memory_space<vmem>>) dst(%dma_wait3A_132 : memref<125x16xf32, #tpu.memory_space<vmem_shared>>)
      tpu.yield
    }) : () -> ()
    %mul3A_23 = arith.constant 625 : i32
    %mul3A_24 = arith.muli %arg1, %mul3A_23 : i32
    %add3A_25 = arith.constant 375 : i32
    %add3A_26 = arith.addi %mul3A_24, %add3A_25 : i32
    %run_scoped3A_27 = arith.constant 0 : i32
    "tpu.region"() ({
      %run_scoped3A_113 = tpu.sem_alloc : memref<!tpu.dma_semaphore, #tpu.memory_space<semaphore_mem>>
      %dma_start3A_114 = arith.constant 0 : i32
      %dma_start3A_115 = arith.constant 0 : i32
      %dma_start3A_116 = tpu.memref_slice %arg7[%run_scoped3A_27, %dma_start3A_114, %dma_start3A_115] : memref<2x125x16xf32, #tpu.memory_space<vmem>> -> memref<1x125x16xf32, #tpu.memory_space<vmem>>
      %dma_start3A_117 = tpu.memref_squeeze %dma_start3A_116 : memref<1x125x16xf32, #tpu.memory_space<vmem>> -> memref<125x16xf32, #tpu.memory_space<vmem>>
      %dma_start3A_118 = arith.constant 0 : i32
      %dma_start3A_119 = tpu.memref_slice %arg9[%add3A_26, %dma_start3A_118] : memref<10000x16xf32, #tpu.memory_space<vmem_shared>> -> memref<125x16xf32, #tpu.memory_space<vmem_shared>>
      %dma_start3A_120 = arith.constant 0 : i32
      %dma_start3A_121 = tpu.memref_slice %arg9[%add3A_26, %dma_start3A_120] : memref<10000x16xf32, #tpu.memory_space<vmem_shared>> -> memref<125x16xf32, #tpu.memory_space<vmem_shared>>
      %dma_start3A_122 = arith.constant 0 : i32
      %dma_start3A_123 = arith.constant 0 : i32
      %dma_start3A_124 = tpu.memref_slice %arg7[%run_scoped3A_27, %dma_start3A_122, %dma_start3A_123] : memref<2x125x16xf32, #tpu.memory_space<vmem>> -> memref<1x125x16xf32, #tpu.memory_space<vmem>>
      %dma_start3A_125 = tpu.memref_squeeze %dma_start3A_124 : memref<1x125x16xf32, #tpu.memory_space<vmem>> -> memref<125x16xf32, #tpu.memory_space<vmem>>
      tpu.enqueue_dma source(%dma_start3A_125 : memref<125x16xf32, #tpu.memory_space<vmem>>) target(%dma_start3A_121 : memref<125x16xf32, #tpu.memory_space<vmem_shared>>) target_semaphore(%run_scoped3A_113 : memref<!tpu.dma_semaphore, #tpu.memory_space<semaphore_mem>>)
      %dma_wait3A = arith.constant 0 : i32
      %dma_wait3A_126 = arith.constant 0 : i32
      %dma_wait3A_127 = tpu.memref_slice %arg7[%run_scoped3A_27, %dma_wait3A, %dma_wait3A_126] : memref<2x125x16xf32, #tpu.memory_space<vmem>> -> memref<1x125x16xf32, #tpu.memory_space<vmem>>
      %dma_wait3A_128 = tpu.memref_squeeze %dma_wait3A_127 : memref<1x125x16xf32, #tpu.memory_space<vmem>> -> memref<125x16xf32, #tpu.memory_space<vmem>>
      %dma_wait3A_129 = arith.constant 0 : i32
      %dma_wait3A_130 = tpu.memref_slice %arg9[%add3A_26, %dma_wait3A_129] : memref<10000x16xf32, #tpu.memory_space<vmem_shared>> -> memref<125x16xf32, #tpu.memory_space<vmem_shared>>
      %dma_wait3A_131 = arith.constant 0 : i32
      %dma_wait3A_132 = tpu.memref_slice %arg9[%add3A_26, %dma_wait3A_131] : memref<10000x16xf32, #tpu.memory_space<vmem_shared>> -> memref<125x16xf32, #tpu.memory_space<vmem_shared>>
      %dma_wait3A_133 = arith.constant 0 : i32
      %dma_wait3A_134 = arith.constant 0 : i32
      %dma_wait3A_135 = tpu.memref_slice %arg7[%run_scoped3A_27, %dma_wait3A_133, %dma_wait3A_134] : memref<2x125x16xf32, #tpu.memory_space<vmem>> -> memref<1x125x16xf32, #tpu.memory_space<vmem>>
      %dma_wait3A_136 = tpu.memref_squeeze %dma_wait3A_135 : memref<1x125x16xf32, #tpu.memory_space<vmem>> -> memref<125x16xf32, #tpu.memory_space<vmem>>
      tpu.wait_dma2 semaphore(%run_scoped3A_113 : memref<!tpu.dma_semaphore, #tpu.memory_space<semaphore_mem>>) src(%dma_wait3A_136 : memref<125x16xf32, #tpu.memory_space<vmem>>) dst(%dma_wait3A_132 : memref<125x16xf32, #tpu.memory_space<vmem_shared>>)
      tpu.yield
    }) : () -> ()
    %mul3A_28 = arith.constant 625 : i32
    %mul3A_29 = arith.muli %arg1, %mul3A_28 : i32
    %add3A_30 = arith.constant 500 : i32
    %add3A_31 = arith.addi %mul3A_29, %add3A_30 : i32
    %run_scoped3A_32 = arith.constant 0 : i32
    "tpu.region"() ({
      %run_scoped3A_113 = tpu.sem_alloc : memref<!tpu.dma_semaphore, #tpu.memory_space<semaphore_mem>>
      %dma_start3A_114 = arith.constant 0 : i32
      %dma_start3A_115 = arith.constant 0 : i32
      %dma_start3A_116 = tpu.memref_slice %arg7[%run_scoped3A_32, %dma_start3A_114, %dma_start3A_115] : memref<2x125x16xf32, #tpu.memory_space<vmem>> -> memref<1x125x16xf32, #tpu.memory_space<vmem>>
      %dma_start3A_117 = tpu.memref_squeeze %dma_start3A_116 : memref<1x125x16xf32, #tpu.memory_space<vmem>> -> memref<125x16xf32, #tpu.memory_space<vmem>>
      %dma_start3A_118 = arith.constant 0 : i32
      %dma_start3A_119 = tpu.memref_slice %arg9[%add3A_31, %dma_start3A_118] : memref<10000x16xf32, #tpu.memory_space<vmem_shared>> -> memref<125x16xf32, #tpu.memory_space<vmem_shared>>
      %dma_start3A_120 = arith.constant 0 : i32
      %dma_start3A_121 = tpu.memref_slice %arg9[%add3A_31, %dma_start3A_120] : memref<10000x16xf32, #tpu.memory_space<vmem_shared>> -> memref<125x16xf32, #tpu.memory_space<vmem_shared>>
      %dma_start3A_122 = arith.constant 0 : i32
      %dma_start3A_123 = arith.constant 0 : i32
      %dma_start3A_124 = tpu.memref_slice %arg7[%run_scoped3A_32, %dma_start3A_122, %dma_start3A_123] : memref<2x125x16xf32, #tpu.memory_space<vmem>> -> memref<1x125x16xf32, #tpu.memory_space<vmem>>
      %dma_start3A_125 = tpu.memref_squeeze %dma_start3A_124 : memref<1x125x16xf32, #tpu.memory_space<vmem>> -> memref<125x16xf32, #tpu.memory_space<vmem>>
      tpu.enqueue_dma source(%dma_start3A_125 : memref<125x16xf32, #tpu.memory_space<vmem>>) target(%dma_start3A_121 : memref<125x16xf32, #tpu.memory_space<vmem_shared>>) target_semaphore(%run_scoped3A_113 : memref<!tpu.dma_semaphore, #tpu.memory_space<semaphore_mem>>)
      %dma_wait3A = arith.constant 0 : i32
      %dma_wait3A_126 = arith.constant 0 : i32
      %dma_wait3A_127 = tpu.memref_slice %arg7[%run_scoped3A_32, %dma_wait3A, %dma_wait3A_126] : memref<2x125x16xf32, #tpu.memory_space<vmem>> -> memref<1x125x16xf32, #tpu.memory_space<vmem>>
      %dma_wait3A_128 = tpu.memref_squeeze %dma_wait3A_127 : memref<1x125x16xf32, #tpu.memory_space<vmem>> -> memref<125x16xf32, #tpu.memory_space<vmem>>
      %dma_wait3A_129 = arith.constant 0 : i32
      %dma_wait3A_130 = tpu.memref_slice %arg9[%add3A_31, %dma_wait3A_129] : memref<10000x16xf32, #tpu.memory_space<vmem_shared>> -> memref<125x16xf32, #tpu.memory_space<vmem_shared>>
      %dma_wait3A_131 = arith.constant 0 : i32
      %dma_wait3A_132 = tpu.memref_slice %arg9[%add3A_31, %dma_wait3A_131] : memref<10000x16xf32, #tpu.memory_space<vmem_shared>> -> memref<125x16xf32, #tpu.memory_space<vmem_shared>>
      %dma_wait3A_133 = arith.constant 0 : i32
      %dma_wait3A_134 = arith.constant 0 : i32
      %dma_wait3A_135 = tpu.memref_slice %arg7[%run_scoped3A_32, %dma_wait3A_133, %dma_wait3A_134] : memref<2x125x16xf32, #tpu.memory_space<vmem>> -> memref<1x125x16xf32, #tpu.memory_space<vmem>>
      %dma_wait3A_136 = tpu.memref_squeeze %dma_wait3A_135 : memref<1x125x16xf32, #tpu.memory_space<vmem>> -> memref<125x16xf32, #tpu.memory_space<vmem>>
      tpu.wait_dma2 semaphore(%run_scoped3A_113 : memref<!tpu.dma_semaphore, #tpu.memory_space<semaphore_mem>>) src(%dma_wait3A_136 : memref<125x16xf32, #tpu.memory_space<vmem>>) dst(%dma_wait3A_132 : memref<125x16xf32, #tpu.memory_space<vmem_shared>>)
      tpu.yield
    }) : () -> ()
    %mul3A_33 = arith.constant 625 : i32
    %mul3A_34 = arith.muli %arg1, %mul3A_33 : i32
    %add3A_35 = arith.constant 0 : i32
    %add3A_36 = arith.addi %mul3A_34, %add3A_35 : i32
    %run_scoped3A_37 = arith.constant 0 : i32
    "tpu.region"() ({
      %run_scoped3A_113 = tpu.sem_alloc : memref<!tpu.dma_semaphore, #tpu.memory_space<semaphore_mem>>
      %dma_start3A_114 = arith.constant 0 : i32
      %dma_start3A_115 = arith.constant 0 : i32
      %dma_start3A_116 = tpu.memref_slice %arg7[%run_scoped3A_37, %dma_start3A_114, %dma_start3A_115] : memref<2x125x16xf32, #tpu.memory_space<vmem>> -> memref<1x125x16xf32, #tpu.memory_space<vmem>>
      %dma_start3A_117 = tpu.memref_squeeze %dma_start3A_116 : memref<1x125x16xf32, #tpu.memory_space<vmem>> -> memref<125x16xf32, #tpu.memory_space<vmem>>
      %dma_start3A_118 = arith.constant 0 : i32
      %dma_start3A_119 = tpu.memref_slice %arg10[%add3A_36, %dma_start3A_118] : memref<10000x16xf32, #tpu.memory_space<vmem_shared>> -> memref<125x16xf32, #tpu.memory_space<vmem_shared>>
      %dma_start3A_120 = arith.constant 0 : i32
      %dma_start3A_121 = tpu.memref_slice %arg10[%add3A_36, %dma_start3A_120] : memref<10000x16xf32, #tpu.memory_space<vmem_shared>> -> memref<125x16xf32, #tpu.memory_space<vmem_shared>>
      %dma_start3A_122 = arith.constant 0 : i32
      %dma_start3A_123 = arith.constant 0 : i32
      %dma_start3A_124 = tpu.memref_slice %arg7[%run_scoped3A_37, %dma_start3A_122, %dma_start3A_123] : memref<2x125x16xf32, #tpu.memory_space<vmem>> -> memref<1x125x16xf32, #tpu.memory_space<vmem>>
      %dma_start3A_125 = tpu.memref_squeeze %dma_start3A_124 : memref<1x125x16xf32, #tpu.memory_space<vmem>> -> memref<125x16xf32, #tpu.memory_space<vmem>>
      tpu.enqueue_dma source(%dma_start3A_125 : memref<125x16xf32, #tpu.memory_space<vmem>>) target(%dma_start3A_121 : memref<125x16xf32, #tpu.memory_space<vmem_shared>>) target_semaphore(%run_scoped3A_113 : memref<!tpu.dma_semaphore, #tpu.memory_space<semaphore_mem>>)
      %dma_wait3A = arith.constant 0 : i32
      %dma_wait3A_126 = arith.constant 0 : i32
      %dma_wait3A_127 = tpu.memref_slice %arg7[%run_scoped3A_37, %dma_wait3A, %dma_wait3A_126] : memref<2x125x16xf32, #tpu.memory_space<vmem>> -> memref<1x125x16xf32, #tpu.memory_space<vmem>>
      %dma_wait3A_128 = tpu.memref_squeeze %dma_wait3A_127 : memref<1x125x16xf32, #tpu.memory_space<vmem>> -> memref<125x16xf32, #tpu.memory_space<vmem>>
      %dma_wait3A_129 = arith.constant 0 : i32
      %dma_wait3A_130 = tpu.memref_slice %arg10[%add3A_36, %dma_wait3A_129] : memref<10000x16xf32, #tpu.memory_space<vmem_shared>> -> memref<125x16xf32, #tpu.memory_space<vmem_shared>>
      %dma_wait3A_131 = arith.constant 0 : i32
      %dma_wait3A_132 = tpu.memref_slice %arg10[%add3A_36, %dma_wait3A_131] : memref<10000x16xf32, #tpu.memory_space<vmem_shared>> -> memref<125x16xf32, #tpu.memory_space<vmem_shared>>
      %dma_wait3A_133 = arith.constant 0 : i32
      %dma_wait3A_134 = arith.constant 0 : i32
      %dma_wait3A_135 = tpu.memref_slice %arg7[%run_scoped3A_37, %dma_wait3A_133, %dma_wait3A_134] : memref<2x125x16xf32, #tpu.memory_space<vmem>> -> memref<1x125x16xf32, #tpu.memory_space<vmem>>
      %dma_wait3A_136 = tpu.memref_squeeze %dma_wait3A_135 : memref<1x125x16xf32, #tpu.memory_space<vmem>> -> memref<125x16xf32, #tpu.memory_space<vmem>>
      tpu.wait_dma2 semaphore(%run_scoped3A_113 : memref<!tpu.dma_semaphore, #tpu.memory_space<semaphore_mem>>) src(%dma_wait3A_136 : memref<125x16xf32, #tpu.memory_space<vmem>>) dst(%dma_wait3A_132 : memref<125x16xf32, #tpu.memory_space<vmem_shared>>)
      tpu.yield
    }) : () -> ()
    %mul3A_38 = arith.constant 625 : i32
    %mul3A_39 = arith.muli %arg1, %mul3A_38 : i32
    %add3A_40 = arith.constant 125 : i32
    %add3A_41 = arith.addi %mul3A_39, %add3A_40 : i32
    %run_scoped3A_42 = arith.constant 0 : i32
    "tpu.region"() ({
      %run_scoped3A_113 = tpu.sem_alloc : memref<!tpu.dma_semaphore, #tpu.memory_space<semaphore_mem>>
      %dma_start3A_114 = arith.constant 0 : i32
      %dma_start3A_115 = arith.constant 0 : i32
      %dma_start3A_116 = tpu.memref_slice %arg7[%run_scoped3A_42, %dma_start3A_114, %dma_start3A_115] : memref<2x125x16xf32, #tpu.memory_space<vmem>> -> memref<1x125x16xf32, #tpu.memory_space<vmem>>
      %dma_start3A_117 = tpu.memref_squeeze %dma_start3A_116 : memref<1x125x16xf32, #tpu.memory_space<vmem>> -> memref<125x16xf32, #tpu.memory_space<vmem>>
      %dma_start3A_118 = arith.constant 0 : i32
      %dma_start3A_119 = tpu.memref_slice %arg10[%add3A_41, %dma_start3A_118] : memref<10000x16xf32, #tpu.memory_space<vmem_shared>> -> memref<125x16xf32, #tpu.memory_space<vmem_shared>>
      %dma_start3A_120 = arith.constant 0 : i32
      %dma_start3A_121 = tpu.memref_slice %arg10[%add3A_41, %dma_start3A_120] : memref<10000x16xf32, #tpu.memory_space<vmem_shared>> -> memref<125x16xf32, #tpu.memory_space<vmem_shared>>
      %dma_start3A_122 = arith.constant 0 : i32
      %dma_start3A_123 = arith.constant 0 : i32
      %dma_start3A_124 = tpu.memref_slice %arg7[%run_scoped3A_42, %dma_start3A_122, %dma_start3A_123] : memref<2x125x16xf32, #tpu.memory_space<vmem>> -> memref<1x125x16xf32, #tpu.memory_space<vmem>>
      %dma_start3A_125 = tpu.memref_squeeze %dma_start3A_124 : memref<1x125x16xf32, #tpu.memory_space<vmem>> -> memref<125x16xf32, #tpu.memory_space<vmem>>
      tpu.enqueue_dma source(%dma_start3A_125 : memref<125x16xf32, #tpu.memory_space<vmem>>) target(%dma_start3A_121 : memref<125x16xf32, #tpu.memory_space<vmem_shared>>) target_semaphore(%run_scoped3A_113 : memref<!tpu.dma_semaphore, #tpu.memory_space<semaphore_mem>>)
      %dma_wait3A = arith.constant 0 : i32
      %dma_wait3A_126 = arith.constant 0 : i32
      %dma_wait3A_127 = tpu.memref_slice %arg7[%run_scoped3A_42, %dma_wait3A, %dma_wait3A_126] : memref<2x125x16xf32, #tpu.memory_space<vmem>> -> memref<1x125x16xf32, #tpu.memory_space<vmem>>
      %dma_wait3A_128 = tpu.memref_squeeze %dma_wait3A_127 : memref<1x125x16xf32, #tpu.memory_space<vmem>> -> memref<125x16xf32, #tpu.memory_space<vmem>>
      %dma_wait3A_129 = arith.constant 0 : i32
      %dma_wait3A_130 = tpu.memref_slice %arg10[%add3A_41, %dma_wait3A_129] : memref<10000x16xf32, #tpu.memory_space<vmem_shared>> -> memref<125x16xf32, #tpu.memory_space<vmem_shared>>
      %dma_wait3A_131 = arith.constant 0 : i32
      %dma_wait3A_132 = tpu.memref_slice %arg10[%add3A_41, %dma_wait3A_131] : memref<10000x16xf32, #tpu.memory_space<vmem_shared>> -> memref<125x16xf32, #tpu.memory_space<vmem_shared>>
      %dma_wait3A_133 = arith.constant 0 : i32
      %dma_wait3A_134 = arith.constant 0 : i32
      %dma_wait3A_135 = tpu.memref_slice %arg7[%run_scoped3A_42, %dma_wait3A_133, %dma_wait3A_134] : memref<2x125x16xf32, #tpu.memory_space<vmem>> -> memref<1x125x16xf32, #tpu.memory_space<vmem>>
      %dma_wait3A_136 = tpu.memref_squeeze %dma_wait3A_135 : memref<1x125x16xf32, #tpu.memory_space<vmem>> -> memref<125x16xf32, #tpu.memory_space<vmem>>
      tpu.wait_dma2 semaphore(%run_scoped3A_113 : memref<!tpu.dma_semaphore, #tpu.memory_space<semaphore_mem>>) src(%dma_wait3A_136 : memref<125x16xf32, #tpu.memory_space<vmem>>) dst(%dma_wait3A_132 : memref<125x16xf32, #tpu.memory_space<vmem_shared>>)
      tpu.yield
    }) : () -> ()
    %mul3A_43 = arith.constant 625 : i32
    %mul3A_44 = arith.muli %arg1, %mul3A_43 : i32
    %add3A_45 = arith.constant 250 : i32
    %add3A_46 = arith.addi %mul3A_44, %add3A_45 : i32
    %run_scoped3A_47 = arith.constant 0 : i32
    "tpu.region"() ({
      %run_scoped3A_113 = tpu.sem_alloc : memref<!tpu.dma_semaphore, #tpu.memory_space<semaphore_mem>>
      %dma_start3A_114 = arith.constant 0 : i32
      %dma_start3A_115 = arith.constant 0 : i32
      %dma_start3A_116 = tpu.memref_slice %arg7[%run_scoped3A_47, %dma_start3A_114, %dma_start3A_115] : memref<2x125x16xf32, #tpu.memory_space<vmem>> -> memref<1x125x16xf32, #tpu.memory_space<vmem>>
      %dma_start3A_117 = tpu.memref_squeeze %dma_start3A_116 : memref<1x125x16xf32, #tpu.memory_space<vmem>> -> memref<125x16xf32, #tpu.memory_space<vmem>>
      %dma_start3A_118 = arith.constant 0 : i32
      %dma_start3A_119 = tpu.memref_slice %arg10[%add3A_46, %dma_start3A_118] : memref<10000x16xf32, #tpu.memory_space<vmem_shared>> -> memref<125x16xf32, #tpu.memory_space<vmem_shared>>
      %dma_start3A_120 = arith.constant 0 : i32
      %dma_start3A_121 = tpu.memref_slice %arg10[%add3A_46, %dma_start3A_120] : memref<10000x16xf32, #tpu.memory_space<vmem_shared>> -> memref<125x16xf32, #tpu.memory_space<vmem_shared>>
      %dma_start3A_122 = arith.constant 0 : i32
      %dma_start3A_123 = arith.constant 0 : i32
      %dma_start3A_124 = tpu.memref_slice %arg7[%run_scoped3A_47, %dma_start3A_122, %dma_start3A_123] : memref<2x125x16xf32, #tpu.memory_space<vmem>> -> memref<1x125x16xf32, #tpu.memory_space<vmem>>
      %dma_start3A_125 = tpu.memref_squeeze %dma_start3A_124 : memref<1x125x16xf32, #tpu.memory_space<vmem>> -> memref<125x16xf32, #tpu.memory_space<vmem>>
      tpu.enqueue_dma source(%dma_start3A_125 : memref<125x16xf32, #tpu.memory_space<vmem>>) target(%dma_start3A_121 : memref<125x16xf32, #tpu.memory_space<vmem_shared>>) target_semaphore(%run_scoped3A_113 : memref<!tpu.dma_semaphore, #tpu.memory_space<semaphore_mem>>)
      %dma_wait3A = arith.constant 0 : i32
      %dma_wait3A_126 = arith.constant 0 : i32
      %dma_wait3A_127 = tpu.memref_slice %arg7[%run_scoped3A_47, %dma_wait3A, %dma_wait3A_126] : memref<2x125x16xf32, #tpu.memory_space<vmem>> -> memref<1x125x16xf32, #tpu.memory_space<vmem>>
      %dma_wait3A_128 = tpu.memref_squeeze %dma_wait3A_127 : memref<1x125x16xf32, #tpu.memory_space<vmem>> -> memref<125x16xf32, #tpu.memory_space<vmem>>
      %dma_wait3A_129 = arith.constant 0 : i32
      %dma_wait3A_130 = tpu.memref_slice %arg10[%add3A_46, %dma_wait3A_129] : memref<10000x16xf32, #tpu.memory_space<vmem_shared>> -> memref<125x16xf32, #tpu.memory_space<vmem_shared>>
      %dma_wait3A_131 = arith.constant 0 : i32
      %dma_wait3A_132 = tpu.memref_slice %arg10[%add3A_46, %dma_wait3A_131] : memref<10000x16xf32, #tpu.memory_space<vmem_shared>> -> memref<125x16xf32, #tpu.memory_space<vmem_shared>>
      %dma_wait3A_133 = arith.constant 0 : i32
      %dma_wait3A_134 = arith.constant 0 : i32
      %dma_wait3A_135 = tpu.memref_slice %arg7[%run_scoped3A_47, %dma_wait3A_133, %dma_wait3A_134] : memref<2x125x16xf32, #tpu.memory_space<vmem>> -> memref<1x125x16xf32, #tpu.memory_space<vmem>>
      %dma_wait3A_136 = tpu.memref_squeeze %dma_wait3A_135 : memref<1x125x16xf32, #tpu.memory_space<vmem>> -> memref<125x16xf32, #tpu.memory_space<vmem>>
      tpu.wait_dma2 semaphore(%run_scoped3A_113 : memref<!tpu.dma_semaphore, #tpu.memory_space<semaphore_mem>>) src(%dma_wait3A_136 : memref<125x16xf32, #tpu.memory_space<vmem>>) dst(%dma_wait3A_132 : memref<125x16xf32, #tpu.memory_space<vmem_shared>>)
      tpu.yield
    }) : () -> ()
    %mul3A_48 = arith.constant 625 : i32
    %mul3A_49 = arith.muli %arg1, %mul3A_48 : i32
    %add3A_50 = arith.constant 375 : i32
    %add3A_51 = arith.addi %mul3A_49, %add3A_50 : i32
    %run_scoped3A_52 = arith.constant 0 : i32
    "tpu.region"() ({
      %run_scoped3A_113 = tpu.sem_alloc : memref<!tpu.dma_semaphore, #tpu.memory_space<semaphore_mem>>
      %dma_start3A_114 = arith.constant 0 : i32
      %dma_start3A_115 = arith.constant 0 : i32
      %dma_start3A_116 = tpu.memref_slice %arg7[%run_scoped3A_52, %dma_start3A_114, %dma_start3A_115] : memref<2x125x16xf32, #tpu.memory_space<vmem>> -> memref<1x125x16xf32, #tpu.memory_space<vmem>>
      %dma_start3A_117 = tpu.memref_squeeze %dma_start3A_116 : memref<1x125x16xf32, #tpu.memory_space<vmem>> -> memref<125x16xf32, #tpu.memory_space<vmem>>
      %dma_start3A_118 = arith.constant 0 : i32
      %dma_start3A_119 = tpu.memref_slice %arg10[%add3A_51, %dma_start3A_118] : memref<10000x16xf32, #tpu.memory_space<vmem_shared>> -> memref<125x16xf32, #tpu.memory_space<vmem_shared>>
      %dma_start3A_120 = arith.constant 0 : i32
      %dma_start3A_121 = tpu.memref_slice %arg10[%add3A_51, %dma_start3A_120] : memref<10000x16xf32, #tpu.memory_space<vmem_shared>> -> memref<125x16xf32, #tpu.memory_space<vmem_shared>>
      %dma_start3A_122 = arith.constant 0 : i32
      %dma_start3A_123 = arith.constant 0 : i32
      %dma_start3A_124 = tpu.memref_slice %arg7[%run_scoped3A_52, %dma_start3A_122, %dma_start3A_123] : memref<2x125x16xf32, #tpu.memory_space<vmem>> -> memref<1x125x16xf32, #tpu.memory_space<vmem>>
      %dma_start3A_125 = tpu.memref_squeeze %dma_start3A_124 : memref<1x125x16xf32, #tpu.memory_space<vmem>> -> memref<125x16xf32, #tpu.memory_space<vmem>>
      tpu.enqueue_dma source(%dma_start3A_125 : memref<125x16xf32, #tpu.memory_space<vmem>>) target(%dma_start3A_121 : memref<125x16xf32, #tpu.memory_space<vmem_shared>>) target_semaphore(%run_scoped3A_113 : memref<!tpu.dma_semaphore, #tpu.memory_space<semaphore_mem>>)
      %dma_wait3A = arith.constant 0 : i32
      %dma_wait3A_126 = arith.constant 0 : i32
      %dma_wait3A_127 = tpu.memref_slice %arg7[%run_scoped3A_52, %dma_wait3A, %dma_wait3A_126] : memref<2x125x16xf32, #tpu.memory_space<vmem>> -> memref<1x125x16xf32, #tpu.memory_space<vmem>>
      %dma_wait3A_128 = tpu.memref_squeeze %dma_wait3A_127 : memref<1x125x16xf32, #tpu.memory_space<vmem>> -> memref<125x16xf32, #tpu.memory_space<vmem>>
      %dma_wait3A_129 = arith.constant 0 : i32
      %dma_wait3A_130 = tpu.memref_slice %arg10[%add3A_51, %dma_wait3A_129] : memref<10000x16xf32, #tpu.memory_space<vmem_shared>> -> memref<125x16xf32, #tpu.memory_space<vmem_shared>>
      %dma_wait3A_131 = arith.constant 0 : i32
      %dma_wait3A_132 = tpu.memref_slice %arg10[%add3A_51, %dma_wait3A_131] : memref<10000x16xf32, #tpu.memory_space<vmem_shared>> -> memref<125x16xf32, #tpu.memory_space<vmem_shared>>
      %dma_wait3A_133 = arith.constant 0 : i32
      %dma_wait3A_134 = arith.constant 0 : i32
      %dma_wait3A_135 = tpu.memref_slice %arg7[%run_scoped3A_52, %dma_wait3A_133, %dma_wait3A_134] : memref<2x125x16xf32, #tpu.memory_space<vmem>> -> memref<1x125x16xf32, #tpu.memory_space<vmem>>
      %dma_wait3A_136 = tpu.memref_squeeze %dma_wait3A_135 : memref<1x125x16xf32, #tpu.memory_space<vmem>> -> memref<125x16xf32, #tpu.memory_space<vmem>>
      tpu.wait_dma2 semaphore(%run_scoped3A_113 : memref<!tpu.dma_semaphore, #tpu.memory_space<semaphore_mem>>) src(%dma_wait3A_136 : memref<125x16xf32, #tpu.memory_space<vmem>>) dst(%dma_wait3A_132 : memref<125x16xf32, #tpu.memory_space<vmem_shared>>)
      tpu.yield
    }) : () -> ()
    %mul3A_53 = arith.constant 625 : i32
    %mul3A_54 = arith.muli %arg1, %mul3A_53 : i32
    %add3A_55 = arith.constant 500 : i32
    %add3A_56 = arith.addi %mul3A_54, %add3A_55 : i32
    %run_scoped3A_57 = arith.constant 0 : i32
    "tpu.region"() ({
      %run_scoped3A_113 = tpu.sem_alloc : memref<!tpu.dma_semaphore, #tpu.memory_space<semaphore_mem>>
      %dma_start3A_114 = arith.constant 0 : i32
      %dma_start3A_115 = arith.constant 0 : i32
      %dma_start3A_116 = tpu.memref_slice %arg7[%run_scoped3A_57, %dma_start3A_114, %dma_start3A_115] : memref<2x125x16xf32, #tpu.memory_space<vmem>> -> memref<1x125x16xf32, #tpu.memory_space<vmem>>
      %dma_start3A_117 = tpu.memref_squeeze %dma_start3A_116 : memref<1x125x16xf32, #tpu.memory_space<vmem>> -> memref<125x16xf32, #tpu.memory_space<vmem>>
      %dma_start3A_118 = arith.constant 0 : i32
      %dma_start3A_119 = tpu.memref_slice %arg10[%add3A_56, %dma_start3A_118] : memref<10000x16xf32, #tpu.memory_space<vmem_shared>> -> memref<125x16xf32, #tpu.memory_space<vmem_shared>>
      %dma_start3A_120 = arith.constant 0 : i32
      %dma_start3A_121 = tpu.memref_slice %arg10[%add3A_56, %dma_start3A_120] : memref<10000x16xf32, #tpu.memory_space<vmem_shared>> -> memref<125x16xf32, #tpu.memory_space<vmem_shared>>
      %dma_start3A_122 = arith.constant 0 : i32
      %dma_start3A_123 = arith.constant 0 : i32
      %dma_start3A_124 = tpu.memref_slice %arg7[%run_scoped3A_57, %dma_start3A_122, %dma_start3A_123] : memref<2x125x16xf32, #tpu.memory_space<vmem>> -> memref<1x125x16xf32, #tpu.memory_space<vmem>>
      %dma_start3A_125 = tpu.memref_squeeze %dma_start3A_124 : memref<1x125x16xf32, #tpu.memory_space<vmem>> -> memref<125x16xf32, #tpu.memory_space<vmem>>
      tpu.enqueue_dma source(%dma_start3A_125 : memref<125x16xf32, #tpu.memory_space<vmem>>) target(%dma_start3A_121 : memref<125x16xf32, #tpu.memory_space<vmem_shared>>) target_semaphore(%run_scoped3A_113 : memref<!tpu.dma_semaphore, #tpu.memory_space<semaphore_mem>>)
      %dma_wait3A = arith.constant 0 : i32
      %dma_wait3A_126 = arith.constant 0 : i32
      %dma_wait3A_127 = tpu.memref_slice %arg7[%run_scoped3A_57, %dma_wait3A, %dma_wait3A_126] : memref<2x125x16xf32, #tpu.memory_space<vmem>> -> memref<1x125x16xf32, #tpu.memory_space<vmem>>
      %dma_wait3A_128 = tpu.memref_squeeze %dma_wait3A_127 : memref<1x125x16xf32, #tpu.memory_space<vmem>> -> memref<125x16xf32, #tpu.memory_space<vmem>>
      %dma_wait3A_129 = arith.constant 0 : i32
      %dma_wait3A_130 = tpu.memref_slice %arg10[%add3A_56, %dma_wait3A_129] : memref<10000x16xf32, #tpu.memory_space<vmem_shared>> -> memref<125x16xf32, #tpu.memory_space<vmem_shared>>
      %dma_wait3A_131 = arith.constant 0 : i32
      %dma_wait3A_132 = tpu.memref_slice %arg10[%add3A_56, %dma_wait3A_131] : memref<10000x16xf32, #tpu.memory_space<vmem_shared>> -> memref<125x16xf32, #tpu.memory_space<vmem_shared>>
      %dma_wait3A_133 = arith.constant 0 : i32
      %dma_wait3A_134 = arith.constant 0 : i32
      %dma_wait3A_135 = tpu.memref_slice %arg7[%run_scoped3A_57, %dma_wait3A_133, %dma_wait3A_134] : memref<2x125x16xf32, #tpu.memory_space<vmem>> -> memref<1x125x16xf32, #tpu.memory_space<vmem>>
      %dma_wait3A_136 = tpu.memref_squeeze %dma_wait3A_135 : memref<1x125x16xf32, #tpu.memory_space<vmem>> -> memref<125x16xf32, #tpu.memory_space<vmem>>
      tpu.wait_dma2 semaphore(%run_scoped3A_113 : memref<!tpu.dma_semaphore, #tpu.memory_space<semaphore_mem>>) src(%dma_wait3A_136 : memref<125x16xf32, #tpu.memory_space<vmem>>) dst(%dma_wait3A_132 : memref<125x16xf32, #tpu.memory_space<vmem_shared>>)
      tpu.yield
    }) : () -> ()
    %barrier3A = arith.constant 0 : index
    tpu.barrier barrier_id(%barrier3A)
    "tpu.region"() ({
      %run_scoped3A_113 = tpu.sem_alloc : memref<!tpu.dma_semaphore, #tpu.memory_space<semaphore_mem>>
      %dma_start3A_114 = arith.constant 0 : i32
      %dma_start3A_115 = arith.constant 0 : i32
      %dma_start3A_116 = tpu.memref_slice %arg4[%add3A, %dma_start3A_114, %dma_start3A_115] : memref<32x40x125xi32, #tpu.memory_space<hbm>> -> memref<1x40x125xi32, #tpu.memory_space<hbm>>
      %dma_start3A_117 = tpu.memref_squeeze %dma_start3A_116 : memref<1x40x125xi32, #tpu.memory_space<hbm>> -> memref<40x125xi32, #tpu.memory_space<hbm>>
      %dma_start3A_118 = arith.constant 0 : i32
      %dma_start3A_119 = arith.constant 0 : i32
      %dma_start3A_120 = tpu.memref_slice %arg4[%add3A, %dma_start3A_118, %dma_start3A_119] : memref<32x40x125xi32, #tpu.memory_space<hbm>> -> memref<1x40x125xi32, #tpu.memory_space<hbm>>
      %dma_start3A_121 = tpu.memref_squeeze %dma_start3A_120 : memref<1x40x125xi32, #tpu.memory_space<hbm>> -> memref<40x125xi32, #tpu.memory_space<hbm>>
      tpu.enqueue_dma source(%dma_start3A_121 : memref<40x125xi32, #tpu.memory_space<hbm>>) target(%arg6 : memref<40x125xi32, #tpu.memory_space<vmem>>) target_semaphore(%run_scoped3A_113 : memref<!tpu.dma_semaphore, #tpu.memory_space<semaphore_mem>>)
      %dma_wait3A = arith.constant 0 : i32
      %dma_wait3A_122 = arith.constant 0 : i32
      %dma_wait3A_123 = tpu.memref_slice %arg4[%add3A, %dma_wait3A, %dma_wait3A_122] : memref<32x40x125xi32, #tpu.memory_space<hbm>> -> memref<1x40x125xi32, #tpu.memory_space<hbm>>
      %dma_wait3A_124 = tpu.memref_squeeze %dma_wait3A_123 : memref<1x40x125xi32, #tpu.memory_space<hbm>> -> memref<40x125xi32, #tpu.memory_space<hbm>>
      %dma_wait3A_125 = arith.constant 0 : i32
      %dma_wait3A_126 = arith.constant 0 : i32
      %dma_wait3A_127 = tpu.memref_slice %arg4[%add3A, %dma_wait3A_125, %dma_wait3A_126] : memref<32x40x125xi32, #tpu.memory_space<hbm>> -> memref<1x40x125xi32, #tpu.memory_space<hbm>>
      %dma_wait3A_128 = tpu.memref_squeeze %dma_wait3A_127 : memref<1x40x125xi32, #tpu.memory_space<hbm>> -> memref<40x125xi32, #tpu.memory_space<hbm>>
      tpu.wait_dma2 semaphore(%run_scoped3A_113 : memref<!tpu.dma_semaphore, #tpu.memory_space<semaphore_mem>>) src(%dma_wait3A_128 : memref<40x125xi32, #tpu.memory_space<hbm>>) dst(%arg6 : memref<40x125xi32, #tpu.memory_space<vmem>>)
      tpu.yield
    }) : () -> ()
    %add3A_58 = arith.constant 0 : i32
    %add3A_59 = arith.addi %mul3A_4, %add3A_58 : i32
    %dma_start3A = arith.constant 0 : i32
    %dma_start3A_60 = arith.constant 0 : i32
    %dma_start3A_61 = arith.constant 0 : i32
    %dma_start3A_62 = tpu.memref_slice %arg7[%dma_start3A, %dma_start3A_60, %dma_start3A_61] : memref<2x125x16xf32, #tpu.memory_space<vmem>> -> memref<1x125x16xf32, #tpu.memory_space<vmem>>
    %dma_start3A_63 = tpu.memref_squeeze %dma_start3A_62 : memref<1x125x16xf32, #tpu.memory_space<vmem>> -> memref<125x16xf32, #tpu.memory_space<vmem>>
    %dma_start3A_64 = arith.constant 0 : i32
    %dma_start3A_65 = tpu.memref_slice %arg2[%add3A_59, %dma_start3A_64] : memref<160000x16xf32, #tpu.memory_space<hbm>> -> memref<125x16xf32, #tpu.memory_space<hbm>>
    %dma_start3A_66 = arith.constant 0 : i32
    %dma_start3A_67 = arith.constant 0 : i32
    %dma_start3A_68 = tpu.memref_slice %arg7[%dma_start3A, %dma_start3A_66, %dma_start3A_67] : memref<2x125x16xf32, #tpu.memory_space<vmem>> -> memref<1x125x16xf32, #tpu.memory_space<vmem>>
    %dma_start3A_69 = tpu.memref_squeeze %dma_start3A_68 : memref<1x125x16xf32, #tpu.memory_space<vmem>> -> memref<125x16xf32, #tpu.memory_space<vmem>>
    %dma_start3A_70 = arith.constant 0 : i32
    %dma_start3A_71 = tpu.memref_slice %arg2[%add3A_59, %dma_start3A_70] : memref<160000x16xf32, #tpu.memory_space<hbm>> -> memref<125x16xf32, #tpu.memory_space<hbm>>
    tpu.enqueue_dma source(%dma_start3A_71 : memref<125x16xf32, #tpu.memory_space<hbm>>) target(%dma_start3A_69 : memref<125x16xf32, #tpu.memory_space<vmem>>) target_semaphore(%arg11 : memref<!tpu.dma_semaphore, #tpu.memory_space<semaphore_mem>>)
    %add3A_72 = arith.constant 0 : i32
    %add3A_73 = arith.addi %mul3A_4, %add3A_72 : i32
    %dma_start3A_74 = arith.constant 0 : i32
    %dma_start3A_75 = arith.constant 0 : i32
    %dma_start3A_76 = arith.constant 0 : i32
    %dma_start3A_77 = tpu.memref_slice %arg8[%dma_start3A_74, %dma_start3A_75, %dma_start3A_76] : memref<2x125x16xf32, #tpu.memory_space<vmem>> -> memref<1x125x16xf32, #tpu.memory_space<vmem>>
    %dma_start3A_78 = tpu.memref_squeeze %dma_start3A_77 : memref<1x125x16xf32, #tpu.memory_space<vmem>> -> memref<125x16xf32, #tpu.memory_space<vmem>>
    %dma_start3A_79 = arith.constant 0 : i32
    %dma_start3A_80 = tpu.memref_slice %arg3[%add3A_73, %dma_start3A_79] : memref<160000x16xf32, #tpu.memory_space<hbm>> -> memref<125x16xf32, #tpu.memory_space<hbm>>
    %dma_start3A_81 = arith.constant 0 : i32
    %dma_start3A_82 = arith.constant 0 : i32
    %dma_start3A_83 = tpu.memref_slice %arg8[%dma_start3A_74, %dma_start3A_81, %dma_start3A_82] : memref<2x125x16xf32, #tpu.memory_space<vmem>> -> memref<1x125x16xf32, #tpu.memory_space<vmem>>
    %dma_start3A_84 = tpu.memref_squeeze %dma_start3A_83 : memref<1x125x16xf32, #tpu.memory_space<vmem>> -> memref<125x16xf32, #tpu.memory_space<vmem>>
    %dma_start3A_85 = arith.constant 0 : i32
    %dma_start3A_86 = tpu.memref_slice %arg3[%add3A_73, %dma_start3A_85] : memref<160000x16xf32, #tpu.memory_space<hbm>> -> memref<125x16xf32, #tpu.memory_space<hbm>>
    tpu.enqueue_dma source(%dma_start3A_86 : memref<125x16xf32, #tpu.memory_space<hbm>>) target(%dma_start3A_84 : memref<125x16xf32, #tpu.memory_space<vmem>>) target_semaphore(%arg11 : memref<!tpu.dma_semaphore, #tpu.memory_space<semaphore_mem>>)
    %scan3A_87 = arith.constant 0 : i32
    %scan3A_88 = arith.constant 20 : i32
    %scan3A_89 = arith.addi %scan3A_87, %scan3A_88 : i32
    %scan3A_90 = arith.constant 1 : i32
    scf.for %scan3A_113 = %scan3A_87 to %scan3A_89 step %scan3A_90  : i32 {
      %mul3A_114 = arith.constant 2 : i32
      %mul3A_115 = arith.muli %scan3A_113, %mul3A_114 : i32
      %add3A_116 = arith.constant 0 : i32
      %add3A_117 = arith.addi %add3A_116, %mul3A_115 : i32
      %add3A_118 = arith.constant 0 : i32
      %add3A_119 = arith.addi %add3A_117, %add3A_118 : i32
      %add3A_120 = arith.constant 1 : i32
      %add3A_121 = arith.addi %add3A_119, %add3A_120 : i32
      %lt3A = arith.constant 40 : i32
      %lt3A_122 = arith.cmpi slt, %add3A_121, %lt3A : i32
      %convert_element_type3A = arith.extui %lt3A_122 : i1 to i32
      %cond3A = arith.constant 0 : i32
      %cond3A_123 = arith.cmpi ne, %convert_element_type3A, %cond3A : i32
      scf.if %cond3A_123 {
        %add3A_200 = arith.constant 1 : i32
        %add3A_201 = arith.addi %add3A_119, %add3A_200 : i32
        %mul3A_202 = arith.constant 125 : i32
        %mul3A_203 = arith.muli %add3A_201, %mul3A_202 : i32
        %add3A_204 = arith.addi %mul3A_4, %mul3A_203 : i32
        %dma_start3A_205 = arith.constant 1 : i32
        %dma_start3A_206 = arith.constant 0 : i32
        %dma_start3A_207 = arith.constant 0 : i32
        %dma_start3A_208 = tpu.memref_slice %arg7[%dma_start3A_205, %dma_start3A_206, %dma_start3A_207] : memref<2x125x16xf32, #tpu.memory_space<vmem>> -> memref<1x125x16xf32, #tpu.memory_space<vmem>>
        %dma_start3A_209 = tpu.memref_squeeze %dma_start3A_208 : memref<1x125x16xf32, #tpu.memory_space<vmem>> -> memref<125x16xf32, #tpu.memory_space<vmem>>
        %dma_start3A_210 = arith.constant 0 : i32
        %dma_start3A_211 = tpu.memref_slice %arg2[%add3A_204, %dma_start3A_210] : memref<160000x16xf32, #tpu.memory_space<hbm>> -> memref<125x16xf32, #tpu.memory_space<hbm>>
        %dma_start3A_212 = arith.constant 0 : i32
        %dma_start3A_213 = arith.constant 0 : i32
        %dma_start3A_214 = tpu.memref_slice %arg7[%dma_start3A_205, %dma_start3A_212, %dma_start3A_213] : memref<2x125x16xf32, #tpu.memory_space<vmem>> -> memref<1x125x16xf32, #tpu.memory_space<vmem>>
        %dma_start3A_215 = tpu.memref_squeeze %dma_start3A_214 : memref<1x125x16xf32, #tpu.memory_space<vmem>> -> memref<125x16xf32, #tpu.memory_space<vmem>>
        %dma_start3A_216 = arith.constant 0 : i32
        %dma_start3A_217 = tpu.memref_slice %arg2[%add3A_204, %dma_start3A_216] : memref<160000x16xf32, #tpu.memory_space<hbm>> -> memref<125x16xf32, #tpu.memory_space<hbm>>
        tpu.enqueue_dma source(%dma_start3A_217 : memref<125x16xf32, #tpu.memory_space<hbm>>) target(%dma_start3A_215 : memref<125x16xf32, #tpu.memory_space<vmem>>) target_semaphore(%arg11 : memref<!tpu.dma_semaphore, #tpu.memory_space<semaphore_mem>>)
        %mul3A_218 = arith.constant 125 : i32
        %mul3A_219 = arith.muli %add3A_201, %mul3A_218 : i32
        %add3A_220 = arith.addi %mul3A_4, %mul3A_219 : i32
        %dma_start3A_221 = arith.constant 1 : i32
        %dma_start3A_222 = arith.constant 0 : i32
        %dma_start3A_223 = arith.constant 0 : i32
        %dma_start3A_224 = tpu.memref_slice %arg8[%dma_start3A_221, %dma_start3A_222, %dma_start3A_223] : memref<2x125x16xf32, #tpu.memory_space<vmem>> -> memref<1x125x16xf32, #tpu.memory_space<vmem>>
        %dma_start3A_225 = tpu.memref_squeeze %dma_start3A_224 : memref<1x125x16xf32, #tpu.memory_space<vmem>> -> memref<125x16xf32, #tpu.memory_space<vmem>>
        %dma_start3A_226 = arith.constant 0 : i32
        %dma_start3A_227 = tpu.memref_slice %arg3[%add3A_220, %dma_start3A_226] : memref<160000x16xf32, #tpu.memory_space<hbm>> -> memref<125x16xf32, #tpu.memory_space<hbm>>
        %dma_start3A_228 = arith.constant 0 : i32
        %dma_start3A_229 = arith.constant 0 : i32
        %dma_start3A_230 = tpu.memref_slice %arg8[%dma_start3A_221, %dma_start3A_228, %dma_start3A_229] : memref<2x125x16xf32, #tpu.memory_space<vmem>> -> memref<1x125x16xf32, #tpu.memory_space<vmem>>
        %dma_start3A_231 = tpu.memref_squeeze %dma_start3A_230 : memref<1x125x16xf32, #tpu.memory_space<vmem>> -> memref<125x16xf32, #tpu.memory_space<vmem>>
        %dma_start3A_232 = arith.constant 0 : i32
        %dma_start3A_233 = tpu.memref_slice %arg3[%add3A_220, %dma_start3A_232] : memref<160000x16xf32, #tpu.memory_space<hbm>> -> memref<125x16xf32, #tpu.memory_space<hbm>>
        tpu.enqueue_dma source(%dma_start3A_233 : memref<125x16xf32, #tpu.memory_space<hbm>>) target(%dma_start3A_231 : memref<125x16xf32, #tpu.memory_space<vmem>>) target_semaphore(%arg11 : memref<!tpu.dma_semaphore, #tpu.memory_space<semaphore_mem>>)
      } else {
      }
      %mul3A_124 = arith.constant 125 : i32
      %mul3A_125 = arith.muli %add3A_119, %mul3A_124 : i32
      %add3A_126 = arith.addi %mul3A_4, %mul3A_125 : i32
      %dma_wait3A = arith.constant 0 : i32
      %dma_wait3A_127 = arith.constant 0 : i32
      %dma_wait3A_128 = arith.constant 0 : i32
      %dma_wait3A_129 = tpu.memref_slice %arg7[%dma_wait3A, %dma_wait3A_127, %dma_wait3A_128] : memref<2x125x16xf32, #tpu.memory_space<vmem>> -> memref<1x125x16xf32, #tpu.memory_space<vmem>>
      %dma_wait3A_130 = tpu.memref_squeeze %dma_wait3A_129 : memref<1x125x16xf32, #tpu.memory_space<vmem>> -> memref<125x16xf32, #tpu.memory_space<vmem>>
      %dma_wait3A_131 = arith.constant 0 : i32
      %dma_wait3A_132 = tpu.memref_slice %arg2[%add3A_126, %dma_wait3A_131] : memref<160000x16xf32, #tpu.memory_space<hbm>> -> memref<125x16xf32, #tpu.memory_space<hbm>>
      %dma_wait3A_133 = arith.constant 0 : i32
      %dma_wait3A_134 = arith.constant 0 : i32
      %dma_wait3A_135 = tpu.memref_slice %arg7[%dma_wait3A, %dma_wait3A_133, %dma_wait3A_134] : memref<2x125x16xf32, #tpu.memory_space<vmem>> -> memref<1x125x16xf32, #tpu.memory_space<vmem>>
      %dma_wait3A_136 = tpu.memref_squeeze %dma_wait3A_135 : memref<1x125x16xf32, #tpu.memory_space<vmem>> -> memref<125x16xf32, #tpu.memory_space<vmem>>
      %dma_wait3A_137 = arith.constant 0 : i32
      %dma_wait3A_138 = tpu.memref_slice %arg2[%add3A_126, %dma_wait3A_137] : memref<160000x16xf32, #tpu.memory_space<hbm>> -> memref<125x16xf32, #tpu.memory_space<hbm>>
      tpu.wait_dma2 semaphore(%arg11 : memref<!tpu.dma_semaphore, #tpu.memory_space<semaphore_mem>>) src(%dma_wait3A_138 : memref<125x16xf32, #tpu.memory_space<hbm>>) dst(%dma_wait3A_136 : memref<125x16xf32, #tpu.memory_space<vmem>>)
      %mul3A_139 = arith.constant 125 : i32
      %mul3A_140 = arith.muli %add3A_119, %mul3A_139 : i32
      %add3A_141 = arith.addi %mul3A_4, %mul3A_140 : i32
      %dma_wait3A_142 = arith.constant 0 : i32
      %dma_wait3A_143 = arith.constant 0 : i32
      %dma_wait3A_144 = arith.constant 0 : i32
      %dma_wait3A_145 = tpu.memref_slice %arg8[%dma_wait3A_142, %dma_wait3A_143, %dma_wait3A_144] : memref<2x125x16xf32, #tpu.memory_space<vmem>> -> memref<1x125x16xf32, #tpu.memory_space<vmem>>
      %dma_wait3A_146 = tpu.memref_squeeze %dma_wait3A_145 : memref<1x125x16xf32, #tpu.memory_space<vmem>> -> memref<125x16xf32, #tpu.memory_space<vmem>>
      %dma_wait3A_147 = arith.constant 0 : i32
      %dma_wait3A_148 = tpu.memref_slice %arg3[%add3A_141, %dma_wait3A_147] : memref<160000x16xf32, #tpu.memory_space<hbm>> -> memref<125x16xf32, #tpu.memory_space<hbm>>
      %dma_wait3A_149 = arith.constant 0 : i32
      %dma_wait3A_150 = arith.constant 0 : i32
      %dma_wait3A_151 = tpu.memref_slice %arg8[%dma_wait3A_142, %dma_wait3A_149, %dma_wait3A_150] : memref<2x125x16xf32, #tpu.memory_space<vmem>> -> memref<1x125x16xf32, #tpu.memory_space<vmem>>
      %dma_wait3A_152 = tpu.memref_squeeze %dma_wait3A_151 : memref<1x125x16xf32, #tpu.memory_space<vmem>> -> memref<125x16xf32, #tpu.memory_space<vmem>>
      %dma_wait3A_153 = arith.constant 0 : i32
      %dma_wait3A_154 = tpu.memref_slice %arg3[%add3A_141, %dma_wait3A_153] : memref<160000x16xf32, #tpu.memory_space<hbm>> -> memref<125x16xf32, #tpu.memory_space<hbm>>
      tpu.wait_dma2 semaphore(%arg11 : memref<!tpu.dma_semaphore, #tpu.memory_space<semaphore_mem>>) src(%dma_wait3A_154 : memref<125x16xf32, #tpu.memory_space<hbm>>) dst(%dma_wait3A_152 : memref<125x16xf32, #tpu.memory_space<vmem>>)
      %run_scoped3A_155 = arith.constant 0 : i32
      "tpu.region"() ({
        %run_scoped3A_200 = tpu.sem_alloc : memref<!tpu.dma_semaphore, #tpu.memory_space<semaphore_mem>>
        %dma_start3A_201 = arith.constant 0 : i32
        %dma_start3A_202 = arith.constant 0 : i32
        %dma_start3A_203 = tpu.memref_slice %arg7[%run_scoped3A_155, %dma_start3A_201, %dma_start3A_202] : memref<2x125x16xf32, #tpu.memory_space<vmem>> -> memref<1x125x16xf32, #tpu.memory_space<vmem>>
        %dma_start3A_204 = tpu.memref_squeeze %dma_start3A_203 : memref<1x125x16xf32, #tpu.memory_space<vmem>> -> memref<125x16xf32, #tpu.memory_space<vmem>>
        %dma_start3A_205 = arith.constant 0 : i32
        %dma_start3A_206 = tpu.memref_slice %arg6[%add3A_119, %dma_start3A_205] : memref<40x125xi32, #tpu.memory_space<vmem>> -> memref<1x125xi32, #tpu.memory_space<vmem>>
        %dma_start3A_207 = tpu.memref_squeeze %dma_start3A_206 : memref<1x125xi32, #tpu.memory_space<vmem>> -> memref<125xi32, #tpu.memory_space<vmem>>
        %dma_start3A_208 = arith.constant 0 : i32
        %dma_start3A_209 = arith.constant 0 : i32
        %dma_start3A_210 = tpu.memref_slice %arg9[%dma_start3A_208, %dma_start3A_209] : memref<10000x16xf32, #tpu.memory_space<vmem_shared>> -> memref<10000x16xf32, #tpu.memory_space<vmem_shared>>
        tpu.enqueue_indirect_dma source(%dma_start3A_204 : memref<125x16xf32, #tpu.memory_space<vmem>>) target(%dma_start3A_210 : memref<10000x16xf32, #tpu.memory_space<vmem_shared>>) offsets(%dma_start3A_207 : memref<125xi32, #tpu.memory_space<vmem>>) semaphore(%run_scoped3A_200 : memref<!tpu.dma_semaphore, #tpu.memory_space<semaphore_mem>>) {add = true}
        %dma_wait3A_211 = arith.constant 0 : i32
        %dma_wait3A_212 = arith.constant 0 : i32
        %dma_wait3A_213 = tpu.memref_slice %arg7[%run_scoped3A_155, %dma_wait3A_211, %dma_wait3A_212] : memref<2x125x16xf32, #tpu.memory_space<vmem>> -> memref<1x125x16xf32, #tpu.memory_space<vmem>>
        %dma_wait3A_214 = tpu.memref_squeeze %dma_wait3A_213 : memref<1x125x16xf32, #tpu.memory_space<vmem>> -> memref<125x16xf32, #tpu.memory_space<vmem>>
        %dma_wait3A_215 = arith.constant 0 : i32
        %dma_wait3A_216 = tpu.memref_slice %arg6[%add3A_119, %dma_wait3A_215] : memref<40x125xi32, #tpu.memory_space<vmem>> -> memref<1x125xi32, #tpu.memory_space<vmem>>
        %dma_wait3A_217 = tpu.memref_squeeze %dma_wait3A_216 : memref<1x125xi32, #tpu.memory_space<vmem>> -> memref<125xi32, #tpu.memory_space<vmem>>
        %dma_wait3A_218 = arith.constant 0 : i32
        %dma_wait3A_219 = arith.constant 0 : i32
        %dma_wait3A_220 = tpu.memref_slice %arg9[%dma_wait3A_218, %dma_wait3A_219] : memref<10000x16xf32, #tpu.memory_space<vmem_shared>> -> memref<10000x16xf32, #tpu.memory_space<vmem_shared>>
        tpu.wait_indirect_dma semaphore(%run_scoped3A_200 : memref<!tpu.dma_semaphore, #tpu.memory_space<semaphore_mem>>) src(%dma_wait3A_214 : memref<125x16xf32, #tpu.memory_space<vmem>>) dst(%dma_wait3A_220 : memref<10000x16xf32, #tpu.memory_space<vmem_shared>>)
        tpu.yield
      }) : () -> ()
      %run_scoped3A_156 = arith.constant 0 : i32
      "tpu.region"() ({
        %run_scoped3A_200 = tpu.sem_alloc : memref<!tpu.dma_semaphore, #tpu.memory_space<semaphore_mem>>
        %dma_start3A_201 = arith.constant 0 : i32
        %dma_start3A_202 = arith.constant 0 : i32
        %dma_start3A_203 = tpu.memref_slice %arg8[%run_scoped3A_156, %dma_start3A_201, %dma_start3A_202] : memref<2x125x16xf32, #tpu.memory_space<vmem>> -> memref<1x125x16xf32, #tpu.memory_space<vmem>>
        %dma_start3A_204 = tpu.memref_squeeze %dma_start3A_203 : memref<1x125x16xf32, #tpu.memory_space<vmem>> -> memref<125x16xf32, #tpu.memory_space<vmem>>
        %dma_start3A_205 = arith.constant 0 : i32
        %dma_start3A_206 = tpu.memref_slice %arg6[%add3A_119, %dma_start3A_205] : memref<40x125xi32, #tpu.memory_space<vmem>> -> memref<1x125xi32, #tpu.memory_space<vmem>>
        %dma_start3A_207 = tpu.memref_squeeze %dma_start3A_206 : memref<1x125xi32, #tpu.memory_space<vmem>> -> memref<125xi32, #tpu.memory_space<vmem>>
        %dma_start3A_208 = arith.constant 0 : i32
        %dma_start3A_209 = arith.constant 0 : i32
        %dma_start3A_210 = tpu.memref_slice %arg10[%dma_start3A_208, %dma_start3A_209] : memref<10000x16xf32, #tpu.memory_space<vmem_shared>> -> memref<10000x16xf32, #tpu.memory_space<vmem_shared>>
        tpu.enqueue_indirect_dma source(%dma_start3A_204 : memref<125x16xf32, #tpu.memory_space<vmem>>) target(%dma_start3A_210 : memref<10000x16xf32, #tpu.memory_space<vmem_shared>>) offsets(%dma_start3A_207 : memref<125xi32, #tpu.memory_space<vmem>>) semaphore(%run_scoped3A_200 : memref<!tpu.dma_semaphore, #tpu.memory_space<semaphore_mem>>) {add = true}
        %dma_wait3A_211 = arith.constant 0 : i32
        %dma_wait3A_212 = arith.constant 0 : i32
        %dma_wait3A_213 = tpu.memref_slice %arg8[%run_scoped3A_156, %dma_wait3A_211, %dma_wait3A_212] : memref<2x125x16xf32, #tpu.memory_space<vmem>> -> memref<1x125x16xf32, #tpu.memory_space<vmem>>
        %dma_wait3A_214 = tpu.memref_squeeze %dma_wait3A_213 : memref<1x125x16xf32, #tpu.memory_space<vmem>> -> memref<125x16xf32, #tpu.memory_space<vmem>>
        %dma_wait3A_215 = arith.constant 0 : i32
        %dma_wait3A_216 = tpu.memref_slice %arg6[%add3A_119, %dma_wait3A_215] : memref<40x125xi32, #tpu.memory_space<vmem>> -> memref<1x125xi32, #tpu.memory_space<vmem>>
        %dma_wait3A_217 = tpu.memref_squeeze %dma_wait3A_216 : memref<1x125xi32, #tpu.memory_space<vmem>> -> memref<125xi32, #tpu.memory_space<vmem>>
        %dma_wait3A_218 = arith.constant 0 : i32
        %dma_wait3A_219 = arith.constant 0 : i32
        %dma_wait3A_220 = tpu.memref_slice %arg10[%dma_wait3A_218, %dma_wait3A_219] : memref<10000x16xf32, #tpu.memory_space<vmem_shared>> -> memref<10000x16xf32, #tpu.memory_space<vmem_shared>>
        tpu.wait_indirect_dma semaphore(%run_scoped3A_200 : memref<!tpu.dma_semaphore, #tpu.memory_space<semaphore_mem>>) src(%dma_wait3A_214 : memref<125x16xf32, #tpu.memory_space<vmem>>) dst(%dma_wait3A_220 : memref<10000x16xf32, #tpu.memory_space<vmem_shared>>)
        tpu.yield
      }) : () -> ()
      %add3A_157 = arith.constant 1 : i32
      %add3A_158 = arith.addi %add3A_117, %add3A_157 : i32
      %add3A_159 = arith.constant 1 : i32
      %add3A_160 = arith.addi %add3A_158, %add3A_159 : i32
      %lt3A_161 = arith.constant 40 : i32
      %lt3A_162 = arith.cmpi slt, %add3A_160, %lt3A_161 : i32
      %convert_element_type3A_163 = arith.extui %lt3A_162 : i1 to i32
      %cond3A_164 = arith.constant 0 : i32
      %cond3A_165 = arith.cmpi ne, %convert_element_type3A_163, %cond3A_164 : i32
      scf.if %cond3A_165 {
        %add3A_200 = arith.constant 1 : i32
        %add3A_201 = arith.addi %add3A_158, %add3A_200 : i32
        %mul3A_202 = arith.constant 125 : i32
        %mul3A_203 = arith.muli %add3A_201, %mul3A_202 : i32
        %add3A_204 = arith.addi %mul3A_4, %mul3A_203 : i32
        %dma_start3A_205 = arith.constant 0 : i32
        %dma_start3A_206 = arith.constant 0 : i32
        %dma_start3A_207 = arith.constant 0 : i32
        %dma_start3A_208 = tpu.memref_slice %arg7[%dma_start3A_205, %dma_start3A_206, %dma_start3A_207] : memref<2x125x16xf32, #tpu.memory_space<vmem>> -> memref<1x125x16xf32, #tpu.memory_space<vmem>>
        %dma_start3A_209 = tpu.memref_squeeze %dma_start3A_208 : memref<1x125x16xf32, #tpu.memory_space<vmem>> -> memref<125x16xf32, #tpu.memory_space<vmem>>
        %dma_start3A_210 = arith.constant 0 : i32
        %dma_start3A_211 = tpu.memref_slice %arg2[%add3A_204, %dma_start3A_210] : memref<160000x16xf32, #tpu.memory_space<hbm>> -> memref<125x16xf32, #tpu.memory_space<hbm>>
        %dma_start3A_212 = arith.constant 0 : i32
        %dma_start3A_213 = arith.constant 0 : i32
        %dma_start3A_214 = tpu.memref_slice %arg7[%dma_start3A_205, %dma_start3A_212, %dma_start3A_213] : memref<2x125x16xf32, #tpu.memory_space<vmem>> -> memref<1x125x16xf32, #tpu.memory_space<vmem>>
        %dma_start3A_215 = tpu.memref_squeeze %dma_start3A_214 : memref<1x125x16xf32, #tpu.memory_space<vmem>> -> memref<125x16xf32, #tpu.memory_space<vmem>>
        %dma_start3A_216 = arith.constant 0 : i32
        %dma_start3A_217 = tpu.memref_slice %arg2[%add3A_204, %dma_start3A_216] : memref<160000x16xf32, #tpu.memory_space<hbm>> -> memref<125x16xf32, #tpu.memory_space<hbm>>
        tpu.enqueue_dma source(%dma_start3A_217 : memref<125x16xf32, #tpu.memory_space<hbm>>) target(%dma_start3A_215 : memref<125x16xf32, #tpu.memory_space<vmem>>) target_semaphore(%arg11 : memref<!tpu.dma_semaphore, #tpu.memory_space<semaphore_mem>>)
        %mul3A_218 = arith.constant 125 : i32
        %mul3A_219 = arith.muli %add3A_201, %mul3A_218 : i32
        %add3A_220 = arith.addi %mul3A_4, %mul3A_219 : i32
        %dma_start3A_221 = arith.constant 0 : i32
        %dma_start3A_222 = arith.constant 0 : i32
        %dma_start3A_223 = arith.constant 0 : i32
        %dma_start3A_224 = tpu.memref_slice %arg8[%dma_start3A_221, %dma_start3A_222, %dma_start3A_223] : memref<2x125x16xf32, #tpu.memory_space<vmem>> -> memref<1x125x16xf32, #tpu.memory_space<vmem>>
        %dma_start3A_225 = tpu.memref_squeeze %dma_start3A_224 : memref<1x125x16xf32, #tpu.memory_space<vmem>> -> memref<125x16xf32, #tpu.memory_space<vmem>>
        %dma_start3A_226 = arith.constant 0 : i32
        %dma_start3A_227 = tpu.memref_slice %arg3[%add3A_220, %dma_start3A_226] : memref<160000x16xf32, #tpu.memory_space<hbm>> -> memref<125x16xf32, #tpu.memory_space<hbm>>
        %dma_start3A_228 = arith.constant 0 : i32
        %dma_start3A_229 = arith.constant 0 : i32
        %dma_start3A_230 = tpu.memref_slice %arg8[%dma_start3A_221, %dma_start3A_228, %dma_start3A_229] : memref<2x125x16xf32, #tpu.memory_space<vmem>> -> memref<1x125x16xf32, #tpu.memory_space<vmem>>
        %dma_start3A_231 = tpu.memref_squeeze %dma_start3A_230 : memref<1x125x16xf32, #tpu.memory_space<vmem>> -> memref<125x16xf32, #tpu.memory_space<vmem>>
        %dma_start3A_232 = arith.constant 0 : i32
        %dma_start3A_233 = tpu.memref_slice %arg3[%add3A_220, %dma_start3A_232] : memref<160000x16xf32, #tpu.memory_space<hbm>> -> memref<125x16xf32, #tpu.memory_space<hbm>>
        tpu.enqueue_dma source(%dma_start3A_233 : memref<125x16xf32, #tpu.memory_space<hbm>>) target(%dma_start3A_231 : memref<125x16xf32, #tpu.memory_space<vmem>>) target_semaphore(%arg11 : memref<!tpu.dma_semaphore, #tpu.memory_space<semaphore_mem>>)
      } else {
      }
      %mul3A_166 = arith.constant 125 : i32
      %mul3A_167 = arith.muli %add3A_158, %mul3A_166 : i32
      %add3A_168 = arith.addi %mul3A_4, %mul3A_167 : i32
      %dma_wait3A_169 = arith.constant 1 : i32
      %dma_wait3A_170 = arith.constant 0 : i32
      %dma_wait3A_171 = arith.constant 0 : i32
      %dma_wait3A_172 = tpu.memref_slice %arg7[%dma_wait3A_169, %dma_wait3A_170, %dma_wait3A_171] : memref<2x125x16xf32, #tpu.memory_space<vmem>> -> memref<1x125x16xf32, #tpu.memory_space<vmem>>
      %dma_wait3A_173 = tpu.memref_squeeze %dma_wait3A_172 : memref<1x125x16xf32, #tpu.memory_space<vmem>> -> memref<125x16xf32, #tpu.memory_space<vmem>>
      %dma_wait3A_174 = arith.constant 0 : i32
      %dma_wait3A_175 = tpu.memref_slice %arg2[%add3A_168, %dma_wait3A_174] : memref<160000x16xf32, #tpu.memory_space<hbm>> -> memref<125x16xf32, #tpu.memory_space<hbm>>
      %dma_wait3A_176 = arith.constant 0 : i32
      %dma_wait3A_177 = arith.constant 0 : i32
      %dma_wait3A_178 = tpu.memref_slice %arg7[%dma_wait3A_169, %dma_wait3A_176, %dma_wait3A_177] : memref<2x125x16xf32, #tpu.memory_space<vmem>> -> memref<1x125x16xf32, #tpu.memory_space<vmem>>
      %dma_wait3A_179 = tpu.memref_squeeze %dma_wait3A_178 : memref<1x125x16xf32, #tpu.memory_space<vmem>> -> memref<125x16xf32, #tpu.memory_space<vmem>>
      %dma_wait3A_180 = arith.constant 0 : i32
      %dma_wait3A_181 = tpu.memref_slice %arg2[%add3A_168, %dma_wait3A_180] : memref<160000x16xf32, #tpu.memory_space<hbm>> -> memref<125x16xf32, #tpu.memory_space<hbm>>
      tpu.wait_dma2 semaphore(%arg11 : memref<!tpu.dma_semaphore, #tpu.memory_space<semaphore_mem>>) src(%dma_wait3A_181 : memref<125x16xf32, #tpu.memory_space<hbm>>) dst(%dma_wait3A_179 : memref<125x16xf32, #tpu.memory_space<vmem>>)
      %mul3A_182 = arith.constant 125 : i32
      %mul3A_183 = arith.muli %add3A_158, %mul3A_182 : i32
      %add3A_184 = arith.addi %mul3A_4, %mul3A_183 : i32
      %dma_wait3A_185 = arith.constant 1 : i32
      %dma_wait3A_186 = arith.constant 0 : i32
      %dma_wait3A_187 = arith.constant 0 : i32
      %dma_wait3A_188 = tpu.memref_slice %arg8[%dma_wait3A_185, %dma_wait3A_186, %dma_wait3A_187] : memref<2x125x16xf32, #tpu.memory_space<vmem>> -> memref<1x125x16xf32, #tpu.memory_space<vmem>>
      %dma_wait3A_189 = tpu.memref_squeeze %dma_wait3A_188 : memref<1x125x16xf32, #tpu.memory_space<vmem>> -> memref<125x16xf32, #tpu.memory_space<vmem>>
      %dma_wait3A_190 = arith.constant 0 : i32
      %dma_wait3A_191 = tpu.memref_slice %arg3[%add3A_184, %dma_wait3A_190] : memref<160000x16xf32, #tpu.memory_space<hbm>> -> memref<125x16xf32, #tpu.memory_space<hbm>>
      %dma_wait3A_192 = arith.constant 0 : i32
      %dma_wait3A_193 = arith.constant 0 : i32
      %dma_wait3A_194 = tpu.memref_slice %arg8[%dma_wait3A_185, %dma_wait3A_192, %dma_wait3A_193] : memref<2x125x16xf32, #tpu.memory_space<vmem>> -> memref<1x125x16xf32, #tpu.memory_space<vmem>>
      %dma_wait3A_195 = tpu.memref_squeeze %dma_wait3A_194 : memref<1x125x16xf32, #tpu.memory_space<vmem>> -> memref<125x16xf32, #tpu.memory_space<vmem>>
      %dma_wait3A_196 = arith.constant 0 : i32
      %dma_wait3A_197 = tpu.memref_slice %arg3[%add3A_184, %dma_wait3A_196] : memref<160000x16xf32, #tpu.memory_space<hbm>> -> memref<125x16xf32, #tpu.memory_space<hbm>>
      tpu.wait_dma2 semaphore(%arg11 : memref<!tpu.dma_semaphore, #tpu.memory_space<semaphore_mem>>) src(%dma_wait3A_197 : memref<125x16xf32, #tpu.memory_space<hbm>>) dst(%dma_wait3A_195 : memref<125x16xf32, #tpu.memory_space<vmem>>)
      %run_scoped3A_198 = arith.constant 1 : i32
      "tpu.region"() ({
        %run_scoped3A_200 = tpu.sem_alloc : memref<!tpu.dma_semaphore, #tpu.memory_space<semaphore_mem>>
        %dma_start3A_201 = arith.constant 0 : i32
        %dma_start3A_202 = arith.constant 0 : i32
        %dma_start3A_203 = tpu.memref_slice %arg7[%run_scoped3A_198, %dma_start3A_201, %dma_start3A_202] : memref<2x125x16xf32, #tpu.memory_space<vmem>> -> memref<1x125x16xf32, #tpu.memory_space<vmem>>
        %dma_start3A_204 = tpu.memref_squeeze %dma_start3A_203 : memref<1x125x16xf32, #tpu.memory_space<vmem>> -> memref<125x16xf32, #tpu.memory_space<vmem>>
        %dma_start3A_205 = arith.constant 0 : i32
        %dma_start3A_206 = tpu.memref_slice %arg6[%add3A_158, %dma_start3A_205] : memref<40x125xi32, #tpu.memory_space<vmem>> -> memref<1x125xi32, #tpu.memory_space<vmem>>
        %dma_start3A_207 = tpu.memref_squeeze %dma_start3A_206 : memref<1x125xi32, #tpu.memory_space<vmem>> -> memref<125xi32, #tpu.memory_space<vmem>>
        %dma_start3A_208 = arith.constant 0 : i32
        %dma_start3A_209 = arith.constant 0 : i32
        %dma_start3A_210 = tpu.memref_slice %arg9[%dma_start3A_208, %dma_start3A_209] : memref<10000x16xf32, #tpu.memory_space<vmem_shared>> -> memref<10000x16xf32, #tpu.memory_space<vmem_shared>>
        tpu.enqueue_indirect_dma source(%dma_start3A_204 : memref<125x16xf32, #tpu.memory_space<vmem>>) target(%dma_start3A_210 : memref<10000x16xf32, #tpu.memory_space<vmem_shared>>) offsets(%dma_start3A_207 : memref<125xi32, #tpu.memory_space<vmem>>) semaphore(%run_scoped3A_200 : memref<!tpu.dma_semaphore, #tpu.memory_space<semaphore_mem>>) {add = true}
        %dma_wait3A_211 = arith.constant 0 : i32
        %dma_wait3A_212 = arith.constant 0 : i32
        %dma_wait3A_213 = tpu.memref_slice %arg7[%run_scoped3A_198, %dma_wait3A_211, %dma_wait3A_212] : memref<2x125x16xf32, #tpu.memory_space<vmem>> -> memref<1x125x16xf32, #tpu.memory_space<vmem>>
        %dma_wait3A_214 = tpu.memref_squeeze %dma_wait3A_213 : memref<1x125x16xf32, #tpu.memory_space<vmem>> -> memref<125x16xf32, #tpu.memory_space<vmem>>
        %dma_wait3A_215 = arith.constant 0 : i32
        %dma_wait3A_216 = tpu.memref_slice %arg6[%add3A_158, %dma_wait3A_215] : memref<40x125xi32, #tpu.memory_space<vmem>> -> memref<1x125xi32, #tpu.memory_space<vmem>>
        %dma_wait3A_217 = tpu.memref_squeeze %dma_wait3A_216 : memref<1x125xi32, #tpu.memory_space<vmem>> -> memref<125xi32, #tpu.memory_space<vmem>>
        %dma_wait3A_218 = arith.constant 0 : i32
        %dma_wait3A_219 = arith.constant 0 : i32
        %dma_wait3A_220 = tpu.memref_slice %arg9[%dma_wait3A_218, %dma_wait3A_219] : memref<10000x16xf32, #tpu.memory_space<vmem_shared>> -> memref<10000x16xf32, #tpu.memory_space<vmem_shared>>
        tpu.wait_indirect_dma semaphore(%run_scoped3A_200 : memref<!tpu.dma_semaphore, #tpu.memory_space<semaphore_mem>>) src(%dma_wait3A_214 : memref<125x16xf32, #tpu.memory_space<vmem>>) dst(%dma_wait3A_220 : memref<10000x16xf32, #tpu.memory_space<vmem_shared>>)
        tpu.yield
      }) : () -> ()
      %run_scoped3A_199 = arith.constant 1 : i32
      "tpu.region"() ({
        %run_scoped3A_200 = tpu.sem_alloc : memref<!tpu.dma_semaphore, #tpu.memory_space<semaphore_mem>>
        %dma_start3A_201 = arith.constant 0 : i32
        %dma_start3A_202 = arith.constant 0 : i32
        %dma_start3A_203 = tpu.memref_slice %arg8[%run_scoped3A_199, %dma_start3A_201, %dma_start3A_202] : memref<2x125x16xf32, #tpu.memory_space<vmem>> -> memref<1x125x16xf32, #tpu.memory_space<vmem>>
        %dma_start3A_204 = tpu.memref_squeeze %dma_start3A_203 : memref<1x125x16xf32, #tpu.memory_space<vmem>> -> memref<125x16xf32, #tpu.memory_space<vmem>>
        %dma_start3A_205 = arith.constant 0 : i32
        %dma_start3A_206 = tpu.memref_slice %arg6[%add3A_158, %dma_start3A_205] : memref<40x125xi32, #tpu.memory_space<vmem>> -> memref<1x125xi32, #tpu.memory_space<vmem>>
        %dma_start3A_207 = tpu.memref_squeeze %dma_start3A_206 : memref<1x125xi32, #tpu.memory_space<vmem>> -> memref<125xi32, #tpu.memory_space<vmem>>
        %dma_start3A_208 = arith.constant 0 : i32
        %dma_start3A_209 = arith.constant 0 : i32
        %dma_start3A_210 = tpu.memref_slice %arg10[%dma_start3A_208, %dma_start3A_209] : memref<10000x16xf32, #tpu.memory_space<vmem_shared>> -> memref<10000x16xf32, #tpu.memory_space<vmem_shared>>
        tpu.enqueue_indirect_dma source(%dma_start3A_204 : memref<125x16xf32, #tpu.memory_space<vmem>>) target(%dma_start3A_210 : memref<10000x16xf32, #tpu.memory_space<vmem_shared>>) offsets(%dma_start3A_207 : memref<125xi32, #tpu.memory_space<vmem>>) semaphore(%run_scoped3A_200 : memref<!tpu.dma_semaphore, #tpu.memory_space<semaphore_mem>>) {add = true}
        %dma_wait3A_211 = arith.constant 0 : i32
        %dma_wait3A_212 = arith.constant 0 : i32
        %dma_wait3A_213 = tpu.memref_slice %arg8[%run_scoped3A_199, %dma_wait3A_211, %dma_wait3A_212] : memref<2x125x16xf32, #tpu.memory_space<vmem>> -> memref<1x125x16xf32, #tpu.memory_space<vmem>>
        %dma_wait3A_214 = tpu.memref_squeeze %dma_wait3A_213 : memref<1x125x16xf32, #tpu.memory_space<vmem>> -> memref<125x16xf32, #tpu.memory_space<vmem>>
        %dma_wait3A_215 = arith.constant 0 : i32
        %dma_wait3A_216 = tpu.memref_slice %arg6[%add3A_158, %dma_wait3A_215] : memref<40x125xi32, #tpu.memory_space<vmem>> -> memref<1x125xi32, #tpu.memory_space<vmem>>
        %dma_wait3A_217 = tpu.memref_squeeze %dma_wait3A_216 : memref<1x125xi32, #tpu.memory_space<vmem>> -> memref<125xi32, #tpu.memory_space<vmem>>
        %dma_wait3A_218 = arith.constant 0 : i32
        %dma_wait3A_219 = arith.constant 0 : i32
        %dma_wait3A_220 = tpu.memref_slice %arg10[%dma_wait3A_218, %dma_wait3A_219] : memref<10000x16xf32, #tpu.memory_space<vmem_shared>> -> memref<10000x16xf32, #tpu.memory_space<vmem_shared>>
        tpu.wait_indirect_dma semaphore(%run_scoped3A_200 : memref<!tpu.dma_semaphore, #tpu.memory_space<semaphore_mem>>) src(%dma_wait3A_214 : memref<125x16xf32, #tpu.memory_space<vmem>>) dst(%dma_wait3A_220 : memref<10000x16xf32, #tpu.memory_space<vmem_shared>>)
        tpu.yield
      }) : () -> ()
    }
    %scan3A_91 = arith.constant 20 : i32
    %barrier3A_92 = arith.constant 0 : index
    tpu.barrier barrier_id(%barrier3A_92)
    %mul3A_93 = arith.constant 625 : i32
    %mul3A_94 = arith.muli %arg1, %mul3A_93 : i32
    %mul3A_95 = arith.constant 2 : i32
    %mul3A_96 = arith.muli %mul3A_95, %arg0 : i32
    %mul3A_97 = arith.constant 10000 : i32
    %mul3A_98 = arith.muli %mul3A_96, %mul3A_97 : i32
    %mul3A_99 = arith.constant 625 : i32
    %mul3A_100 = arith.muli %arg1, %mul3A_99 : i32
    %add3A_101 = arith.addi %mul3A_98, %mul3A_100 : i32
    "tpu.region"() ({
      %run_scoped3A_113 = tpu.sem_alloc : memref<!tpu.dma_semaphore, #tpu.memory_space<semaphore_mem>>
      %dma_start3A_114 = arith.constant 0 : i32
      %dma_start3A_115 = tpu.memref_slice %arg5[%add3A_101, %dma_start3A_114] : memref<40000x16xf32, #tpu.memory_space<hbm>> -> memref<625x16xf32, #tpu.memory_space<hbm>>
      %dma_start3A_116 = arith.constant 0 : i32
      %dma_start3A_117 = tpu.memref_slice %arg9[%mul3A_94, %dma_start3A_116] : memref<10000x16xf32, #tpu.memory_space<vmem_shared>> -> memref<625x16xf32, #tpu.memory_space<vmem_shared>>
      tpu.enqueue_dma source(%dma_start3A_117 : memref<625x16xf32, #tpu.memory_space<vmem_shared>>) target(%dma_start3A_115 : memref<625x16xf32, #tpu.memory_space<hbm>>) target_semaphore(%run_scoped3A_113 : memref<!tpu.dma_semaphore, #tpu.memory_space<semaphore_mem>>)
      %dma_wait3A = arith.constant 0 : i32
      %dma_wait3A_118 = tpu.memref_slice %arg5[%add3A_101, %dma_wait3A] : memref<40000x16xf32, #tpu.memory_space<hbm>> -> memref<625x16xf32, #tpu.memory_space<hbm>>
      %dma_wait3A_119 = arith.constant 0 : i32
      %dma_wait3A_120 = tpu.memref_slice %arg9[%mul3A_94, %dma_wait3A_119] : memref<10000x16xf32, #tpu.memory_space<vmem_shared>> -> memref<625x16xf32, #tpu.memory_space<vmem_shared>>
      tpu.wait_dma2 semaphore(%run_scoped3A_113 : memref<!tpu.dma_semaphore, #tpu.memory_space<semaphore_mem>>) src(%dma_wait3A_120 : memref<625x16xf32, #tpu.memory_space<vmem_shared>>) dst(%dma_wait3A_118 : memref<625x16xf32, #tpu.memory_space<hbm>>)
      tpu.yield
    }) : () -> ()
    %mul3A_102 = arith.constant 625 : i32
    %mul3A_103 = arith.muli %arg1, %mul3A_102 : i32
    %mul3A_104 = arith.constant 2 : i32
    %mul3A_105 = arith.muli %mul3A_104, %arg0 : i32
    %add3A_106 = arith.constant 1 : i32
    %add3A_107 = arith.addi %mul3A_105, %add3A_106 : i32
    %mul3A_108 = arith.constant 10000 : i32
    %mul3A_109 = arith.muli %add3A_107, %mul3A_108 : i32
    %mul3A_110 = arith.constant 625 : i32
    %mul3A_111 = arith.muli %arg1, %mul3A_110 : i32
    %add3A_112 = arith.addi %mul3A_109, %mul3A_111 : i32
    "tpu.region"() ({
      %run_scoped3A_113 = tpu.sem_alloc : memref<!tpu.dma_semaphore, #tpu.memory_space<semaphore_mem>>
      %dma_start3A_114 = arith.constant 0 : i32
      %dma_start3A_115 = tpu.memref_slice %arg5[%add3A_112, %dma_start3A_114] : memref<40000x16xf32, #tpu.memory_space<hbm>> -> memref<625x16xf32, #tpu.memory_space<hbm>>
      %dma_start3A_116 = arith.constant 0 : i32
      %dma_start3A_117 = tpu.memref_slice %arg10[%mul3A_103, %dma_start3A_116] : memref<10000x16xf32, #tpu.memory_space<vmem_shared>> -> memref<625x16xf32, #tpu.memory_space<vmem_shared>>
      tpu.enqueue_dma source(%dma_start3A_117 : memref<625x16xf32, #tpu.memory_space<vmem_shared>>) target(%dma_start3A_115 : memref<625x16xf32, #tpu.memory_space<hbm>>) target_semaphore(%run_scoped3A_113 : memref<!tpu.dma_semaphore, #tpu.memory_space<semaphore_mem>>)
      %dma_wait3A = arith.constant 0 : i32
      %dma_wait3A_118 = tpu.memref_slice %arg5[%add3A_112, %dma_wait3A] : memref<40000x16xf32, #tpu.memory_space<hbm>> -> memref<625x16xf32, #tpu.memory_space<hbm>>
      %dma_wait3A_119 = arith.constant 0 : i32
      %dma_wait3A_120 = tpu.memref_slice %arg10[%mul3A_103, %dma_wait3A_119] : memref<10000x16xf32, #tpu.memory_space<vmem_shared>> -> memref<625x16xf32, #tpu.memory_space<vmem_shared>>
      tpu.wait_dma2 semaphore(%run_scoped3A_113 : memref<!tpu.dma_semaphore, #tpu.memory_space<semaphore_mem>>) src(%dma_wait3A_120 : memref<625x16xf32, #tpu.memory_space<vmem_shared>>) dst(%dma_wait3A_118 : memref<625x16xf32, #tpu.memory_space<hbm>>)
      tpu.yield
    }) : () -> ()
    return
  }
}

module attributes {stable_mosaic.version = 14 : i64} {
  func.func @_edge_body(%arg0: i32, %arg1: memref<400x128xf32, #tpu.memory_space<vmem>>, %arg2: memref<400x128xf32, #tpu.memory_space<vmem>>, %arg3: memref<400x128xf32, #tpu.memory_space<vmem>>, %arg4: memref<1x25x128xf32, #tpu.memory_space<vmem>>, %arg5: memref<1x25x128xf32, #tpu.memory_space<vmem>>, %arg6: memref<1x1xf32, #tpu.memory_space<vmem>>, %arg7: memref<128x512xbf16, #tpu.memory_space<vmem>>, %arg8: memref<1x512xf32, #tpu.memory_space<vmem>>, %arg9: memref<64x256xbf16, #tpu.memory_space<vmem>>, %arg10: memref<1x256xf32, #tpu.memory_space<vmem>>, %arg11: memref<128x512xbf16, #tpu.memory_space<vmem>>, %arg12: memref<1x512xf32, #tpu.memory_space<vmem>>, %arg13: memref<64x256xbf16, #tpu.memory_space<vmem>>, %arg14: memref<1x256xf32, #tpu.memory_space<vmem>>, %arg15: memref<128x128xbf16, #tpu.memory_space<vmem>>, %arg16: memref<128x128xbf16, #tpu.memory_space<vmem>>, %arg17: memref<128x2048xbf16, #tpu.memory_space<vmem>>, %arg18: memref<2048x128xbf16, #tpu.memory_space<vmem>>, %arg19: memref<128x2048xbf16, #tpu.memory_space<vmem>>, %arg20: memref<400x128xf32, #tpu.memory_space<vmem>>, %arg21: memref<400x128xf32, #tpu.memory_space<vmem>>) attributes {dimension_semantics = [#tpu.dimension_semantics<arbitrary>], iteration_bounds = array<i64: 50>, scalar_prefetch = 0 : i64, scratch_operands = 0 : i64, tpu.core_type = #tpu.core_type<tc>, window_params = [{transform_indices = @transform_0, window_bounds = array<i64: 400, 128>}, {transform_indices = @transform_1, window_bounds = array<i64: 400, 128>}, {transform_indices = @transform_2, window_bounds = array<i64: 400, 128>}, {transform_indices = @transform_3, window_bounds = array<i64: 1, 25, 128>}, {transform_indices = @transform_4, window_bounds = array<i64: 1, 25, 128>}, {pipeline_mode = #tpu.pipeline_mode<synchronous>, transform_indices = @transform_5, window_bounds = array<i64: 1, 1>}, {pipeline_mode = #tpu.pipeline_mode<synchronous>, transform_indices = @transform_6, window_bounds = array<i64: 128, 512>}, {pipeline_mode = #tpu.pipeline_mode<synchronous>, transform_indices = @transform_7, window_bounds = array<i64: 1, 512>}, {pipeline_mode = #tpu.pipeline_mode<synchronous>, transform_indices = @transform_8, window_bounds = array<i64: 64, 256>}, {pipeline_mode = #tpu.pipeline_mode<synchronous>, transform_indices = @transform_9, window_bounds = array<i64: 1, 256>}, {pipeline_mode = #tpu.pipeline_mode<synchronous>, transform_indices = @transform_10, window_bounds = array<i64: 128, 512>}, {pipeline_mode = #tpu.pipeline_mode<synchronous>, transform_indices = @transform_11, window_bounds = array<i64: 1, 512>}, {pipeline_mode = #tpu.pipeline_mode<synchronous>, transform_indices = @transform_12, window_bounds = array<i64: 64, 256>}, {pipeline_mode = #tpu.pipeline_mode<synchronous>, transform_indices = @transform_13, window_bounds = array<i64: 1, 256>}, {pipeline_mode = #tpu.pipeline_mode<synchronous>, transform_indices = @transform_14, window_bounds = array<i64: 128, 128>}, {pipeline_mode = #tpu.pipeline_mode<synchronous>, transform_indices = @transform_15, window_bounds = array<i64: 128, 128>}, {pipeline_mode = #tpu.pipeline_mode<synchronous>, transform_indices = @transform_16, window_bounds = array<i64: 128, 2048>}, {pipeline_mode = #tpu.pipeline_mode<synchronous>, transform_indices = @transform_17, window_bounds = array<i64: 2048, 128>}, {pipeline_mode = #tpu.pipeline_mode<synchronous>, transform_indices = @transform_18, window_bounds = array<i64: 128, 2048>}, {transform_indices = @transform_19, window_bounds = array<i64: 400, 128>}, {transform_indices = @transform_20, window_bounds = array<i64: 400, 128>}]} {
    %get3A = arith.constant 0 : index
    %get3A_0 = arith.constant 0 : index
    %get3A_1 = arith.constant 0 : index
    %get3A_2 = vector.load %arg4[%get3A, %get3A_0, %get3A_1] : memref<1x25x128xf32, #tpu.memory_space<vmem>>, vector<1x25x128xf32>
    %reshape3A = vector.shape_cast %get3A_2 : vector<1x25x128xf32> to vector<25x128xf32>
    %convert_element_type3A = arith.truncf %reshape3A : vector<25x128xf32> to vector<25x128xbf16>
    %get3A_3 = arith.constant 0 : index
    %get3A_4 = arith.constant 0 : index
    %get3A_5 = vector.load %arg19[%get3A_3, %get3A_4] : memref<128x2048xbf16, #tpu.memory_space<vmem>>, vector<128x2048xbf16>
    %dot_general3A = arith.constant dense<0.000000e+00> : vector<25x2048xf32>
    %dot_general3A_6 = tpu.matmul %convert_element_type3A, %get3A_5, %dot_general3A {dimension_numbers = #tpu.dot_dimension_numbers<[1], [0], [0], [1], [0, 0, 1, 1], [], []>, transpose_lhs_hint = false} : vector<25x128xbf16>, vector<128x2048xbf16>, vector<25x2048xf32> -> vector<25x2048xf32>
    %slice3A = vector.extract_strided_slice %dot_general3A_6 {offsets = [0, 0], sizes = [25, 128], strides = [1, 1]} : vector<25x2048xf32> to vector<25x128xf32>
    %slice3A_7 = vector.extract_strided_slice %dot_general3A_6 {offsets = [0, 128], sizes = [25, 128], strides = [1, 1]} : vector<25x2048xf32> to vector<25x128xf32>
    %slice3A_8 = vector.extract_strided_slice %dot_general3A_6 {offsets = [0, 256], sizes = [25, 128], strides = [1, 1]} : vector<25x2048xf32> to vector<25x128xf32>
    %slice3A_9 = vector.extract_strided_slice %dot_general3A_6 {offsets = [0, 384], sizes = [25, 128], strides = [1, 1]} : vector<25x2048xf32> to vector<25x128xf32>
    %slice3A_10 = vector.extract_strided_slice %dot_general3A_6 {offsets = [0, 512], sizes = [25, 128], strides = [1, 1]} : vector<25x2048xf32> to vector<25x128xf32>
    %slice3A_11 = vector.extract_strided_slice %dot_general3A_6 {offsets = [0, 640], sizes = [25, 128], strides = [1, 1]} : vector<25x2048xf32> to vector<25x128xf32>
    %slice3A_12 = vector.extract_strided_slice %dot_general3A_6 {offsets = [0, 768], sizes = [25, 128], strides = [1, 1]} : vector<25x2048xf32> to vector<25x128xf32>
    %slice3A_13 = vector.extract_strided_slice %dot_general3A_6 {offsets = [0, 896], sizes = [25, 128], strides = [1, 1]} : vector<25x2048xf32> to vector<25x128xf32>
    %slice3A_14 = vector.extract_strided_slice %dot_general3A_6 {offsets = [0, 1024], sizes = [25, 128], strides = [1, 1]} : vector<25x2048xf32> to vector<25x128xf32>
    %slice3A_15 = vector.extract_strided_slice %dot_general3A_6 {offsets = [0, 1152], sizes = [25, 128], strides = [1, 1]} : vector<25x2048xf32> to vector<25x128xf32>
    %slice3A_16 = vector.extract_strided_slice %dot_general3A_6 {offsets = [0, 1280], sizes = [25, 128], strides = [1, 1]} : vector<25x2048xf32> to vector<25x128xf32>
    %slice3A_17 = vector.extract_strided_slice %dot_general3A_6 {offsets = [0, 1408], sizes = [25, 128], strides = [1, 1]} : vector<25x2048xf32> to vector<25x128xf32>
    %slice3A_18 = vector.extract_strided_slice %dot_general3A_6 {offsets = [0, 1536], sizes = [25, 128], strides = [1, 1]} : vector<25x2048xf32> to vector<25x128xf32>
    %slice3A_19 = vector.extract_strided_slice %dot_general3A_6 {offsets = [0, 1664], sizes = [25, 128], strides = [1, 1]} : vector<25x2048xf32> to vector<25x128xf32>
    %slice3A_20 = vector.extract_strided_slice %dot_general3A_6 {offsets = [0, 1792], sizes = [25, 128], strides = [1, 1]} : vector<25x2048xf32> to vector<25x128xf32>
    %slice3A_21 = vector.extract_strided_slice %dot_general3A_6 {offsets = [0, 1920], sizes = [25, 128], strides = [1, 1]} : vector<25x2048xf32> to vector<25x128xf32>
    %stack3A = vector.shape_cast %slice3A : vector<25x128xf32> to vector<25x1x128xf32>
    %stack3A_22 = vector.shape_cast %slice3A_7 : vector<25x128xf32> to vector<25x1x128xf32>
    %stack3A_23 = vector.shape_cast %slice3A_8 : vector<25x128xf32> to vector<25x1x128xf32>
    %stack3A_24 = vector.shape_cast %slice3A_9 : vector<25x128xf32> to vector<25x1x128xf32>
    %stack3A_25 = vector.shape_cast %slice3A_10 : vector<25x128xf32> to vector<25x1x128xf32>
    %stack3A_26 = vector.shape_cast %slice3A_11 : vector<25x128xf32> to vector<25x1x128xf32>
    %stack3A_27 = vector.shape_cast %slice3A_12 : vector<25x128xf32> to vector<25x1x128xf32>
    %stack3A_28 = vector.shape_cast %slice3A_13 : vector<25x128xf32> to vector<25x1x128xf32>
    %stack3A_29 = vector.shape_cast %slice3A_14 : vector<25x128xf32> to vector<25x1x128xf32>
    %stack3A_30 = vector.shape_cast %slice3A_15 : vector<25x128xf32> to vector<25x1x128xf32>
    %stack3A_31 = vector.shape_cast %slice3A_16 : vector<25x128xf32> to vector<25x1x128xf32>
    %stack3A_32 = vector.shape_cast %slice3A_17 : vector<25x128xf32> to vector<25x1x128xf32>
    %stack3A_33 = vector.shape_cast %slice3A_18 : vector<25x128xf32> to vector<25x1x128xf32>
    %stack3A_34 = vector.shape_cast %slice3A_19 : vector<25x128xf32> to vector<25x1x128xf32>
    %stack3A_35 = vector.shape_cast %slice3A_20 : vector<25x128xf32> to vector<25x1x128xf32>
    %stack3A_36 = vector.shape_cast %slice3A_21 : vector<25x128xf32> to vector<25x1x128xf32>
    %stack3A_37 = tpu.concatenate %stack3A, %stack3A_22, %stack3A_23, %stack3A_24, %stack3A_25, %stack3A_26, %stack3A_27, %stack3A_28, %stack3A_29, %stack3A_30, %stack3A_31, %stack3A_32, %stack3A_33, %stack3A_34, %stack3A_35, %stack3A_36 in 1 : vector<25x1x128xf32>, vector<25x1x128xf32>, vector<25x1x128xf32>, vector<25x1x128xf32>, vector<25x1x128xf32>, vector<25x1x128xf32>, vector<25x1x128xf32>, vector<25x1x128xf32>, vector<25x1x128xf32>, vector<25x1x128xf32>, vector<25x1x128xf32>, vector<25x1x128xf32>, vector<25x1x128xf32>, vector<25x1x128xf32>, vector<25x1x128xf32>, vector<25x1x128xf32> -> vector<25x16x128xf32>
    %reshape3A_38 = vector.shape_cast %stack3A_37 : vector<25x16x128xf32> to vector<400x128xf32>
    %get3A_39 = arith.constant 0 : index
    %get3A_40 = arith.constant 0 : index
    %get3A_41 = arith.constant 0 : index
    %get3A_42 = vector.load %arg5[%get3A_39, %get3A_40, %get3A_41] : memref<1x25x128xf32, #tpu.memory_space<vmem>>, vector<1x25x128xf32>
    %reshape3A_43 = vector.shape_cast %get3A_42 : vector<1x25x128xf32> to vector<25x128xf32>
    %convert_element_type3A_44 = arith.truncf %reshape3A_43 : vector<25x128xf32> to vector<25x128xbf16>
    %get3A_45 = arith.constant 0 : index
    %get3A_46 = arith.constant 0 : index
    %get3A_47 = vector.load %arg19[%get3A_45, %get3A_46] : memref<128x2048xbf16, #tpu.memory_space<vmem>>, vector<128x2048xbf16>
    %dot_general3A_48 = arith.constant dense<0.000000e+00> : vector<25x2048xf32>
    %dot_general3A_49 = tpu.matmul %convert_element_type3A_44, %get3A_47, %dot_general3A_48 {dimension_numbers = #tpu.dot_dimension_numbers<[1], [0], [0], [1], [0, 0, 1, 1], [], []>, transpose_lhs_hint = false} : vector<25x128xbf16>, vector<128x2048xbf16>, vector<25x2048xf32> -> vector<25x2048xf32>
    %slice3A_50 = vector.extract_strided_slice %dot_general3A_49 {offsets = [0, 0], sizes = [25, 128], strides = [1, 1]} : vector<25x2048xf32> to vector<25x128xf32>
    %slice3A_51 = vector.extract_strided_slice %dot_general3A_49 {offsets = [0, 128], sizes = [25, 128], strides = [1, 1]} : vector<25x2048xf32> to vector<25x128xf32>
    %slice3A_52 = vector.extract_strided_slice %dot_general3A_49 {offsets = [0, 256], sizes = [25, 128], strides = [1, 1]} : vector<25x2048xf32> to vector<25x128xf32>
    %slice3A_53 = vector.extract_strided_slice %dot_general3A_49 {offsets = [0, 384], sizes = [25, 128], strides = [1, 1]} : vector<25x2048xf32> to vector<25x128xf32>
    %slice3A_54 = vector.extract_strided_slice %dot_general3A_49 {offsets = [0, 512], sizes = [25, 128], strides = [1, 1]} : vector<25x2048xf32> to vector<25x128xf32>
    %slice3A_55 = vector.extract_strided_slice %dot_general3A_49 {offsets = [0, 640], sizes = [25, 128], strides = [1, 1]} : vector<25x2048xf32> to vector<25x128xf32>
    %slice3A_56 = vector.extract_strided_slice %dot_general3A_49 {offsets = [0, 768], sizes = [25, 128], strides = [1, 1]} : vector<25x2048xf32> to vector<25x128xf32>
    %slice3A_57 = vector.extract_strided_slice %dot_general3A_49 {offsets = [0, 896], sizes = [25, 128], strides = [1, 1]} : vector<25x2048xf32> to vector<25x128xf32>
    %slice3A_58 = vector.extract_strided_slice %dot_general3A_49 {offsets = [0, 1024], sizes = [25, 128], strides = [1, 1]} : vector<25x2048xf32> to vector<25x128xf32>
    %slice3A_59 = vector.extract_strided_slice %dot_general3A_49 {offsets = [0, 1152], sizes = [25, 128], strides = [1, 1]} : vector<25x2048xf32> to vector<25x128xf32>
    %slice3A_60 = vector.extract_strided_slice %dot_general3A_49 {offsets = [0, 1280], sizes = [25, 128], strides = [1, 1]} : vector<25x2048xf32> to vector<25x128xf32>
    %slice3A_61 = vector.extract_strided_slice %dot_general3A_49 {offsets = [0, 1408], sizes = [25, 128], strides = [1, 1]} : vector<25x2048xf32> to vector<25x128xf32>
    %slice3A_62 = vector.extract_strided_slice %dot_general3A_49 {offsets = [0, 1536], sizes = [25, 128], strides = [1, 1]} : vector<25x2048xf32> to vector<25x128xf32>
    %slice3A_63 = vector.extract_strided_slice %dot_general3A_49 {offsets = [0, 1664], sizes = [25, 128], strides = [1, 1]} : vector<25x2048xf32> to vector<25x128xf32>
    %slice3A_64 = vector.extract_strided_slice %dot_general3A_49 {offsets = [0, 1792], sizes = [25, 128], strides = [1, 1]} : vector<25x2048xf32> to vector<25x128xf32>
    %slice3A_65 = vector.extract_strided_slice %dot_general3A_49 {offsets = [0, 1920], sizes = [25, 128], strides = [1, 1]} : vector<25x2048xf32> to vector<25x128xf32>
    %stack3A_66 = vector.shape_cast %slice3A_50 : vector<25x128xf32> to vector<25x1x128xf32>
    %stack3A_67 = vector.shape_cast %slice3A_51 : vector<25x128xf32> to vector<25x1x128xf32>
    %stack3A_68 = vector.shape_cast %slice3A_52 : vector<25x128xf32> to vector<25x1x128xf32>
    %stack3A_69 = vector.shape_cast %slice3A_53 : vector<25x128xf32> to vector<25x1x128xf32>
    %stack3A_70 = vector.shape_cast %slice3A_54 : vector<25x128xf32> to vector<25x1x128xf32>
    %stack3A_71 = vector.shape_cast %slice3A_55 : vector<25x128xf32> to vector<25x1x128xf32>
    %stack3A_72 = vector.shape_cast %slice3A_56 : vector<25x128xf32> to vector<25x1x128xf32>
    %stack3A_73 = vector.shape_cast %slice3A_57 : vector<25x128xf32> to vector<25x1x128xf32>
    %stack3A_74 = vector.shape_cast %slice3A_58 : vector<25x128xf32> to vector<25x1x128xf32>
    %stack3A_75 = vector.shape_cast %slice3A_59 : vector<25x128xf32> to vector<25x1x128xf32>
    %stack3A_76 = vector.shape_cast %slice3A_60 : vector<25x128xf32> to vector<25x1x128xf32>
    %stack3A_77 = vector.shape_cast %slice3A_61 : vector<25x128xf32> to vector<25x1x128xf32>
    %stack3A_78 = vector.shape_cast %slice3A_62 : vector<25x128xf32> to vector<25x1x128xf32>
    %stack3A_79 = vector.shape_cast %slice3A_63 : vector<25x128xf32> to vector<25x1x128xf32>
    %stack3A_80 = vector.shape_cast %slice3A_64 : vector<25x128xf32> to vector<25x1x128xf32>
    %stack3A_81 = vector.shape_cast %slice3A_65 : vector<25x128xf32> to vector<25x1x128xf32>
    %stack3A_82 = tpu.concatenate %stack3A_66, %stack3A_67, %stack3A_68, %stack3A_69, %stack3A_70, %stack3A_71, %stack3A_72, %stack3A_73, %stack3A_74, %stack3A_75, %stack3A_76, %stack3A_77, %stack3A_78, %stack3A_79, %stack3A_80, %stack3A_81 in 1 : vector<25x1x128xf32>, vector<25x1x128xf32>, vector<25x1x128xf32>, vector<25x1x128xf32>, vector<25x1x128xf32>, vector<25x1x128xf32>, vector<25x1x128xf32>, vector<25x1x128xf32>, vector<25x1x128xf32>, vector<25x1x128xf32>, vector<25x1x128xf32>, vector<25x1x128xf32>, vector<25x1x128xf32>, vector<25x1x128xf32>, vector<25x1x128xf32>, vector<25x1x128xf32> -> vector<25x16x128xf32>
    %reshape3A_83 = vector.shape_cast %stack3A_82 : vector<25x16x128xf32> to vector<400x128xf32>
    %get3A_84 = arith.constant 0 : index
    %get3A_85 = arith.constant 0 : index
    %get3A_86 = vector.load %arg1[%get3A_84, %get3A_85] : memref<400x128xf32, #tpu.memory_space<vmem>>, vector<400x128xf32>
    %mul3A = arith.mulf %get3A_86, %reshape3A_38 : vector<400x128xf32>
    %get3A_87 = arith.constant 0 : index
    %get3A_88 = arith.constant 0 : index
    %get3A_89 = vector.load %arg3[%get3A_87, %get3A_88] : memref<400x128xf32, #tpu.memory_space<vmem>>, vector<400x128xf32>
    %convert_element_type3A_90 = arith.truncf %get3A_89 : vector<400x128xf32> to vector<400x128xbf16>
    %get3A_91 = arith.constant 0 : index
    %get3A_92 = arith.constant 0 : index
    %get3A_93 = vector.load %arg7[%get3A_91, %get3A_92] : memref<128x512xbf16, #tpu.memory_space<vmem>>, vector<128x512xbf16>
    %dot_general3A_94 = arith.constant dense<0.000000e+00> : vector<400x512xf32>
    %dot_general3A_95 = tpu.matmul %convert_element_type3A_90, %get3A_93, %dot_general3A_94 {dimension_numbers = #tpu.dot_dimension_numbers<[1], [0], [0], [1], [0, 0, 1, 1], [], []>, transpose_lhs_hint = false} : vector<400x128xbf16>, vector<128x512xbf16>, vector<400x512xf32> -> vector<400x512xf32>
    %get3A_96 = arith.constant 0 : index
    %get3A_97 = arith.constant 0 : index
    %get3A_98 = vector.load %arg8[%get3A_96, %get3A_97] : memref<1x512xf32, #tpu.memory_space<vmem>>, vector<1x512xf32>
    %add3A = vector.broadcast %get3A_98 : vector<1x512xf32> to vector<400x512xf32>
    %add3A_99 = arith.addf %dot_general3A_95, %add3A : vector<400x512xf32>
    %logistic3A = arith.negf %add3A_99 : vector<400x512xf32>
    %logistic3A_100 = math.exp %logistic3A : vector<400x512xf32>
    %logistic3A_101 = arith.constant 1.000000e+00 : f32
    %logistic3A_102 = vector.broadcast %logistic3A_101 : f32 to vector<400x512xf32>
    %logistic3A_103 = arith.addf %logistic3A_102, %logistic3A_100 : vector<400x512xf32>
    %logistic3A_104 = arith.divf %logistic3A_102, %logistic3A_103 : vector<400x512xf32>
    %mul3A_105 = arith.mulf %add3A_99, %logistic3A_104 : vector<400x512xf32>
    %get3A_106 = arith.constant 0 : index
    %get3A_107 = arith.constant 0 : index
    %get3A_108 = vector.load %arg3[%get3A_106, %get3A_107] : memref<400x128xf32, #tpu.memory_space<vmem>>, vector<400x128xf32>
    %convert_element_type3A_109 = arith.truncf %get3A_108 : vector<400x128xf32> to vector<400x128xbf16>
    %get3A_110 = arith.constant 0 : index
    %get3A_111 = arith.constant 0 : index
    %get3A_112 = vector.load %arg11[%get3A_110, %get3A_111] : memref<128x512xbf16, #tpu.memory_space<vmem>>, vector<128x512xbf16>
    %dot_general3A_113 = arith.constant dense<0.000000e+00> : vector<400x512xf32>
    %dot_general3A_114 = tpu.matmul %convert_element_type3A_109, %get3A_112, %dot_general3A_113 {dimension_numbers = #tpu.dot_dimension_numbers<[1], [0], [0], [1], [0, 0, 1, 1], [], []>, transpose_lhs_hint = false} : vector<400x128xbf16>, vector<128x512xbf16>, vector<400x512xf32> -> vector<400x512xf32>
    %get3A_115 = arith.constant 0 : index
    %get3A_116 = arith.constant 0 : index
    %get3A_117 = vector.load %arg12[%get3A_115, %get3A_116] : memref<1x512xf32, #tpu.memory_space<vmem>>, vector<1x512xf32>
    %add3A_118 = vector.broadcast %get3A_117 : vector<1x512xf32> to vector<400x512xf32>
    %add3A_119 = arith.addf %dot_general3A_114, %add3A_118 : vector<400x512xf32>
    %logistic3A_120 = arith.negf %add3A_119 : vector<400x512xf32>
    %logistic3A_121 = math.exp %logistic3A_120 : vector<400x512xf32>
    %logistic3A_122 = arith.constant 1.000000e+00 : f32
    %logistic3A_123 = vector.broadcast %logistic3A_122 : f32 to vector<400x512xf32>
    %logistic3A_124 = arith.addf %logistic3A_123, %logistic3A_121 : vector<400x512xf32>
    %logistic3A_125 = arith.divf %logistic3A_123, %logistic3A_124 : vector<400x512xf32>
    %mul3A_126 = arith.mulf %add3A_119, %logistic3A_125 : vector<400x512xf32>
    %convert_element_type3A_127 = arith.truncf %mul3A_105 : vector<400x512xf32> to vector<400x512xbf16>
    %convert_element_type3A_128 = arith.truncf %mul3A_126 : vector<400x512xf32> to vector<400x512xbf16>
    %convert_element_type3A_129 = arith.truncf %mul3A : vector<400x128xf32> to vector<400x128xbf16>
    %get3A_130 = arith.constant 0 : index
    %get3A_131 = arith.constant 0 : index
    %get3A_132 = vector.load %arg17[%get3A_130, %get3A_131] : memref<128x2048xbf16, #tpu.memory_space<vmem>>, vector<128x2048xbf16>
    %dot_general3A_133 = arith.constant dense<0.000000e+00> : vector<400x2048xf32>
    %dot_general3A_134 = tpu.matmul %convert_element_type3A_129, %get3A_132, %dot_general3A_133 {dimension_numbers = #tpu.dot_dimension_numbers<[1], [0], [0], [1], [0, 0, 1, 1], [], []>, transpose_lhs_hint = false} : vector<400x128xbf16>, vector<128x2048xbf16>, vector<400x2048xf32> -> vector<400x2048xf32>
    %slice3A_135 = vector.extract_strided_slice %convert_element_type3A_127 {offsets = [0, 0], sizes = [400, 64], strides = [1, 1]} : vector<400x512xbf16> to vector<400x64xbf16>
    %get3A_136 = arith.constant 0 : index
    %get3A_137 = arith.constant 0 : index
    %get3A_138 = vector.load %arg9[%get3A_136, %get3A_137] : memref<64x256xbf16, #tpu.memory_space<vmem>>, vector<64x256xbf16>
    %dot_general3A_139 = arith.constant dense<0.000000e+00> : vector<400x256xf32>
    %dot_general3A_140 = tpu.matmul %slice3A_135, %get3A_138, %dot_general3A_139 {dimension_numbers = #tpu.dot_dimension_numbers<[1], [0], [0], [1], [0, 0, 1, 1], [], []>, transpose_lhs_hint = false} : vector<400x64xbf16>, vector<64x256xbf16>, vector<400x256xf32> -> vector<400x256xf32>
    %get3A_141 = arith.constant 0 : index
    %get3A_142 = arith.constant 0 : index
    %get3A_143 = vector.load %arg10[%get3A_141, %get3A_142] : memref<1x256xf32, #tpu.memory_space<vmem>>, vector<1x256xf32>
    %add3A_144 = vector.broadcast %get3A_143 : vector<1x256xf32> to vector<400x256xf32>
    %add3A_145 = arith.addf %dot_general3A_140, %add3A_144 : vector<400x256xf32>
    %slice3A_146 = vector.extract_strided_slice %convert_element_type3A_128 {offsets = [0, 0], sizes = [400, 64], strides = [1, 1]} : vector<400x512xbf16> to vector<400x64xbf16>
    %get3A_147 = arith.constant 0 : index
    %get3A_148 = arith.constant 0 : index
    %get3A_149 = vector.load %arg13[%get3A_147, %get3A_148] : memref<64x256xbf16, #tpu.memory_space<vmem>>, vector<64x256xbf16>
    %dot_general3A_150 = arith.constant dense<0.000000e+00> : vector<400x256xf32>
    %dot_general3A_151 = tpu.matmul %slice3A_146, %get3A_149, %dot_general3A_150 {dimension_numbers = #tpu.dot_dimension_numbers<[1], [0], [0], [1], [0, 0, 1, 1], [], []>, transpose_lhs_hint = false} : vector<400x64xbf16>, vector<64x256xbf16>, vector<400x256xf32> -> vector<400x256xf32>
    %get3A_152 = arith.constant 0 : index
    %get3A_153 = arith.constant 0 : index
    %get3A_154 = vector.load %arg14[%get3A_152, %get3A_153] : memref<1x256xf32, #tpu.memory_space<vmem>>, vector<1x256xf32>
    %add3A_155 = vector.broadcast %get3A_154 : vector<1x256xf32> to vector<400x256xf32>
    %add3A_156 = arith.addf %dot_general3A_151, %add3A_155 : vector<400x256xf32>
    %slice3A_157 = vector.extract_strided_slice %dot_general3A_134 {offsets = [0, 0], sizes = [400, 256], strides = [1, 1]} : vector<400x2048xf32> to vector<400x256xf32>
    %mul3A_158 = arith.mulf %slice3A_157, %add3A_145 : vector<400x256xf32>
    %convert_element_type3A_159 = arith.truncf %mul3A_158 : vector<400x256xf32> to vector<400x256xbf16>
    %mul3A_160 = arith.mulf %slice3A_157, %add3A_156 : vector<400x256xf32>
    %convert_element_type3A_161 = arith.truncf %mul3A_160 : vector<400x256xf32> to vector<400x256xbf16>
    %slice3A_162 = vector.extract_strided_slice %convert_element_type3A_127 {offsets = [0, 64], sizes = [400, 64], strides = [1, 1]} : vector<400x512xbf16> to vector<400x64xbf16>
    %get3A_163 = arith.constant 0 : index
    %get3A_164 = arith.constant 0 : index
    %get3A_165 = vector.load %arg9[%get3A_163, %get3A_164] : memref<64x256xbf16, #tpu.memory_space<vmem>>, vector<64x256xbf16>
    %dot_general3A_166 = arith.constant dense<0.000000e+00> : vector<400x256xf32>
    %dot_general3A_167 = tpu.matmul %slice3A_162, %get3A_165, %dot_general3A_166 {dimension_numbers = #tpu.dot_dimension_numbers<[1], [0], [0], [1], [0, 0, 1, 1], [], []>, transpose_lhs_hint = false} : vector<400x64xbf16>, vector<64x256xbf16>, vector<400x256xf32> -> vector<400x256xf32>
    %get3A_168 = arith.constant 0 : index
    %get3A_169 = arith.constant 0 : index
    %get3A_170 = vector.load %arg10[%get3A_168, %get3A_169] : memref<1x256xf32, #tpu.memory_space<vmem>>, vector<1x256xf32>
    %add3A_171 = vector.broadcast %get3A_170 : vector<1x256xf32> to vector<400x256xf32>
    %add3A_172 = arith.addf %dot_general3A_167, %add3A_171 : vector<400x256xf32>
    %slice3A_173 = vector.extract_strided_slice %convert_element_type3A_128 {offsets = [0, 64], sizes = [400, 64], strides = [1, 1]} : vector<400x512xbf16> to vector<400x64xbf16>
    %get3A_174 = arith.constant 0 : index
    %get3A_175 = arith.constant 0 : index
    %get3A_176 = vector.load %arg13[%get3A_174, %get3A_175] : memref<64x256xbf16, #tpu.memory_space<vmem>>, vector<64x256xbf16>
    %dot_general3A_177 = arith.constant dense<0.000000e+00> : vector<400x256xf32>
    %dot_general3A_178 = tpu.matmul %slice3A_173, %get3A_176, %dot_general3A_177 {dimension_numbers = #tpu.dot_dimension_numbers<[1], [0], [0], [1], [0, 0, 1, 1], [], []>, transpose_lhs_hint = false} : vector<400x64xbf16>, vector<64x256xbf16>, vector<400x256xf32> -> vector<400x256xf32>
    %get3A_179 = arith.constant 0 : index
    %get3A_180 = arith.constant 0 : index
    %get3A_181 = vector.load %arg14[%get3A_179, %get3A_180] : memref<1x256xf32, #tpu.memory_space<vmem>>, vector<1x256xf32>
    %add3A_182 = vector.broadcast %get3A_181 : vector<1x256xf32> to vector<400x256xf32>
    %add3A_183 = arith.addf %dot_general3A_178, %add3A_182 : vector<400x256xf32>
    %slice3A_184 = vector.extract_strided_slice %dot_general3A_134 {offsets = [0, 256], sizes = [400, 256], strides = [1, 1]} : vector<400x2048xf32> to vector<400x256xf32>
    %mul3A_185 = arith.mulf %slice3A_184, %add3A_172 : vector<400x256xf32>
    %convert_element_type3A_186 = arith.truncf %mul3A_185 : vector<400x256xf32> to vector<400x256xbf16>
    %mul3A_187 = arith.mulf %slice3A_184, %add3A_183 : vector<400x256xf32>
    %convert_element_type3A_188 = arith.truncf %mul3A_187 : vector<400x256xf32> to vector<400x256xbf16>
    %slice3A_189 = vector.extract_strided_slice %convert_element_type3A_127 {offsets = [0, 128], sizes = [400, 64], strides = [1, 1]} : vector<400x512xbf16> to vector<400x64xbf16>
    %get3A_190 = arith.constant 0 : index
    %get3A_191 = arith.constant 0 : index
    %get3A_192 = vector.load %arg9[%get3A_190, %get3A_191] : memref<64x256xbf16, #tpu.memory_space<vmem>>, vector<64x256xbf16>
    %dot_general3A_193 = arith.constant dense<0.000000e+00> : vector<400x256xf32>
    %dot_general3A_194 = tpu.matmul %slice3A_189, %get3A_192, %dot_general3A_193 {dimension_numbers = #tpu.dot_dimension_numbers<[1], [0], [0], [1], [0, 0, 1, 1], [], []>, transpose_lhs_hint = false} : vector<400x64xbf16>, vector<64x256xbf16>, vector<400x256xf32> -> vector<400x256xf32>
    %get3A_195 = arith.constant 0 : index
    %get3A_196 = arith.constant 0 : index
    %get3A_197 = vector.load %arg10[%get3A_195, %get3A_196] : memref<1x256xf32, #tpu.memory_space<vmem>>, vector<1x256xf32>
    %add3A_198 = vector.broadcast %get3A_197 : vector<1x256xf32> to vector<400x256xf32>
    %add3A_199 = arith.addf %dot_general3A_194, %add3A_198 : vector<400x256xf32>
    %slice3A_200 = vector.extract_strided_slice %convert_element_type3A_128 {offsets = [0, 128], sizes = [400, 64], strides = [1, 1]} : vector<400x512xbf16> to vector<400x64xbf16>
    %get3A_201 = arith.constant 0 : index
    %get3A_202 = arith.constant 0 : index
    %get3A_203 = vector.load %arg13[%get3A_201, %get3A_202] : memref<64x256xbf16, #tpu.memory_space<vmem>>, vector<64x256xbf16>
    %dot_general3A_204 = arith.constant dense<0.000000e+00> : vector<400x256xf32>
    %dot_general3A_205 = tpu.matmul %slice3A_200, %get3A_203, %dot_general3A_204 {dimension_numbers = #tpu.dot_dimension_numbers<[1], [0], [0], [1], [0, 0, 1, 1], [], []>, transpose_lhs_hint = false} : vector<400x64xbf16>, vector<64x256xbf16>, vector<400x256xf32> -> vector<400x256xf32>
    %get3A_206 = arith.constant 0 : index
    %get3A_207 = arith.constant 0 : index
    %get3A_208 = vector.load %arg14[%get3A_206, %get3A_207] : memref<1x256xf32, #tpu.memory_space<vmem>>, vector<1x256xf32>
    %add3A_209 = vector.broadcast %get3A_208 : vector<1x256xf32> to vector<400x256xf32>
    %add3A_210 = arith.addf %dot_general3A_205, %add3A_209 : vector<400x256xf32>
    %slice3A_211 = vector.extract_strided_slice %dot_general3A_134 {offsets = [0, 512], sizes = [400, 256], strides = [1, 1]} : vector<400x2048xf32> to vector<400x256xf32>
    %mul3A_212 = arith.mulf %slice3A_211, %add3A_199 : vector<400x256xf32>
    %convert_element_type3A_213 = arith.truncf %mul3A_212 : vector<400x256xf32> to vector<400x256xbf16>
    %mul3A_214 = arith.mulf %slice3A_211, %add3A_210 : vector<400x256xf32>
    %convert_element_type3A_215 = arith.truncf %mul3A_214 : vector<400x256xf32> to vector<400x256xbf16>
    %slice3A_216 = vector.extract_strided_slice %convert_element_type3A_127 {offsets = [0, 192], sizes = [400, 64], strides = [1, 1]} : vector<400x512xbf16> to vector<400x64xbf16>
    %get3A_217 = arith.constant 0 : index
    %get3A_218 = arith.constant 0 : index
    %get3A_219 = vector.load %arg9[%get3A_217, %get3A_218] : memref<64x256xbf16, #tpu.memory_space<vmem>>, vector<64x256xbf16>
    %dot_general3A_220 = arith.constant dense<0.000000e+00> : vector<400x256xf32>
    %dot_general3A_221 = tpu.matmul %slice3A_216, %get3A_219, %dot_general3A_220 {dimension_numbers = #tpu.dot_dimension_numbers<[1], [0], [0], [1], [0, 0, 1, 1], [], []>, transpose_lhs_hint = false} : vector<400x64xbf16>, vector<64x256xbf16>, vector<400x256xf32> -> vector<400x256xf32>
    %get3A_222 = arith.constant 0 : index
    %get3A_223 = arith.constant 0 : index
    %get3A_224 = vector.load %arg10[%get3A_222, %get3A_223] : memref<1x256xf32, #tpu.memory_space<vmem>>, vector<1x256xf32>
    %add3A_225 = vector.broadcast %get3A_224 : vector<1x256xf32> to vector<400x256xf32>
    %add3A_226 = arith.addf %dot_general3A_221, %add3A_225 : vector<400x256xf32>
    %slice3A_227 = vector.extract_strided_slice %convert_element_type3A_128 {offsets = [0, 192], sizes = [400, 64], strides = [1, 1]} : vector<400x512xbf16> to vector<400x64xbf16>
    %get3A_228 = arith.constant 0 : index
    %get3A_229 = arith.constant 0 : index
    %get3A_230 = vector.load %arg13[%get3A_228, %get3A_229] : memref<64x256xbf16, #tpu.memory_space<vmem>>, vector<64x256xbf16>
    %dot_general3A_231 = arith.constant dense<0.000000e+00> : vector<400x256xf32>
    %dot_general3A_232 = tpu.matmul %slice3A_227, %get3A_230, %dot_general3A_231 {dimension_numbers = #tpu.dot_dimension_numbers<[1], [0], [0], [1], [0, 0, 1, 1], [], []>, transpose_lhs_hint = false} : vector<400x64xbf16>, vector<64x256xbf16>, vector<400x256xf32> -> vector<400x256xf32>
    %get3A_233 = arith.constant 0 : index
    %get3A_234 = arith.constant 0 : index
    %get3A_235 = vector.load %arg14[%get3A_233, %get3A_234] : memref<1x256xf32, #tpu.memory_space<vmem>>, vector<1x256xf32>
    %add3A_236 = vector.broadcast %get3A_235 : vector<1x256xf32> to vector<400x256xf32>
    %add3A_237 = arith.addf %dot_general3A_232, %add3A_236 : vector<400x256xf32>
    %slice3A_238 = vector.extract_strided_slice %dot_general3A_134 {offsets = [0, 768], sizes = [400, 256], strides = [1, 1]} : vector<400x2048xf32> to vector<400x256xf32>
    %mul3A_239 = arith.mulf %slice3A_238, %add3A_226 : vector<400x256xf32>
    %convert_element_type3A_240 = arith.truncf %mul3A_239 : vector<400x256xf32> to vector<400x256xbf16>
    %mul3A_241 = arith.mulf %slice3A_238, %add3A_237 : vector<400x256xf32>
    %convert_element_type3A_242 = arith.truncf %mul3A_241 : vector<400x256xf32> to vector<400x256xbf16>
    %slice3A_243 = vector.extract_strided_slice %convert_element_type3A_127 {offsets = [0, 256], sizes = [400, 64], strides = [1, 1]} : vector<400x512xbf16> to vector<400x64xbf16>
    %get3A_244 = arith.constant 0 : index
    %get3A_245 = arith.constant 0 : index
    %get3A_246 = vector.load %arg9[%get3A_244, %get3A_245] : memref<64x256xbf16, #tpu.memory_space<vmem>>, vector<64x256xbf16>
    %dot_general3A_247 = arith.constant dense<0.000000e+00> : vector<400x256xf32>
    %dot_general3A_248 = tpu.matmul %slice3A_243, %get3A_246, %dot_general3A_247 {dimension_numbers = #tpu.dot_dimension_numbers<[1], [0], [0], [1], [0, 0, 1, 1], [], []>, transpose_lhs_hint = false} : vector<400x64xbf16>, vector<64x256xbf16>, vector<400x256xf32> -> vector<400x256xf32>
    %get3A_249 = arith.constant 0 : index
    %get3A_250 = arith.constant 0 : index
    %get3A_251 = vector.load %arg10[%get3A_249, %get3A_250] : memref<1x256xf32, #tpu.memory_space<vmem>>, vector<1x256xf32>
    %add3A_252 = vector.broadcast %get3A_251 : vector<1x256xf32> to vector<400x256xf32>
    %add3A_253 = arith.addf %dot_general3A_248, %add3A_252 : vector<400x256xf32>
    %slice3A_254 = vector.extract_strided_slice %convert_element_type3A_128 {offsets = [0, 256], sizes = [400, 64], strides = [1, 1]} : vector<400x512xbf16> to vector<400x64xbf16>
    %get3A_255 = arith.constant 0 : index
    %get3A_256 = arith.constant 0 : index
    %get3A_257 = vector.load %arg13[%get3A_255, %get3A_256] : memref<64x256xbf16, #tpu.memory_space<vmem>>, vector<64x256xbf16>
    %dot_general3A_258 = arith.constant dense<0.000000e+00> : vector<400x256xf32>
    %dot_general3A_259 = tpu.matmul %slice3A_254, %get3A_257, %dot_general3A_258 {dimension_numbers = #tpu.dot_dimension_numbers<[1], [0], [0], [1], [0, 0, 1, 1], [], []>, transpose_lhs_hint = false} : vector<400x64xbf16>, vector<64x256xbf16>, vector<400x256xf32> -> vector<400x256xf32>
    %get3A_260 = arith.constant 0 : index
    %get3A_261 = arith.constant 0 : index
    %get3A_262 = vector.load %arg14[%get3A_260, %get3A_261] : memref<1x256xf32, #tpu.memory_space<vmem>>, vector<1x256xf32>
    %add3A_263 = vector.broadcast %get3A_262 : vector<1x256xf32> to vector<400x256xf32>
    %add3A_264 = arith.addf %dot_general3A_259, %add3A_263 : vector<400x256xf32>
    %slice3A_265 = vector.extract_strided_slice %dot_general3A_134 {offsets = [0, 1024], sizes = [400, 256], strides = [1, 1]} : vector<400x2048xf32> to vector<400x256xf32>
    %mul3A_266 = arith.mulf %slice3A_265, %add3A_253 : vector<400x256xf32>
    %convert_element_type3A_267 = arith.truncf %mul3A_266 : vector<400x256xf32> to vector<400x256xbf16>
    %mul3A_268 = arith.mulf %slice3A_265, %add3A_264 : vector<400x256xf32>
    %convert_element_type3A_269 = arith.truncf %mul3A_268 : vector<400x256xf32> to vector<400x256xbf16>
    %slice3A_270 = vector.extract_strided_slice %convert_element_type3A_127 {offsets = [0, 320], sizes = [400, 64], strides = [1, 1]} : vector<400x512xbf16> to vector<400x64xbf16>
    %get3A_271 = arith.constant 0 : index
    %get3A_272 = arith.constant 0 : index
    %get3A_273 = vector.load %arg9[%get3A_271, %get3A_272] : memref<64x256xbf16, #tpu.memory_space<vmem>>, vector<64x256xbf16>
    %dot_general3A_274 = arith.constant dense<0.000000e+00> : vector<400x256xf32>
    %dot_general3A_275 = tpu.matmul %slice3A_270, %get3A_273, %dot_general3A_274 {dimension_numbers = #tpu.dot_dimension_numbers<[1], [0], [0], [1], [0, 0, 1, 1], [], []>, transpose_lhs_hint = false} : vector<400x64xbf16>, vector<64x256xbf16>, vector<400x256xf32> -> vector<400x256xf32>
    %get3A_276 = arith.constant 0 : index
    %get3A_277 = arith.constant 0 : index
    %get3A_278 = vector.load %arg10[%get3A_276, %get3A_277] : memref<1x256xf32, #tpu.memory_space<vmem>>, vector<1x256xf32>
    %add3A_279 = vector.broadcast %get3A_278 : vector<1x256xf32> to vector<400x256xf32>
    %add3A_280 = arith.addf %dot_general3A_275, %add3A_279 : vector<400x256xf32>
    %slice3A_281 = vector.extract_strided_slice %convert_element_type3A_128 {offsets = [0, 320], sizes = [400, 64], strides = [1, 1]} : vector<400x512xbf16> to vector<400x64xbf16>
    %get3A_282 = arith.constant 0 : index
    %get3A_283 = arith.constant 0 : index
    %get3A_284 = vector.load %arg13[%get3A_282, %get3A_283] : memref<64x256xbf16, #tpu.memory_space<vmem>>, vector<64x256xbf16>
    %dot_general3A_285 = arith.constant dense<0.000000e+00> : vector<400x256xf32>
    %dot_general3A_286 = tpu.matmul %slice3A_281, %get3A_284, %dot_general3A_285 {dimension_numbers = #tpu.dot_dimension_numbers<[1], [0], [0], [1], [0, 0, 1, 1], [], []>, transpose_lhs_hint = false} : vector<400x64xbf16>, vector<64x256xbf16>, vector<400x256xf32> -> vector<400x256xf32>
    %get3A_287 = arith.constant 0 : index
    %get3A_288 = arith.constant 0 : index
    %get3A_289 = vector.load %arg14[%get3A_287, %get3A_288] : memref<1x256xf32, #tpu.memory_space<vmem>>, vector<1x256xf32>
    %add3A_290 = vector.broadcast %get3A_289 : vector<1x256xf32> to vector<400x256xf32>
    %add3A_291 = arith.addf %dot_general3A_286, %add3A_290 : vector<400x256xf32>
    %slice3A_292 = vector.extract_strided_slice %dot_general3A_134 {offsets = [0, 1280], sizes = [400, 256], strides = [1, 1]} : vector<400x2048xf32> to vector<400x256xf32>
    %mul3A_293 = arith.mulf %slice3A_292, %add3A_280 : vector<400x256xf32>
    %convert_element_type3A_294 = arith.truncf %mul3A_293 : vector<400x256xf32> to vector<400x256xbf16>
    %mul3A_295 = arith.mulf %slice3A_292, %add3A_291 : vector<400x256xf32>
    %convert_element_type3A_296 = arith.truncf %mul3A_295 : vector<400x256xf32> to vector<400x256xbf16>
    %slice3A_297 = vector.extract_strided_slice %convert_element_type3A_127 {offsets = [0, 384], sizes = [400, 64], strides = [1, 1]} : vector<400x512xbf16> to vector<400x64xbf16>
    %get3A_298 = arith.constant 0 : index
    %get3A_299 = arith.constant 0 : index
    %get3A_300 = vector.load %arg9[%get3A_298, %get3A_299] : memref<64x256xbf16, #tpu.memory_space<vmem>>, vector<64x256xbf16>
    %dot_general3A_301 = arith.constant dense<0.000000e+00> : vector<400x256xf32>
    %dot_general3A_302 = tpu.matmul %slice3A_297, %get3A_300, %dot_general3A_301 {dimension_numbers = #tpu.dot_dimension_numbers<[1], [0], [0], [1], [0, 0, 1, 1], [], []>, transpose_lhs_hint = false} : vector<400x64xbf16>, vector<64x256xbf16>, vector<400x256xf32> -> vector<400x256xf32>
    %get3A_303 = arith.constant 0 : index
    %get3A_304 = arith.constant 0 : index
    %get3A_305 = vector.load %arg10[%get3A_303, %get3A_304] : memref<1x256xf32, #tpu.memory_space<vmem>>, vector<1x256xf32>
    %add3A_306 = vector.broadcast %get3A_305 : vector<1x256xf32> to vector<400x256xf32>
    %add3A_307 = arith.addf %dot_general3A_302, %add3A_306 : vector<400x256xf32>
    %slice3A_308 = vector.extract_strided_slice %convert_element_type3A_128 {offsets = [0, 384], sizes = [400, 64], strides = [1, 1]} : vector<400x512xbf16> to vector<400x64xbf16>
    %get3A_309 = arith.constant 0 : index
    %get3A_310 = arith.constant 0 : index
    %get3A_311 = vector.load %arg13[%get3A_309, %get3A_310] : memref<64x256xbf16, #tpu.memory_space<vmem>>, vector<64x256xbf16>
    %dot_general3A_312 = arith.constant dense<0.000000e+00> : vector<400x256xf32>
    %dot_general3A_313 = tpu.matmul %slice3A_308, %get3A_311, %dot_general3A_312 {dimension_numbers = #tpu.dot_dimension_numbers<[1], [0], [0], [1], [0, 0, 1, 1], [], []>, transpose_lhs_hint = false} : vector<400x64xbf16>, vector<64x256xbf16>, vector<400x256xf32> -> vector<400x256xf32>
    %get3A_314 = arith.constant 0 : index
    %get3A_315 = arith.constant 0 : index
    %get3A_316 = vector.load %arg14[%get3A_314, %get3A_315] : memref<1x256xf32, #tpu.memory_space<vmem>>, vector<1x256xf32>
    %add3A_317 = vector.broadcast %get3A_316 : vector<1x256xf32> to vector<400x256xf32>
    %add3A_318 = arith.addf %dot_general3A_313, %add3A_317 : vector<400x256xf32>
    %slice3A_319 = vector.extract_strided_slice %dot_general3A_134 {offsets = [0, 1536], sizes = [400, 256], strides = [1, 1]} : vector<400x2048xf32> to vector<400x256xf32>
    %mul3A_320 = arith.mulf %slice3A_319, %add3A_307 : vector<400x256xf32>
    %convert_element_type3A_321 = arith.truncf %mul3A_320 : vector<400x256xf32> to vector<400x256xbf16>
    %mul3A_322 = arith.mulf %slice3A_319, %add3A_318 : vector<400x256xf32>
    %convert_element_type3A_323 = arith.truncf %mul3A_322 : vector<400x256xf32> to vector<400x256xbf16>
    %slice3A_324 = vector.extract_strided_slice %convert_element_type3A_127 {offsets = [0, 448], sizes = [400, 64], strides = [1, 1]} : vector<400x512xbf16> to vector<400x64xbf16>
    %get3A_325 = arith.constant 0 : index
    %get3A_326 = arith.constant 0 : index
    %get3A_327 = vector.load %arg9[%get3A_325, %get3A_326] : memref<64x256xbf16, #tpu.memory_space<vmem>>, vector<64x256xbf16>
    %dot_general3A_328 = arith.constant dense<0.000000e+00> : vector<400x256xf32>
    %dot_general3A_329 = tpu.matmul %slice3A_324, %get3A_327, %dot_general3A_328 {dimension_numbers = #tpu.dot_dimension_numbers<[1], [0], [0], [1], [0, 0, 1, 1], [], []>, transpose_lhs_hint = false} : vector<400x64xbf16>, vector<64x256xbf16>, vector<400x256xf32> -> vector<400x256xf32>
    %get3A_330 = arith.constant 0 : index
    %get3A_331 = arith.constant 0 : index
    %get3A_332 = vector.load %arg10[%get3A_330, %get3A_331] : memref<1x256xf32, #tpu.memory_space<vmem>>, vector<1x256xf32>
    %add3A_333 = vector.broadcast %get3A_332 : vector<1x256xf32> to vector<400x256xf32>
    %add3A_334 = arith.addf %dot_general3A_329, %add3A_333 : vector<400x256xf32>
    %slice3A_335 = vector.extract_strided_slice %convert_element_type3A_128 {offsets = [0, 448], sizes = [400, 64], strides = [1, 1]} : vector<400x512xbf16> to vector<400x64xbf16>
    %get3A_336 = arith.constant 0 : index
    %get3A_337 = arith.constant 0 : index
    %get3A_338 = vector.load %arg13[%get3A_336, %get3A_337] : memref<64x256xbf16, #tpu.memory_space<vmem>>, vector<64x256xbf16>
    %dot_general3A_339 = arith.constant dense<0.000000e+00> : vector<400x256xf32>
    %dot_general3A_340 = tpu.matmul %slice3A_335, %get3A_338, %dot_general3A_339 {dimension_numbers = #tpu.dot_dimension_numbers<[1], [0], [0], [1], [0, 0, 1, 1], [], []>, transpose_lhs_hint = false} : vector<400x64xbf16>, vector<64x256xbf16>, vector<400x256xf32> -> vector<400x256xf32>
    %get3A_341 = arith.constant 0 : index
    %get3A_342 = arith.constant 0 : index
    %get3A_343 = vector.load %arg14[%get3A_341, %get3A_342] : memref<1x256xf32, #tpu.memory_space<vmem>>, vector<1x256xf32>
    %add3A_344 = vector.broadcast %get3A_343 : vector<1x256xf32> to vector<400x256xf32>
    %add3A_345 = arith.addf %dot_general3A_340, %add3A_344 : vector<400x256xf32>
    %slice3A_346 = vector.extract_strided_slice %dot_general3A_134 {offsets = [0, 1792], sizes = [400, 256], strides = [1, 1]} : vector<400x2048xf32> to vector<400x256xf32>
    %mul3A_347 = arith.mulf %slice3A_346, %add3A_334 : vector<400x256xf32>
    %convert_element_type3A_348 = arith.truncf %mul3A_347 : vector<400x256xf32> to vector<400x256xbf16>
    %mul3A_349 = arith.mulf %slice3A_346, %add3A_345 : vector<400x256xf32>
    %convert_element_type3A_350 = arith.truncf %mul3A_349 : vector<400x256xf32> to vector<400x256xbf16>
    %concatenate3A = tpu.concatenate %convert_element_type3A_159, %convert_element_type3A_186, %convert_element_type3A_213, %convert_element_type3A_240, %convert_element_type3A_267, %convert_element_type3A_294, %convert_element_type3A_321, %convert_element_type3A_348 in 1 : vector<400x256xbf16>, vector<400x256xbf16>, vector<400x256xbf16>, vector<400x256xbf16>, vector<400x256xbf16>, vector<400x256xbf16>, vector<400x256xbf16>, vector<400x256xbf16> -> vector<400x2048xbf16>
    %get3A_351 = arith.constant 0 : index
    %get3A_352 = arith.constant 0 : index
    %get3A_353 = vector.load %arg18[%get3A_351, %get3A_352] : memref<2048x128xbf16, #tpu.memory_space<vmem>>, vector<2048x128xbf16>
    %dot_general3A_354 = arith.constant dense<0.000000e+00> : vector<400x128xf32>
    %dot_general3A_355 = tpu.matmul %concatenate3A, %get3A_353, %dot_general3A_354 {dimension_numbers = #tpu.dot_dimension_numbers<[1], [0], [0], [1], [0, 0, 1, 1], [], []>, transpose_lhs_hint = false} : vector<400x2048xbf16>, vector<2048x128xbf16>, vector<400x128xf32> -> vector<400x128xf32>
    %concatenate3A_356 = tpu.concatenate %convert_element_type3A_161, %convert_element_type3A_188, %convert_element_type3A_215, %convert_element_type3A_242, %convert_element_type3A_269, %convert_element_type3A_296, %convert_element_type3A_323, %convert_element_type3A_350 in 1 : vector<400x256xbf16>, vector<400x256xbf16>, vector<400x256xbf16>, vector<400x256xbf16>, vector<400x256xbf16>, vector<400x256xbf16>, vector<400x256xbf16>, vector<400x256xbf16> -> vector<400x2048xbf16>
    %get3A_357 = arith.constant 0 : index
    %get3A_358 = arith.constant 0 : index
    %get3A_359 = vector.load %arg18[%get3A_357, %get3A_358] : memref<2048x128xbf16, #tpu.memory_space<vmem>>, vector<2048x128xbf16>
    %dot_general3A_360 = arith.constant dense<0.000000e+00> : vector<400x128xf32>
    %dot_general3A_361 = tpu.matmul %concatenate3A_356, %get3A_359, %dot_general3A_360 {dimension_numbers = #tpu.dot_dimension_numbers<[1], [0], [0], [1], [0, 0, 1, 1], [], []>, transpose_lhs_hint = false} : vector<400x2048xbf16>, vector<2048x128xbf16>, vector<400x128xf32> -> vector<400x128xf32>
    %get3A_362 = arith.constant 0 : index
    %get3A_363 = arith.constant 0 : index
    %get3A_364 = vector.load %arg2[%get3A_362, %get3A_363] : memref<400x128xf32, #tpu.memory_space<vmem>>, vector<400x128xf32>
    %convert_element_type3A_365 = arith.truncf %get3A_364 : vector<400x128xf32> to vector<400x128xbf16>
    %get3A_366 = arith.constant 0 : index
    %get3A_367 = arith.constant 0 : index
    %get3A_368 = vector.load %arg15[%get3A_366, %get3A_367] : memref<128x128xbf16, #tpu.memory_space<vmem>>, vector<128x128xbf16>
    %dot_general3A_369 = arith.constant dense<0.000000e+00> : vector<400x128xf32>
    %dot_general3A_370 = tpu.matmul %convert_element_type3A_365, %get3A_368, %dot_general3A_369 {dimension_numbers = #tpu.dot_dimension_numbers<[1], [0], [0], [1], [0, 0, 1, 1], [], []>, transpose_lhs_hint = false} : vector<400x128xbf16>, vector<128x128xbf16>, vector<400x128xf32> -> vector<400x128xf32>
    %mul3A_371 = arith.mulf %dot_general3A_370, %dot_general3A_355 : vector<400x128xf32>
    %convert_element_type3A_372 = arith.truncf %mul3A_371 : vector<400x128xf32> to vector<400x128xbf16>
    %get3A_373 = arith.constant 0 : index
    %get3A_374 = arith.constant 0 : index
    %get3A_375 = vector.load %arg16[%get3A_373, %get3A_374] : memref<128x128xbf16, #tpu.memory_space<vmem>>, vector<128x128xbf16>
    %dot_general3A_376 = arith.constant dense<0.000000e+00> : vector<400x128xf32>
    %dot_general3A_377 = tpu.matmul %convert_element_type3A_372, %get3A_375, %dot_general3A_376 {dimension_numbers = #tpu.dot_dimension_numbers<[1], [0], [0], [1], [0, 0, 1, 1], [], []>, transpose_lhs_hint = false} : vector<400x128xbf16>, vector<128x128xbf16>, vector<400x128xf32> -> vector<400x128xf32>
    %get3A_378 = arith.constant 0 : index
    %get3A_379 = arith.constant 0 : index
    %get3A_380 = vector.load %arg6[%get3A_378, %get3A_379] : memref<1x1xf32, #tpu.memory_space<vmem>>, vector<1x1xf32>
    %mul3A_381 = vector.broadcast %get3A_380 : vector<1x1xf32> to vector<400x128xf32>
    %mul3A_382 = arith.mulf %reshape3A_83, %mul3A_381 : vector<400x128xf32>
    %sub3A = arith.constant 1.000000e+01 : f32
    %sub3A_383 = vector.broadcast %sub3A : f32 to vector<400x128xf32>
    %sub3A_384 = arith.subf %sub3A_383, %mul3A_382 : vector<400x128xf32>
    %logistic3A_385 = arith.negf %sub3A_384 : vector<400x128xf32>
    %logistic3A_386 = math.exp %logistic3A_385 : vector<400x128xf32>
    %logistic3A_387 = arith.constant 1.000000e+00 : f32
    %logistic3A_388 = vector.broadcast %logistic3A_387 : f32 to vector<400x128xf32>
    %logistic3A_389 = arith.addf %logistic3A_388, %logistic3A_386 : vector<400x128xf32>
    %logistic3A_390 = arith.divf %logistic3A_388, %logistic3A_389 : vector<400x128xf32>
    %mul3A_391 = arith.mulf %dot_general3A_377, %logistic3A_390 : vector<400x128xf32>
    %exp3A = math.exp %mul3A_391 : vector<400x128xf32>
    %mul3A_392 = arith.mulf %dot_general3A_361, %exp3A : vector<400x128xf32>
    %swap3A = arith.constant 0 : index
    %swap3A_393 = arith.constant 0 : index
    %swap3A_394 = vector.load %arg20[%swap3A, %swap3A_393] : memref<400x128xf32, #tpu.memory_space<vmem>>, vector<400x128xf32>
    tpu.vector_store %arg20[%swap3A, %swap3A_393], %mul3A_392 {strides = array<i32>} : memref<400x128xf32, #tpu.memory_space<vmem>>, vector<400x128xf32>,
    %swap3A_395 = arith.constant 0 : index
    %swap3A_396 = arith.constant 0 : index
    %swap3A_397 = vector.load %arg21[%swap3A_395, %swap3A_396] : memref<400x128xf32, #tpu.memory_space<vmem>>, vector<400x128xf32>
    tpu.vector_store %arg21[%swap3A_395, %swap3A_396], %exp3A {strides = array<i32>} : memref<400x128xf32, #tpu.memory_space<vmem>>, vector<400x128xf32>,
    return
  }
  func.func @transform_0(%arg0: i32) -> (i32, i32) {
    %c0_i32 = arith.constant 0 : i32
    %c0_i32_0 = arith.constant 0 : i32
    return %arg0, %c0_i32 : i32, i32
  }
  func.func @transform_1(%arg0: i32) -> (i32, i32) {
    %c0_i32 = arith.constant 0 : i32
    %c0_i32_0 = arith.constant 0 : i32
    return %arg0, %c0_i32 : i32, i32
  }
  func.func @transform_2(%arg0: i32) -> (i32, i32) {
    %c0_i32 = arith.constant 0 : i32
    %c0_i32_0 = arith.constant 0 : i32
    return %arg0, %c0_i32 : i32, i32
  }
  func.func @transform_3(%arg0: i32) -> (i32, i32, i32) {
    %c0_i32 = arith.constant 0 : i32
    %c0_i32_0 = arith.constant 0 : i32
    %c0_i32_1 = arith.constant 0 : i32
    return %arg0, %c0_i32, %c0_i32_0 : i32, i32, i32
  }
  func.func @transform_4(%arg0: i32) -> (i32, i32, i32) {
    %c0_i32 = arith.constant 0 : i32
    %c0_i32_0 = arith.constant 0 : i32
    %c0_i32_1 = arith.constant 0 : i32
    return %arg0, %c0_i32, %c0_i32_0 : i32, i32, i32
  }
  func.func @transform_5(%arg0: i32) -> (i32, i32) {
    %c0_i32 = arith.constant 0 : i32
    %c0_i32_0 = arith.constant 0 : i32
    %c0_i32_1 = arith.constant 0 : i32
    return %c0_i32, %c0_i32_0 : i32, i32
  }
  func.func @transform_6(%arg0: i32) -> (i32, i32) {
    %c0_i32 = arith.constant 0 : i32
    %c0_i32_0 = arith.constant 0 : i32
    %c0_i32_1 = arith.constant 0 : i32
    return %c0_i32, %c0_i32_0 : i32, i32
  }
  func.func @transform_7(%arg0: i32) -> (i32, i32) {
    %c0_i32 = arith.constant 0 : i32
    %c0_i32_0 = arith.constant 0 : i32
    %c0_i32_1 = arith.constant 0 : i32
    return %c0_i32, %c0_i32_0 : i32, i32
  }
  func.func @transform_8(%arg0: i32) -> (i32, i32) {
    %c0_i32 = arith.constant 0 : i32
    %c0_i32_0 = arith.constant 0 : i32
    %c0_i32_1 = arith.constant 0 : i32
    return %c0_i32, %c0_i32_0 : i32, i32
  }
  func.func @transform_9(%arg0: i32) -> (i32, i32) {
    %c0_i32 = arith.constant 0 : i32
    %c0_i32_0 = arith.constant 0 : i32
    %c0_i32_1 = arith.constant 0 : i32
    return %c0_i32, %c0_i32_0 : i32, i32
  }
  func.func @transform_10(%arg0: i32) -> (i32, i32) {
    %c0_i32 = arith.constant 0 : i32
    %c0_i32_0 = arith.constant 0 : i32
    %c0_i32_1 = arith.constant 0 : i32
    return %c0_i32, %c0_i32_0 : i32, i32
  }
  func.func @transform_11(%arg0: i32) -> (i32, i32) {
    %c0_i32 = arith.constant 0 : i32
    %c0_i32_0 = arith.constant 0 : i32
    %c0_i32_1 = arith.constant 0 : i32
    return %c0_i32, %c0_i32_0 : i32, i32
  }
  func.func @transform_12(%arg0: i32) -> (i32, i32) {
    %c0_i32 = arith.constant 0 : i32
    %c0_i32_0 = arith.constant 0 : i32
    %c0_i32_1 = arith.constant 0 : i32
    return %c0_i32, %c0_i32_0 : i32, i32
  }
  func.func @transform_13(%arg0: i32) -> (i32, i32) {
    %c0_i32 = arith.constant 0 : i32
    %c0_i32_0 = arith.constant 0 : i32
    %c0_i32_1 = arith.constant 0 : i32
    return %c0_i32, %c0_i32_0 : i32, i32
  }
  func.func @transform_14(%arg0: i32) -> (i32, i32) {
    %c0_i32 = arith.constant 0 : i32
    %c0_i32_0 = arith.constant 0 : i32
    %c0_i32_1 = arith.constant 0 : i32
    return %c0_i32, %c0_i32_0 : i32, i32
  }
  func.func @transform_15(%arg0: i32) -> (i32, i32) {
    %c0_i32 = arith.constant 0 : i32
    %c0_i32_0 = arith.constant 0 : i32
    %c0_i32_1 = arith.constant 0 : i32
    return %c0_i32, %c0_i32_0 : i32, i32
  }
  func.func @transform_16(%arg0: i32) -> (i32, i32) {
    %c0_i32 = arith.constant 0 : i32
    %c0_i32_0 = arith.constant 0 : i32
    %c0_i32_1 = arith.constant 0 : i32
    return %c0_i32, %c0_i32_0 : i32, i32
  }
  func.func @transform_17(%arg0: i32) -> (i32, i32) {
    %c0_i32 = arith.constant 0 : i32
    %c0_i32_0 = arith.constant 0 : i32
    %c0_i32_1 = arith.constant 0 : i32
    return %c0_i32, %c0_i32_0 : i32, i32
  }
  func.func @transform_18(%arg0: i32) -> (i32, i32) {
    %c0_i32 = arith.constant 0 : i32
    %c0_i32_0 = arith.constant 0 : i32
    %c0_i32_1 = arith.constant 0 : i32
    return %c0_i32, %c0_i32_0 : i32, i32
  }
  func.func @transform_19(%arg0: i32) -> (i32, i32) {
    %c0_i32 = arith.constant 0 : i32
    %c0_i32_0 = arith.constant 0 : i32
    return %arg0, %c0_i32 : i32, i32
  }
  func.func @transform_20(%arg0: i32) -> (i32, i32) {
    %c0_i32 = arith.constant 0 : i32
    %c0_i32_0 = arith.constant 0 : i32
    return %arg0, %c0_i32 : i32, i32
  }
}

module attributes {stable_mosaic.version = 14 : i64} {
  func.func @_node_body(%arg0: i32, %arg1: memref<5000x128xf32, #tpu.memory_space<vmem>>, %arg2: memref<1250x128xf32, #tpu.memory_space<vmem>>, %arg3: memref<128x128xf32, #tpu.memory_space<vmem>>, %arg4: memref<128x256xf32, #tpu.memory_space<vmem>>, %arg5: memref<256x128xf32, #tpu.memory_space<vmem>>, %arg6: memref<1250x128xf32, #tpu.memory_space<vmem>>) attributes {dimension_semantics = [#tpu.dimension_semantics<arbitrary>], iteration_bounds = array<i64: 1>, scalar_prefetch = 0 : i64, scratch_operands = 0 : i64, tpu.core_type = #tpu.core_type<tc>, window_params = [{pipeline_mode = #tpu.pipeline_mode<synchronous>, transform_indices = @transform_0, window_bounds = array<i64: 5000, 128>}, {pipeline_mode = #tpu.pipeline_mode<synchronous>, transform_indices = @transform_1, window_bounds = array<i64: 1250, 128>}, {pipeline_mode = #tpu.pipeline_mode<synchronous>, transform_indices = @transform_2, window_bounds = array<i64: 128, 128>}, {pipeline_mode = #tpu.pipeline_mode<synchronous>, transform_indices = @transform_3, window_bounds = array<i64: 128, 256>}, {pipeline_mode = #tpu.pipeline_mode<synchronous>, transform_indices = @transform_4, window_bounds = array<i64: 256, 128>}, {pipeline_mode = #tpu.pipeline_mode<synchronous>, transform_indices = @transform_5, window_bounds = array<i64: 1250, 128>}]} {
    %get3A = arith.constant 0 : index
    %get3A_0 = arith.constant 0 : index
    %get3A_1 = vector.load %arg1[%get3A, %get3A_0] : memref<5000x128xf32, #tpu.memory_space<vmem>>, vector<5000x128xf32>
    %slice3A = vector.extract_strided_slice %get3A_1 {offsets = [0, 0], sizes = [1250, 128], strides = [1, 1]} : vector<5000x128xf32> to vector<1250x128xf32>
    %slice3A_2 = vector.extract_strided_slice %get3A_1 {offsets = [2500, 0], sizes = [1250, 128], strides = [1, 1]} : vector<5000x128xf32> to vector<1250x128xf32>
    %add3A = arith.addf %slice3A, %slice3A_2 : vector<1250x128xf32>
    %slice3A_3 = vector.extract_strided_slice %get3A_1 {offsets = [1250, 0], sizes = [1250, 128], strides = [1, 1]} : vector<5000x128xf32> to vector<1250x128xf32>
    %slice3A_4 = vector.extract_strided_slice %get3A_1 {offsets = [3750, 0], sizes = [1250, 128], strides = [1, 1]} : vector<5000x128xf32> to vector<1250x128xf32>
    %add3A_5 = arith.addf %slice3A_3, %slice3A_4 : vector<1250x128xf32>
    %add3A_6 = arith.constant 9.99999971E-10 : f32
    %add3A_7 = vector.broadcast %add3A_6 : f32 to vector<1250x128xf32>
    %add3A_8 = arith.addf %add3A_5, %add3A_7 : vector<1250x128xf32>
    %div3A = arith.divf %add3A, %add3A_8 : vector<1250x128xf32>
    %get3A_9 = arith.constant 0 : index
    %get3A_10 = arith.constant 0 : index
    %get3A_11 = vector.load %arg2[%get3A_9, %get3A_10] : memref<1250x128xf32, #tpu.memory_space<vmem>>, vector<1250x128xf32>
    %get3A_12 = arith.constant 0 : index
    %get3A_13 = arith.constant 0 : index
    %get3A_14 = vector.load %arg3[%get3A_12, %get3A_13] : memref<128x128xf32, #tpu.memory_space<vmem>>, vector<128x128xf32>
    %dot_general3A = arith.constant dense<0.000000e+00> : vector<1250x128xf32>
    %dot_general3A_15 = tpu.matmul %div3A, %get3A_14, %dot_general3A {dimension_numbers = #tpu.dot_dimension_numbers<[1], [0], [0], [1], [0, 0, 1, 1], [], []>, transpose_lhs_hint = false} : vector<1250x128xf32>, vector<128x128xf32>, vector<1250x128xf32> -> vector<1250x128xf32>
    %add3A_16 = arith.addf %get3A_11, %dot_general3A_15 : vector<1250x128xf32>
    %get3A_17 = arith.constant 0 : index
    %get3A_18 = arith.constant 0 : index
    %get3A_19 = vector.load %arg4[%get3A_17, %get3A_18] : memref<128x256xf32, #tpu.memory_space<vmem>>, vector<128x256xf32>
    %dot_general3A_20 = arith.constant dense<0.000000e+00> : vector<1250x256xf32>
    %dot_general3A_21 = tpu.matmul %add3A_16, %get3A_19, %dot_general3A_20 {dimension_numbers = #tpu.dot_dimension_numbers<[1], [0], [0], [1], [0, 0, 1, 1], [], []>, transpose_lhs_hint = false} : vector<1250x128xf32>, vector<128x256xf32>, vector<1250x256xf32> -> vector<1250x256xf32>
    %abs3A = math.absf %dot_general3A_21 : vector<1250x256xf32>
    %logistic3A = arith.negf %abs3A : vector<1250x256xf32>
    %logistic3A_22 = math.exp %logistic3A : vector<1250x256xf32>
    %logistic3A_23 = arith.constant 1.000000e+00 : f32
    %logistic3A_24 = vector.broadcast %logistic3A_23 : f32 to vector<1250x256xf32>
    %logistic3A_25 = arith.addf %logistic3A_24, %logistic3A_22 : vector<1250x256xf32>
    %logistic3A_26 = arith.divf %logistic3A_24, %logistic3A_25 : vector<1250x256xf32>
    %mul3A = arith.mulf %abs3A, %logistic3A_26 : vector<1250x256xf32>
    %mul3A_27 = arith.mulf %dot_general3A_21, %mul3A : vector<1250x256xf32>
    %add3A_28 = arith.constant 9.99999993E-9 : f32
    %add3A_29 = vector.broadcast %add3A_28 : f32 to vector<1250x256xf32>
    %add3A_30 = arith.addf %abs3A, %add3A_29 : vector<1250x256xf32>
    %div3A_31 = arith.divf %mul3A_27, %add3A_30 : vector<1250x256xf32>
    %get3A_32 = arith.constant 0 : index
    %get3A_33 = arith.constant 0 : index
    %get3A_34 = vector.load %arg5[%get3A_32, %get3A_33] : memref<256x128xf32, #tpu.memory_space<vmem>>, vector<256x128xf32>
    %dot_general3A_35 = arith.constant dense<0.000000e+00> : vector<1250x128xf32>
    %dot_general3A_36 = tpu.matmul %div3A_31, %get3A_34, %dot_general3A_35 {dimension_numbers = #tpu.dot_dimension_numbers<[1], [0], [0], [1], [0, 0, 1, 1], [], []>, transpose_lhs_hint = false} : vector<1250x256xf32>, vector<256x128xf32>, vector<1250x128xf32> -> vector<1250x128xf32>
    %add3A_37 = arith.addf %add3A_16, %dot_general3A_36 : vector<1250x128xf32>
    %swap3A = arith.constant 0 : index
    %swap3A_38 = arith.constant 0 : index
    %swap3A_39 = vector.load %arg6[%swap3A, %swap3A_38] : memref<1250x128xf32, #tpu.memory_space<vmem>>, vector<1250x128xf32>
    tpu.vector_store %arg6[%swap3A, %swap3A_38], %add3A_37 {strides = array<i32>} : memref<1250x128xf32, #tpu.memory_space<vmem>>, vector<1250x128xf32>,
    return
  }
  func.func @transform_0(%arg0: i32) -> (i32, i32) {
    %c0_i32 = arith.constant 0 : i32
    %c0_i32_0 = arith.constant 0 : i32
    %c0_i32_1 = arith.constant 0 : i32
    return %c0_i32, %c0_i32_0 : i32, i32
  }
  func.func @transform_1(%arg0: i32) -> (i32, i32) {
    %c0_i32 = arith.constant 0 : i32
    %c0_i32_0 = arith.constant 0 : i32
    %c0_i32_1 = arith.constant 0 : i32
    return %c0_i32, %c0_i32_0 : i32, i32
  }
  func.func @transform_2(%arg0: i32) -> (i32, i32) {
    %c0_i32 = arith.constant 0 : i32
    %c0_i32_0 = arith.constant 0 : i32
    %c0_i32_1 = arith.constant 0 : i32
    return %c0_i32, %c0_i32_0 : i32, i32
  }
  func.func @transform_3(%arg0: i32) -> (i32, i32) {
    %c0_i32 = arith.constant 0 : i32
    %c0_i32_0 = arith.constant 0 : i32
    %c0_i32_1 = arith.constant 0 : i32
    return %c0_i32, %c0_i32_0 : i32, i32
  }
  func.func @transform_4(%arg0: i32) -> (i32, i32) {
    %c0_i32 = arith.constant 0 : i32
    %c0_i32_0 = arith.constant 0 : i32
    %c0_i32_1 = arith.constant 0 : i32
    return %c0_i32, %c0_i32_0 : i32, i32
  }
  func.func @transform_5(%arg0: i32) -> (i32, i32) {
    %c0_i32 = arith.constant 0 : i32
    %c0_i32_0 = arith.constant 0 : i32
    %c0_i32_1 = arith.constant 0 : i32
    return %c0_i32, %c0_i32_0 : i32, i32
  }
}

</mosaic_0001>

<sc_bundles>
// kernel: kernel.6.cloned.1.call-start
scs
__scs_entry_jumppad:
0x0: {  	(pc) =	sbr.rel $0x88, $3  }
0x1: {  	(tag) =	ssettag $0x0;
	lr =	simm.s32 $0x1  }
0x2: {  	[smem:$0x3F8E] =	sst lr;
	_ =	strace $0xD0000000  }
0x3: {  	_ = 	snop  }
0x4: {  	_ = 	snop  }
0x5: {  	_ = 	snop  }
0x6: {  	_ = 	snop  }
0x7: {  	_ = 	snop  }
__scs_overlays_trampoline_lowered:
0x8: {  	[smem:$0x3F9D] =	sst s0  }
0x9: {  	[smem:$0x3F9E] =	sst s1  }
0xa: {  	[smem:$0x3F9F] =	sst s2  }
0xb: {  	[smem:$0x3FA0] =	sst s3  }
0xc: {  	[smem:$0x3FA1] =	sst s4  }
0xd: {  	[smem:$0x3FA2] =	sst s5  }
0xe: {  	[smem:$0x3FA3] =	sst s6  }
0xf: {  	[smem:$0x3FA4] =	sst s7  }
0x10: {  	[smem:$0x3FA5] =	sst s8  }
0x11: {  	[smem:$0x3FA6] =	sst s9;
	s0 =	simm.s32 @!p0 $0x0  }
0x12: {  	s1 =	sld [smem:$0x3F8C];
	s0 =	simm.s32 @p0 $0x1  }
0x13: {  	[smem:$0x3FA7] =	sst s0;
	s0 =	simm.s32 @!p1 $0x0  }
0x14: {  	s2 =	sld [smem:$0x3F8B];
	s0 =	simm.s32 @p1 $0x1  }
0x15: {  	[smem:$0x3FA8] =	sst s0;
	s0 =	simm.s32 @!p2 $0x0  }
0x16: {  	s3 =	sld [smem:$0x3FDB];
	s0 =	simm.s32 @p2 $0x1  }
0x17: {  	s4 =	simm.s32 $0x1BF5;
	[smem:$0x3FAA] =	sst s0  }
0x18: {  	s0 =	sld [smem:$0x3F8D];
	_ =	swait.ge [sflag:s4], $0x0  }
0x19: {  	s7 =	sld [smem:$0x3F8E]  }
0x1a: {  	s8 =	sadd.s32 $0xFFFFE003, lr  }
0x1b: {  	s9 =	sadd.s32 $0xFFFFFEF7, lr;
	s5 =	simm.s32 $0xFFFFFFFF;
	p2 =	slt.u32 s8, $0xFFFFF086  }
0x1c: {  	p1 =	slt.u32 s9, $0xF7A;
	s5 =	simm.s32 @!p2 $0x0  }
0x1d: {  	s5 =	simm.s32 @p1 $0x1;
	p0 =	seq.s32 s7, s2  }
0x1e: {  	s7 =	smul.u32 @!p0 $0xF7A, s2;
	p2 =	seq.s32 @!p0 s5, $0x0  }
0x1f: {  	s9 =	smul.u32 $0xF7A, s1;
	s8 =	simm.s32 @!p0 $0x1BF5;
	p2 =	por !p2, p0  }
0x20: {  	[sflag:s8] =	ssyncset.s32 @!p0 $0xFFFFF086;
	s6 =	sadd.s32 @!p0 s3, s7;
	s7 =	simm.s32 @!p0 $0x108  }
0x21: {  	s3 =	sadd.s32 s3, s9;
	s6 =	sadd.s32 @!p0 $0x88, s6;
	s7 =	simm.s32 @p2 $0x1082  }
0x22: {  	[simem:s7], [sflag:s8] =	dma.local @!p0 [hbm:s6], $0xF7A  }
0x23: {  	s9 =	sor.u32 $0xD0000000, s2;
	s6 =	simm.s32 $0x108;
	_ =	swait.ge @!p0 [sflag:s8], $0x0  }
0x24: {  	s3 =	sadd.s32 $0x88, s3;
	s6 =	simm.s32 @!p1 $0x1082;
	[sflag:s4] =	ssyncset.s32 $0xFFFFF086  }
0x25: {  	[simem:s6], [sflag:s4] =	dma.local [hbm:s3], $0xF7A  }
0x26: {  	[smem:$0x3F8E] =	sst s1;
	(tag) =	ssettag s2;
	_ =	strace s9  }
0x27: {  	s1 =	sld [smem:$0x3F9E]  }
0x28: {  	s2 =	sld [smem:$0x3F9F]  }
0x29: {  	s4 =	sld [smem:$0x3FA1]  }
0x2a: {  	p0 =	seq.s32 s5, $0x0;
	s5 =	sld [smem:$0x3FA2]  }
0x2b: {  	s6 =	sld [smem:$0x3FA3]  }
0x2c: {  	s7 =	sld [smem:$0x3FA4]  }
0x2d: {  	s3 =	simm.s32 $0x108;
	s8 =	sld [smem:$0x3FA5]  }
0x2e: {  	s3 =	simm.s32 @!p0 $0x1082;
	s9 =	sld [smem:$0x3FA6]  }
0x2f: {  	lr =	sadd.s32 s0, s3;
	s0 =	sld [smem:$0x3F9D]  }
0x30: {  	s3 =	sld [smem:$0x3FA0]  }
0x31: {  	[smem:$0x3FA9] =	sst s10  }
0x32: {  	s10 =	sld [smem:$0x3FA7];
	_ =	sdelay $0x3  }
0x33: {  	p0 =	seq.s32 s10, $0x1;
	s10 =	sld [smem:$0x3FA9];
	_ =	sdelay $0x3  }
0x34: {  	[smem:$0x3FA9] =	sst s10  }
0x35: {  	s10 =	sld [smem:$0x3FA8];
	_ =	sdelay $0x3  }
0x36: {  	p1 =	seq.s32 s10, $0x1;
	s10 =	sld [smem:$0x3FA9];
	_ =	sdelay $0x3  }
0x37: {  	[smem:$0x3FA9] =	sst s10  }
0x38: {  	s10 =	sld [smem:$0x3FAA]  }
0x39: {  	_ = 	snop;
	(pc) =	sbr.ind lr, $3  }
0x3a: {  	_ = 	snop  }
0x3b: {  	_ = 	snop  }
0x3c: {  	p2 =	seq.s32 s10, $0x1;
	s10 =	sld [smem:$0x3FA9]  }
0x3d: {  	_ =	shalt  }
0x3e: {  	_ =	shalt  }
0x3f: {  	_ =	shalt  }
0x40: {  	_ =	shalt  }
0x41: {  	_ =	shalt  }
0x42: {  	_ =	shalt  }
0x43: {  	_ =	shalt  }
0x44: {  	_ =	shalt  }
0x45: {  	_ =	shalt  }
0x46: {  	_ =	shalt  }
0x47: {  	_ =	shalt  }
0x48: {  	_ =	shalt  }
0x49: {  	_ =	shalt  }
0x4a: {  	_ =	shalt  }
0x4b: {  	_ =	shalt  }
0x4c: {  	_ =	shalt  }
0x4d: {  	_ =	shalt  }
0x4e: {  	_ =	shalt  }
0x4f: {  	_ =	shalt  }
0x50: {  	_ =	shalt  }
0x51: {  	_ =	shalt  }
0x52: {  	_ =	shalt  }
0x53: {  	_ =	shalt  }
0x54: {  	_ =	shalt  }
0x55: {  	_ =	shalt  }
0x56: {  	_ =	shalt  }
0x57: {  	_ =	shalt  }
0x58: {  	_ =	shalt  }
0x59: {  	_ =	shalt  }
0x5a: {  	_ =	shalt  }
0x5b: {  	_ =	shalt  }
0x5c: {  	_ =	shalt  }
0x5d: {  	_ =	shalt  }
0x5e: {  	_ =	shalt  }
0x5f: {  	_ =	shalt  }
0x60: {  	_ =	shalt  }
0x61: {  	_ =	shalt  }
0x62: {  	_ =	shalt  }
0x63: {  	_ =	shalt  }
0x64: {  	_ =	shalt  }
0x65: {  	_ =	shalt  }
0x66: {  	_ =	shalt  }
0x67: {  	_ =	shalt  }
0x68: {  	_ =	shalt  }
0x69: {  	_ =	shalt  }
0x6a: {  	_ =	shalt  }
0x6b: {  	_ =	shalt  }
0x6c: {  	_ =	shalt  }
0x6d: {  	_ =	shalt  }
0x6e: {  	_ =	shalt  }
0x6f: {  	_ =	shalt  }
0x70: {  	_ =	shalt  }
0x71: {  	_ =	shalt  }
0x72: {  	_ =	shalt  }
0x73: {  	_ =	shalt  }
0x74: {  	_ =	shalt  }
0x75: {  	_ =	shalt  }
0x76: {  	_ =	shalt  }
0x77: {  	_ =	shalt  }
0x78: {  	_ =	shalt  }
0x79: {  	_ =	shalt  }
0x7a: {  	_ =	shalt  }
0x7b: {  	_ =	shalt  }
0x7c: {  	_ =	shalt  }
0x7d: {  	_ =	shalt  }
0x7e: {  	_ =	shalt  }
0x7f: {  	_ =	shalt  }
0x80: {  	_ =	shalt  }
0x81: {  	_ =	shalt  }
0x82: {  	_ =	shalt  }
0x83: {  	_ =	shalt  }
0x84: {  	_ =	shalt  }
0x85: {  	_ =	shalt  }
0x86: {  	_ =	shalt  }
0x87: {  	_ =	shalt  }
.Lfunc_end0:
.L_simem_size_0:
called_computation_lowered:
.L_overlay_start_0:
0x88: {  	s2 =	sld [smem:$0x3FD9]  }
0x89: {  	s3 =	sld [smem:$0x3FFE];
	_ =	sdelay $0x1  }
0x8a: {  	s1 =	srdreg.scid  }
0x8b: {  	s0 =	sand.u32 $0x1, s1  }
0x8c: {  	s17 =	sshll.u32 s0, $0xA;
	s2 =	sadd.s32 s3, s2  }
0x8d: {  	s2 =	sadd.s32 s2, s17  }
0x8e: {  	[smem:$0x3FB5] =	sst s2  }
0x8f: {  	_ = 	snop  }
0x90: {  	s2 =	sld [smem:$0x3FD0];
	(tm) =	ssettm $0x1  }
0x91: {  	s18 =	sld [smem:$0x3FFB];
	_ =	sdelay $0x3  }
0x92: {  	_ =	strace s18  }
0x93: {  	s3 =	sld [smem:$0x3FFC];
	_ =	sdelay $0x3  }
0x94: {  	_ =	strace s3  }
0x95: {  	s3 =	sld [smem:$0x3FFD];
	_ =	sdelay $0x3  }
0x96: {  	_ =	strace s3  }
0x97: {  	_ =	strace $0x8FFFFFFF  }
0x98: {  	s19 =	sld [smem:$0x3FDB];
	_ =	sdelay $0x1  }
0x99: {  	s4 =	simm.s32 $_scs_section_size  }
0x9a: {  	s5 =	simm.s32 $_size__tile_overlayer_lowered;
	s6 =	simm.s32 $_tile_overlayer_lowered  }
0x9b: {  	s22 =	simm.s32 $0x1BFF;
	s21 =	sshll.u32 s6, $0x1;
	s3 =	sadd.s32 s4, s19  }
0x9c: {  	s7 =	simm.s32 $0x0;
	s20 =	sshll.u32 s5, $0x1;
	s5 =	sadd.s32 s21, s3  }
0x9d: {  	[timem:s7], [sflag:s22] =	dma.local [hbm:s5], s20  }
0x9e: {  	_ =	swait.ge [sflag:s22], s20  }
0x9f: {  	s4 =	ssub.s32 $0x0, s20;
	[sflag:s22] =	ssyncset.done $0x0  }
0xa0: {  	[sflag:s22] =	ssyncadd.s32 s4;
	_ =	sdelay $0x1  }
0xa1: {  	s23 =	simm.s32 $0x1B8B  }
0xa2: {  	_ =	swait.ge [sflag:s23], $0x1  }
0xa3: {  	[sflag:s23] =	ssyncset.done $0x0  }
0xa4: {  	s25 =	simm.s32 $0x1B8E;
	s24 =	sld [smem:$0x3FFE];
	[sflag:s23] =	ssyncadd.s32 $0xFFFFFFFF  }
0xa5: {  	s26 =	simm.s32 $execute0_lowered;
	[smem:$0x3FD2] =	sst s25  }
0xa6: {  	s5 =	sshll.u32 s26, $0x1;
	_ =	strace $0x80000046;
	[dreg:$0x1] =	wrdreg $0xFFFFFFFF  }
0xa7: {  	s28 =	simm.s32 $_size_execute0_lowered;
	s3 =	sadd.s32 s3, s5;
	[dreg:$0x0] =	wrdreg $0x0  }
0xa8: {  	s5 =	sshll.u32 s28, $0x1;
	[dreg:$0x2] =	wrdreg s3  }
0xa9: {  	[dreg:$0x3] =	wrdreg s5  }
0xaa: {  	[dreg:$0x4] =	wrdreg $0xC0  }
0xab: {  	_ =	task [dreg:s7], $0x5FFFF  }
0xac: {  	[dreg:$0x1] =	wrdreg $0xFFFFFFFF  }
0xad: {  	[dreg:$0x0] =	wrdreg $0x60  }
0xae: {  	[dreg:$0x2] =	wrdreg s2  }
0xaf: {  	[dreg:$0x3] =	wrdreg s24  }
0xb0: {  	[dreg:$0x4] =	wrdreg $0x9  }
0xb1: {  	_ =	task.clear_ibuf [dreg:s7], $0x5FFFF;
	_ =	strace $0x90000046  }
0xb2: {  	s29 =	simm.s32 $0x9;
	_ =	strace $0x80000048  }
0xb3: {  	_ =	swait.ge [sflag:s29], $0x1  }
0xb4: {  	[sflag:s29] =	ssyncadd.s32 $0xFFFFFFFF  }
0xb5: {  	_ =	strace $0x90000048  }
0xb6: {  	_ =	sfence  }
0xb7: {  	s30 =	sld [smem:$0x0];
	_ =	sdelay $0x2  }
0xb8: {  	s31 =	sshll.u32 s1, $0xD;
	s1 =	sshrl.u32 s1, $0x2  }
0xb9: {  	s3 =	sand.u32 $0x4000, s31;
	s1 =	sadd.s32 s1, s30  }
0xba: {  	s0 =	sor.u32 s3, s0;
	s1 =	sshll.u32 s1, $0x11  }
0xbb: {  	s0 =	sor.u32 s1, s0  }
0xbc: {  	s0 =	sadd.s32 $0x8F2B, s0  }
0xbd: {  	[sflag:s0] =	ssyncadd.remote.s32 $0x1  }
0xbe: {  	_ =	sfence.sel $0xFFFF  }
0xbf: {  	[dreg:$0x0] =	wrdreg $0xFFFFFFFF;
	(pc) =	sbr.abs _section_cstart, $3  }
0xc0: {  	[dreg:$0x1] =	wrdreg $0xFFFFFFFF  }
0xc1: {  	_ =	task.clear_ibuf [dreg:s7], $0x2FFFF;
	_ =	strace $0x9FFFFFFF  }
0xc2: {  	(tm) =	ssettm $0x7FFFFFFF  }
0xc3: {  	_ =	shalt  }
tec
execute0_lowered:
.L_overlay_start_1:
0x0: {  	(tag) =	ssettag $0x1  }
0x1: {  	s0 =	srdreg.scid;
	s1 =	stileid.u32  }
0x2: {  	s5 =	rddreg [dreg:$0x0];
	s0 =	sand.u32 $0x1, s0;
	s1 =	sshll.u32 s1, $0x1  }
0x3: {  	s3 =	rddreg [dreg:$0x1];
	s1 =	sor.u32 s0, s1;
	s0 =	ssub.s32 $0x2, s0  }
0x4: {  	s2 =	simm.s32 $0x0;
	s4 =	smul.u32 $0x280, s1;
	s31 =	sshrl.u32 s0, $0x1  }
0x5: {  	[smem:$0x7FF] =	sst s2;
	s1 =	smul.u32 $0x2710, s1;
	s0 =	ssub.s32 s0, s31  }
0x6: {  	_ =	strace $0x80000047;
	s4 =	sadd.s32 s4, s3;
	s11 =	smax.u32 s0, $0x1  }
0x7: {  	s1 =	sadd.s32 s1, s3;
	s28 =	sadd.s32 $0x8400, s4;
	p1 =	sne.s32 s11, $0x1  }
.Ltmp0:
0x8: {  	s29 =	sadd.s32 $0xD400, s1;
	[dreg:$0x3] =	wrdreg s28;
	(pc) =	sbr.rel @!p1 .LBB2_4-.Ltmp0, $4  }
0x9: {  	s16 =	simm.s32 $0x2;
	s30 =	sadd.s32 $0x3400, s4;
	[dreg:$0x4] =	wrdreg s29  }
0xa: {  	s7 =	simm.s32 $0x7D;
	s1 =	sadd.s32 $0x5B600, s1;
	[dreg:$0x5] =	wrdreg s30  }
0xb: {  	s6 =	simm.s32 $0x1;
	p0 =	por $0x0, $0x0;
	[dreg:$0x6] =	wrdreg s1  }
0xc: {  	s4 =	simm.s32 $0x1400;
	s0 =	sadd.s32 $0xFFFFFFFF, s11;
	s12 =	rddreg [dreg:$0x3]  }
0xd: {  	[tilespmem:s2], [sflag:$0x2] =	stream.linear.gather [hbm4b:s12+s2], $0x1400, $0x38;
	[tilespmem:$0x14C80] =	vst v63  }
0xe: {  	_ =	swait.ge [sflag:s16], $0x1400  }
0xf: {  	[sflag:s16] =	ssyncset.done $0x0  }
0x10: {  	[sflag:s16] =	ssyncadd.s32 $0xFFFFEC00  }
0x11: {  	[tilespmem:s4], [sflag:$0x1] =	stream.indirect.gather [hbm4b:s5+s7], $0x10, s2, s7, $0xb8;
	[tilespmem:$0x14C80] =	vst v63  }
0x12: {  	s18 =	simm.s32 $0x80;
	s19 =	simm.s32 $0x1BD0  }
0x13: {  	[tilespmem:s19], [sflag:$0x1] =	stream.indirect.gather [hbm4b:s5+s7], $0x10, s18, s7, $0xb8;
	[tilespmem:$0x14C80] =	vst v63  }
0x14: {  	s15 =	simm.s32 $0x100;
	s17 =	simm.s32 $0x23A0  }
0x15: {  	[tilespmem:s17], [sflag:$0x1] =	stream.indirect.gather [hbm4b:s5+s7], $0x10, s15, s7, $0xb8;
	[tilespmem:$0x14C80] =	vst v63  }
0x16: {  	s22 =	simm.s32 $0x180;
	s26 =	simm.s32 $0x2B70  }
0x17: {  	[tilespmem:s26], [sflag:$0x1] =	stream.indirect.gather [hbm4b:s5+s7], $0x10, s22, s7, $0xb8;
	[tilespmem:$0x14C80] =	vst v63  }
0x18: {  	s14 =	simm.s32 $0x200;
	s13 =	simm.s32 $0x3340  }
0x19: {  	[tilespmem:s13], [sflag:$0x1] =	stream.indirect.gather [hbm4b:s5+s7], $0x10, s14, s7, $0xb8;
	[tilespmem:$0x14C80] =	vst v63  }
0x1a: {  	s10 =	simm.s32 $0x280;
	s4 =	simm.s32 $0x3B10  }
0x1b: {  	[tilespmem:s4], [sflag:$0x1] =	stream.indirect.gather [hbm4b:s5+s7], $0x10, s10, s7, $0xb8;
	[tilespmem:$0x14C80] =	vst v63  }
0x1c: {  	s9 =	simm.s32 $0x300;
	s3 =	simm.s32 $0x42E0  }
0x1d: {  	[tilespmem:s3], [sflag:$0x1] =	stream.indirect.gather [hbm4b:s5+s7], $0x10, s9, s7, $0xb8;
	[tilespmem:$0x14C80] =	vst v63  }
0x1e: {  	s8 =	simm.s32 $0x380;
	s1 =	simm.s32 $0x4AB0  }
0x1f: {  	[tilespmem:s1], [sflag:$0x1] =	stream.indirect.gather [hbm4b:s5+s7], $0x10, s8, s7, $0xb8;
	[tilespmem:$0x14C80] =	vst v63  }
0x20: {  	_ =	swait.ge [sflag:s6], $0x7D0  }
0x21: {  	[sflag:s6] =	ssyncset.done $0x0  }
0x22: {  	[sflag:s6] =	ssyncadd.s32 $0xFFFFF830  }
0x23: {  	_ =	swait.ge [sflag:s6], $0x7D0  }
0x24: {  	[sflag:s6] =	ssyncset.done $0x0  }
0x25: {  	[sflag:s6] =	ssyncadd.s32 $0xFFFFF830  }
0x26: {  	_ =	swait.ge [sflag:s6], $0x7D0  }
0x27: {  	[sflag:s6] =	ssyncset.done $0x0  }
0x28: {  	[sflag:s6] =	ssyncadd.s32 $0xFFFFF830  }
0x29: {  	_ =	swait.ge [sflag:s6], $0x7D0  }
0x2a: {  	[sflag:s6] =	ssyncset.done $0x0  }
0x2b: {  	[sflag:s6] =	ssyncadd.s32 $0xFFFFF830  }
0x2c: {  	_ =	swait.ge [sflag:s6], $0x7D0  }
0x2d: {  	[sflag:s6] =	ssyncset.done $0x0  }
0x2e: {  	[sflag:s6] =	ssyncadd.s32 $0xFFFFF830  }
0x2f: {  	_ =	swait.ge [sflag:s6], $0x7D0  }
0x30: {  	[sflag:s6] =	ssyncset.done $0x0  }
0x31: {  	[sflag:s6] =	ssyncadd.s32 $0xFFFFF830  }
0x32: {  	_ =	swait.ge [sflag:s6], $0x7D0  }
0x33: {  	[sflag:s6] =	ssyncset.done $0x0  }
0x34: {  	[sflag:s6] =	ssyncadd.s32 $0xFFFFF830  }
0x35: {  	_ =	swait.ge [sflag:s6], $0x7D0  }
0x36: {  	[sflag:s6] =	ssyncset.done $0x0  }
0x37: {  	s24 =	simm.s32 $0x400;
	s11 =	simm.s32 $0x5280;
	[sflag:s6] =	ssyncadd.s32 $0xFFFFF830  }
0x38: {  	[tilespmem:s11], [sflag:$0x1] =	stream.indirect.gather [hbm4b:s5+s7], $0x10, s24, s7, $0xb8;
	[tilespmem:$0x14C80] =	vst v63  }
0x39: {  	s25 =	simm.s32 $0x480;
	s28 =	simm.s32 $0x5A50  }
0x3a: {  	[tilespmem:s28], [sflag:$0x1] =	stream.indirect.gather [hbm4b:s5+s7], $0x10, s25, s7, $0xb8;
	[tilespmem:$0x14C80] =	vst v63  }
0x3b: {  	s29 =	simm.s32 $0x500;
	s30 =	simm.s32 $0x6220  }
0x3c: {  	[tilespmem:s30], [sflag:$0x1] =	stream.indirect.gather [hbm4b:s5+s7], $0x10, s29, s7, $0xb8;
	[tilespmem:$0x14C80] =	vst v63  }
0x3d: {  	s31 =	simm.s32 $0x580;
	s20 =	simm.s32 $0x69F0  }
0x3e: {  	[tilespmem:s20], [sflag:$0x1] =	stream.indirect.gather [hbm4b:s5+s7], $0x10, s31, s7, $0xb8;
	[tilespmem:$0x14C80] =	vst v63  }
0x3f: {  	s30 =	simm.s32 $0x600;
	s29 =	simm.s32 $0x71C0  }
0x40: {  	[tilespmem:s29], [sflag:$0x1] =	stream.indirect.gather [hbm4b:s5+s7], $0x10, s30, s7, $0xb8;
	[tilespmem:$0x14C80] =	vst v63  }
0x41: {  	s24 =	simm.s32 $0x7990;
	s20 =	simm.s32 $0x680  }
0x42: {  	[tilespmem:s24], [sflag:$0x1] =	stream.indirect.gather [hbm4b:s5+s7], $0x10, s20, s7, $0xb8;
	[tilespmem:$0x14C80] =	vst v63  }
0x43: {  	s21 =	simm.s32 $0x700;
	s25 =	simm.s32 $0x8160  }
0x44: {  	[tilespmem:s25], [sflag:$0x1] =	stream.indirect.gather [hbm4b:s5+s7], $0x10, s21, s7, $0xb8;
	[tilespmem:$0x14C80] =	vst v63  }
0x45: {  	s23 =	simm.s32 $0x780;
	s28 =	simm.s32 $0x8930  }
0x46: {  	[tilespmem:s28], [sflag:$0x1] =	stream.indirect.gather [hbm4b:s5+s7], $0x10, s23, s7, $0xb8;
	[tilespmem:$0x14C80] =	vst v63  }
0x47: {  	_ =	swait.ge [sflag:s6], $0x7D0  }
0x48: {  	[sflag:s6] =	ssyncset.done $0x0  }
0x49: {  	[sflag:s6] =	ssyncadd.s32 $0xFFFFF830  }
0x4a: {  	_ =	swait.ge [sflag:s6], $0x7D0  }
0x4b: {  	[sflag:s6] =	ssyncset.done $0x0  }
0x4c: {  	[sflag:s6] =	ssyncadd.s32 $0xFFFFF830  }
0x4d: {  	_ =	swait.ge [sflag:s6], $0x7D0  }
0x4e: {  	[sflag:s6] =	ssyncset.done $0x0  }
0x4f: {  	[sflag:s6] =	ssyncadd.s32 $0xFFFFF830  }
0x50: {  	_ =	swait.ge [sflag:s6], $0x7D0  }
0x51: {  	[sflag:s6] =	ssyncset.done $0x0  }
0x52: {  	[sflag:s6] =	ssyncadd.s32 $0xFFFFF830  }
0x53: {  	_ =	swait.ge [sflag:s6], $0x7D0  }
0x54: {  	[sflag:s6] =	ssyncset.done $0x0  }
0x55: {  	[sflag:s6] =	ssyncadd.s32 $0xFFFFF830  }
0x56: {  	_ =	swait.ge [sflag:s6], $0x7D0  }
0x57: {  	[sflag:s6] =	ssyncset.done $0x0  }
0x58: {  	[sflag:s6] =	ssyncadd.s32 $0xFFFFF830  }
0x59: {  	_ =	swait.ge [sflag:s6], $0x7D0  }
0x5a: {  	[sflag:s6] =	ssyncset.done $0x0  }
0x5b: {  	[sflag:s6] =	ssyncadd.s32 $0xFFFFF830  }
0x5c: {  	_ =	swait.ge [sflag:s6], $0x7D0  }
0x5d: {  	[sflag:s6] =	ssyncset.done $0x0  }
0x5e: {  	s12 =	simm.s32 $0x800;
	s31 =	simm.s32 $0x9100;
	[sflag:s6] =	ssyncadd.s32 $0xFFFFF830  }
0x5f: {  	[tilespmem:s31], [sflag:$0x1] =	stream.indirect.gather [hbm4b:s5+s7], $0x10, s12, s7, $0xb8;
	[tilespmem:$0x14C80] =	vst v63  }
0x60: {  	s12 =	simm.s32 $0x880;
	s31 =	simm.s32 $0x98D0  }
0x61: {  	[tilespmem:s31], [sflag:$0x1] =	stream.indirect.gather [hbm4b:s5+s7], $0x10, s12, s7, $0xb8;
	[tilespmem:$0x14C80] =	vst v63  }
0x62: {  	s12 =	simm.s32 $0x900;
	s31 =	simm.s32 $0xA0A0  }
0x63: {  	[tilespmem:s31], [sflag:$0x1] =	stream.indirect.gather [hbm4b:s5+s7], $0x10, s12, s7, $0xb8;
	[tilespmem:$0x14C80] =	vst v63  }
0x64: {  	s12 =	simm.s32 $0x980;
	s31 =	simm.s32 $0xA870  }
0x65: {  	[tilespmem:s31], [sflag:$0x1] =	stream.indirect.gather [hbm4b:s5+s7], $0x10, s12, s7, $0xb8;
	[tilespmem:$0x14C80] =	vst v63  }
0x66: {  	s12 =	simm.s32 $0xA00;
	s31 =	simm.s32 $0xB040  }
0x67: {  	[tilespmem:s31], [sflag:$0x1] =	stream.indirect.gather [hbm4b:s5+s7], $0x10, s12, s7, $0xb8;
	[tilespmem:$0x14C80] =	vst v63  }
0x68: {  	s12 =	simm.s32 $0xA80;
	s31 =	simm.s32 $0xB810  }
0x69: {  	[tilespmem:s31], [sflag:$0x1] =	stream.indirect.gather [hbm4b:s5+s7], $0x10, s12, s7, $0xb8;
	[tilespmem:$0x14C80] =	vst v63  }
0x6a: {  	s12 =	simm.s32 $0xB00;
	s31 =	simm.s32 $0xBFE0  }
0x6b: {  	[tilespmem:s31], [sflag:$0x1] =	stream.indirect.gather [hbm4b:s5+s7], $0x10, s12, s7, $0xb8;
	[tilespmem:$0x14C80] =	vst v63  }
0x6c: {  	s12 =	simm.s32 $0xB80;
	s31 =	simm.s32 $0xC7B0  }
0x6d: {  	[tilespmem:s31], [sflag:$0x1] =	stream.indirect.gather [hbm4b:s5+s7], $0x10, s12, s7, $0xb8;
	[tilespmem:$0x14C80] =	vst v63  }
0x6e: {  	_ =	swait.ge [sflag:s6], $0x7D0  }
0x6f: {  	[sflag:s6] =	ssyncset.done $0x0  }
0x70: {  	[sflag:s6] =	ssyncadd.s32 $0xFFFFF830  }
0x71: {  	_ =	swait.ge [sflag:s6], $0x7D0  }
0x72: {  	[sflag:s6] =	ssyncset.done $0x0  }
0x73: {  	[sflag:s6] =	ssyncadd.s32 $0xFFFFF830  }
0x74: {  	_ =	swait.ge [sflag:s6], $0x7D0  }
0x75: {  	[sflag:s6] =	ssyncset.done $0x0  }
0x76: {  	[sflag:s6] =	ssyncadd.s32 $0xFFFFF830  }
0x77: {  	_ =	swait.ge [sflag:s6], $0x7D0  }
0x78: {  	[sflag:s6] =	ssyncset.done $0x0  }
0x79: {  	[sflag:s6] =	ssyncadd.s32 $0xFFFFF830  }
0x7a: {  	_ =	swait.ge [sflag:s6], $0x7D0  }
0x7b: {  	[sflag:s6] =	ssyncset.done $0x0  }
0x7c: {  	[sflag:s6] =	ssyncadd.s32 $0xFFFFF830  }
0x7d: {  	_ =	swait.ge [sflag:s6], $0x7D0  }
0x7e: {  	[sflag:s6] =	ssyncset.done $0x0  }
0x7f: {  	[sflag:s6] =	ssyncadd.s32 $0xFFFFF830  }
0x80: {  	_ =	swait.ge [sflag:s6], $0x7D0  }
0x81: {  	[sflag:s6] =	ssyncset.done $0x0  }
0x82: {  	[sflag:s6] =	ssyncadd.s32 $0xFFFFF830  }
0x83: {  	_ =	swait.ge [sflag:s6], $0x7D0  }
0x84: {  	[sflag:s6] =	ssyncset.done $0x0  }
0x85: {  	s12 =	simm.s32 $0xC00;
	s31 =	simm.s32 $0xCF80;
	[sflag:s6] =	ssyncadd.s32 $0xFFFFF830  }
0x86: {  	[tilespmem:s31], [sflag:$0x1] =	stream.indirect.gather [hbm4b:s5+s7], $0x10, s12, s7, $0xb8;
	[tilespmem:$0x14C80] =	vst v63  }
0x87: {  	s12 =	simm.s32 $0xC80;
	s31 =	simm.s32 $0xD750  }
0x88: {  	[tilespmem:s31], [sflag:$0x1] =	stream.indirect.gather [hbm4b:s5+s7], $0x10, s12, s7, $0xb8;
	[tilespmem:$0x14C80] =	vst v63  }
0x89: {  	s12 =	simm.s32 $0xD00;
	s31 =	simm.s32 $0xDF20  }
0x8a: {  	[tilespmem:s31], [sflag:$0x1] =	stream.indirect.gather [hbm4b:s5+s7], $0x10, s12, s7, $0xb8;
	[tilespmem:$0x14C80] =	vst v63  }
0x8b: {  	s12 =	simm.s32 $0xD80;
	s31 =	simm.s32 $0xE6F0  }
0x8c: {  	[tilespmem:s31], [sflag:$0x1] =	stream.indirect.gather [hbm4b:s5+s7], $0x10, s12, s7, $0xb8;
	[tilespmem:$0x14C80] =	vst v63  }
0x8d: {  	s12 =	simm.s32 $0xE00;
	s31 =	simm.s32 $0xEEC0  }
0x8e: {  	[tilespmem:s31], [sflag:$0x1] =	stream.indirect.gather [hbm4b:s5+s7], $0x10, s12, s7, $0xb8;
	[tilespmem:$0x14C80] =	vst v63  }
0x8f: {  	s12 =	simm.s32 $0xE80;
	s31 =	simm.s32 $0xF690  }
0x90: {  	[tilespmem:s31], [sflag:$0x1] =	stream.indirect.gather [hbm4b:s5+s7], $0x10, s12, s7, $0xb8;
	[tilespmem:$0x14C80] =	vst v63  }
0x91: {  	s12 =	simm.s32 $0xF00;
	s31 =	simm.s32 $0xFE60  }
0x92: {  	[tilespmem:s31], [sflag:$0x1] =	stream.indirect.gather [hbm4b:s5+s7], $0x10, s12, s7, $0xb8;
	[tilespmem:$0x14C80] =	vst v63  }
0x93: {  	s12 =	simm.s32 $0xF80;
	s31 =	simm.s32 $0x10630  }
0x94: {  	[tilespmem:s31], [sflag:$0x1] =	stream.indirect.gather [hbm4b:s5+s7], $0x10, s12, s7, $0xb8;
	[tilespmem:$0x14C80] =	vst v63  }
0x95: {  	_ =	swait.ge [sflag:s6], $0x7D0  }
0x96: {  	[sflag:s6] =	ssyncset.done $0x0  }
0x97: {  	[sflag:s6] =	ssyncadd.s32 $0xFFFFF830  }
0x98: {  	_ =	swait.ge [sflag:s6], $0x7D0  }
0x99: {  	[sflag:s6] =	ssyncset.done $0x0  }
0x9a: {  	[sflag:s6] =	ssyncadd.s32 $0xFFFFF830  }
0x9b: {  	_ =	swait.ge [sflag:s6], $0x7D0  }
0x9c: {  	[sflag:s6] =	ssyncset.done $0x0  }
0x9d: {  	[sflag:s6] =	ssyncadd.s32 $0xFFFFF830  }
0x9e: {  	_ =	swait.ge [sflag:s6], $0x7D0  }
0x9f: {  	[sflag:s6] =	ssyncset.done $0x0  }
0xa0: {  	[sflag:s6] =	ssyncadd.s32 $0xFFFFF830  }
0xa1: {  	_ =	swait.ge [sflag:s6], $0x7D0  }
0xa2: {  	[sflag:s6] =	ssyncset.done $0x0  }
0xa3: {  	[sflag:s6] =	ssyncadd.s32 $0xFFFFF830  }
0xa4: {  	_ =	swait.ge [sflag:s6], $0x7D0  }
0xa5: {  	[sflag:s6] =	ssyncset.done $0x0  }
0xa6: {  	[sflag:s6] =	ssyncadd.s32 $0xFFFFF830  }
0xa7: {  	_ =	swait.ge [sflag:s6], $0x7D0  }
0xa8: {  	[sflag:s6] =	ssyncset.done $0x0  }
0xa9: {  	[sflag:s6] =	ssyncadd.s32 $0xFFFFF830  }
0xaa: {  	_ =	swait.ge [sflag:s6], $0x7D0  }
0xab: {  	[sflag:s6] =	ssyncset.done $0x0  }
0xac: {  	s12 =	simm.s32 $0x1000;
	s31 =	simm.s32 $0x10E00;
	[sflag:s6] =	ssyncadd.s32 $0xFFFFF830  }
0xad: {  	[tilespmem:s31], [sflag:$0x1] =	stream.indirect.gather [hbm4b:s5+s7], $0x10, s12, s7, $0xb8;
	[tilespmem:$0x14C80] =	vst v63  }
0xae: {  	s12 =	simm.s32 $0x1080;
	s31 =	simm.s32 $0x115D0  }
0xaf: {  	[tilespmem:s31], [sflag:$0x1] =	stream.indirect.gather [hbm4b:s5+s7], $0x10, s12, s7, $0xb8;
	[tilespmem:$0x14C80] =	vst v63  }
0xb0: {  	s12 =	simm.s32 $0x1100;
	s31 =	simm.s32 $0x11DA0  }
0xb1: {  	[tilespmem:s31], [sflag:$0x1] =	stream.indirect.gather [hbm4b:s5+s7], $0x10, s12, s7, $0xb8;
	[tilespmem:$0x14C80] =	vst v63  }
0xb2: {  	s12 =	simm.s32 $0x1180;
	s31 =	simm.s32 $0x12570  }
0xb3: {  	[tilespmem:s31], [sflag:$0x1] =	stream.indirect.gather [hbm4b:s5+s7], $0x10, s12, s7, $0xb8;
	[tilespmem:$0x14C80] =	vst v63  }
0xb4: {  	s12 =	simm.s32 $0x1200;
	s31 =	simm.s32 $0x12D40  }
0xb5: {  	[tilespmem:s31], [sflag:$0x1] =	stream.indirect.gather [hbm4b:s5+s7], $0x10, s12, s7, $0xb8;
	[tilespmem:$0x14C80] =	vst v63  }
0xb6: {  	s12 =	simm.s32 $0x1280;
	s31 =	simm.s32 $0x13510  }
0xb7: {  	[tilespmem:s31], [sflag:$0x1] =	stream.indirect.gather [hbm4b:s5+s7], $0x10, s12, s7, $0xb8;
	[tilespmem:$0x14C80] =	vst v63  }
0xb8: {  	s12 =	simm.s32 $0x1300;
	s31 =	simm.s32 $0x13CE0  }
0xb9: {  	[tilespmem:s31], [sflag:$0x1] =	stream.indirect.gather [hbm4b:s5+s7], $0x10, s12, s7, $0xb8;
	[tilespmem:$0x14C80] =	vst v63  }
0xba: {  	s12 =	simm.s32 $0x1380;
	s31 =	simm.s32 $0x144B0  }
0xbb: {  	[tilespmem:s31], [sflag:$0x1] =	stream.indirect.gather [hbm4b:s5+s7], $0x10, s12, s7, $0xb8;
	[tilespmem:$0x14C80] =	vst v63  }
0xbc: {  	_ =	swait.ge [sflag:s6], $0x7D0  }
0xbd: {  	[sflag:s6] =	ssyncset.done $0x0  }
0xbe: {  	[sflag:s6] =	ssyncadd.s32 $0xFFFFF830  }
0xbf: {  	_ =	swait.ge [sflag:s6], $0x7D0  }
0xc0: {  	[sflag:s6] =	ssyncset.done $0x0  }
0xc1: {  	[sflag:s6] =	ssyncadd.s32 $0xFFFFF830  }
0xc2: {  	_ =	swait.ge [sflag:s6], $0x7D0  }
0xc3: {  	[sflag:s6] =	ssyncset.done $0x0  }
0xc4: {  	[sflag:s6] =	ssyncadd.s32 $0xFFFFF830  }
0xc5: {  	_ =	swait.ge [sflag:s6], $0x7D0  }
0xc6: {  	[sflag:s6] =	ssyncset.done $0x0  }
0xc7: {  	[sflag:s6] =	ssyncadd.s32 $0xFFFFF830  }
0xc8: {  	_ =	swait.ge [sflag:s6], $0x7D0  }
0xc9: {  	[sflag:s6] =	ssyncset.done $0x0  }
0xca: {  	[sflag:s6] =	ssyncadd.s32 $0xFFFFF830  }
0xcb: {  	_ =	swait.ge [sflag:s6], $0x7D0  }
0xcc: {  	[sflag:s6] =	ssyncset.done $0x0  }
0xcd: {  	[sflag:s6] =	ssyncadd.s32 $0xFFFFF830  }
0xce: {  	_ =	swait.ge [sflag:s6], $0x7D0  }
0xcf: {  	[sflag:s6] =	ssyncset.done $0x0  }
0xd0: {  	[sflag:s6] =	ssyncadd.s32 $0xFFFFF830  }
0xd1: {  	_ =	swait.ge [sflag:s6], $0x7D0  }
0xd2: {  	s2 =	simm.s32 $0x1400;
	[sflag:s6] =	ssyncset.done $0x0  }
0xd3: {  	s11 =	simm.s32 $0x0;
	s12 =	rddreg [dreg:$0x4];
	[sflag:s6] =	ssyncadd.s32 $0xFFFFF830  }
0xd4: {  	[hbm4b:s12+s11] =	stream.linear.scatter [tilespmem:s2], [sflag:$0x2], $0x13880, $0x38;
	[tilespmem:$0x14C80] =	vst v63  }
0xd5: {  	_ =	swait.ge [sflag:s16], $0x13880  }
0xd6: {  	[sflag:s16] =	ssyncset.done $0x0  }
0xd7: {  	s12 =	rddreg [dreg:$0x5];
	[sflag:s16] =	ssyncadd.s32 $0xFFFEC780  }
0xd8: {  	[tilespmem:s11], [sflag:$0x2] =	stream.linear.gather [hbm4b:s12+s11], $0x1400, $0x38;
	[tilespmem:$0x14C80] =	vst v63  }
0xd9: {  	_ =	swait.ge [sflag:s16], $0x1400  }
0xda: {  	[sflag:s16] =	ssyncset.done $0x0  }
0xdb: {  	[sflag:s16] =	ssyncadd.s32 $0xFFFFEC00  }
0xdc: {  	[tilespmem:s2], [sflag:$0x1] =	stream.indirect.gather [hbm4b:s5+s7], $0x10, s11, s7, $0xb8;
	[tilespmem:$0x14C80] =	vst v63  }
0xdd: {  	_ = 	snop  }
0xde: {  	[tilespmem:s19], [sflag:$0x1] =	stream.indirect.gather [hbm4b:s5+s7], $0x10, s18, s7, $0xb8;
	[tilespmem:$0x14C80] =	vst v63  }
0xdf: {  	_ = 	snop  }
0xe0: {  	[tilespmem:s17], [sflag:$0x1] =	stream.indirect.gather [hbm4b:s5+s7], $0x10, s15, s7, $0xb8;
	[tilespmem:$0x14C80] =	vst v63  }
0xe1: {  	_ = 	snop  }
0xe2: {  	[tilespmem:s26], [sflag:$0x1] =	stream.indirect.gather [hbm4b:s5+s7], $0x10, s22, s7, $0xb8;
	[tilespmem:$0x14C80] =	vst v63  }
0xe3: {  	_ = 	snop  }
0xe4: {  	[tilespmem:s13], [sflag:$0x1] =	stream.indirect.gather [hbm4b:s5+s7], $0x10, s14, s7, $0xb8;
	[tilespmem:$0x14C80] =	vst v63  }
0xe5: {  	_ = 	snop  }
0xe6: {  	[tilespmem:s4], [sflag:$0x1] =	stream.indirect.gather [hbm4b:s5+s7], $0x10, s10, s7, $0xb8;
	[tilespmem:$0x14C80] =	vst v63  }
0xe7: {  	_ = 	snop  }
0xe8: {  	[tilespmem:s3], [sflag:$0x1] =	stream.indirect.gather [hbm4b:s5+s7], $0x10, s9, s7, $0xb8;
	[tilespmem:$0x14C80] =	vst v63  }
0xe9: {  	_ = 	snop  }
0xea: {  	[tilespmem:s1], [sflag:$0x1] =	stream.indirect.gather [hbm4b:s5+s7], $0x10, s8, s7, $0xb8;
	[tilespmem:$0x14C80] =	vst v63  }
0xeb: {  	_ =	swait.ge [sflag:s6], $0x7D0  }
0xec: {  	[sflag:s6] =	ssyncset.done $0x0  }
0xed: {  	[sflag:s6] =	ssyncadd.s32 $0xFFFFF830  }
0xee: {  	_ =	swait.ge [sflag:s6], $0x7D0  }
0xef: {  	[sflag:s6] =	ssyncset.done $0x0  }
0xf0: {  	[sflag:s6] =	ssyncadd.s32 $0xFFFFF830  }
0xf1: {  	_ =	swait.ge [sflag:s6], $0x7D0  }
0xf2: {  	[sflag:s6] =	ssyncset.done $0x0  }
0xf3: {  	[sflag:s6] =	ssyncadd.s32 $0xFFFFF830  }
0xf4: {  	_ =	swait.ge [sflag:s6], $0x7D0  }
0xf5: {  	[sflag:s6] =	ssyncset.done $0x0  }
0xf6: {  	[sflag:s6] =	ssyncadd.s32 $0xFFFFF830  }
0xf7: {  	_ =	swait.ge [sflag:s6], $0x7D0  }
0xf8: {  	[sflag:s6] =	ssyncset.done $0x0  }
0xf9: {  	[sflag:s6] =	ssyncadd.s32 $0xFFFFF830  }
0xfa: {  	_ =	swait.ge [sflag:s6], $0x7D0  }
0xfb: {  	[sflag:s6] =	ssyncset.done $0x0  }
0xfc: {  	[sflag:s6] =	ssyncadd.s32 $0xFFFFF830  }
0xfd: {  	_ =	swait.ge [sflag:s6], $0x7D0  }
0xfe: {  	[sflag:s6] =	ssyncset.done $0x0  }
0xff: {  	[sflag:s6] =	ssyncadd.s32 $0xFFFFF830  }
0x100: {  	_ =	swait.ge [sflag:s6], $0x7D0  }
0x101: {  	[sflag:s6] =	ssyncset.done $0x0  }
0x102: {  	s12 =	simm.s32 $0x400;
	s13 =	simm.s32 $0x5280;
	[sflag:s6] =	ssyncadd.s32 $0xFFFFF830  }
0x103: {  	[tilespmem:s13], [sflag:$0x1] =	stream.indirect.gather [hbm4b:s5+s7], $0x10, s12, s7, $0xb8;
	[tilespmem:$0x14C80] =	vst v63  }
0x104: {  	s15 =	simm.s32 $0x5A50;
	s14 =	simm.s32 $0x480  }
0x105: {  	[tilespmem:s15], [sflag:$0x1] =	stream.indirect.gather [hbm4b:s5+s7], $0x10, s14, s7, $0xb8;
	[tilespmem:$0x14C80] =	vst v63  }
0x106: {  	s18 =	simm.s32 $0x6220;
	s17 =	simm.s32 $0x500  }
0x107: {  	[tilespmem:s18], [sflag:$0x1] =	stream.indirect.gather [hbm4b:s5+s7], $0x10, s17, s7, $0xb8;
	[tilespmem:$0x14C80] =	vst v63  }
0x108: {  	s19 =	simm.s32 $0x580;
	s22 =	simm.s32 $0x69F0  }
0x109: {  	[tilespmem:s22], [sflag:$0x1] =	stream.indirect.gather [hbm4b:s5+s7], $0x10, s19, s7, $0xb8;
	[tilespmem:$0x14C80] =	vst v63  }
0x10a: {  	_ = 	snop  }
0x10b: {  	[tilespmem:s29], [sflag:$0x1] =	stream.indirect.gather [hbm4b:s5+s7], $0x10, s30, s7, $0xb8;
	[tilespmem:$0x14C80] =	vst v63  }
0x10c: {  	_ = 	snop  }
0x10d: {  	[tilespmem:s24], [sflag:$0x1] =	stream.indirect.gather [hbm4b:s5+s7], $0x10, s20, s7, $0xb8;
	[tilespmem:$0x14C80] =	vst v63  }
0x10e: {  	_ = 	snop  }
0x10f: {  	[tilespmem:s25], [sflag:$0x1] =	stream.indirect.gather [hbm4b:s5+s7], $0x10, s21, s7, $0xb8;
	[tilespmem:$0x14C80] =	vst v63  }
0x110: {  	_ = 	snop  }
0x111: {  	[tilespmem:s28], [sflag:$0x1] =	stream.indirect.gather [hbm4b:s5+s7], $0x10, s23, s7, $0xb8;
	[tilespmem:$0x14C80] =	vst v63  }
0x112: {  	_ =	swait.ge [sflag:s6], $0x7D0  }
0x113: {  	[sflag:s6] =	ssyncset.done $0x0  }
0x114: {  	[sflag:s6] =	ssyncadd.s32 $0xFFFFF830  }
0x115: {  	_ =	swait.ge [sflag:s6], $0x7D0  }
0x116: {  	[sflag:s6] =	ssyncset.done $0x0  }
0x117: {  	[sflag:s6] =	ssyncadd.s32 $0xFFFFF830  }
0x118: {  	_ =	swait.ge [sflag:s6], $0x7D0  }
0x119: {  	[sflag:s6] =	ssyncset.done $0x0  }
0x11a: {  	[sflag:s6] =	ssyncadd.s32 $0xFFFFF830  }
0x11b: {  	_ =	swait.ge [sflag:s6], $0x7D0  }
0x11c: {  	[sflag:s6] =	ssyncset.done $0x0  }
0x11d: {  	[sflag:s6] =	ssyncadd.s32 $0xFFFFF830  }
0x11e: {  	_ =	swait.ge [sflag:s6], $0x7D0  }
0x11f: {  	[sflag:s6] =	ssyncset.done $0x0  }
0x120: {  	[sflag:s6] =	ssyncadd.s32 $0xFFFFF830  }
0x121: {  	_ =	swait.ge [sflag:s6], $0x7D0  }
0x122: {  	[sflag:s6] =	ssyncset.done $0x0  }
0x123: {  	[sflag:s6] =	ssyncadd.s32 $0xFFFFF830  }
0x124: {  	_ =	swait.ge [sflag:s6], $0x7D0  }
0x125: {  	[sflag:s6] =	ssyncset.done $0x0  }
0x126: {  	[sflag:s6] =	ssyncadd.s32 $0xFFFFF830  }
0x127: {  	_ =	swait.ge [sflag:s6], $0x7D0  }
0x128: {  	[sflag:s6] =	ssyncset.done $0x0  }
0x129: {  	s26 =	simm.s32 $0x800;
	s28 =	simm.s32 $0x9100;
	[sflag:s6] =	ssyncadd.s32 $0xFFFFF830  }
0x12a: {  	[tilespmem:s28], [sflag:$0x1] =	stream.indirect.gather [hbm4b:s5+s7], $0x10, s26, s7, $0xb8;
	[tilespmem:$0x14C80] =	vst v63  }
0x12b: {  	s29 =	simm.s32 $0x880;
	s30 =	simm.s32 $0x98D0  }
0x12c: {  	[tilespmem:s30], [sflag:$0x1] =	stream.indirect.gather [hbm4b:s5+s7], $0x10, s29, s7, $0xb8;
	[tilespmem:$0x14C80] =	vst v63  }
0x12d: {  	s3 =	simm.s32 $0x900;
	s8 =	simm.s32 $0xA0A0  }
0x12e: {  	[tilespmem:s8], [sflag:$0x1] =	stream.indirect.gather [hbm4b:s5+s7], $0x10, s3, s7, $0xb8;
	[tilespmem:$0x14C80] =	vst v63  }
0x12f: {  	s10 =	simm.s32 $0xA870;
	s9 =	simm.s32 $0x980  }
0x130: {  	[tilespmem:s10], [sflag:$0x1] =	stream.indirect.gather [hbm4b:s5+s7], $0x10, s9, s7, $0xb8;
	[tilespmem:$0x14C80] =	vst v63  }
0x131: {  	s11 =	simm.s32 $0xA00;
	s12 =	simm.s32 $0xB040  }
0x132: {  	[tilespmem:s12], [sflag:$0x1] =	stream.indirect.gather [hbm4b:s5+s7], $0x10, s11, s7, $0xb8;
	[tilespmem:$0x14C80] =	vst v63  }
0x133: {  	s13 =	simm.s32 $0xB810;
	s14 =	simm.s32 $0xA80  }
0x134: {  	[tilespmem:s13], [sflag:$0x1] =	stream.indirect.gather [hbm4b:s5+s7], $0x10, s14, s7, $0xb8;
	[tilespmem:$0x14C80] =	vst v63  }
0x135: {  	s15 =	simm.s32 $0xB00;
	s17 =	simm.s32 $0xBFE0  }
0x136: {  	[tilespmem:s17], [sflag:$0x1] =	stream.indirect.gather [hbm4b:s5+s7], $0x10, s15, s7, $0xb8;
	[tilespmem:$0x14C80] =	vst v63  }
0x137: {  	s18 =	simm.s32 $0xB80;
	s19 =	simm.s32 $0xC7B0  }
0x138: {  	[tilespmem:s19], [sflag:$0x1] =	stream.indirect.gather [hbm4b:s5+s7], $0x10, s18, s7, $0xb8;
	[tilespmem:$0x14C80] =	vst v63  }
0x139: {  	_ =	swait.ge [sflag:s6], $0x7D0  }
0x13a: {  	[sflag:s6] =	ssyncset.done $0x0  }
0x13b: {  	[sflag:s6] =	ssyncadd.s32 $0xFFFFF830  }
0x13c: {  	_ =	swait.ge [sflag:s6], $0x7D0  }
0x13d: {  	[sflag:s6] =	ssyncset.done $0x0  }
0x13e: {  	[sflag:s6] =	ssyncadd.s32 $0xFFFFF830  }
0x13f: {  	_ =	swait.ge [sflag:s6], $0x7D0  }
0x140: {  	[sflag:s6] =	ssyncset.done $0x0  }
0x141: {  	[sflag:s6] =	ssyncadd.s32 $0xFFFFF830  }
0x142: {  	_ =	swait.ge [sflag:s6], $0x7D0  }
0x143: {  	[sflag:s6] =	ssyncset.done $0x0  }
0x144: {  	[sflag:s6] =	ssyncadd.s32 $0xFFFFF830  }
0x145: {  	_ =	swait.ge [sflag:s6], $0x7D0  }
0x146: {  	[sflag:s6] =	ssyncset.done $0x0  }
0x147: {  	[sflag:s6] =	ssyncadd.s32 $0xFFFFF830  }
0x148: {  	_ =	swait.ge [sflag:s6], $0x7D0  }
0x149: {  	[sflag:s6] =	ssyncset.done $0x0  }
0x14a: {  	[sflag:s6] =	ssyncadd.s32 $0xFFFFF830  }
0x14b: {  	_ =	swait.ge [sflag:s6], $0x7D0  }
0x14c: {  	[sflag:s6] =	ssyncset.done $0x0  }
0x14d: {  	[sflag:s6] =	ssyncadd.s32 $0xFFFFF830  }
0x14e: {  	_ =	swait.ge [sflag:s6], $0x7D0  }
0x14f: {  	[sflag:s6] =	ssyncset.done $0x0  }
0x150: {  	s20 =	simm.s32 $0xC00;
	s21 =	simm.s32 $0xCF80;
	[sflag:s6] =	ssyncadd.s32 $0xFFFFF830  }
0x151: {  	[tilespmem:s21], [sflag:$0x1] =	stream.indirect.gather [hbm4b:s5+s7], $0x10, s20, s7, $0xb8;
	[tilespmem:$0x14C80] =	vst v63  }
0x152: {  	s22 =	simm.s32 $0xC80;
	s23 =	simm.s32 $0xD750  }
0x153: {  	[tilespmem:s23], [sflag:$0x1] =	stream.indirect.gather [hbm4b:s5+s7], $0x10, s22, s7, $0xb8;
	[tilespmem:$0x14C80] =	vst v63  }
0x154: {  	s24 =	simm.s32 $0xD00;
	s25 =	simm.s32 $0xDF20  }
0x155: {  	[tilespmem:s25], [sflag:$0x1] =	stream.indirect.gather [hbm4b:s5+s7], $0x10, s24, s7, $0xb8;
	[tilespmem:$0x14C80] =	vst v63  }
0x156: {  	s26 =	simm.s32 $0xD80;
	s28 =	simm.s32 $0xE6F0  }
0x157: {  	[tilespmem:s28], [sflag:$0x1] =	stream.indirect.gather [hbm4b:s5+s7], $0x10, s26, s7, $0xb8;
	[tilespmem:$0x14C80] =	vst v63  }
0x158: {  	s29 =	simm.s32 $0xE00;
	s30 =	simm.s32 $0xEEC0  }
0x159: {  	[tilespmem:s30], [sflag:$0x1] =	stream.indirect.gather [hbm4b:s5+s7], $0x10, s29, s7, $0xb8;
	[tilespmem:$0x14C80] =	vst v63  }
0x15a: {  	s8 =	simm.s32 $0xE80;
	s9 =	simm.s32 $0xF690  }
0x15b: {  	[tilespmem:s9], [sflag:$0x1] =	stream.indirect.gather [hbm4b:s5+s7], $0x10, s8, s7, $0xb8;
	[tilespmem:$0x14C80] =	vst v63  }
0x15c: {  	s10 =	simm.s32 $0xF00;
	s11 =	simm.s32 $0xFE60  }
0x15d: {  	[tilespmem:s11], [sflag:$0x1] =	stream.indirect.gather [hbm4b:s5+s7], $0x10, s10, s7, $0xb8;
	[tilespmem:$0x14C80] =	vst v63  }
0x15e: {  	s12 =	simm.s32 $0xF80;
	s13 =	simm.s32 $0x10630  }
0x15f: {  	[tilespmem:s13], [sflag:$0x1] =	stream.indirect.gather [hbm4b:s5+s7], $0x10, s12, s7, $0xb8;
	[tilespmem:$0x14C80] =	vst v63  }
0x160: {  	_ =	swait.ge [sflag:s6], $0x7D0  }
0x161: {  	[sflag:s6] =	ssyncset.done $0x0  }
0x162: {  	[sflag:s6] =	ssyncadd.s32 $0xFFFFF830  }
0x163: {  	_ =	swait.ge [sflag:s6], $0x7D0  }
0x164: {  	[sflag:s6] =	ssyncset.done $0x0  }
0x165: {  	[sflag:s6] =	ssyncadd.s32 $0xFFFFF830  }
0x166: {  	_ =	swait.ge [sflag:s6], $0x7D0  }
0x167: {  	[sflag:s6] =	ssyncset.done $0x0  }
0x168: {  	[sflag:s6] =	ssyncadd.s32 $0xFFFFF830  }
0x169: {  	_ =	swait.ge [sflag:s6], $0x7D0  }
0x16a: {  	[sflag:s6] =	ssyncset.done $0x0  }
0x16b: {  	[sflag:s6] =	ssyncadd.s32 $0xFFFFF830  }
0x16c: {  	_ =	swait.ge [sflag:s6], $0x7D0  }
0x16d: {  	[sflag:s6] =	ssyncset.done $0x0  }
0x16e: {  	[sflag:s6] =	ssyncadd.s32 $0xFFFFF830  }
0x16f: {  	_ =	swait.ge [sflag:s6], $0x7D0  }
0x170: {  	[sflag:s6] =	ssyncset.done $0x0  }
0x171: {  	[sflag:s6] =	ssyncadd.s32 $0xFFFFF830  }
0x172: {  	_ =	swait.ge [sflag:s6], $0x7D0  }
0x173: {  	[sflag:s6] =	ssyncset.done $0x0  }
0x174: {  	[sflag:s6] =	ssyncadd.s32 $0xFFFFF830  }
0x175: {  	_ =	swait.ge [sflag:s6], $0x7D0  }
0x176: {  	[sflag:s6] =	ssyncset.done $0x0  }
0x177: {  	s14 =	simm.s32 $0x1000;
	s15 =	simm.s32 $0x10E00;
	[sflag:s6] =	ssyncadd.s32 $0xFFFFF830  }
0x178: {  	[tilespmem:s15], [sflag:$0x1] =	stream.indirect.gather [hbm4b:s5+s7], $0x10, s14, s7, $0xb8;
	[tilespmem:$0x14C80] =	vst v63  }
0x179: {  	s17 =	simm.s32 $0x1080;
	s18 =	simm.s32 $0x115D0  }
0x17a: {  	[tilespmem:s18], [sflag:$0x1] =	stream.indirect.gather [hbm4b:s5+s7], $0x10, s17, s7, $0xb8;
	[tilespmem:$0x14C80] =	vst v63  }
0x17b: {  	s19 =	simm.s32 $0x1100;
	s20 =	simm.s32 $0x11DA0  }
0x17c: {  	[tilespmem:s20], [sflag:$0x1] =	stream.indirect.gather [hbm4b:s5+s7], $0x10, s19, s7, $0xb8;
	[tilespmem:$0x14C80] =	vst v63  }
0x17d: {  	s21 =	simm.s32 $0x1180;
	s22 =	simm.s32 $0x12570  }
0x17e: {  	[tilespmem:s22], [sflag:$0x1] =	stream.indirect.gather [hbm4b:s5+s7], $0x10, s21, s7, $0xb8;
	[tilespmem:$0x14C80] =	vst v63  }
0x17f: {  	s23 =	simm.s32 $0x1200;
	s24 =	simm.s32 $0x12D40  }
0x180: {  	[tilespmem:s24], [sflag:$0x1] =	stream.indirect.gather [hbm4b:s5+s7], $0x10, s23, s7, $0xb8;
	[tilespmem:$0x14C80] =	vst v63  }
0x181: {  	s25 =	simm.s32 $0x1280;
	s26 =	simm.s32 $0x13510  }
0x182: {  	[tilespmem:s26], [sflag:$0x1] =	stream.indirect.gather [hbm4b:s5+s7], $0x10, s25, s7, $0xb8;
	[tilespmem:$0x14C80] =	vst v63  }
0x183: {  	s28 =	simm.s32 $0x1300;
	s29 =	simm.s32 $0x13CE0  }
0x184: {  	[tilespmem:s29], [sflag:$0x1] =	stream.indirect.gather [hbm4b:s5+s7], $0x10, s28, s7, $0xb8;
	[tilespmem:$0x14C80] =	vst v63  }
0x185: {  	s30 =	simm.s32 $0x1380  }
0x186: {  	[tilespmem:s31], [sflag:$0x1] =	stream.indirect.gather [hbm4b:s5+s7], $0x10, s30, s7, $0xb8;
	[tilespmem:$0x14C80] =	vst v63  }
0x187: {  	_ =	swait.ge [sflag:s6], $0x7D0  }
0x188: {  	[sflag:s6] =	ssyncset.done $0x0  }
0x189: {  	[sflag:s6] =	ssyncadd.s32 $0xFFFFF830  }
0x18a: {  	_ =	swait.ge [sflag:s6], $0x7D0  }
0x18b: {  	[sflag:s6] =	ssyncset.done $0x0  }
0x18c: {  	[sflag:s6] =	ssyncadd.s32 $0xFFFFF830  }
0x18d: {  	_ =	swait.ge [sflag:s6], $0x7D0  }
0x18e: {  	[sflag:s6] =	ssyncset.done $0x0  }
0x18f: {  	[sflag:s6] =	ssyncadd.s32 $0xFFFFF830  }
0x190: {  	_ =	swait.ge [sflag:s6], $0x7D0  }
0x191: {  	[sflag:s6] =	ssyncset.done $0x0  }
0x192: {  	[sflag:s6] =	ssyncadd.s32 $0xFFFFF830  }
0x193: {  	_ =	swait.ge [sflag:s6], $0x7D0  }
0x194: {  	[sflag:s6] =	ssyncset.done $0x0  }
0x195: {  	[sflag:s6] =	ssyncadd.s32 $0xFFFFF830  }
0x196: {  	_ =	swait.ge [sflag:s6], $0x7D0  }
0x197: {  	[sflag:s6] =	ssyncset.done $0x0  }
0x198: {  	[sflag:s6] =	ssyncadd.s32 $0xFFFFF830  }
0x199: {  	_ =	swait.ge [sflag:s6], $0x7D0  }
0x19a: {  	[sflag:s6] =	ssyncset.done $0x0  }
0x19b: {  	[sflag:s6] =	ssyncadd.s32 $0xFFFFF830  }
0x19c: {  	p1 =	sne.s32 s0, $0x1;
	_ =	swait.ge [sflag:s6], $0x7D0  }
.Ltmp1:
0x19d: {  	s2 =	simm.s32 $0x0;
	[sflag:s6] =	ssyncset.done $0x0;
	(pc) =	sbr.rel @!p1 .LBB2_4-.Ltmp1, $4  }
0x19e: {  	s4 =	simm.s32 $0x1400;
	s31 =	rddreg [dreg:$0x6];
	[sflag:s6] =	ssyncadd.s32 $0xFFFFF830  }
0x19f: {  	[hbm4b:s31+s2] =	stream.linear.scatter [tilespmem:s4], [sflag:$0x2], $0x13880, $0x38;
	[tilespmem:$0x14C80] =	vst v63  }
0x1a0: {  	p0 =	por $0x1, $0x1;
	_ =	swait.ge [sflag:s16], $0x13880  }
0x1a1: {  	s11 =	sadd.s32 $0xFFFFFFFF, s0;
	s12 =	rddreg [dreg:$0x3];
	[sflag:s16] =	ssyncset.done $0x0  }
0x1a2: {  	s9 =	simm.s32 $0x80  }
0x1a3: {  	s19 =	simm.s32 $0x1BD0;
	s15 =	simm.s32 $0x100;
	s17 =	simm.s32 $0x23A0  }
0x1a4: {  	s22 =	simm.s32 $0x180;
	s26 =	simm.s32 $0x2B70;
	s8 =	simm.s32 $0x200  }
0x1a5: {  	s13 =	simm.s32 $0x3340;
	s3 =	simm.s32 $0x3B10;
	s21 =	simm.s32 $0x42E0  }
0x1a6: {  	s10 =	simm.s32 $0x380;
	s28 =	simm.s32 $0x4AB0;
	s31 =	simm.s32 $0x6220  }
0x1a7: {  	s14 =	simm.s32 $0x69F0;
	s29 =	simm.s32 $0x71C0;
	s25 =	simm.s32 $0x98D0  }
0x1a8: {  	s23 =	simm.s32 $0xA0A0;
	s24 =	simm.s32 $0xA870;
	s30 =	simm.s32 $0xCF80  }
.LBB2_3:
0x1a9: {  	[sflag:s16] =	ssyncadd.s32 $0xFFFEC780  }
0x1aa: {  	[tilespmem:s2], [sflag:$0x2] =	stream.linear.gather [hbm4b:s12+s2], $0x1400, $0x38;
	[tilespmem:$0x14C80] =	vst v63  }
0x1ab: {  	_ =	swait.ge [sflag:s16], $0x1400  }
0x1ac: {  	[sflag:s16] =	ssyncset.done $0x0  }
0x1ad: {  	[sflag:s16] =	ssyncadd.s32 $0xFFFFEC00  }
0x1ae: {  	[tilespmem:s4], [sflag:$0x1] =	stream.indirect.gather [hbm4b:s5+s7], $0x10, s2, s7, $0xb8;
	[tilespmem:$0x14C80] =	vst v63  }
0x1af: {  	_ = 	snop  }
0x1b0: {  	[tilespmem:s19], [sflag:$0x1] =	stream.indirect.gather [hbm4b:s5+s7], $0x10, s9, s7, $0xb8;
	[tilespmem:$0x14C80] =	vst v63  }
0x1b1: {  	_ = 	snop  }
0x1b2: {  	[tilespmem:s17], [sflag:$0x1] =	stream.indirect.gather [hbm4b:s5+s7], $0x10, s15, s7, $0xb8;
	[tilespmem:$0x14C80] =	vst v63  }
0x1b3: {  	_ = 	snop  }
0x1b4: {  	[tilespmem:s26], [sflag:$0x1] =	stream.indirect.gather [hbm4b:s5+s7], $0x10, s22, s7, $0xb8;
	[tilespmem:$0x14C80] =	vst v63  }
0x1b5: {  	_ = 	snop  }
0x1b6: {  	[tilespmem:s13], [sflag:$0x1] =	stream.indirect.gather [hbm4b:s5+s7], $0x10, s8, s7, $0xb8;
	[tilespmem:$0x14C80] =	vst v63  }
0x1b7: {  	s1 =	simm.s32 $0x280  }
0x1b8: {  	[tilespmem:s3], [sflag:$0x1] =	stream.indirect.gather [hbm4b:s5+s7], $0x10, s1, s7, $0xb8;
	[tilespmem:$0x14C80] =	vst v63  }
0x1b9: {  	s4 =	simm.s32 $0x300  }
0x1ba: {  	[tilespmem:s21], [sflag:$0x1] =	stream.indirect.gather [hbm4b:s5+s7], $0x10, s4, s7, $0xb8;
	[tilespmem:$0x14C80] =	vst v63  }
0x1bb: {  	_ = 	snop  }
0x1bc: {  	[tilespmem:s28], [sflag:$0x1] =	stream.indirect.gather [hbm4b:s5+s7], $0x10, s10, s7, $0xb8;
	[tilespmem:$0x14C80] =	vst v63  }
0x1bd: {  	_ =	swait.ge [sflag:s6], $0x7D0  }
0x1be: {  	[sflag:s6] =	ssyncset.done $0x0  }
0x1bf: {  	[sflag:s6] =	ssyncadd.s32 $0xFFFFF830  }
0x1c0: {  	_ =	swait.ge [sflag:s6], $0x7D0  }
0x1c1: {  	[sflag:s6] =	ssyncset.done $0x0  }
0x1c2: {  	[sflag:s6] =	ssyncadd.s32 $0xFFFFF830  }
0x1c3: {  	_ =	swait.ge [sflag:s6], $0x7D0  }
0x1c4: {  	[sflag:s6] =	ssyncset.done $0x0  }
0x1c5: {  	[sflag:s6] =	ssyncadd.s32 $0xFFFFF830  }
0x1c6: {  	_ =	swait.ge [sflag:s6], $0x7D0  }
0x1c7: {  	[sflag:s6] =	ssyncset.done $0x0  }
0x1c8: {  	[sflag:s6] =	ssyncadd.s32 $0xFFFFF830  }
0x1c9: {  	_ =	swait.ge [sflag:s6], $0x7D0  }
0x1ca: {  	[sflag:s6] =	ssyncset.done $0x0  }
0x1cb: {  	[sflag:s6] =	ssyncadd.s32 $0xFFFFF830  }
0x1cc: {  	_ =	swait.ge [sflag:s6], $0x7D0  }
0x1cd: {  	[sflag:s6] =	ssyncset.done $0x0  }
0x1ce: {  	[sflag:s6] =	ssyncadd.s32 $0xFFFFF830  }
0x1cf: {  	_ =	swait.ge [sflag:s6], $0x7D0  }
0x1d0: {  	[sflag:s6] =	ssyncset.done $0x0  }
0x1d1: {  	[sflag:s6] =	ssyncadd.s32 $0xFFFFF830  }
0x1d2: {  	_ =	swait.ge [sflag:s6], $0x7D0  }
0x1d3: {  	[sflag:s6] =	ssyncset.done $0x0  }
0x1d4: {  	s0 =	simm.s32 $0x400;
	s20 =	simm.s32 $0x5280;
	[sflag:s6] =	ssyncadd.s32 $0xFFFFF830  }
0x1d5: {  	[tilespmem:s20], [sflag:$0x1] =	stream.indirect.gather [hbm4b:s5+s7], $0x10, s0, s7, $0xb8;
	[tilespmem:$0x14C80] =	vst v63  }
0x1d6: {  	s12 =	simm.s32 $0x5A50;
	s2 =	simm.s32 $0x480  }
0x1d7: {  	[tilespmem:s12], [sflag:$0x1] =	stream.indirect.gather [hbm4b:s5+s7], $0x10, s2, s7, $0xb8;
	[tilespmem:$0x14C80] =	vst v63  }
0x1d8: {  	s18 =	simm.s32 $0x500  }
0x1d9: {  	[tilespmem:s31], [sflag:$0x1] =	stream.indirect.gather [hbm4b:s5+s7], $0x10, s18, s7, $0xb8;
	[tilespmem:$0x14C80] =	vst v63  }
0x1da: {  	s20 =	simm.s32 $0x580  }
0x1db: {  	[tilespmem:s14], [sflag:$0x1] =	stream.indirect.gather [hbm4b:s5+s7], $0x10, s20, s7, $0xb8;
	[tilespmem:$0x14C80] =	vst v63  }
0x1dc: {  	s18 =	simm.s32 $0x600  }
0x1dd: {  	[tilespmem:s29], [sflag:$0x1] =	stream.indirect.gather [hbm4b:s5+s7], $0x10, s18, s7, $0xb8;
	[tilespmem:$0x14C80] =	vst v63  }
0x1de: {  	s20 =	simm.s32 $0x680;
	s18 =	simm.s32 $0x7990  }
0x1df: {  	[tilespmem:s18], [sflag:$0x1] =	stream.indirect.gather [hbm4b:s5+s7], $0x10, s20, s7, $0xb8;
	[tilespmem:$0x14C80] =	vst v63  }
0x1e0: {  	s18 =	simm.s32 $0x700;
	s20 =	simm.s32 $0x8160  }
0x1e1: {  	[tilespmem:s20], [sflag:$0x1] =	stream.indirect.gather [hbm4b:s5+s7], $0x10, s18, s7, $0xb8;
	[tilespmem:$0x14C80] =	vst v63  }
0x1e2: {  	s18 =	simm.s32 $0x780;
	s20 =	simm.s32 $0x8930  }
0x1e3: {  	[tilespmem:s20], [sflag:$0x1] =	stream.indirect.gather [hbm4b:s5+s7], $0x10, s18, s7, $0xb8;
	[tilespmem:$0x14C80] =	vst v63  }
0x1e4: {  	_ =	swait.ge [sflag:s6], $0x7D0  }
0x1e5: {  	[sflag:s6] =	ssyncset.done $0x0  }
0x1e6: {  	[sflag:s6] =	ssyncadd.s32 $0xFFFFF830  }
0x1e7: {  	_ =	swait.ge [sflag:s6], $0x7D0  }
0x1e8: {  	[sflag:s6] =	ssyncset.done $0x0  }
0x1e9: {  	[sflag:s6] =	ssyncadd.s32 $0xFFFFF830  }
0x1ea: {  	_ =	swait.ge [sflag:s6], $0x7D0  }
0x1eb: {  	[sflag:s6] =	ssyncset.done $0x0  }
0x1ec: {  	[sflag:s6] =	ssyncadd.s32 $0xFFFFF830  }
0x1ed: {  	_ =	swait.ge [sflag:s6], $0x7D0  }
0x1ee: {  	[sflag:s6] =	ssyncset.done $0x0  }
0x1ef: {  	[sflag:s6] =	ssyncadd.s32 $0xFFFFF830  }
0x1f0: {  	_ =	swait.ge [sflag:s6], $0x7D0  }
0x1f1: {  	[sflag:s6] =	ssyncset.done $0x0  }
0x1f2: {  	[sflag:s6] =	ssyncadd.s32 $0xFFFFF830  }
0x1f3: {  	_ =	swait.ge [sflag:s6], $0x7D0  }
0x1f4: {  	[sflag:s6] =	ssyncset.done $0x0  }
0x1f5: {  	[sflag:s6] =	ssyncadd.s32 $0xFFFFF830  }
0x1f6: {  	_ =	swait.ge [sflag:s6], $0x7D0  }
0x1f7: {  	[sflag:s6] =	ssyncset.done $0x0  }
0x1f8: {  	[sflag:s6] =	ssyncadd.s32 $0xFFFFF830  }
0x1f9: {  	_ =	swait.ge [sflag:s6], $0x7D0  }
0x1fa: {  	[sflag:s6] =	ssyncset.done $0x0  }
0x1fb: {  	s18 =	simm.s32 $0x800;
	s20 =	simm.s32 $0x9100;
	[sflag:s6] =	ssyncadd.s32 $0xFFFFF830  }
0x1fc: {  	[tilespmem:s20], [sflag:$0x1] =	stream.indirect.gather [hbm4b:s5+s7], $0x10, s18, s7, $0xb8;
	[tilespmem:$0x14C80] =	vst v63  }
0x1fd: {  	s20 =	simm.s32 $0x880  }
0x1fe: {  	[tilespmem:s25], [sflag:$0x1] =	stream.indirect.gather [hbm4b:s5+s7], $0x10, s20, s7, $0xb8;
	[tilespmem:$0x14C80] =	vst v63  }
0x1ff: {  	s18 =	simm.s32 $0x900  }
0x200: {  	[tilespmem:s23], [sflag:$0x1] =	stream.indirect.gather [hbm4b:s5+s7], $0x10, s18, s7, $0xb8;
	[tilespmem:$0x14C80] =	vst v63  }
0x201: {  	s20 =	simm.s32 $0x980  }
0x202: {  	[tilespmem:s24], [sflag:$0x1] =	stream.indirect.gather [hbm4b:s5+s7], $0x10, s20, s7, $0xb8;
	[tilespmem:$0x14C80] =	vst v63  }
0x203: {  	s18 =	simm.s32 $0xA00;
	s20 =	simm.s32 $0xB040  }
0x204: {  	[tilespmem:s20], [sflag:$0x1] =	stream.indirect.gather [hbm4b:s5+s7], $0x10, s18, s7, $0xb8;
	[tilespmem:$0x14C80] =	vst v63  }
0x205: {  	s18 =	simm.s32 $0xA80;
	s20 =	simm.s32 $0xB810  }
0x206: {  	[tilespmem:s20], [sflag:$0x1] =	stream.indirect.gather [hbm4b:s5+s7], $0x10, s18, s7, $0xb8;
	[tilespmem:$0x14C80] =	vst v63  }
0x207: {  	s18 =	simm.s32 $0xB00;
	s20 =	simm.s32 $0xBFE0  }
0x208: {  	[tilespmem:s20], [sflag:$0x1] =	stream.indirect.gather [hbm4b:s5+s7], $0x10, s18, s7, $0xb8;
	[tilespmem:$0x14C80] =	vst v63  }
0x209: {  	s18 =	simm.s32 $0xB80;
	s20 =	simm.s32 $0xC7B0  }
0x20a: {  	[tilespmem:s20], [sflag:$0x1] =	stream.indirect.gather [hbm4b:s5+s7], $0x10, s18, s7, $0xb8;
	[tilespmem:$0x14C80] =	vst v63  }
0x20b: {  	_ =	swait.ge [sflag:s6], $0x7D0  }
0x20c: {  	[sflag:s6] =	ssyncset.done $0x0  }
0x20d: {  	[sflag:s6] =	ssyncadd.s32 $0xFFFFF830  }
0x20e: {  	_ =	swait.ge [sflag:s6], $0x7D0  }
0x20f: {  	[sflag:s6] =	ssyncset.done $0x0  }
0x210: {  	[sflag:s6] =	ssyncadd.s32 $0xFFFFF830  }
0x211: {  	_ =	swait.ge [sflag:s6], $0x7D0  }
0x212: {  	[sflag:s6] =	ssyncset.done $0x0  }
0x213: {  	[sflag:s6] =	ssyncadd.s32 $0xFFFFF830  }
0x214: {  	_ =	swait.ge [sflag:s6], $0x7D0  }
0x215: {  	[sflag:s6] =	ssyncset.done $0x0  }
0x216: {  	[sflag:s6] =	ssyncadd.s32 $0xFFFFF830  }
0x217: {  	_ =	swait.ge [sflag:s6], $0x7D0  }
0x218: {  	[sflag:s6] =	ssyncset.done $0x0  }
0x219: {  	[sflag:s6] =	ssyncadd.s32 $0xFFFFF830  }
0x21a: {  	_ =	swait.ge [sflag:s6], $0x7D0  }
0x21b: {  	[sflag:s6] =	ssyncset.done $0x0  }
0x21c: {  	[sflag:s6] =	ssyncadd.s32 $0xFFFFF830  }
0x21d: {  	_ =	swait.ge [sflag:s6], $0x7D0  }
0x21e: {  	[sflag:s6] =	ssyncset.done $0x0  }
0x21f: {  	[sflag:s6] =	ssyncadd.s32 $0xFFFFF830  }
0x220: {  	_ =	swait.ge [sflag:s6], $0x7D0  }
0x221: {  	[sflag:s6] =	ssyncset.done $0x0  }
0x222: {  	s20 =	simm.s32 $0xC00;
	[sflag:s6] =	ssyncadd.s32 $0xFFFFF830  }
0x223: {  	[tilespmem:s30], [sflag:$0x1] =	stream.indirect.gather [hbm4b:s5+s7], $0x10, s20, s7, $0xb8;
	[tilespmem:$0x14C80] =	vst v63  }
0x224: {  	s18 =	simm.s32 $0xC80;
	s20 =	simm.s32 $0xD750  }
0x225: {  	[tilespmem:s20], [sflag:$0x1] =	stream.indirect.gather [hbm4b:s5+s7], $0x10, s18, s7, $0xb8;
	[tilespmem:$0x14C80] =	vst v63  }
0x226: {  	s12 =	simm.s32 $0xD00;
	s18 =	simm.s32 $0xDF20  }
0x227: {  	[tilespmem:s18], [sflag:$0x1] =	stream.indirect.gather [hbm4b:s5+s7], $0x10, s12, s7, $0xb8;
	[tilespmem:$0x14C80] =	vst v63  }
0x228: {  	s12 =	simm.s32 $0xD80;
	s18 =	simm.s32 $0xE6F0  }
0x229: {  	[tilespmem:s18], [sflag:$0x1] =	stream.indirect.gather [hbm4b:s5+s7], $0x10, s12, s7, $0xb8;
	[tilespmem:$0x14C80] =	vst v63  }
0x22a: {  	s12 =	simm.s32 $0xE00;
	s18 =	simm.s32 $0xEEC0  }
0x22b: {  	[tilespmem:s18], [sflag:$0x1] =	stream.indirect.gather [hbm4b:s5+s7], $0x10, s12, s7, $0xb8;
	[tilespmem:$0x14C80] =	vst v63  }
0x22c: {  	s12 =	simm.s32 $0xE80;
	s18 =	simm.s32 $0xF690  }
0x22d: {  	[tilespmem:s18], [sflag:$0x1] =	stream.indirect.gather [hbm4b:s5+s7], $0x10, s12, s7, $0xb8;
	[tilespmem:$0x14C80] =	vst v63  }
0x22e: {  	s12 =	simm.s32 $0xF00;
	s18 =	simm.s32 $0xFE60  }
0x22f: {  	[tilespmem:s18], [sflag:$0x1] =	stream.indirect.gather [hbm4b:s5+s7], $0x10, s12, s7, $0xb8;
	[tilespmem:$0x14C80] =	vst v63  }
0x230: {  	s12 =	simm.s32 $0xF80;
	s18 =	simm.s32 $0x10630  }
0x231: {  	[tilespmem:s18], [sflag:$0x1] =	stream.indirect.gather [hbm4b:s5+s7], $0x10, s12, s7, $0xb8;
	[tilespmem:$0x14C80] =	vst v63  }
0x232: {  	_ =	swait.ge [sflag:s6], $0x7D0  }
0x233: {  	[sflag:s6] =	ssyncset.done $0x0  }
0x234: {  	[sflag:s6] =	ssyncadd.s32 $0xFFFFF830  }
0x235: {  	_ =	swait.ge [sflag:s6], $0x7D0  }
0x236: {  	[sflag:s6] =	ssyncset.done $0x0  }
0x237: {  	[sflag:s6] =	ssyncadd.s32 $0xFFFFF830  }
0x238: {  	_ =	swait.ge [sflag:s6], $0x7D0  }
0x239: {  	[sflag:s6] =	ssyncset.done $0x0  }
0x23a: {  	[sflag:s6] =	ssyncadd.s32 $0xFFFFF830  }
0x23b: {  	_ =	swait.ge [sflag:s6], $0x7D0  }
0x23c: {  	[sflag:s6] =	ssyncset.done $0x0  }
0x23d: {  	[sflag:s6] =	ssyncadd.s32 $0xFFFFF830  }
0x23e: {  	_ =	swait.ge [sflag:s6], $0x7D0  }
0x23f: {  	[sflag:s6] =	ssyncset.done $0x0  }
0x240: {  	[sflag:s6] =	ssyncadd.s32 $0xFFFFF830  }
0x241: {  	_ =	swait.ge [sflag:s6], $0x7D0  }
0x242: {  	[sflag:s6] =	ssyncset.done $0x0  }
0x243: {  	[sflag:s6] =	ssyncadd.s32 $0xFFFFF830  }
0x244: {  	_ =	swait.ge [sflag:s6], $0x7D0  }
0x245: {  	[sflag:s6] =	ssyncset.done $0x0  }
0x246: {  	[sflag:s6] =	ssyncadd.s32 $0xFFFFF830  }
0x247: {  	_ =	swait.ge [sflag:s6], $0x7D0  }
0x248: {  	[sflag:s6] =	ssyncset.done $0x0  }
0x249: {  	s12 =	simm.s32 $0x1000;
	s18 =	simm.s32 $0x10E00;
	[sflag:s6] =	ssyncadd.s32 $0xFFFFF830  }
0x24a: {  	[tilespmem:s18], [sflag:$0x1] =	stream.indirect.gather [hbm4b:s5+s7], $0x10, s12, s7, $0xb8;
	[tilespmem:$0x14C80] =	vst v63  }
0x24b: {  	s12 =	simm.s32 $0x1080;
	s18 =	simm.s32 $0x115D0  }
0x24c: {  	[tilespmem:s18], [sflag:$0x1] =	stream.indirect.gather [hbm4b:s5+s7], $0x10, s12, s7, $0xb8;
	[tilespmem:$0x14C80] =	vst v63  }
0x24d: {  	s12 =	simm.s32 $0x1100;
	s18 =	simm.s32 $0x11DA0  }
0x24e: {  	[tilespmem:s18], [sflag:$0x1] =	stream.indirect.gather [hbm4b:s5+s7], $0x10, s12, s7, $0xb8;
	[tilespmem:$0x14C80] =	vst v63  }
0x24f: {  	s12 =	simm.s32 $0x1180;
	s18 =	simm.s32 $0x12570  }
0x250: {  	[tilespmem:s18], [sflag:$0x1] =	stream.indirect.gather [hbm4b:s5+s7], $0x10, s12, s7, $0xb8;
	[tilespmem:$0x14C80] =	vst v63  }
0x251: {  	s12 =	simm.s32 $0x1200;
	s18 =	simm.s32 $0x12D40  }
0x252: {  	[tilespmem:s18], [sflag:$0x1] =	stream.indirect.gather [hbm4b:s5+s7], $0x10, s12, s7, $0xb8;
	[tilespmem:$0x14C80] =	vst v63  }
0x253: {  	s12 =	simm.s32 $0x1280;
	s18 =	simm.s32 $0x13510  }
0x254: {  	[tilespmem:s18], [sflag:$0x1] =	stream.indirect.gather [hbm4b:s5+s7], $0x10, s12, s7, $0xb8;
	[tilespmem:$0x14C80] =	vst v63  }
0x255: {  	s12 =	simm.s32 $0x1300;
	s18 =	simm.s32 $0x13CE0  }
0x256: {  	[tilespmem:s18], [sflag:$0x1] =	stream.indirect.gather [hbm4b:s5+s7], $0x10, s12, s7, $0xb8;
	[tilespmem:$0x14C80] =	vst v63  }
0x257: {  	s12 =	simm.s32 $0x1380;
	s18 =	simm.s32 $0x144B0  }
0x258: {  	[tilespmem:s18], [sflag:$0x1] =	stream.indirect.gather [hbm4b:s5+s7], $0x10, s12, s7, $0xb8;
	[tilespmem:$0x14C80] =	vst v63  }
0x259: {  	_ =	swait.ge [sflag:s6], $0x7D0  }
0x25a: {  	[sflag:s6] =	ssyncset.done $0x0  }
0x25b: {  	[sflag:s6] =	ssyncadd.s32 $0xFFFFF830  }
0x25c: {  	_ =	swait.ge [sflag:s6], $0x7D0  }
0x25d: {  	[sflag:s6] =	ssyncset.done $0x0  }
0x25e: {  	[sflag:s6] =	ssyncadd.s32 $0xFFFFF830  }
0x25f: {  	_ =	swait.ge [sflag:s6], $0x7D0  }
0x260: {  	[sflag:s6] =	ssyncset.done $0x0  }
0x261: {  	[sflag:s6] =	ssyncadd.s32 $0xFFFFF830  }
0x262: {  	_ =	swait.ge [sflag:s6], $0x7D0  }
0x263: {  	[sflag:s6] =	ssyncset.done $0x0  }
0x264: {  	[sflag:s6] =	ssyncadd.s32 $0xFFFFF830  }
0x265: {  	_ =	swait.ge [sflag:s6], $0x7D0  }
0x266: {  	[sflag:s6] =	ssyncset.done $0x0  }
0x267: {  	[sflag:s6] =	ssyncadd.s32 $0xFFFFF830  }
0x268: {  	_ =	swait.ge [sflag:s6], $0x7D0  }
0x269: {  	[sflag:s6] =	ssyncset.done $0x0  }
0x26a: {  	[sflag:s6] =	ssyncadd.s32 $0xFFFFF830  }
0x26b: {  	_ =	swait.ge [sflag:s6], $0x7D0  }
0x26c: {  	[sflag:s6] =	ssyncset.done $0x0  }
0x26d: {  	[sflag:s6] =	ssyncadd.s32 $0xFFFFF830  }
0x26e: {  	_ =	swait.ge [sflag:s6], $0x7D0  }
0x26f: {  	s0 =	simm.s32 $0x0;
	[sflag:s6] =	ssyncset.done $0x0  }
0x270: {  	s2 =	simm.s32 $0x1400;
	s12 =	rddreg [dreg:$0x4];
	[sflag:s6] =	ssyncadd.s32 $0xFFFFF830  }
0x271: {  	[hbm4b:s12+s0] =	stream.linear.scatter [tilespmem:s2], [sflag:$0x2], $0x13880, $0x38;
	[tilespmem:$0x14C80] =	vst v63  }
0x272: {  	_ =	swait.ge [sflag:s16], $0x13880  }
0x273: {  	[sflag:s16] =	ssyncset.done $0x0  }
0x274: {  	s12 =	rddreg [dreg:$0x5];
	[sflag:s16] =	ssyncadd.s32 $0xFFFEC780  }
0x275: {  	[tilespmem:s0], [sflag:$0x2] =	stream.linear.gather [hbm4b:s12+s0], $0x1400, $0x38;
	[tilespmem:$0x14C80] =	vst v63  }
0x276: {  	_ =	swait.ge [sflag:s16], $0x1400  }
0x277: {  	[sflag:s16] =	ssyncset.done $0x0  }
0x278: {  	[sflag:s16] =	ssyncadd.s32 $0xFFFFEC00  }
0x279: {  	[tilespmem:s2], [sflag:$0x1] =	stream.indirect.gather [hbm4b:s5+s7], $0x10, s0, s7, $0xb8;
	[tilespmem:$0x14C80] =	vst v63  }
0x27a: {  	_ = 	snop  }
0x27b: {  	[tilespmem:s19], [sflag:$0x1] =	stream.indirect.gather [hbm4b:s5+s7], $0x10, s9, s7, $0xb8;
	[tilespmem:$0x14C80] =	vst v63  }
0x27c: {  	_ = 	snop  }
0x27d: {  	[tilespmem:s17], [sflag:$0x1] =	stream.indirect.gather [hbm4b:s5+s7], $0x10, s15, s7, $0xb8;
	[tilespmem:$0x14C80] =	vst v63  }
0x27e: {  	_ = 	snop  }
0x27f: {  	[tilespmem:s26], [sflag:$0x1] =	stream.indirect.gather [hbm4b:s5+s7], $0x10, s22, s7, $0xb8;
	[tilespmem:$0x14C80] =	vst v63  }
0x280: {  	_ = 	snop  }
0x281: {  	[tilespmem:s13], [sflag:$0x1] =	stream.indirect.gather [hbm4b:s5+s7], $0x10, s8, s7, $0xb8;
	[tilespmem:$0x14C80] =	vst v63  }
0x282: {  	_ = 	snop  }
0x283: {  	[tilespmem:s3], [sflag:$0x1] =	stream.indirect.gather [hbm4b:s5+s7], $0x10, s1, s7, $0xb8;
	[tilespmem:$0x14C80] =	vst v63  }
0x284: {  	_ = 	snop  }
0x285: {  	[tilespmem:s21], [sflag:$0x1] =	stream.indirect.gather [hbm4b:s5+s7], $0x10, s4, s7, $0xb8;
	[tilespmem:$0x14C80] =	vst v63  }
0x286: {  	_ = 	snop  }
0x287: {  	[tilespmem:s28], [sflag:$0x1] =	stream.indirect.gather [hbm4b:s5+s7], $0x10, s10, s7, $0xb8;
	[tilespmem:$0x14C80] =	vst v63  }
0x288: {  	_ =	swait.ge [sflag:s6], $0x7D0  }
0x289: {  	[sflag:s6] =	ssyncset.done $0x0  }
0x28a: {  	[sflag:s6] =	ssyncadd.s32 $0xFFFFF830  }
0x28b: {  	_ =	swait.ge [sflag:s6], $0x7D0  }
0x28c: {  	[sflag:s6] =	ssyncset.done $0x0  }
0x28d: {  	[sflag:s6] =	ssyncadd.s32 $0xFFFFF830  }
0x28e: {  	_ =	swait.ge [sflag:s6], $0x7D0  }
0x28f: {  	[sflag:s6] =	ssyncset.done $0x0  }
0x290: {  	[sflag:s6] =	ssyncadd.s32 $0xFFFFF830  }
0x291: {  	_ =	swait.ge [sflag:s6], $0x7D0  }
0x292: {  	[sflag:s6] =	ssyncset.done $0x0  }
0x293: {  	[sflag:s6] =	ssyncadd.s32 $0xFFFFF830  }
0x294: {  	_ =	swait.ge [sflag:s6], $0x7D0  }
0x295: {  	[sflag:s6] =	ssyncset.done $0x0  }
0x296: {  	[sflag:s6] =	ssyncadd.s32 $0xFFFFF830  }
0x297: {  	_ =	swait.ge [sflag:s6], $0x7D0  }
0x298: {  	[sflag:s6] =	ssyncset.done $0x0  }
0x299: {  	[sflag:s6] =	ssyncadd.s32 $0xFFFFF830  }
0x29a: {  	_ =	swait.ge [sflag:s6], $0x7D0  }
0x29b: {  	[sflag:s6] =	ssyncset.done $0x0  }
0x29c: {  	[sflag:s6] =	ssyncadd.s32 $0xFFFFF830  }
0x29d: {  	_ =	swait.ge [sflag:s6], $0x7D0  }
0x29e: {  	[sflag:s6] =	ssyncset.done $0x0  }
0x29f: {  	s12 =	simm.s32 $0x400;
	s4 =	simm.s32 $0x5280;
	[sflag:s6] =	ssyncadd.s32 $0xFFFFF830  }
0x2a0: {  	[tilespmem:s4], [sflag:$0x1] =	stream.indirect.gather [hbm4b:s5+s7], $0x10, s12, s7, $0xb8;
	[tilespmem:$0x14C80] =	vst v63  }
0x2a1: {  	s4 =	simm.s32 $0x5A50;
	s12 =	simm.s32 $0x480  }
0x2a2: {  	[tilespmem:s4], [sflag:$0x1] =	stream.indirect.gather [hbm4b:s5+s7], $0x10, s12, s7, $0xb8;
	[tilespmem:$0x14C80] =	vst v63  }
0x2a3: {  	s1 =	simm.s32 $0x500  }
0x2a4: {  	[tilespmem:s31], [sflag:$0x1] =	stream.indirect.gather [hbm4b:s5+s7], $0x10, s1, s7, $0xb8;
	[tilespmem:$0x14C80] =	vst v63  }
0x2a5: {  	s4 =	simm.s32 $0x580  }
0x2a6: {  	[tilespmem:s14], [sflag:$0x1] =	stream.indirect.gather [hbm4b:s5+s7], $0x10, s4, s7, $0xb8;
	[tilespmem:$0x14C80] =	vst v63  }
0x2a7: {  	s12 =	simm.s32 $0x600  }
0x2a8: {  	[tilespmem:s29], [sflag:$0x1] =	stream.indirect.gather [hbm4b:s5+s7], $0x10, s12, s7, $0xb8;
	[tilespmem:$0x14C80] =	vst v63  }
0x2a9: {  	s1 =	simm.s32 $0x7990;
	s12 =	simm.s32 $0x680  }
0x2aa: {  	[tilespmem:s1], [sflag:$0x1] =	stream.indirect.gather [hbm4b:s5+s7], $0x10, s12, s7, $0xb8;
	[tilespmem:$0x14C80] =	vst v63  }
0x2ab: {  	s1 =	simm.s32 $0x8160;
	s12 =	simm.s32 $0x700  }
0x2ac: {  	[tilespmem:s1], [sflag:$0x1] =	stream.indirect.gather [hbm4b:s5+s7], $0x10, s12, s7, $0xb8;
	[tilespmem:$0x14C80] =	vst v63  }
0x2ad: {  	s1 =	simm.s32 $0x8930;
	s12 =	simm.s32 $0x780  }
0x2ae: {  	[tilespmem:s1], [sflag:$0x1] =	stream.indirect.gather [hbm4b:s5+s7], $0x10, s12, s7, $0xb8;
	[tilespmem:$0x14C80] =	vst v63  }
0x2af: {  	_ =	swait.ge [sflag:s6], $0x7D0  }
0x2b0: {  	[sflag:s6] =	ssyncset.done $0x0  }
0x2b1: {  	[sflag:s6] =	ssyncadd.s32 $0xFFFFF830  }
0x2b2: {  	_ =	swait.ge [sflag:s6], $0x7D0  }
0x2b3: {  	[sflag:s6] =	ssyncset.done $0x0  }
0x2b4: {  	[sflag:s6] =	ssyncadd.s32 $0xFFFFF830  }
0x2b5: {  	_ =	swait.ge [sflag:s6], $0x7D0  }
0x2b6: {  	[sflag:s6] =	ssyncset.done $0x0  }
0x2b7: {  	[sflag:s6] =	ssyncadd.s32 $0xFFFFF830  }
0x2b8: {  	_ =	swait.ge [sflag:s6], $0x7D0  }
0x2b9: {  	[sflag:s6] =	ssyncset.done $0x0  }
0x2ba: {  	[sflag:s6] =	ssyncadd.s32 $0xFFFFF830  }
0x2bb: {  	_ =	swait.ge [sflag:s6], $0x7D0  }
0x2bc: {  	[sflag:s6] =	ssyncset.done $0x0  }
0x2bd: {  	[sflag:s6] =	ssyncadd.s32 $0xFFFFF830  }
0x2be: {  	_ =	swait.ge [sflag:s6], $0x7D0  }
0x2bf: {  	[sflag:s6] =	ssyncset.done $0x0  }
0x2c0: {  	[sflag:s6] =	ssyncadd.s32 $0xFFFFF830  }
0x2c1: {  	_ =	swait.ge [sflag:s6], $0x7D0  }
0x2c2: {  	[sflag:s6] =	ssyncset.done $0x0  }
0x2c3: {  	[sflag:s6] =	ssyncadd.s32 $0xFFFFF830  }
0x2c4: {  	_ =	swait.ge [sflag:s6], $0x7D0  }
0x2c5: {  	[sflag:s6] =	ssyncset.done $0x0  }
0x2c6: {  	s1 =	simm.s32 $0x9100;
	s12 =	simm.s32 $0x800;
	[sflag:s6] =	ssyncadd.s32 $0xFFFFF830  }
0x2c7: {  	[tilespmem:s1], [sflag:$0x1] =	stream.indirect.gather [hbm4b:s5+s7], $0x10, s12, s7, $0xb8;
	[tilespmem:$0x14C80] =	vst v63  }
0x2c8: {  	s12 =	simm.s32 $0x880  }
0x2c9: {  	[tilespmem:s25], [sflag:$0x1] =	stream.indirect.gather [hbm4b:s5+s7], $0x10, s12, s7, $0xb8;
	[tilespmem:$0x14C80] =	vst v63  }
0x2ca: {  	s1 =	simm.s32 $0x900  }
0x2cb: {  	[tilespmem:s23], [sflag:$0x1] =	stream.indirect.gather [hbm4b:s5+s7], $0x10, s1, s7, $0xb8;
	[tilespmem:$0x14C80] =	vst v63  }
0x2cc: {  	s12 =	simm.s32 $0x980  }
0x2cd: {  	[tilespmem:s24], [sflag:$0x1] =	stream.indirect.gather [hbm4b:s5+s7], $0x10, s12, s7, $0xb8;
	[tilespmem:$0x14C80] =	vst v63  }
0x2ce: {  	s1 =	simm.s32 $0xB040;
	s12 =	simm.s32 $0xA00  }
0x2cf: {  	[tilespmem:s1], [sflag:$0x1] =	stream.indirect.gather [hbm4b:s5+s7], $0x10, s12, s7, $0xb8;
	[tilespmem:$0x14C80] =	vst v63  }
0x2d0: {  	s1 =	simm.s32 $0xB810;
	s12 =	simm.s32 $0xA80  }
0x2d1: {  	[tilespmem:s1], [sflag:$0x1] =	stream.indirect.gather [hbm4b:s5+s7], $0x10, s12, s7, $0xb8;
	[tilespmem:$0x14C80] =	vst v63  }
0x2d2: {  	s1 =	simm.s32 $0xBFE0;
	s12 =	simm.s32 $0xB00  }
0x2d3: {  	[tilespmem:s1], [sflag:$0x1] =	stream.indirect.gather [hbm4b:s5+s7], $0x10, s12, s7, $0xb8;
	[tilespmem:$0x14C80] =	vst v63  }
0x2d4: {  	s1 =	simm.s32 $0xC7B0;
	s12 =	simm.s32 $0xB80  }
0x2d5: {  	[tilespmem:s1], [sflag:$0x1] =	stream.indirect.gather [hbm4b:s5+s7], $0x10, s12, s7, $0xb8;
	[tilespmem:$0x14C80] =	vst v63  }
0x2d6: {  	_ =	swait.ge [sflag:s6], $0x7D0  }
0x2d7: {  	[sflag:s6] =	ssyncset.done $0x0  }
0x2d8: {  	[sflag:s6] =	ssyncadd.s32 $0xFFFFF830  }
0x2d9: {  	_ =	swait.ge [sflag:s6], $0x7D0  }
0x2da: {  	[sflag:s6] =	ssyncset.done $0x0  }
0x2db: {  	[sflag:s6] =	ssyncadd.s32 $0xFFFFF830  }
0x2dc: {  	_ =	swait.ge [sflag:s6], $0x7D0  }
0x2dd: {  	[sflag:s6] =	ssyncset.done $0x0  }
0x2de: {  	[sflag:s6] =	ssyncadd.s32 $0xFFFFF830  }
0x2df: {  	_ =	swait.ge [sflag:s6], $0x7D0  }
0x2e0: {  	[sflag:s6] =	ssyncset.done $0x0  }
0x2e1: {  	[sflag:s6] =	ssyncadd.s32 $0xFFFFF830  }
0x2e2: {  	_ =	swait.ge [sflag:s6], $0x7D0  }
0x2e3: {  	[sflag:s6] =	ssyncset.done $0x0  }
0x2e4: {  	[sflag:s6] =	ssyncadd.s32 $0xFFFFF830  }
0x2e5: {  	_ =	swait.ge [sflag:s6], $0x7D0  }
0x2e6: {  	[sflag:s6] =	ssyncset.done $0x0  }
0x2e7: {  	[sflag:s6] =	ssyncadd.s32 $0xFFFFF830  }
0x2e8: {  	_ =	swait.ge [sflag:s6], $0x7D0  }
0x2e9: {  	[sflag:s6] =	ssyncset.done $0x0  }
0x2ea: {  	[sflag:s6] =	ssyncadd.s32 $0xFFFFF830  }
0x2eb: {  	_ =	swait.ge [sflag:s6], $0x7D0  }
0x2ec: {  	[sflag:s6] =	ssyncset.done $0x0  }
0x2ed: {  	s12 =	simm.s32 $0xC00;
	[sflag:s6] =	ssyncadd.s32 $0xFFFFF830  }
0x2ee: {  	[tilespmem:s30], [sflag:$0x1] =	stream.indirect.gather [hbm4b:s5+s7], $0x10, s12, s7, $0xb8;
	[tilespmem:$0x14C80] =	vst v63  }
0x2ef: {  	s1 =	simm.s32 $0xC80  }
0x2f0: {  	[tilespmem:s20], [sflag:$0x1] =	stream.indirect.gather [hbm4b:s5+s7], $0x10, s1, s7, $0xb8;
	[tilespmem:$0x14C80] =	vst v63  }
0x2f1: {  	s12 =	simm.s32 $0xDF20;
	s20 =	simm.s32 $0xD00  }
0x2f2: {  	[tilespmem:s12], [sflag:$0x1] =	stream.indirect.gather [hbm4b:s5+s7], $0x10, s20, s7, $0xb8;
	[tilespmem:$0x14C80] =	vst v63  }
0x2f3: {  	s12 =	simm.s32 $0xE6F0;
	s20 =	simm.s32 $0xD80  }
0x2f4: {  	[tilespmem:s12], [sflag:$0x1] =	stream.indirect.gather [hbm4b:s5+s7], $0x10, s20, s7, $0xb8;
	[tilespmem:$0x14C80] =	vst v63  }
0x2f5: {  	s12 =	simm.s32 $0xEEC0;
	s20 =	simm.s32 $0xE00  }
0x2f6: {  	[tilespmem:s12], [sflag:$0x1] =	stream.indirect.gather [hbm4b:s5+s7], $0x10, s20, s7, $0xb8;
	[tilespmem:$0x14C80] =	vst v63  }
0x2f7: {  	s12 =	simm.s32 $0xF690;
	s20 =	simm.s32 $0xE80  }
0x2f8: {  	[tilespmem:s12], [sflag:$0x1] =	stream.indirect.gather [hbm4b:s5+s7], $0x10, s20, s7, $0xb8;
	[tilespmem:$0x14C80] =	vst v63  }
0x2f9: {  	s12 =	simm.s32 $0xFE60;
	s20 =	simm.s32 $0xF00  }
0x2fa: {  	[tilespmem:s12], [sflag:$0x1] =	stream.indirect.gather [hbm4b:s5+s7], $0x10, s20, s7, $0xb8;
	[tilespmem:$0x14C80] =	vst v63  }
0x2fb: {  	s12 =	simm.s32 $0x10630;
	s20 =	simm.s32 $0xF80  }
0x2fc: {  	[tilespmem:s12], [sflag:$0x1] =	stream.indirect.gather [hbm4b:s5+s7], $0x10, s20, s7, $0xb8;
	[tilespmem:$0x14C80] =	vst v63  }
0x2fd: {  	_ =	swait.ge [sflag:s6], $0x7D0  }
0x2fe: {  	[sflag:s6] =	ssyncset.done $0x0  }
0x2ff: {  	[sflag:s6] =	ssyncadd.s32 $0xFFFFF830  }
0x300: {  	_ =	swait.ge [sflag:s6], $0x7D0  }
0x301: {  	[sflag:s6] =	ssyncset.done $0x0  }
0x302: {  	[sflag:s6] =	ssyncadd.s32 $0xFFFFF830  }
0x303: {  	_ =	swait.ge [sflag:s6], $0x7D0  }
0x304: {  	[sflag:s6] =	ssyncset.done $0x0  }
0x305: {  	[sflag:s6] =	ssyncadd.s32 $0xFFFFF830  }
0x306: {  	_ =	swait.ge [sflag:s6], $0x7D0  }
0x307: {  	[sflag:s6] =	ssyncset.done $0x0  }
0x308: {  	[sflag:s6] =	ssyncadd.s32 $0xFFFFF830  }
0x309: {  	_ =	swait.ge [sflag:s6], $0x7D0  }
0x30a: {  	[sflag:s6] =	ssyncset.done $0x0  }
0x30b: {  	[sflag:s6] =	ssyncadd.s32 $0xFFFFF830  }
0x30c: {  	_ =	swait.ge [sflag:s6], $0x7D0  }
0x30d: {  	[sflag:s6] =	ssyncset.done $0x0  }
0x30e: {  	[sflag:s6] =	ssyncadd.s32 $0xFFFFF830  }
0x30f: {  	_ =	swait.ge [sflag:s6], $0x7D0  }
0x310: {  	[sflag:s6] =	ssyncset.done $0x0  }
0x311: {  	[sflag:s6] =	ssyncadd.s32 $0xFFFFF830  }
0x312: {  	_ =	swait.ge [sflag:s6], $0x7D0  }
0x313: {  	[sflag:s6] =	ssyncset.done $0x0  }
0x314: {  	s12 =	simm.s32 $0x10E00;
	s20 =	simm.s32 $0x1000;
	[sflag:s6] =	ssyncadd.s32 $0xFFFFF830  }
0x315: {  	[tilespmem:s12], [sflag:$0x1] =	stream.indirect.gather [hbm4b:s5+s7], $0x10, s20, s7, $0xb8;
	[tilespmem:$0x14C80] =	vst v63  }
0x316: {  	s12 =	simm.s32 $0x115D0;
	s20 =	simm.s32 $0x1080  }
0x317: {  	[tilespmem:s12], [sflag:$0x1] =	stream.indirect.gather [hbm4b:s5+s7], $0x10, s20, s7, $0xb8;
	[tilespmem:$0x14C80] =	vst v63  }
0x318: {  	s12 =	simm.s32 $0x11DA0;
	s20 =	simm.s32 $0x1100  }
0x319: {  	[tilespmem:s12], [sflag:$0x1] =	stream.indirect.gather [hbm4b:s5+s7], $0x10, s20, s7, $0xb8;
	[tilespmem:$0x14C80] =	vst v63  }
0x31a: {  	s12 =	simm.s32 $0x12570;
	s20 =	simm.s32 $0x1180  }
0x31b: {  	[tilespmem:s12], [sflag:$0x1] =	stream.indirect.gather [hbm4b:s5+s7], $0x10, s20, s7, $0xb8;
	[tilespmem:$0x14C80] =	vst v63  }
0x31c: {  	s12 =	simm.s32 $0x12D40;
	s20 =	simm.s32 $0x1200  }
0x31d: {  	[tilespmem:s12], [sflag:$0x1] =	stream.indirect.gather [hbm4b:s5+s7], $0x10, s20, s7, $0xb8;
	[tilespmem:$0x14C80] =	vst v63  }
0x31e: {  	s12 =	simm.s32 $0x13510;
	s20 =	simm.s32 $0x1280  }
0x31f: {  	[tilespmem:s12], [sflag:$0x1] =	stream.indirect.gather [hbm4b:s5+s7], $0x10, s20, s7, $0xb8;
	[tilespmem:$0x14C80] =	vst v63  }
0x320: {  	s12 =	simm.s32 $0x13CE0;
	s20 =	simm.s32 $0x1300  }
0x321: {  	[tilespmem:s12], [sflag:$0x1] =	stream.indirect.gather [hbm4b:s5+s7], $0x10, s20, s7, $0xb8;
	[tilespmem:$0x14C80] =	vst v63  }
0x322: {  	s12 =	simm.s32 $0x1380  }
0x323: {  	[tilespmem:s18], [sflag:$0x1] =	stream.indirect.gather [hbm4b:s5+s7], $0x10, s12, s7, $0xb8;
	[tilespmem:$0x14C80] =	vst v63  }
0x324: {  	_ =	swait.ge [sflag:s6], $0x7D0  }
0x325: {  	[sflag:s6] =	ssyncset.done $0x0  }
0x326: {  	[sflag:s6] =	ssyncadd.s32 $0xFFFFF830  }
0x327: {  	_ =	swait.ge [sflag:s6], $0x7D0  }
0x328: {  	[sflag:s6] =	ssyncset.done $0x0  }
0x329: {  	[sflag:s6] =	ssyncadd.s32 $0xFFFFF830  }
0x32a: {  	_ =	swait.ge [sflag:s6], $0x7D0  }
0x32b: {  	[sflag:s6] =	ssyncset.done $0x0  }
0x32c: {  	[sflag:s6] =	ssyncadd.s32 $0xFFFFF830  }
0x32d: {  	_ =	swait.ge [sflag:s6], $0x7D0  }
0x32e: {  	[sflag:s6] =	ssyncset.done $0x0  }
0x32f: {  	[sflag:s6] =	ssyncadd.s32 $0xFFFFF830  }
0x330: {  	_ =	swait.ge [sflag:s6], $0x7D0  }
0x331: {  	[sflag:s6] =	ssyncset.done $0x0  }
0x332: {  	[sflag:s6] =	ssyncadd.s32 $0xFFFFF830  }
0x333: {  	_ =	swait.ge [sflag:s6], $0x7D0  }
0x334: {  	[sflag:s6] =	ssyncset.done $0x0  }
0x335: {  	[sflag:s6] =	ssyncadd.s32 $0xFFFFF830  }
0x336: {  	_ =	swait.ge [sflag:s6], $0x7D0  }
0x337: {  	[sflag:s6] =	ssyncset.done $0x0  }
0x338: {  	[sflag:s6] =	ssyncadd.s32 $0xFFFFF830  }
0x339: {  	p1 =	sne.s32 s11, $0x1;
	_ =	swait.ge [sflag:s6], $0x7D0  }
.Ltmp2:
0x33a: {  	s2 =	simm.s32 $0x0;
	[sflag:s6] =	ssyncset.done $0x0;
	(pc) =	sbr.rel @p1 .LBB2_3-.Ltmp2, $4  }
0x33b: {  	s4 =	simm.s32 $0x1400;
	s20 =	rddreg [dreg:$0x6];
	[sflag:s6] =	ssyncadd.s32 $0xFFFFF830  }
0x33c: {  	[hbm4b:s20+s2] =	stream.linear.scatter [tilespmem:s4], [sflag:$0x2], $0x13880, $0x38;
	[tilespmem:$0x14C80] =	vst v63  }
0x33d: {  	_ =	swait.ge [sflag:s16], $0x13880  }
0x33e: {  	s11 =	sadd.s32 $0xFFFFFFFF, s11;
	s12 =	rddreg [dreg:$0x3];
	[sflag:s16] =	ssyncset.done $0x0  }
.LBB2_4:
0x33f: {  	[sflag:s16] =	ssyncadd.s32 @p0 $0xFFFEC780  }
0x340: {  	[tilespmem:s2], [sflag:$0x2] =	stream.linear.gather [hbm4b:s12+s2], $0x1400, $0x38;
	[tilespmem:$0x14C80] =	vst v63  }
0x341: {  	_ =	swait.ge [sflag:s16], $0x1400  }
0x342: {  	[sflag:s16] =	ssyncset.done $0x0  }
0x343: {  	[sflag:s16] =	ssyncadd.s32 $0xFFFFEC00  }
0x344: {  	[tilespmem:s4], [sflag:$0x1] =	stream.indirect.gather [hbm4b:s5+s7], $0x10, s2, s7, $0xb8;
	[tilespmem:$0x14C80] =	vst v63  }
0x345: {  	s20 =	simm.s32 $0x80;
	s19 =	simm.s32 $0x1BD0  }
0x346: {  	[tilespmem:s19], [sflag:$0x1] =	stream.indirect.gather [hbm4b:s5+s7], $0x10, s20, s7, $0xb8;
	[tilespmem:$0x14C80] =	vst v63  }
0x347: {  	s18 =	simm.s32 $0x100;
	s17 =	simm.s32 $0x23A0  }
0x348: {  	[tilespmem:s17], [sflag:$0x1] =	stream.indirect.gather [hbm4b:s5+s7], $0x10, s18, s7, $0xb8;
	[tilespmem:$0x14C80] =	vst v63  }
0x349: {  	s28 =	simm.s32 $0x180;
	s15 =	simm.s32 $0x2B70  }
0x34a: {  	[tilespmem:s15], [sflag:$0x1] =	stream.indirect.gather [hbm4b:s5+s7], $0x10, s28, s7, $0xb8;
	[tilespmem:$0x14C80] =	vst v63  }
0x34b: {  	s14 =	simm.s32 $0x200;
	s13 =	simm.s32 $0x3340  }
0x34c: {  	[tilespmem:s13], [sflag:$0x1] =	stream.indirect.gather [hbm4b:s5+s7], $0x10, s14, s7, $0xb8;
	[tilespmem:$0x14C80] =	vst v63  }
0x34d: {  	s10 =	simm.s32 $0x3B10;
	s12 =	simm.s32 $0x280  }
0x34e: {  	[tilespmem:s10], [sflag:$0x1] =	stream.indirect.gather [hbm4b:s5+s7], $0x10, s12, s7, $0xb8;
	[tilespmem:$0x14C80] =	vst v63  }
0x34f: {  	s9 =	simm.s32 $0x300;
	s8 =	simm.s32 $0x42E0  }
0x350: {  	[tilespmem:s8], [sflag:$0x1] =	stream.indirect.gather [hbm4b:s5+s7], $0x10, s9, s7, $0xb8;
	[tilespmem:$0x14C80] =	vst v63  }
0x351: {  	s1 =	simm.s32 $0x380;
	s0 =	simm.s32 $0x4AB0  }
0x352: {  	[tilespmem:s0], [sflag:$0x1] =	stream.indirect.gather [hbm4b:s5+s7], $0x10, s1, s7, $0xb8;
	[tilespmem:$0x14C80] =	vst v63  }
0x353: {  	_ =	swait.ge [sflag:s6], $0x7D0  }
0x354: {  	[sflag:s6] =	ssyncset.done $0x0  }
0x355: {  	[sflag:s6] =	ssyncadd.s32 $0xFFFFF830  }
0x356: {  	_ =	swait.ge [sflag:s6], $0x7D0  }
0x357: {  	[sflag:s6] =	ssyncset.done $0x0  }
0x358: {  	[sflag:s6] =	ssyncadd.s32 $0xFFFFF830  }
0x359: {  	_ =	swait.ge [sflag:s6], $0x7D0  }
0x35a: {  	[sflag:s6] =	ssyncset.done $0x0  }
0x35b: {  	[sflag:s6] =	ssyncadd.s32 $0xFFFFF830  }
0x35c: {  	_ =	swait.ge [sflag:s6], $0x7D0  }
0x35d: {  	[sflag:s6] =	ssyncset.done $0x0  }
0x35e: {  	[sflag:s6] =	ssyncadd.s32 $0xFFFFF830  }
0x35f: {  	_ =	swait.ge [sflag:s6], $0x7D0  }
0x360: {  	[sflag:s6] =	ssyncset.done $0x0  }
0x361: {  	[sflag:s6] =	ssyncadd.s32 $0xFFFFF830  }
0x362: {  	_ =	swait.ge [sflag:s6], $0x7D0  }
0x363: {  	[sflag:s6] =	ssyncset.done $0x0  }
0x364: {  	[sflag:s6] =	ssyncadd.s32 $0xFFFFF830  }
0x365: {  	_ =	swait.ge [sflag:s6], $0x7D0  }
0x366: {  	[sflag:s6] =	ssyncset.done $0x0  }
0x367: {  	[sflag:s6] =	ssyncadd.s32 $0xFFFFF830  }
0x368: {  	_ =	swait.ge [sflag:s6], $0x7D0  }
0x369: {  	[sflag:s6] =	ssyncset.done $0x0  }
0x36a: {  	s3 =	simm.s32 $0x400;
	s11 =	simm.s32 $0x5280;
	[sflag:s6] =	ssyncadd.s32 $0xFFFFF830  }
0x36b: {  	[tilespmem:s11], [sflag:$0x1] =	stream.indirect.gather [hbm4b:s5+s7], $0x10, s3, s7, $0xb8;
	[tilespmem:$0x14C80] =	vst v63  }
0x36c: {  	s26 =	simm.s32 $0x480;
	s29 =	simm.s32 $0x5A50  }
0x36d: {  	[tilespmem:s29], [sflag:$0x1] =	stream.indirect.gather [hbm4b:s5+s7], $0x10, s26, s7, $0xb8;
	[tilespmem:$0x14C80] =	vst v63  }
0x36e: {  	s30 =	simm.s32 $0x500;
	s31 =	simm.s32 $0x6220  }
0x36f: {  	[tilespmem:s31], [sflag:$0x1] =	stream.indirect.gather [hbm4b:s5+s7], $0x10, s30, s7, $0xb8;
	[tilespmem:$0x14C80] =	vst v63  }
0x370: {  	s11 =	simm.s32 $0x580;
	s30 =	simm.s32 $0x69F0  }
0x371: {  	[tilespmem:s30], [sflag:$0x1] =	stream.indirect.gather [hbm4b:s5+s7], $0x10, s11, s7, $0xb8;
	[tilespmem:$0x14C80] =	vst v63  }
0x372: {  	s21 =	simm.s32 $0x71C0;
	s29 =	simm.s32 $0x600  }
0x373: {  	[tilespmem:s21], [sflag:$0x1] =	stream.indirect.gather [hbm4b:s5+s7], $0x10, s29, s7, $0xb8;
	[tilespmem:$0x14C80] =	vst v63  }
0x374: {  	s25 =	simm.s32 $0x7990;
	s26 =	simm.s32 $0x680  }
0x375: {  	[tilespmem:s25], [sflag:$0x1] =	stream.indirect.gather [hbm4b:s5+s7], $0x10, s26, s7, $0xb8;
	[tilespmem:$0x14C80] =	vst v63  }
0x376: {  	s24 =	simm.s32 $0x700;
	s23 =	simm.s32 $0x8160  }
0x377: {  	[tilespmem:s23], [sflag:$0x1] =	stream.indirect.gather [hbm4b:s5+s7], $0x10, s24, s7, $0xb8;
	[tilespmem:$0x14C80] =	vst v63  }
0x378: {  	s22 =	simm.s32 $0x780;
	s3 =	simm.s32 $0x8930  }
0x379: {  	[tilespmem:s3], [sflag:$0x1] =	stream.indirect.gather [hbm4b:s5+s7], $0x10, s22, s7, $0xb8;
	[tilespmem:$0x14C80] =	vst v63  }
0x37a: {  	_ =	swait.ge [sflag:s6], $0x7D0  }
0x37b: {  	[sflag:s6] =	ssyncset.done $0x0  }
0x37c: {  	[sflag:s6] =	ssyncadd.s32 $0xFFFFF830  }
0x37d: {  	_ =	swait.ge [sflag:s6], $0x7D0  }
0x37e: {  	[sflag:s6] =	ssyncset.done $0x0  }
0x37f: {  	[sflag:s6] =	ssyncadd.s32 $0xFFFFF830  }
0x380: {  	_ =	swait.ge [sflag:s6], $0x7D0  }
0x381: {  	[sflag:s6] =	ssyncset.done $0x0  }
0x382: {  	[sflag:s6] =	ssyncadd.s32 $0xFFFFF830  }
0x383: {  	_ =	swait.ge [sflag:s6], $0x7D0  }
0x384: {  	[sflag:s6] =	ssyncset.done $0x0  }
0x385: {  	[sflag:s6] =	ssyncadd.s32 $0xFFFFF830  }
0x386: {  	_ =	swait.ge [sflag:s6], $0x7D0  }
0x387: {  	[sflag:s6] =	ssyncset.done $0x0  }
0x388: {  	[sflag:s6] =	ssyncadd.s32 $0xFFFFF830  }
0x389: {  	_ =	swait.ge [sflag:s6], $0x7D0  }
0x38a: {  	[sflag:s6] =	ssyncset.done $0x0  }
0x38b: {  	[sflag:s6] =	ssyncadd.s32 $0xFFFFF830  }
0x38c: {  	_ =	swait.ge [sflag:s6], $0x7D0  }
0x38d: {  	[sflag:s6] =	ssyncset.done $0x0  }
0x38e: {  	[sflag:s6] =	ssyncadd.s32 $0xFFFFF830  }
0x38f: {  	_ =	swait.ge [sflag:s6], $0x7D0  }
0x390: {  	[sflag:s6] =	ssyncset.done $0x0  }
0x391: {  	s31 =	simm.s32 $0x9100;
	s11 =	simm.s32 $0x800;
	[sflag:s6] =	ssyncadd.s32 $0xFFFFF830  }
0x392: {  	[tilespmem:s31], [sflag:$0x1] =	stream.indirect.gather [hbm4b:s5+s7], $0x10, s11, s7, $0xb8;
	[tilespmem:$0x14C80] =	vst v63  }
0x393: {  	s11 =	simm.s32 $0x880;
	s31 =	simm.s32 $0x98D0  }
0x394: {  	[tilespmem:s31], [sflag:$0x1] =	stream.indirect.gather [hbm4b:s5+s7], $0x10, s11, s7, $0xb8;
	[tilespmem:$0x14C80] =	vst v63  }
0x395: {  	s11 =	simm.s32 $0x900;
	s31 =	simm.s32 $0xA0A0  }
0x396: {  	[tilespmem:s31], [sflag:$0x1] =	stream.indirect.gather [hbm4b:s5+s7], $0x10, s11, s7, $0xb8;
	[tilespmem:$0x14C80] =	vst v63  }
0x397: {  	s11 =	simm.s32 $0x980;
	s31 =	simm.s32 $0xA870  }
0x398: {  	[tilespmem:s31], [sflag:$0x1] =	stream.indirect.gather [hbm4b:s5+s7], $0x10, s11, s7, $0xb8;
	[tilespmem:$0x14C80] =	vst v63  }
0x399: {  	s11 =	simm.s32 $0xA00;
	s31 =	simm.s32 $0xB040  }
0x39a: {  	[tilespmem:s31], [sflag:$0x1] =	stream.indirect.gather [hbm4b:s5+s7], $0x10, s11, s7, $0xb8;
	[tilespmem:$0x14C80] =	vst v63  }
0x39b: {  	s11 =	simm.s32 $0xA80;
	s31 =	simm.s32 $0xB810  }
0x39c: {  	[tilespmem:s31], [sflag:$0x1] =	stream.indirect.gather [hbm4b:s5+s7], $0x10, s11, s7, $0xb8;
	[tilespmem:$0x14C80] =	vst v63  }
0x39d: {  	s11 =	simm.s32 $0xB00;
	s31 =	simm.s32 $0xBFE0  }
0x39e: {  	[tilespmem:s31], [sflag:$0x1] =	stream.indirect.gather [hbm4b:s5+s7], $0x10, s11, s7, $0xb8;
	[tilespmem:$0x14C80] =	vst v63  }
0x39f: {  	s11 =	simm.s32 $0xB80;
	s31 =	simm.s32 $0xC7B0  }
0x3a0: {  	[tilespmem:s31], [sflag:$0x1] =	stream.indirect.gather [hbm4b:s5+s7], $0x10, s11, s7, $0xb8;
	[tilespmem:$0x14C80] =	vst v63  }
0x3a1: {  	_ =	swait.ge [sflag:s6], $0x7D0  }
0x3a2: {  	[sflag:s6] =	ssyncset.done $0x0  }
0x3a3: {  	[sflag:s6] =	ssyncadd.s32 $0xFFFFF830  }
0x3a4: {  	_ =	swait.ge [sflag:s6], $0x7D0  }
0x3a5: {  	[sflag:s6] =	ssyncset.done $0x0  }
0x3a6: {  	[sflag:s6] =	ssyncadd.s32 $0xFFFFF830  }
0x3a7: {  	_ =	swait.ge [sflag:s6], $0x7D0  }
0x3a8: {  	[sflag:s6] =	ssyncset.done $0x0  }
0x3a9: {  	[sflag:s6] =	ssyncadd.s32 $0xFFFFF830  }
0x3aa: {  	_ =	swait.ge [sflag:s6], $0x7D0  }
0x3ab: {  	[sflag:s6] =	ssyncset.done $0x0  }
0x3ac: {  	[sflag:s6] =	ssyncadd.s32 $0xFFFFF830  }
0x3ad: {  	_ =	swait.ge [sflag:s6], $0x7D0  }
0x3ae: {  	[sflag:s6] =	ssyncset.done $0x0  }
0x3af: {  	[sflag:s6] =	ssyncadd.s32 $0xFFFFF830  }
0x3b0: {  	_ =	swait.ge [sflag:s6], $0x7D0  }
0x3b1: {  	[sflag:s6] =	ssyncset.done $0x0  }
0x3b2: {  	[sflag:s6] =	ssyncadd.s32 $0xFFFFF830  }
0x3b3: {  	_ =	swait.ge [sflag:s6], $0x7D0  }
0x3b4: {  	[sflag:s6] =	ssyncset.done $0x0  }
0x3b5: {  	[sflag:s6] =	ssyncadd.s32 $0xFFFFF830  }
0x3b6: {  	_ =	swait.ge [sflag:s6], $0x7D0  }
0x3b7: {  	[sflag:s6] =	ssyncset.done $0x0  }
0x3b8: {  	s11 =	simm.s32 $0xC00;
	s31 =	simm.s32 $0xCF80;
	[sflag:s6] =	ssyncadd.s32 $0xFFFFF830  }
0x3b9: {  	[tilespmem:s31], [sflag:$0x1] =	stream.indirect.gather [hbm4b:s5+s7], $0x10, s11, s7, $0xb8;
	[tilespmem:$0x14C80] =	vst v63  }
0x3ba: {  	s11 =	simm.s32 $0xC80;
	s31 =	simm.s32 $0xD750  }
0x3bb: {  	[tilespmem:s31], [sflag:$0x1] =	stream.indirect.gather [hbm4b:s5+s7], $0x10, s11, s7, $0xb8;
	[tilespmem:$0x14C80] =	vst v63  }
0x3bc: {  	s11 =	simm.s32 $0xD00;
	s31 =	simm.s32 $0xDF20  }
0x3bd: {  	[tilespmem:s31], [sflag:$0x1] =	stream.indirect.gather [hbm4b:s5+s7], $0x10, s11, s7, $0xb8;
	[tilespmem:$0x14C80] =	vst v63  }
0x3be: {  	s11 =	simm.s32 $0xD80;
	s31 =	simm.s32 $0xE6F0  }
0x3bf: {  	[tilespmem:s31], [sflag:$0x1] =	stream.indirect.gather [hbm4b:s5+s7], $0x10, s11, s7, $0xb8;
	[tilespmem:$0x14C80] =	vst v63  }
0x3c0: {  	s11 =	simm.s32 $0xE00;
	s31 =	simm.s32 $0xEEC0  }
0x3c1: {  	[tilespmem:s31], [sflag:$0x1] =	stream.indirect.gather [hbm4b:s5+s7], $0x10, s11, s7, $0xb8;
	[tilespmem:$0x14C80] =	vst v63  }
0x3c2: {  	s11 =	simm.s32 $0xE80;
	s31 =	simm.s32 $0xF690  }
0x3c3: {  	[tilespmem:s31], [sflag:$0x1] =	stream.indirect.gather [hbm4b:s5+s7], $0x10, s11, s7, $0xb8;
	[tilespmem:$0x14C80] =	vst v63  }
0x3c4: {  	s11 =	simm.s32 $0xF00;
	s31 =	simm.s32 $0xFE60  }
0x3c5: {  	[tilespmem:s31], [sflag:$0x1] =	stream.indirect.gather [hbm4b:s5+s7], $0x10, s11, s7, $0xb8;
	[tilespmem:$0x14C80] =	vst v63  }
0x3c6: {  	s11 =	simm.s32 $0xF80;
	s31 =	simm.s32 $0x10630  }
0x3c7: {  	[tilespmem:s31], [sflag:$0x1] =	stream.indirect.gather [hbm4b:s5+s7], $0x10, s11, s7, $0xb8;
	[tilespmem:$0x14C80] =	vst v63  }
0x3c8: {  	_ =	swait.ge [sflag:s6], $0x7D0  }
0x3c9: {  	[sflag:s6] =	ssyncset.done $0x0  }
0x3ca: {  	[sflag:s6] =	ssyncadd.s32 $0xFFFFF830  }
0x3cb: {  	_ =	swait.ge [sflag:s6], $0x7D0  }
0x3cc: {  	[sflag:s6] =	ssyncset.done $0x0  }
0x3cd: {  	[sflag:s6] =	ssyncadd.s32 $0xFFFFF830  }
0x3ce: {  	_ =	swait.ge [sflag:s6], $0x7D0  }
0x3cf: {  	[sflag:s6] =	ssyncset.done $0x0  }
0x3d0: {  	[sflag:s6] =	ssyncadd.s32 $0xFFFFF830  }
0x3d1: {  	_ =	swait.ge [sflag:s6], $0x7D0  }
0x3d2: {  	[sflag:s6] =	ssyncset.done $0x0  }
0x3d3: {  	[sflag:s6] =	ssyncadd.s32 $0xFFFFF830  }
0x3d4: {  	_ =	swait.ge [sflag:s6], $0x7D0  }
0x3d5: {  	[sflag:s6] =	ssyncset.done $0x0  }
0x3d6: {  	[sflag:s6] =	ssyncadd.s32 $0xFFFFF830  }
0x3d7: {  	_ =	swait.ge [sflag:s6], $0x7D0  }
0x3d8: {  	[sflag:s6] =	ssyncset.done $0x0  }
0x3d9: {  	[sflag:s6] =	ssyncadd.s32 $0xFFFFF830  }
0x3da: {  	_ =	swait.ge [sflag:s6], $0x7D0  }
0x3db: {  	[sflag:s6] =	ssyncset.done $0x0  }
0x3dc: {  	[sflag:s6] =	ssyncadd.s32 $0xFFFFF830  }
0x3dd: {  	_ =	swait.ge [sflag:s6], $0x7D0  }
0x3de: {  	[sflag:s6] =	ssyncset.done $0x0  }
0x3df: {  	s11 =	simm.s32 $0x1000;
	s31 =	simm.s32 $0x10E00;
	[sflag:s6] =	ssyncadd.s32 $0xFFFFF830  }
0x3e0: {  	[tilespmem:s31], [sflag:$0x1] =	stream.indirect.gather [hbm4b:s5+s7], $0x10, s11, s7, $0xb8;
	[tilespmem:$0x14C80] =	vst v63  }
0x3e1: {  	s11 =	simm.s32 $0x1080;
	s31 =	simm.s32 $0x115D0  }
0x3e2: {  	[tilespmem:s31], [sflag:$0x1] =	stream.indirect.gather [hbm4b:s5+s7], $0x10, s11, s7, $0xb8;
	[tilespmem:$0x14C80] =	vst v63  }
0x3e3: {  	s11 =	simm.s32 $0x1100;
	s31 =	simm.s32 $0x11DA0  }
0x3e4: {  	[tilespmem:s31], [sflag:$0x1] =	stream.indirect.gather [hbm4b:s5+s7], $0x10, s11, s7, $0xb8;
	[tilespmem:$0x14C80] =	vst v63  }
0x3e5: {  	s11 =	simm.s32 $0x1180;
	s31 =	simm.s32 $0x12570  }
0x3e6: {  	[tilespmem:s31], [sflag:$0x1] =	stream.indirect.gather [hbm4b:s5+s7], $0x10, s11, s7, $0xb8;
	[tilespmem:$0x14C80] =	vst v63  }
0x3e7: {  	s11 =	simm.s32 $0x1200;
	s31 =	simm.s32 $0x12D40  }
0x3e8: {  	[tilespmem:s31], [sflag:$0x1] =	stream.indirect.gather [hbm4b:s5+s7], $0x10, s11, s7, $0xb8;
	[tilespmem:$0x14C80] =	vst v63  }
0x3e9: {  	s11 =	simm.s32 $0x1280;
	s31 =	simm.s32 $0x13510  }
0x3ea: {  	[tilespmem:s31], [sflag:$0x1] =	stream.indirect.gather [hbm4b:s5+s7], $0x10, s11, s7, $0xb8;
	[tilespmem:$0x14C80] =	vst v63  }
0x3eb: {  	s11 =	simm.s32 $0x1300;
	s31 =	simm.s32 $0x13CE0  }
0x3ec: {  	[tilespmem:s31], [sflag:$0x1] =	stream.indirect.gather [hbm4b:s5+s7], $0x10, s11, s7, $0xb8;
	[tilespmem:$0x14C80] =	vst v63  }
0x3ed: {  	s11 =	simm.s32 $0x1380;
	s31 =	simm.s32 $0x144B0  }
0x3ee: {  	[tilespmem:s31], [sflag:$0x1] =	stream.indirect.gather [hbm4b:s5+s7], $0x10, s11, s7, $0xb8;
	[tilespmem:$0x14C80] =	vst v63  }
0x3ef: {  	_ =	swait.ge [sflag:s6], $0x7D0  }
0x3f0: {  	[sflag:s6] =	ssyncset.done $0x0  }
0x3f1: {  	[sflag:s6] =	ssyncadd.s32 $0xFFFFF830  }
0x3f2: {  	_ =	swait.ge [sflag:s6], $0x7D0  }
0x3f3: {  	[sflag:s6] =	ssyncset.done $0x0  }
0x3f4: {  	[sflag:s6] =	ssyncadd.s32 $0xFFFFF830  }
0x3f5: {  	_ =	swait.ge [sflag:s6], $0x7D0  }
0x3f6: {  	[sflag:s6] =	ssyncset.done $0x0  }
0x3f7: {  	[sflag:s6] =	ssyncadd.s32 $0xFFFFF830  }
0x3f8: {  	_ =	swait.ge [sflag:s6], $0x7D0  }
0x3f9: {  	[sflag:s6] =	ssyncset.done $0x0  }
0x3fa: {  	[sflag:s6] =	ssyncadd.s32 $0xFFFFF830  }
0x3fb: {  	_ =	swait.ge [sflag:s6], $0x7D0  }
0x3fc: {  	[sflag:s6] =	ssyncset.done $0x0  }
0x3fd: {  	[sflag:s6] =	ssyncadd.s32 $0xFFFFF830  }
0x3fe: {  	_ =	swait.ge [sflag:s6], $0x7D0  }
0x3ff: {  	[sflag:s6] =	ssyncset.done $0x0  }
0x400: {  	[sflag:s6] =	ssyncadd.s32 $0xFFFFF830  }
0x401: {  	_ =	swait.ge [sflag:s6], $0x7D0  }
0x402: {  	[sflag:s6] =	ssyncset.done $0x0  }
0x403: {  	[sflag:s6] =	ssyncadd.s32 $0xFFFFF830  }
0x404: {  	_ =	swait.ge [sflag:s6], $0x7D0  }
0x405: {  	[sflag:s6] =	ssyncset.done $0x0  }
0x406: {  	s11 =	rddreg [dreg:$0x4];
	[sflag:s6] =	ssyncadd.s32 $0xFFFFF830  }
0x407: {  	[hbm4b:s11+s2] =	stream.linear.scatter [tilespmem:s4], [sflag:$0x2], $0x13880, $0x38;
	[tilespmem:$0x14C80] =	vst v63  }
0x408: {  	_ =	swait.ge [sflag:s16], $0x13880  }
0x409: {  	[sflag:s16] =	ssyncset.done $0x0  }
0x40a: {  	s11 =	rddreg [dreg:$0x5];
	[sflag:s16] =	ssyncadd.s32 $0xFFFEC780  }
0x40b: {  	[tilespmem:s2], [sflag:$0x2] =	stream.linear.gather [hbm4b:s11+s2], $0x1400, $0x38;
	[tilespmem:$0x14C80] =	vst v63  }
0x40c: {  	_ =	swait.ge [sflag:s16], $0x1400  }
0x40d: {  	[sflag:s16] =	ssyncset.done $0x0  }
0x40e: {  	[sflag:s16] =	ssyncadd.s32 $0xFFFFEC00  }
0x40f: {  	[tilespmem:s4], [sflag:$0x1] =	stream.indirect.gather [hbm4b:s5+s7], $0x10, s2, s7, $0xb8;
	[tilespmem:$0x14C80] =	vst v63  }
0x410: {  	_ = 	snop  }
0x411: {  	[tilespmem:s19], [sflag:$0x1] =	stream.indirect.gather [hbm4b:s5+s7], $0x10, s20, s7, $0xb8;
	[tilespmem:$0x14C80] =	vst v63  }
0x412: {  	_ = 	snop  }
0x413: {  	[tilespmem:s17], [sflag:$0x1] =	stream.indirect.gather [hbm4b:s5+s7], $0x10, s18, s7, $0xb8;
	[tilespmem:$0x14C80] =	vst v63  }
0x414: {  	_ = 	snop  }
0x415: {  	[tilespmem:s15], [sflag:$0x1] =	stream.indirect.gather [hbm4b:s5+s7], $0x10, s28, s7, $0xb8;
	[tilespmem:$0x14C80] =	vst v63  }
0x416: {  	_ = 	snop  }
0x417: {  	[tilespmem:s13], [sflag:$0x1] =	stream.indirect.gather [hbm4b:s5+s7], $0x10, s14, s7, $0xb8;
	[tilespmem:$0x14C80] =	vst v63  }
0x418: {  	_ = 	snop  }
0x419: {  	[tilespmem:s10], [sflag:$0x1] =	stream.indirect.gather [hbm4b:s5+s7], $0x10, s12, s7, $0xb8;
	[tilespmem:$0x14C80] =	vst v63  }
0x41a: {  	_ = 	snop  }
0x41b: {  	[tilespmem:s8], [sflag:$0x1] =	stream.indirect.gather [hbm4b:s5+s7], $0x10, s9, s7, $0xb8;
	[tilespmem:$0x14C80] =	vst v63  }
0x41c: {  	_ = 	snop  }
0x41d: {  	[tilespmem:s0], [sflag:$0x1] =	stream.indirect.gather [hbm4b:s5+s7], $0x10, s1, s7, $0xb8;
	[tilespmem:$0x14C80] =	vst v63  }
0x41e: {  	_ =	swait.ge [sflag:s6], $0x7D0  }
0x41f: {  	[sflag:s6] =	ssyncset.done $0x0  }
0x420: {  	[sflag:s6] =	ssyncadd.s32 $0xFFFFF830  }
0x421: {  	_ =	swait.ge [sflag:s6], $0x7D0  }
0x422: {  	[sflag:s6] =	ssyncset.done $0x0  }
0x423: {  	[sflag:s6] =	ssyncadd.s32 $0xFFFFF830  }
0x424: {  	_ =	swait.ge [sflag:s6], $0x7D0  }
0x425: {  	[sflag:s6] =	ssyncset.done $0x0  }
0x426: {  	[sflag:s6] =	ssyncadd.s32 $0xFFFFF830  }
0x427: {  	_ =	swait.ge [sflag:s6], $0x7D0  }
0x428: {  	[sflag:s6] =	ssyncset.done $0x0  }
0x429: {  	[sflag:s6] =	ssyncadd.s32 $0xFFFFF830  }
0x42a: {  	_ =	swait.ge [sflag:s6], $0x7D0  }
0x42b: {  	[sflag:s6] =	ssyncset.done $0x0  }
0x42c: {  	[sflag:s6] =	ssyncadd.s32 $0xFFFFF830  }
0x42d: {  	_ =	swait.ge [sflag:s6], $0x7D0  }
0x42e: {  	[sflag:s6] =	ssyncset.done $0x0  }
0x42f: {  	[sflag:s6] =	ssyncadd.s32 $0xFFFFF830  }
0x430: {  	_ =	swait.ge [sflag:s6], $0x7D0  }
0x431: {  	[sflag:s6] =	ssyncset.done $0x0  }
0x432: {  	[sflag:s6] =	ssyncadd.s32 $0xFFFFF830  }
0x433: {  	_ =	swait.ge [sflag:s6], $0x7D0  }
0x434: {  	[sflag:s6] =	ssyncset.done $0x0  }
0x435: {  	s13 =	simm.s32 $0x400;
	s14 =	simm.s32 $0x5280;
	[sflag:s6] =	ssyncadd.s32 $0xFFFFF830  }
0x436: {  	[tilespmem:s14], [sflag:$0x1] =	stream.indirect.gather [hbm4b:s5+s7], $0x10, s13, s7, $0xb8;
	[tilespmem:$0x14C80] =	vst v63  }
0x437: {  	s17 =	simm.s32 $0x5A50;
	s15 =	simm.s32 $0x480  }
0x438: {  	[tilespmem:s17], [sflag:$0x1] =	stream.indirect.gather [hbm4b:s5+s7], $0x10, s15, s7, $0xb8;
	[tilespmem:$0x14C80] =	vst v63  }
0x439: {  	s19 =	simm.s32 $0x6220;
	s18 =	simm.s32 $0x500  }
0x43a: {  	[tilespmem:s19], [sflag:$0x1] =	stream.indirect.gather [hbm4b:s5+s7], $0x10, s18, s7, $0xb8;
	[tilespmem:$0x14C80] =	vst v63  }
0x43b: {  	s20 =	simm.s32 $0x580  }
0x43c: {  	[tilespmem:s30], [sflag:$0x1] =	stream.indirect.gather [hbm4b:s5+s7], $0x10, s20, s7, $0xb8;
	[tilespmem:$0x14C80] =	vst v63  }
0x43d: {  	_ = 	snop  }
0x43e: {  	[tilespmem:s21], [sflag:$0x1] =	stream.indirect.gather [hbm4b:s5+s7], $0x10, s29, s7, $0xb8;
	[tilespmem:$0x14C80] =	vst v63  }
0x43f: {  	_ = 	snop  }
0x440: {  	[tilespmem:s25], [sflag:$0x1] =	stream.indirect.gather [hbm4b:s5+s7], $0x10, s26, s7, $0xb8;
	[tilespmem:$0x14C80] =	vst v63  }
0x441: {  	_ = 	snop  }
0x442: {  	[tilespmem:s23], [sflag:$0x1] =	stream.indirect.gather [hbm4b:s5+s7], $0x10, s24, s7, $0xb8;
	[tilespmem:$0x14C80] =	vst v63  }
0x443: {  	_ = 	snop  }
0x444: {  	[tilespmem:s3], [sflag:$0x1] =	stream.indirect.gather [hbm4b:s5+s7], $0x10, s22, s7, $0xb8;
	[tilespmem:$0x14C80] =	vst v63  }
0x445: {  	_ =	swait.ge [sflag:s6], $0x7D0  }
0x446: {  	[sflag:s6] =	ssyncset.done $0x0  }
0x447: {  	[sflag:s6] =	ssyncadd.s32 $0xFFFFF830  }
0x448: {  	_ =	swait.ge [sflag:s6], $0x7D0  }
0x449: {  	[sflag:s6] =	ssyncset.done $0x0  }
0x44a: {  	[sflag:s6] =	ssyncadd.s32 $0xFFFFF830  }
0x44b: {  	_ =	swait.ge [sflag:s6], $0x7D0  }
0x44c: {  	[sflag:s6] =	ssyncset.done $0x0  }
0x44d: {  	[sflag:s6] =	ssyncadd.s32 $0xFFFFF830  }
0x44e: {  	_ =	swait.ge [sflag:s6], $0x7D0  }
0x44f: {  	[sflag:s6] =	ssyncset.done $0x0  }
0x450: {  	[sflag:s6] =	ssyncadd.s32 $0xFFFFF830  }
0x451: {  	_ =	swait.ge [sflag:s6], $0x7D0  }
0x452: {  	[sflag:s6] =	ssyncset.done $0x0  }
0x453: {  	[sflag:s6] =	ssyncadd.s32 $0xFFFFF830  }
0x454: {  	_ =	swait.ge [sflag:s6], $0x7D0  }
0x455: {  	[sflag:s6] =	ssyncset.done $0x0  }
0x456: {  	[sflag:s6] =	ssyncadd.s32 $0xFFFFF830  }
0x457: {  	_ =	swait.ge [sflag:s6], $0x7D0  }
0x458: {  	[sflag:s6] =	ssyncset.done $0x0  }
0x459: {  	[sflag:s6] =	ssyncadd.s32 $0xFFFFF830  }
0x45a: {  	_ =	swait.ge [sflag:s6], $0x7D0  }
0x45b: {  	[sflag:s6] =	ssyncset.done $0x0  }
0x45c: {  	s28 =	simm.s32 $0x9100;
	s26 =	simm.s32 $0x800;
	[sflag:s6] =	ssyncadd.s32 $0xFFFFF830  }
0x45d: {  	[tilespmem:s28], [sflag:$0x1] =	stream.indirect.gather [hbm4b:s5+s7], $0x10, s26, s7, $0xb8;
	[tilespmem:$0x14C80] =	vst v63  }
0x45e: {  	s30 =	simm.s32 $0x98D0;
	s29 =	simm.s32 $0x880  }
0x45f: {  	[tilespmem:s30], [sflag:$0x1] =	stream.indirect.gather [hbm4b:s5+s7], $0x10, s29, s7, $0xb8;
	[tilespmem:$0x14C80] =	vst v63  }
0x460: {  	s8 =	simm.s32 $0xA0A0;
	s3 =	simm.s32 $0x900  }
0x461: {  	[tilespmem:s8], [sflag:$0x1] =	stream.indirect.gather [hbm4b:s5+s7], $0x10, s3, s7, $0xb8;
	[tilespmem:$0x14C80] =	vst v63  }
0x462: {  	s10 =	simm.s32 $0xA870;
	s9 =	simm.s32 $0x980  }
0x463: {  	[tilespmem:s10], [sflag:$0x1] =	stream.indirect.gather [hbm4b:s5+s7], $0x10, s9, s7, $0xb8;
	[tilespmem:$0x14C80] =	vst v63  }
0x464: {  	s11 =	simm.s32 $0xA00;
	s12 =	simm.s32 $0xB040  }
0x465: {  	[tilespmem:s12], [sflag:$0x1] =	stream.indirect.gather [hbm4b:s5+s7], $0x10, s11, s7, $0xb8;
	[tilespmem:$0x14C80] =	vst v63  }
0x466: {  	s13 =	simm.s32 $0xA80;
	s14 =	simm.s32 $0xB810  }
0x467: {  	[tilespmem:s14], [sflag:$0x1] =	stream.indirect.gather [hbm4b:s5+s7], $0x10, s13, s7, $0xb8;
	[tilespmem:$0x14C80] =	vst v63  }
0x468: {  	s15 =	simm.s32 $0xB00;
	s17 =	simm.s32 $0xBFE0  }
0x469: {  	[tilespmem:s17], [sflag:$0x1] =	stream.indirect.gather [hbm4b:s5+s7], $0x10, s15, s7, $0xb8;
	[tilespmem:$0x14C80] =	vst v63  }
0x46a: {  	s18 =	simm.s32 $0xB80;
	s19 =	simm.s32 $0xC7B0  }
0x46b: {  	[tilespmem:s19], [sflag:$0x1] =	stream.indirect.gather [hbm4b:s5+s7], $0x10, s18, s7, $0xb8;
	[tilespmem:$0x14C80] =	vst v63  }
0x46c: {  	_ =	swait.ge [sflag:s6], $0x7D0  }
0x46d: {  	[sflag:s6] =	ssyncset.done $0x0  }
0x46e: {  	[sflag:s6] =	ssyncadd.s32 $0xFFFFF830  }
0x46f: {  	_ =	swait.ge [sflag:s6], $0x7D0  }
0x470: {  	[sflag:s6] =	ssyncset.done $0x0  }
0x471: {  	[sflag:s6] =	ssyncadd.s32 $0xFFFFF830  }
0x472: {  	_ =	swait.ge [sflag:s6], $0x7D0  }
0x473: {  	[sflag:s6] =	ssyncset.done $0x0  }
0x474: {  	[sflag:s6] =	ssyncadd.s32 $0xFFFFF830  }
0x475: {  	_ =	swait.ge [sflag:s6], $0x7D0  }
0x476: {  	[sflag:s6] =	ssyncset.done $0x0  }
0x477: {  	[sflag:s6] =	ssyncadd.s32 $0xFFFFF830  }
0x478: {  	_ =	swait.ge [sflag:s6], $0x7D0  }
0x479: {  	[sflag:s6] =	ssyncset.done $0x0  }
0x47a: {  	[sflag:s6] =	ssyncadd.s32 $0xFFFFF830  }
0x47b: {  	_ =	swait.ge [sflag:s6], $0x7D0  }
0x47c: {  	[sflag:s6] =	ssyncset.done $0x0  }
0x47d: {  	[sflag:s6] =	ssyncadd.s32 $0xFFFFF830  }
0x47e: {  	_ =	swait.ge [sflag:s6], $0x7D0  }
0x47f: {  	[sflag:s6] =	ssyncset.done $0x0  }
0x480: {  	[sflag:s6] =	ssyncadd.s32 $0xFFFFF830  }
0x481: {  	_ =	swait.ge [sflag:s6], $0x7D0  }
0x482: {  	[sflag:s6] =	ssyncset.done $0x0  }
0x483: {  	s20 =	simm.s32 $0xC00;
	s21 =	simm.s32 $0xCF80;
	[sflag:s6] =	ssyncadd.s32 $0xFFFFF830  }
0x484: {  	[tilespmem:s21], [sflag:$0x1] =	stream.indirect.gather [hbm4b:s5+s7], $0x10, s20, s7, $0xb8;
	[tilespmem:$0x14C80] =	vst v63  }
0x485: {  	s23 =	simm.s32 $0xD750;
	s22 =	simm.s32 $0xC80  }
0x486: {  	[tilespmem:s23], [sflag:$0x1] =	stream.indirect.gather [hbm4b:s5+s7], $0x10, s22, s7, $0xb8;
	[tilespmem:$0x14C80] =	vst v63  }
0x487: {  	s25 =	simm.s32 $0xDF20;
	s24 =	simm.s32 $0xD00  }
0x488: {  	[tilespmem:s25], [sflag:$0x1] =	stream.indirect.gather [hbm4b:s5+s7], $0x10, s24, s7, $0xb8;
	[tilespmem:$0x14C80] =	vst v63  }
0x489: {  	s26 =	simm.s32 $0xD80;
	s28 =	simm.s32 $0xE6F0  }
0x48a: {  	[tilespmem:s28], [sflag:$0x1] =	stream.indirect.gather [hbm4b:s5+s7], $0x10, s26, s7, $0xb8;
	[tilespmem:$0x14C80] =	vst v63  }
0x48b: {  	s29 =	simm.s32 $0xE00;
	s30 =	simm.s32 $0xEEC0  }
0x48c: {  	[tilespmem:s30], [sflag:$0x1] =	stream.indirect.gather [hbm4b:s5+s7], $0x10, s29, s7, $0xb8;
	[tilespmem:$0x14C80] =	vst v63  }
0x48d: {  	s3 =	simm.s32 $0xE80;
	s8 =	simm.s32 $0xF690  }
0x48e: {  	[tilespmem:s8], [sflag:$0x1] =	stream.indirect.gather [hbm4b:s5+s7], $0x10, s3, s7, $0xb8;
	[tilespmem:$0x14C80] =	vst v63  }
0x48f: {  	s9 =	simm.s32 $0xF00;
	s10 =	simm.s32 $0xFE60  }
0x490: {  	[tilespmem:s10], [sflag:$0x1] =	stream.indirect.gather [hbm4b:s5+s7], $0x10, s9, s7, $0xb8;
	[tilespmem:$0x14C80] =	vst v63  }
0x491: {  	s11 =	simm.s32 $0xF80;
	s12 =	simm.s32 $0x10630  }
0x492: {  	[tilespmem:s12], [sflag:$0x1] =	stream.indirect.gather [hbm4b:s5+s7], $0x10, s11, s7, $0xb8;
	[tilespmem:$0x14C80] =	vst v63  }
0x493: {  	_ =	swait.ge [sflag:s6], $0x7D0  }
0x494: {  	[sflag:s6] =	ssyncset.done $0x0  }
0x495: {  	[sflag:s6] =	ssyncadd.s32 $0xFFFFF830  }
0x496: {  	_ =	swait.ge [sflag:s6], $0x7D0  }
0x497: {  	[sflag:s6] =	ssyncset.done $0x0  }
0x498: {  	[sflag:s6] =	ssyncadd.s32 $0xFFFFF830  }
0x499: {  	_ =	swait.ge [sflag:s6], $0x7D0  }
0x49a: {  	[sflag:s6] =	ssyncset.done $0x0  }
0x49b: {  	[sflag:s6] =	ssyncadd.s32 $0xFFFFF830  }
0x49c: {  	_ =	swait.ge [sflag:s6], $0x7D0  }
0x49d: {  	[sflag:s6] =	ssyncset.done $0x0  }
0x49e: {  	[sflag:s6] =	ssyncadd.s32 $0xFFFFF830  }
0x49f: {  	_ =	swait.ge [sflag:s6], $0x7D0  }
0x4a0: {  	[sflag:s6] =	ssyncset.done $0x0  }
0x4a1: {  	[sflag:s6] =	ssyncadd.s32 $0xFFFFF830  }
0x4a2: {  	_ =	swait.ge [sflag:s6], $0x7D0  }
0x4a3: {  	[sflag:s6] =	ssyncset.done $0x0  }
0x4a4: {  	[sflag:s6] =	ssyncadd.s32 $0xFFFFF830  }
0x4a5: {  	_ =	swait.ge [sflag:s6], $0x7D0  }
0x4a6: {  	[sflag:s6] =	ssyncset.done $0x0  }
0x4a7: {  	[sflag:s6] =	ssyncadd.s32 $0xFFFFF830  }
0x4a8: {  	_ =	swait.ge [sflag:s6], $0x7D0  }
0x4a9: {  	[sflag:s6] =	ssyncset.done $0x0  }
0x4aa: {  	s13 =	simm.s32 $0x1000;
	s14 =	simm.s32 $0x10E00;
	[sflag:s6] =	ssyncadd.s32 $0xFFFFF830  }
0x4ab: {  	[tilespmem:s14], [sflag:$0x1] =	stream.indirect.gather [hbm4b:s5+s7], $0x10, s13, s7, $0xb8;
	[tilespmem:$0x14C80] =	vst v63  }
0x4ac: {  	s15 =	simm.s32 $0x1080;
	s17 =	simm.s32 $0x115D0  }
0x4ad: {  	[tilespmem:s17], [sflag:$0x1] =	stream.indirect.gather [hbm4b:s5+s7], $0x10, s15, s7, $0xb8;
	[tilespmem:$0x14C80] =	vst v63  }
0x4ae: {  	s18 =	simm.s32 $0x1100;
	s19 =	simm.s32 $0x11DA0  }
0x4af: {  	[tilespmem:s19], [sflag:$0x1] =	stream.indirect.gather [hbm4b:s5+s7], $0x10, s18, s7, $0xb8;
	[tilespmem:$0x14C80] =	vst v63  }
0x4b0: {  	s20 =	simm.s32 $0x1180;
	s21 =	simm.s32 $0x12570  }
0x4b1: {  	[tilespmem:s21], [sflag:$0x1] =	stream.indirect.gather [hbm4b:s5+s7], $0x10, s20, s7, $0xb8;
	[tilespmem:$0x14C80] =	vst v63  }
0x4b2: {  	s22 =	simm.s32 $0x1200;
	s23 =	simm.s32 $0x12D40  }
0x4b3: {  	[tilespmem:s23], [sflag:$0x1] =	stream.indirect.gather [hbm4b:s5+s7], $0x10, s22, s7, $0xb8;
	[tilespmem:$0x14C80] =	vst v63  }
0x4b4: {  	s24 =	simm.s32 $0x1280;
	s25 =	simm.s32 $0x13510  }
0x4b5: {  	[tilespmem:s25], [sflag:$0x1] =	stream.indirect.gather [hbm4b:s5+s7], $0x10, s24, s7, $0xb8;
	[tilespmem:$0x14C80] =	vst v63  }
0x4b6: {  	s26 =	simm.s32 $0x1300;
	s28 =	simm.s32 $0x13CE0  }
0x4b7: {  	[tilespmem:s28], [sflag:$0x1] =	stream.indirect.gather [hbm4b:s5+s7], $0x10, s26, s7, $0xb8;
	[tilespmem:$0x14C80] =	vst v63  }
0x4b8: {  	s29 =	simm.s32 $0x1380  }
0x4b9: {  	[tilespmem:s31], [sflag:$0x1] =	stream.indirect.gather [hbm4b:s5+s7], $0x10, s29, s7, $0xb8;
	[tilespmem:$0x14C80] =	vst v63  }
0x4ba: {  	_ =	swait.ge [sflag:s6], $0x7D0  }
0x4bb: {  	[sflag:s6] =	ssyncset.done $0x0  }
0x4bc: {  	[sflag:s6] =	ssyncadd.s32 $0xFFFFF830  }
0x4bd: {  	_ =	swait.ge [sflag:s6], $0x7D0  }
0x4be: {  	[sflag:s6] =	ssyncset.done $0x0  }
0x4bf: {  	[sflag:s6] =	ssyncadd.s32 $0xFFFFF830  }
0x4c0: {  	_ =	swait.ge [sflag:s6], $0x7D0  }
0x4c1: {  	[sflag:s6] =	ssyncset.done $0x0  }
0x4c2: {  	[sflag:s6] =	ssyncadd.s32 $0xFFFFF830  }
0x4c3: {  	_ =	swait.ge [sflag:s6], $0x7D0  }
0x4c4: {  	[sflag:s6] =	ssyncset.done $0x0  }
0x4c5: {  	[sflag:s6] =	ssyncadd.s32 $0xFFFFF830  }
0x4c6: {  	_ =	swait.ge [sflag:s6], $0x7D0  }
0x4c7: {  	[sflag:s6] =	ssyncset.done $0x0  }
0x4c8: {  	[sflag:s6] =	ssyncadd.s32 $0xFFFFF830  }
0x4c9: {  	_ =	swait.ge [sflag:s6], $0x7D0  }
0x4ca: {  	[sflag:s6] =	ssyncset.done $0x0  }
0x4cb: {  	[sflag:s6] =	ssyncadd.s32 $0xFFFFF830  }
0x4cc: {  	_ =	swait.ge [sflag:s6], $0x7D0  }
0x4cd: {  	[sflag:s6] =	ssyncset.done $0x0  }
0x4ce: {  	[sflag:s6] =	ssyncadd.s32 $0xFFFFF830  }
0x4cf: {  	_ =	swait.ge [sflag:s6], $0x7D0  }
0x4d0: {  	[sflag:s6] =	ssyncset.done $0x0  }
0x4d1: {  	s30 =	rddreg [dreg:$0x6];
	[sflag:s6] =	ssyncadd.s32 $0xFFFFF830  }
0x4d2: {  	[hbm4b:s30+s2] =	stream.linear.scatter [tilespmem:s4], [sflag:$0x2], $0x13880, $0x38;
	[tilespmem:$0x14C80] =	vst v63  }
0x4d3: {  	_ =	swait.ge [sflag:s16], $0x13880  }
0x4d4: {  	[sflag:s16] =	ssyncset.done $0x0  }
0x4d5: {  	[sflag:s16] =	ssyncadd.s32 $0xFFFEC780  }
0x4d6: {  	_ =	sfence.sel $0x180000  }
0x4d7: {  	[bflag:$0x0] =	sbarrier.arrive $0xFFFF  }
0x4d8: {  	_ =	strace $0x90000047  }
0x4d9: {  	s31 =	stileid.u32;
	[bflag:$0x2] =	sbarrier.arrive $0xFFFF  }
0x4da: {  	p0 =	sne.s32 s31, $0x0;
	s0 =	rddreg [dreg:$0x2]  }
0x4db: {  	s0 =	sadd.s32 @!p0 $0x100000, s0  }
0x4dc: {  	[sflag:s0] =	ssyncadd.tile.s32 @!p0 $0x1;
	_ =	shalt  }
.Lfunc_end2:
_tile_overlayer_lowered:
.L_overlay_start_2:
0x4dd: {  	(tag) =	ssettag $0x2  }
0x4de: {  	s0 =	rddreg [dreg:$0x0];
	s2 =	stileid.u32  }
0x4df: {  	s1 =	rddreg [dreg:$0x1];
	p0 =	sne.s32 s2, $0x0  }
0x4e0: {  	s3 =	rddreg [dreg:$0x2];
	[bflag:$0x3] =	sbarrier.arrive $0xFFFF;
	s2 =	simm.s32 @!p0 $0x1C02  }
0x4e1: {  	[timem:s3], [sflag:s2] =	dma.local @!p0 [hbm:s0], s1  }
0x4e2: {  	s0 =	simm.s32 @!p0 $0x2  }
0x4e3: {  	_ =	swait.ge @!p0 [sflag:s0], s1  }
0x4e4: {  	s1 =	ssub.s32 @!p0 $0x0, s1;
	[sflag:s0] =	ssyncset.done @!p0 $0x0  }
0x4e5: {  	[sflag:s0] =	ssyncadd.s32 @!p0 s1  }
0x4e6: {  	[bflag:$0x3] =	sbarrier.arrive $0xFFFF  }
0x4e7: {  	_ =	shalt  }

// kernel: kernel.9.cloned.1.call-start
scs
__scs_entry_jumppad:
0x0: {  	(pc) =	sbr.rel $0x88, $3  }
0x1: {  	(tag) =	ssettag $0x0;
	lr =	simm.s32 $0x1  }
0x2: {  	[smem:$0x3F8E] =	sst lr;
	_ =	strace $0xD0000000  }
0x3: {  	_ = 	snop  }
0x4: {  	_ = 	snop  }
0x5: {  	_ = 	snop  }
0x6: {  	_ = 	snop  }
0x7: {  	_ = 	snop  }
__scs_overlays_trampoline_lowered:
0x8: {  	[smem:$0x3F9D] =	sst s0  }
0x9: {  	[smem:$0x3F9E] =	sst s1  }
0xa: {  	[smem:$0x3F9F] =	sst s2  }
0xb: {  	[smem:$0x3FA0] =	sst s3  }
0xc: {  	[smem:$0x3FA1] =	sst s4  }
0xd: {  	[smem:$0x3FA2] =	sst s5  }
0xe: {  	[smem:$0x3FA3] =	sst s6  }
0xf: {  	[smem:$0x3FA4] =	sst s7  }
0x10: {  	[smem:$0x3FA5] =	sst s8  }
0x11: {  	[smem:$0x3FA6] =	sst s9;
	s0 =	simm.s32 @!p0 $0x0  }
0x12: {  	s1 =	sld [smem:$0x3F8C];
	s0 =	simm.s32 @p0 $0x1  }
0x13: {  	[smem:$0x3FA7] =	sst s0;
	s0 =	simm.s32 @!p1 $0x0  }
0x14: {  	s2 =	sld [smem:$0x3F8B];
	s0 =	simm.s32 @p1 $0x1  }
0x15: {  	[smem:$0x3FA8] =	sst s0;
	s0 =	simm.s32 @!p2 $0x0  }
0x16: {  	s3 =	sld [smem:$0x3FDB];
	s0 =	simm.s32 @p2 $0x1  }
0x17: {  	s4 =	simm.s32 $0x1BF5;
	[smem:$0x3FAA] =	sst s0  }
0x18: {  	s0 =	sld [smem:$0x3F8D];
	_ =	swait.ge [sflag:s4], $0x0  }
0x19: {  	s7 =	sld [smem:$0x3F8E]  }
0x1a: {  	s8 =	sadd.s32 $0xFFFFE003, lr  }
0x1b: {  	s9 =	sadd.s32 $0xFFFFFEF7, lr;
	s5 =	simm.s32 $0xFFFFFFFF;
	p2 =	slt.u32 s8, $0xFFFFF086  }
0x1c: {  	p1 =	slt.u32 s9, $0xF7A;
	s5 =	simm.s32 @!p2 $0x0  }
0x1d: {  	s5 =	simm.s32 @p1 $0x1;
	p0 =	seq.s32 s7, s2  }
0x1e: {  	s7 =	smul.u32 @!p0 $0xF7A, s2;
	p2 =	seq.s32 @!p0 s5, $0x0  }
0x1f: {  	s9 =	smul.u32 $0xF7A, s1;
	s8 =	simm.s32 @!p0 $0x1BF5;
	p2 =	por !p2, p0  }
0x20: {  	[sflag:s8] =	ssyncset.s32 @!p0 $0xFFFFF086;
	s6 =	sadd.s32 @!p0 s3, s7;
	s7 =	simm.s32 @!p0 $0x108  }
0x21: {  	s3 =	sadd.s32 s3, s9;
	s6 =	sadd.s32 @!p0 $0x88, s6;
	s7 =	simm.s32 @p2 $0x1082  }
0x22: {  	[simem:s7], [sflag:s8] =	dma.local @!p0 [hbm:s6], $0xF7A  }
0x23: {  	s9 =	sor.u32 $0xD0000000, s2;
	s6 =	simm.s32 $0x108;
	_ =	swait.ge @!p0 [sflag:s8], $0x0  }
0x24: {  	s3 =	sadd.s32 $0x88, s3;
	s6 =	simm.s32 @!p1 $0x1082;
	[sflag:s4] =	ssyncset.s32 $0xFFFFF086  }
0x25: {  	[simem:s6], [sflag:s4] =	dma.local [hbm:s3], $0xF7A  }
0x26: {  	[smem:$0x3F8E] =	sst s1;
	(tag) =	ssettag s2;
	_ =	strace s9  }
0x27: {  	s1 =	sld [smem:$0x3F9E]  }
0x28: {  	s2 =	sld [smem:$0x3F9F]  }
0x29: {  	s4 =	sld [smem:$0x3FA1]  }
0x2a: {  	p0 =	seq.s32 s5, $0x0;
	s5 =	sld [smem:$0x3FA2]  }
0x2b: {  	s6 =	sld [smem:$0x3FA3]  }
0x2c: {  	s7 =	sld [smem:$0x3FA4]  }
0x2d: {  	s3 =	simm.s32 $0x108;
	s8 =	sld [smem:$0x3FA5]  }
0x2e: {  	s3 =	simm.s32 @!p0 $0x1082;
	s9 =	sld [smem:$0x3FA6]  }
0x2f: {  	lr =	sadd.s32 s0, s3;
	s0 =	sld [smem:$0x3F9D]  }
0x30: {  	s3 =	sld [smem:$0x3FA0]  }
0x31: {  	[smem:$0x3FA9] =	sst s10  }
0x32: {  	s10 =	sld [smem:$0x3FA7];
	_ =	sdelay $0x3  }
0x33: {  	p0 =	seq.s32 s10, $0x1;
	s10 =	sld [smem:$0x3FA9];
	_ =	sdelay $0x3  }
0x34: {  	[smem:$0x3FA9] =	sst s10  }
0x35: {  	s10 =	sld [smem:$0x3FA8];
	_ =	sdelay $0x3  }
0x36: {  	p1 =	seq.s32 s10, $0x1;
	s10 =	sld [smem:$0x3FA9];
	_ =	sdelay $0x3  }
0x37: {  	[smem:$0x3FA9] =	sst s10  }
0x38: {  	s10 =	sld [smem:$0x3FAA]  }
0x39: {  	_ = 	snop;
	(pc) =	sbr.ind lr, $3  }
0x3a: {  	_ = 	snop  }
0x3b: {  	_ = 	snop  }
0x3c: {  	p2 =	seq.s32 s10, $0x1;
	s10 =	sld [smem:$0x3FA9]  }
0x3d: {  	_ =	shalt  }
0x3e: {  	_ =	shalt  }
0x3f: {  	_ =	shalt  }
0x40: {  	_ =	shalt  }
0x41: {  	_ =	shalt  }
0x42: {  	_ =	shalt  }
0x43: {  	_ =	shalt  }
0x44: {  	_ =	shalt  }
0x45: {  	_ =	shalt  }
0x46: {  	_ =	shalt  }
0x47: {  	_ =	shalt  }
0x48: {  	_ =	shalt  }
0x49: {  	_ =	shalt  }
0x4a: {  	_ =	shalt  }
0x4b: {  	_ =	shalt  }
0x4c: {  	_ =	shalt  }
0x4d: {  	_ =	shalt  }
0x4e: {  	_ =	shalt  }
0x4f: {  	_ =	shalt  }
0x50: {  	_ =	shalt  }
0x51: {  	_ =	shalt  }
0x52: {  	_ =	shalt  }
0x53: {  	_ =	shalt  }
0x54: {  	_ =	shalt  }
0x55: {  	_ =	shalt  }
0x56: {  	_ =	shalt  }
0x57: {  	_ =	shalt  }
0x58: {  	_ =	shalt  }
0x59: {  	_ =	shalt  }
0x5a: {  	_ =	shalt  }
0x5b: {  	_ =	shalt  }
0x5c: {  	_ =	shalt  }
0x5d: {  	_ =	shalt  }
0x5e: {  	_ =	shalt  }
0x5f: {  	_ =	shalt  }
0x60: {  	_ =	shalt  }
0x61: {  	_ =	shalt  }
0x62: {  	_ =	shalt  }
0x63: {  	_ =	shalt  }
0x64: {  	_ =	shalt  }
0x65: {  	_ =	shalt  }
0x66: {  	_ =	shalt  }
0x67: {  	_ =	shalt  }
0x68: {  	_ =	shalt  }
0x69: {  	_ =	shalt  }
0x6a: {  	_ =	shalt  }
0x6b: {  	_ =	shalt  }
0x6c: {  	_ =	shalt  }
0x6d: {  	_ =	shalt  }
0x6e: {  	_ =	shalt  }
0x6f: {  	_ =	shalt  }
0x70: {  	_ =	shalt  }
0x71: {  	_ =	shalt  }
0x72: {  	_ =	shalt  }
0x73: {  	_ =	shalt  }
0x74: {  	_ =	shalt  }
0x75: {  	_ =	shalt  }
0x76: {  	_ =	shalt  }
0x77: {  	_ =	shalt  }
0x78: {  	_ =	shalt  }
0x79: {  	_ =	shalt  }
0x7a: {  	_ =	shalt  }
0x7b: {  	_ =	shalt  }
0x7c: {  	_ =	shalt  }
0x7d: {  	_ =	shalt  }
0x7e: {  	_ =	shalt  }
0x7f: {  	_ =	shalt  }
0x80: {  	_ =	shalt  }
0x81: {  	_ =	shalt  }
0x82: {  	_ =	shalt  }
0x83: {  	_ =	shalt  }
0x84: {  	_ =	shalt  }
0x85: {  	_ =	shalt  }
0x86: {  	_ =	shalt  }
0x87: {  	_ =	shalt  }
.Lfunc_end0:
.L_simem_size_0:
called_computation.1_lowered:
.L_overlay_start_0:
0x88: {  	s2 =	sld [smem:$0x3FD9]  }
0x89: {  	s3 =	sld [smem:$0x3FFE];
	_ =	sdelay $0x1  }
0x8a: {  	s1 =	srdreg.scid  }
0x8b: {  	s0 =	sand.u32 $0x1, s1  }
0x8c: {  	s16 =	sshll.u32 s0, $0xA;
	s2 =	sadd.s32 s3, s2  }
0x8d: {  	s2 =	sadd.s32 s2, s16  }
0x8e: {  	[smem:$0x3FB5] =	sst s2  }
0x8f: {  	_ = 	snop  }
0x90: {  	(tm) =	ssettm $0x1  }
0x91: {  	s17 =	sld [smem:$0x3FFB];
	_ =	sdelay $0x3  }
0x92: {  	_ =	strace s17  }
0x93: {  	s2 =	sld [smem:$0x3FFC];
	_ =	sdelay $0x3  }
0x94: {  	_ =	strace s2  }
0x95: {  	s2 =	sld [smem:$0x3FFD];
	_ =	sdelay $0x3  }
0x96: {  	_ =	strace s2  }
0x97: {  	_ =	strace $0x8FFFFFFF  }
0x98: {  	s18 =	sld [smem:$0x3FDB];
	_ =	sdelay $0x1  }
0x99: {  	s19 =	simm.s32 $_scs_section_size  }
0x9a: {  	s4 =	simm.s32 $_size__tile_overlayer_lowered;
	s5 =	simm.s32 $_tile_overlayer_lowered  }
0x9b: {  	s22 =	simm.s32 $0x1BFF;
	s21 =	sshll.u32 s5, $0x1;
	s2 =	sadd.s32 s19, s18  }
0x9c: {  	s6 =	simm.s32 $0x0;
	s20 =	sshll.u32 s4, $0x1;
	s4 =	sadd.s32 s21, s2  }
0x9d: {  	[timem:s6], [sflag:s22] =	dma.local [hbm:s4], s20  }
0x9e: {  	_ =	swait.ge [sflag:s22], s20  }
0x9f: {  	s3 =	ssub.s32 $0x0, s20;
	[sflag:s22] =	ssyncset.done $0x0  }
0xa0: {  	[sflag:s22] =	ssyncadd.s32 s3;
	_ =	sdelay $0x1  }
0xa1: {  	s23 =	simm.s32 $0x1B8B  }
0xa2: {  	_ =	swait.ge [sflag:s23], $0x1  }
0xa3: {  	[sflag:s23] =	ssyncset.done $0x0  }
0xa4: {  	s25 =	simm.s32 $0x1B8E;
	s24 =	sld [smem:$0x3FFE];
	[sflag:s23] =	ssyncadd.s32 $0xFFFFFFFF  }
0xa5: {  	s26 =	simm.s32 $execute0_lowered;
	[smem:$0x3FD2] =	sst s25  }
0xa6: {  	s4 =	sshll.u32 s26, $0x1;
	_ =	strace $0x80000049;
	[dreg:$0x1] =	wrdreg $0xFFFFFFFF  }
0xa7: {  	s28 =	simm.s32 $_size_execute0_lowered;
	s2 =	sadd.s32 s2, s4;
	[dreg:$0x0] =	wrdreg $0x0  }
0xa8: {  	s4 =	sshll.u32 s28, $0x1;
	[dreg:$0x2] =	wrdreg s2  }
0xa9: {  	[dreg:$0x3] =	wrdreg s4  }
0xaa: {  	[dreg:$0x4] =	wrdreg $0xC0  }
0xab: {  	_ =	task [dreg:s6], $0x5FFFF  }
0xac: {  	[dreg:$0x1] =	wrdreg $0xFFFFFFFF  }
0xad: {  	[dreg:$0x0] =	wrdreg $0x60  }
0xae: {  	[dreg:$0x2] =	wrdreg s24  }
0xaf: {  	[dreg:$0x3] =	wrdreg $0x33400  }
0xb0: {  	[dreg:$0x4] =	wrdreg $0x5A500  }
0xb1: {  	[dreg:$0x5] =	wrdreg $0x9  }
0xb2: {  	_ =	task.clear_ibuf [dreg:s6], $0x6FFFF;
	_ =	strace $0x90000049  }
0xb3: {  	s29 =	simm.s32 $0x9;
	_ =	strace $0x8000004B  }
0xb4: {  	_ =	swait.ge [sflag:s29], $0x1  }
0xb5: {  	[sflag:s29] =	ssyncadd.s32 $0xFFFFFFFF  }
0xb6: {  	_ =	strace $0x9000004B  }
0xb7: {  	_ =	sfence  }
0xb8: {  	s30 =	sld [smem:$0x0];
	_ =	sdelay $0x2  }
0xb9: {  	s31 =	sshll.u32 s1, $0xD;
	s1 =	sshrl.u32 s1, $0x2  }
0xba: {  	s3 =	sand.u32 $0x4000, s31;
	s1 =	sadd.s32 s1, s30  }
0xbb: {  	s0 =	sor.u32 s3, s0;
	s1 =	sshll.u32 s1, $0x11  }
0xbc: {  	s0 =	sor.u32 s1, s0  }
0xbd: {  	s0 =	sadd.s32 $0x8F2B, s0  }
0xbe: {  	[sflag:s0] =	ssyncadd.remote.s32 $0x1  }
0xbf: {  	_ =	sfence.sel $0xFFFF  }
0xc0: {  	[dreg:$0x0] =	wrdreg $0xFFFFFFFF;
	(pc) =	sbr.abs _section_cstart, $3  }
0xc1: {  	[dreg:$0x1] =	wrdreg $0xFFFFFFFF  }
0xc2: {  	_ =	task.clear_ibuf [dreg:s6], $0x2FFFF;
	_ =	strace $0x9FFFFFFF  }
0xc3: {  	(tm) =	ssettm $0x7FFFFFFF  }
tec
execute0_lowered:
.L_overlay_start_1:
0x0: {  	(tag) =	ssettag $0x1  }
0x1: {  	s0 =	rddreg [dreg:$0x0]  }
0x2: {  	s1 =	rddreg [dreg:$0x1]  }
0x3: {  	s3 =	rddreg [dreg:$0x2];
	s4 =	simm.s32 $0x0  }
0x4: {  	s2 =	srdreg.scid;
	s12 =	stileid.u32;
	s28 =	simm.s32 $0x1400  }
0x5: {  	s29 =	simm.s32 $0x2;
	s30 =	simm.s32 $0x23A0;
	s31 =	simm.s32 $0x1BD0  }
0x6: {  	[smem:$0x7FF] =	sst s4;
	s2 =	sand.u32 $0x1, s2;
	s5 =	smul.u32 $0x271, s12  }
0x7: {  	s6 =	sshll.u32 s12, $0x1;
	s8 =	sadd.s32 $0x8400, s0;
	s12 =	smul.u32 $0x2710, s12  }
0x8: {  	s9 =	sadd.s32 $0xA9A00, s0;
	_ =	strace $0x8000004A;
	s7 =	smul.u32 $0x4E20, s2  }
0x9: {  	s6 =	sor.u32 s2, s6;
	s25 =	ssub.s32 $0x2, s2;
	s2 =	smul.u32 $0x1388, s2  }
0xa: {  	s10 =	smul.u32 $0x280, s6;
	s11 =	sshrl.u32 s25, $0x1;
	s26 =	sadd.s32 $0x7D0, s12  }
0xb: {  	s6 =	smul.u32 $0x2710, s6;
	s15 =	sadd.s32 $0xFA0, s12;
	s19 =	sadd.s32 $0x1770, s12  }
0xc: {  	s20 =	sadd.s32 $0x1F40, s12;
	s5 =	sadd.s32 s5, s7;
	s7 =	ssub.s32 s25, s11  }
0xd: {  	s13 =	sadd.s32 s26, s1;
	s14 =	sadd.s32 s15, s1;
	s16 =	sadd.s32 s19, s1  }
0xe: {  	s2 =	sadd.s32 s2, s12;
	s23 =	sadd.s32 s20, s1;
	s24 =	sadd.s32 s26, s3  }
0xf: {  	s26 =	sadd.s32 s15, s3;
	s19 =	sadd.s32 s19, s3;
	[dreg:$0x4] =	wrdreg s13  }
0x10: {  	s20 =	sadd.s32 s20, s3;
	s5 =	sshll.u32 s5, $0x1;
	[dreg:$0x5] =	wrdreg s14  }
0x11: {  	s10 =	sadd.s32 s10, s0;
	[dreg:$0x6] =	wrdreg s16;
	s17 =	sadd.s32 s8, s6  }
0x12: {  	s18 =	sadd.s32 s9, s6;
	s6 =	sadd.s32 $0x2616, s6;
	[dreg:$0xb] =	wrdreg s23  }
0x13: {  	s2 =	sshll.u32 s2, $0x1;
	s16 =	sadd.s32 s12, s3;
	[dreg:$0xc] =	wrdreg s24  }
0x14: {  	[dreg:$0xd] =	wrdreg s26;
	s24 =	smax.u32 s7, $0x1;
	s7 =	simm.s32 $0x1300  }
0x15: {  	s0 =	sadd.s32 s5, s0;
	s5 =	sadd.s32 s12, s1;
	[dreg:$0x7] =	wrdreg s17  }
0x16: {  	[dreg:$0x8] =	wrdreg s18;
	s21 =	sadd.s32 s8, s6;
	s6 =	sadd.s32 s9, s6  }
0x17: {  	s22 =	sadd.s32 $0xF0, s2;
	s2 =	sadd.s32 $0x1F4, s2;
	[dreg:$0x9] =	wrdreg s21  }
0x18: {  	[dreg:$0xa] =	wrdreg s6;
	s25 =	sadd.s32 s22, s8;
	s6 =	sadd.s32 s22, s9  }
0x19: {  	s13 =	sadd.s32 s2, s8;
	s14 =	sadd.s32 s2, s9;
	s21 =	sadd.s32 $0x3400, s10  }
0x1a: {  	s22 =	sadd.s32 $0x56600, s0;
	s23 =	sadd.s32 $0x5B420, s0;
	s0 =	simm.s32 $0x2B70  }
0x1b: {  	s2 =	simm.s32 $0x1;
	s8 =	simm.s32 $0x1380;
	s9 =	simm.s32 $0x0  }
0x1c: {  	v0 =	vimm.f32 $0.0e+00;
	s25 =	sadd.s32 $0xA, s25;
	s26 =	sadd.s32 $0xA, s6;
	s6 =	simm.s32 $0x7D  }
.LBB2_1:
0x1d: {  	s10 =	simm.s32 $0x40;
	s11 =	simm.s32 $0x0  }
.LBB2_2:
0x1e: {  	p0 =	sne.s32 s10, $0x1F00;
	[tilespmem:s11+$0x1400] =	vst v0;
	s11 =	smov.u32 s10;
	s10 =	sadd.s32 $0x40, s10  }
.Ltmp0:
0x1f: {  	(pc) =	sbr.rel @p0 .LBB2_2-.Ltmp0, $2  }
0x20: {  	_ =	sdelay $0x2  }
0x21: {  	s11 =	sshra.s32 s11, $0x2  }
0x22: {  	[tilespmem:s11+$0x1400] =	vst v0  }
0x23: {  	[spmem:s5] =	stream.linear.scatter [tilespmem:s28], [sflag:$0x2], $0x7D0, $0x38;
	[tilespmem:$0x8160] =	vst v63  }
0x24: {  	_ =	swait.ge [sflag:s29], $0x7D0  }
0x25: {  	[sflag:s29] =	ssyncset.done $0x0  }
0x26: {  	s10 =	rddreg [dreg:$0x4];
	[sflag:s29] =	ssyncadd.s32 $0xFFFFF830  }
0x27: {  	[spmem:s10] =	stream.linear.scatter [tilespmem:s28], [sflag:$0x2], $0x7D0, $0x38;
	[tilespmem:$0x8160] =	vst v63  }
0x28: {  	_ =	swait.ge [sflag:s29], $0x7D0  }
0x29: {  	[sflag:s29] =	ssyncset.done $0x0  }
0x2a: {  	s15 =	rddreg [dreg:$0x5];
	[sflag:s29] =	ssyncadd.s32 $0xFFFFF830  }
0x2b: {  	[spmem:s15] =	stream.linear.scatter [tilespmem:s28], [sflag:$0x2], $0x7D0, $0x38;
	[tilespmem:$0x8160] =	vst v63  }
0x2c: {  	_ =	swait.ge [sflag:s29], $0x7D0  }
0x2d: {  	[sflag:s29] =	ssyncset.done $0x0  }
0x2e: {  	s17 =	rddreg [dreg:$0x6];
	[sflag:s29] =	ssyncadd.s32 $0xFFFFF830  }
0x2f: {  	[spmem:s17] =	stream.linear.scatter [tilespmem:s28], [sflag:$0x2], $0x7D0, $0x38;
	[tilespmem:$0x8160] =	vst v63  }
0x30: {  	_ =	swait.ge [sflag:s29], $0x7D0  }
0x31: {  	[sflag:s29] =	ssyncset.done $0x0  }
0x32: {  	s18 =	rddreg [dreg:$0xb];
	[sflag:s29] =	ssyncadd.s32 $0xFFFFF830  }
0x33: {  	[spmem:s18] =	stream.linear.scatter [tilespmem:s28], [sflag:$0x2], $0x7D0, $0x38;
	[tilespmem:$0x8160] =	vst v63  }
0x34: {  	_ =	swait.ge [sflag:s29], $0x7D0  }
0x35: {  	[sflag:s29] =	ssyncset.done $0x0  }
0x36: {  	[sflag:s29] =	ssyncadd.s32 $0xFFFFF830  }
0x37: {  	[spmem:s16] =	stream.linear.scatter [tilespmem:s28], [sflag:$0x2], $0x7D0, $0x38;
	[tilespmem:$0x8160] =	vst v63  }
0x38: {  	_ =	swait.ge [sflag:s29], $0x7D0  }
0x39: {  	[sflag:s29] =	ssyncset.done $0x0  }
0x3a: {  	s11 =	rddreg [dreg:$0xc];
	[sflag:s29] =	ssyncadd.s32 $0xFFFFF830  }
0x3b: {  	[spmem:s11] =	stream.linear.scatter [tilespmem:s28], [sflag:$0x2], $0x7D0, $0x38;
	[tilespmem:$0x8160] =	vst v63  }
0x3c: {  	_ =	swait.ge [sflag:s29], $0x7D0  }
0x3d: {  	[sflag:s29] =	ssyncset.done $0x0  }
0x3e: {  	s12 =	rddreg [dreg:$0xd];
	[sflag:s29] =	ssyncadd.s32 $0xFFFFF830  }
0x3f: {  	[spmem:s12] =	stream.linear.scatter [tilespmem:s28], [sflag:$0x2], $0x7D0, $0x38;
	[tilespmem:$0x8160] =	vst v63  }
0x40: {  	_ =	swait.ge [sflag:s29], $0x7D0  }
0x41: {  	[sflag:s29] =	ssyncset.done $0x0  }
0x42: {  	[sflag:s29] =	ssyncadd.s32 $0xFFFFF830  }
0x43: {  	[spmem:s19] =	stream.linear.scatter [tilespmem:s28], [sflag:$0x2], $0x7D0, $0x38;
	[tilespmem:$0x8160] =	vst v63  }
0x44: {  	_ =	swait.ge [sflag:s29], $0x7D0  }
0x45: {  	[sflag:s29] =	ssyncset.done $0x0  }
0x46: {  	[sflag:s29] =	ssyncadd.s32 $0xFFFFF830  }
0x47: {  	[spmem:s20] =	stream.linear.scatter [tilespmem:s28], [sflag:$0x2], $0x7D0, $0x38;
	[tilespmem:$0x8160] =	vst v63  }
0x48: {  	_ =	swait.ge [sflag:s29], $0x7D0  }
0x49: {  	[sflag:s29] =	ssyncset.done $0x0  }
0x4a: {  	[sflag:s29] =	ssyncadd.s32 $0xFFFFF830  }
0x4b: {  	s10 =	simm.s32 $0x0;
	[bflag:$0x0] =	sbarrier.arrive $0xFFFF  }
0x4c: {  	[tilespmem:s10], [sflag:$0x2] =	stream.linear.gather [hbm4b:s21+s10], $0x1400, $0x38;
	[tilespmem:$0x8160] =	vst v63  }
0x4d: {  	_ =	swait.ge [sflag:s29], $0x1400  }
0x4e: {  	[sflag:s29] =	ssyncset.done $0x0  }
0x4f: {  	s15 =	rddreg [dreg:$0x7];
	[sflag:s29] =	ssyncadd.s32 $0xFFFFEC00  }
0x50: {  	[tilespmem:s28], [sflag:$0x1] =	stream.linear.gather [hbm4b:s15+s10], $0x7D0, $0x38;
	[tilespmem:$0x8160] =	vst v63  }
0x51: {  	s17 =	rddreg [dreg:$0x8]  }
0x52: {  	[tilespmem:s30], [sflag:$0x1] =	stream.linear.gather [hbm4b:s17+s10], $0x7D0, $0x38;
	[tilespmem:$0x8160] =	vst v63  }
0x53: {  	s18 =	sadd.s32 $0x0, s25  }
0x54: {  	[tilespmem:s31], [sflag:$0x1] =	stream.linear.gather [hbm4b:s18+s4], $0x7D0, $0x38;
	[tilespmem:$0x8160] =	vst v63  }
0x55: {  	s12 =	sadd.s32 $0x0, s26  }
0x56: {  	[tilespmem:s0], [sflag:$0x1] =	stream.linear.gather [hbm4b:s12+s4], $0x7D0, $0x38;
	[tilespmem:$0x8160] =	vst v63  }
0x57: {  	_ =	swait.ge [sflag:s2], $0x7D0  }
0x58: {  	[sflag:s2] =	ssyncset.done $0x0  }
0x59: {  	[sflag:s2] =	ssyncadd.s32 $0xFFFFF830  }
0x5a: {  	_ =	swait.ge [sflag:s2], $0x7D0  }
0x5b: {  	[sflag:s2] =	ssyncset.done $0x0  }
0x5c: {  	[sflag:s2] =	ssyncadd.s32 $0xFFFFF830  }
0x5d: {  	[spmem:s1] =	stream.indirect.scatter.add.f32 [tilespmem:s28], [sflag:$0x2], $0x10, s10, s6, $0xb8;
	[tilespmem:$0x8160] =	vst v63  }
0x5e: {  	_ =	swait.ge [sflag:s29], $0x7D0  }
0x5f: {  	[sflag:s29] =	ssyncset.done $0x0  }
0x60: {  	[sflag:s29] =	ssyncadd.s32 $0xFFFFF830  }
0x61: {  	[spmem:s3] =	stream.indirect.scatter.add.f32 [tilespmem:s30], [sflag:$0x2], $0x10, s10, s6, $0xb8;
	[tilespmem:$0x8160] =	vst v63  }
0x62: {  	_ =	swait.ge [sflag:s29], $0x7D0  }
0x63: {  	[sflag:s29] =	ssyncset.done $0x0  }
0x64: {  	s15 =	sadd.s32 $0x0, s13;
	[sflag:s29] =	ssyncadd.s32 $0xFFFFF830  }
0x65: {  	[tilespmem:s28], [sflag:$0x1] =	stream.linear.gather [hbm4b:s15+s4], $0x7D0, $0x38;
	[tilespmem:$0x8160] =	vst v63  }
0x66: {  	s17 =	sadd.s32 $0x0, s14  }
0x67: {  	[tilespmem:s30], [sflag:$0x1] =	stream.linear.gather [hbm4b:s17+s4], $0x7D0, $0x38;
	[tilespmem:$0x8160] =	vst v63  }
0x68: {  	_ =	swait.ge [sflag:s2], $0x7D0  }
0x69: {  	[sflag:s2] =	ssyncset.done $0x0  }
0x6a: {  	[sflag:s2] =	ssyncadd.s32 $0xFFFFF830  }
0x6b: {  	_ =	swait.ge [sflag:s2], $0x7D0  }
0x6c: {  	[sflag:s2] =	ssyncset.done $0x0  }
0x6d: {  	s18 =	simm.s32 $0x80;
	[sflag:s2] =	ssyncadd.s32 $0xFFFFF830  }
0x6e: {  	[spmem:s1] =	stream.indirect.scatter.add.f32 [tilespmem:s31], [sflag:$0x2], $0x10, s18, s6, $0xb8;
	[tilespmem:$0x8160] =	vst v63  }
0x6f: {  	_ =	swait.ge [sflag:s29], $0x7D0  }
0x70: {  	[sflag:s29] =	ssyncset.done $0x0  }
0x71: {  	[sflag:s29] =	ssyncadd.s32 $0xFFFFF830  }
0x72: {  	[spmem:s3] =	stream.indirect.scatter.add.f32 [tilespmem:s0], [sflag:$0x2], $0x10, s18, s6, $0xb8;
	[tilespmem:$0x8160] =	vst v63  }
0x73: {  	s11 =	simm.s32 $0x1F4;
	_ =	swait.ge [sflag:s29], $0x7D0  }
0x74: {  	s12 =	simm.s32 $0x3E8;
	s10 =	simm.s32 $0x100;
	[sflag:s29] =	ssyncset.done $0x0  }
.LBB2_4:
0x75: {  	s17 =	sadd.s32 s11, s25  }
0x76: {  	[sflag:s29] =	ssyncadd.s32 $0xFFFFF830;
	s18 =	smov.u32 s12;
	s15 =	sadd.s32 $0x1F4, s12  }
0x77: {  	[tilespmem:s31], [sflag:$0x1] =	stream.linear.gather [hbm4b:s17+s4], $0x7D0, $0x38;
	[tilespmem:$0x8160] =	vst v63  }
0x78: {  	p0 =	sne.s32 s12, $0x2328;
	s12 =	sadd.s32 s11, s26  }
0x79: {  	[tilespmem:s0], [sflag:$0x1] =	stream.linear.gather [hbm4b:s12+s4], $0x7D0, $0x38;
	[tilespmem:$0x8160] =	vst v63  }
0x7a: {  	_ =	swait.ge [sflag:s2], $0x7D0  }
0x7b: {  	[sflag:s2] =	ssyncset.done $0x0  }
0x7c: {  	[sflag:s2] =	ssyncadd.s32 $0xFFFFF830  }
0x7d: {  	_ =	swait.ge [sflag:s2], $0x7D0  }
0x7e: {  	[sflag:s2] =	ssyncset.done $0x0  }
0x7f: {  	[sflag:s2] =	ssyncadd.s32 $0xFFFFF830  }
0x80: {  	[spmem:s1] =	stream.indirect.scatter.add.f32 [tilespmem:s28], [sflag:$0x2], $0x10, s10, s6, $0xb8;
	[tilespmem:$0x8160] =	vst v63  }
0x81: {  	_ =	swait.ge [sflag:s29], $0x7D0  }
0x82: {  	[sflag:s29] =	ssyncset.done $0x0  }
0x83: {  	[sflag:s29] =	ssyncadd.s32 $0xFFFFF830  }
0x84: {  	[spmem:s3] =	stream.indirect.scatter.add.f32 [tilespmem:s30], [sflag:$0x2], $0x10, s10, s6, $0xb8;
	[tilespmem:$0x8160] =	vst v63  }
0x85: {  	_ =	swait.ge [sflag:s29], $0x7D0  }
0x86: {  	[sflag:s29] =	ssyncset.done $0x0  }
0x87: {  	s12 =	sadd.s32 s11, s13;
	[sflag:s29] =	ssyncadd.s32 $0xFFFFF830  }
0x88: {  	[tilespmem:s28], [sflag:$0x1] =	stream.linear.gather [hbm4b:s12+s4], $0x7D0, $0x38;
	[tilespmem:$0x8160] =	vst v63  }
0x89: {  	s12 =	sadd.s32 s11, s14;
	s11 =	smov.u32 s18  }
0x8a: {  	[tilespmem:s30], [sflag:$0x1] =	stream.linear.gather [hbm4b:s12+s4], $0x7D0, $0x38;
	[tilespmem:$0x8160] =	vst v63  }
0x8b: {  	_ =	swait.ge [sflag:s2], $0x7D0  }
0x8c: {  	[sflag:s2] =	ssyncset.done $0x0  }
0x8d: {  	[sflag:s2] =	ssyncadd.s32 $0xFFFFF830  }
0x8e: {  	_ =	swait.ge [sflag:s2], $0x7D0  }
0x8f: {  	[sflag:s2] =	ssyncset.done $0x0  }
0x90: {  	s12 =	sadd.s32 $0x80, s10;
	[sflag:s2] =	ssyncadd.s32 $0xFFFFF830  }
0x91: {  	[spmem:s1] =	stream.indirect.scatter.add.f32 [tilespmem:s31], [sflag:$0x2], $0x10, s12, s6, $0xb8;
	[tilespmem:$0x8160] =	vst v63  }
0x92: {  	_ =	swait.ge [sflag:s29], $0x7D0  }
.Ltmp1:
0x93: {  	[sflag:s29] =	ssyncset.done $0x0;
	(pc) =	sbr.rel @p0 .LBB2_4-.Ltmp1, $4  }
0x94: {  	[sflag:s29] =	ssyncadd.s32 $0xFFFFF830  }
0x95: {  	[spmem:s3] =	stream.indirect.scatter.add.f32 [tilespmem:s0], [sflag:$0x2], $0x10, s12, s6, $0xb8;
	[tilespmem:$0x8160] =	vst v63  }
0x96: {  	_ =	swait.ge [sflag:s29], $0x7D0  }
0x97: {  	s10 =	sadd.s32 $0x100, s10;
	s12 =	smov.u32 s15;
	[sflag:s29] =	ssyncset.done $0x0  }
0x98: {  	s12 =	sadd.s32 s11, s25;
	[sflag:s29] =	ssyncadd.s32 $0xFFFFF830  }
0x99: {  	[tilespmem:s31], [sflag:$0x1] =	stream.linear.gather [hbm4b:s12+s4], $0x7D0, $0x38;
	[tilespmem:$0x8160] =	vst v63  }
0x9a: {  	s18 =	sadd.s32 s11, s26  }
0x9b: {  	[tilespmem:s0], [sflag:$0x1] =	stream.linear.gather [hbm4b:s18+s4], $0x7D0, $0x38;
	[tilespmem:$0x8160] =	vst v63  }
0x9c: {  	_ =	swait.ge [sflag:s2], $0x7D0  }
0x9d: {  	[sflag:s2] =	ssyncset.done $0x0  }
0x9e: {  	[sflag:s2] =	ssyncadd.s32 $0xFFFFF830  }
0x9f: {  	_ =	swait.ge [sflag:s2], $0x7D0  }
0xa0: {  	[sflag:s2] =	ssyncset.done $0x0  }
0xa1: {  	[sflag:s2] =	ssyncadd.s32 $0xFFFFF830  }
0xa2: {  	[spmem:s1] =	stream.indirect.scatter.add.f32 [tilespmem:s28], [sflag:$0x2], $0x10, s10, s6, $0xb8;
	[tilespmem:$0x8160] =	vst v63  }
0xa3: {  	_ =	swait.ge [sflag:s29], $0x7D0  }
0xa4: {  	[sflag:s29] =	ssyncset.done $0x0  }
0xa5: {  	[sflag:s29] =	ssyncadd.s32 $0xFFFFF830  }
0xa6: {  	[spmem:s3] =	stream.indirect.scatter.add.f32 [tilespmem:s30], [sflag:$0x2], $0x10, s10, s6, $0xb8;
	[tilespmem:$0x8160] =	vst v63  }
0xa7: {  	_ =	swait.ge [sflag:s29], $0x7D0  }
0xa8: {  	[sflag:s29] =	ssyncset.done $0x0  }
0xa9: {  	s15 =	sadd.s32 s11, s13;
	[sflag:s29] =	ssyncadd.s32 $0xFFFFF830  }
0xaa: {  	[tilespmem:s28], [sflag:$0x1] =	stream.linear.gather [hbm4b:s15+s4], $0x7D0, $0x38;
	[tilespmem:$0x8160] =	vst v63  }
0xab: {  	s17 =	sadd.s32 s11, s14  }
0xac: {  	[tilespmem:s30], [sflag:$0x1] =	stream.linear.gather [hbm4b:s17+s4], $0x7D0, $0x38;
	[tilespmem:$0x8160] =	vst v63  }
0xad: {  	_ =	swait.ge [sflag:s2], $0x7D0  }
0xae: {  	[sflag:s2] =	ssyncset.done $0x0  }
0xaf: {  	[sflag:s2] =	ssyncadd.s32 $0xFFFFF830  }
0xb0: {  	_ =	swait.ge [sflag:s2], $0x7D0  }
0xb1: {  	[sflag:s2] =	ssyncset.done $0x0  }
0xb2: {  	s18 =	sadd.s32 $0x80, s10;
	[sflag:s2] =	ssyncadd.s32 $0xFFFFF830  }
0xb3: {  	[spmem:s1] =	stream.indirect.scatter.add.f32 [tilespmem:s31], [sflag:$0x2], $0x10, s18, s6, $0xb8;
	[tilespmem:$0x8160] =	vst v63  }
0xb4: {  	_ =	swait.ge [sflag:s29], $0x7D0  }
0xb5: {  	[sflag:s29] =	ssyncset.done $0x0  }
0xb6: {  	[sflag:s29] =	ssyncadd.s32 $0xFFFFF830  }
0xb7: {  	[spmem:s3] =	stream.indirect.scatter.add.f32 [tilespmem:s0], [sflag:$0x2], $0x10, s18, s6, $0xb8;
	[tilespmem:$0x8160] =	vst v63  }
0xb8: {  	_ =	swait.ge [sflag:s29], $0x7D0  }
0xb9: {  	[sflag:s29] =	ssyncset.done $0x0  }
0xba: {  	s11 =	rddreg [dreg:$0x9];
	[sflag:s29] =	ssyncadd.s32 $0xFFFFF830  }
0xbb: {  	[tilespmem:s31], [sflag:$0x1] =	stream.linear.gather [hbm4b:s11+s4], $0x7D0, $0x38;
	[tilespmem:$0x8160] =	vst v63  }
0xbc: {  	s12 =	rddreg [dreg:$0xa]  }
0xbd: {  	[tilespmem:s0], [sflag:$0x1] =	stream.linear.gather [hbm4b:s12+s4], $0x7D0, $0x38;
	[tilespmem:$0x8160] =	vst v63  }
0xbe: {  	_ =	swait.ge [sflag:s2], $0x7D0  }
0xbf: {  	[sflag:s2] =	ssyncset.done $0x0  }
0xc0: {  	[sflag:s2] =	ssyncadd.s32 $0xFFFFF830  }
0xc1: {  	_ =	swait.ge [sflag:s2], $0x7D0  }
0xc2: {  	[sflag:s2] =	ssyncset.done $0x0  }
0xc3: {  	[sflag:s2] =	ssyncadd.s32 $0xFFFFF830  }
0xc4: {  	[spmem:s1] =	stream.indirect.scatter.add.f32 [tilespmem:s28], [sflag:$0x2], $0x10, s7, s6, $0xb8;
	[tilespmem:$0x8160] =	vst v63  }
0xc5: {  	_ =	swait.ge [sflag:s29], $0x7D0  }
0xc6: {  	[sflag:s29] =	ssyncset.done $0x0  }
0xc7: {  	[sflag:s29] =	ssyncadd.s32 $0xFFFFF830  }
0xc8: {  	[spmem:s3] =	stream.indirect.scatter.add.f32 [tilespmem:s30], [sflag:$0x2], $0x10, s7, s6, $0xb8;
	[tilespmem:$0x8160] =	vst v63  }
0xc9: {  	_ =	swait.ge [sflag:s29], $0x7D0  }
0xca: {  	[sflag:s29] =	ssyncset.done $0x0  }
0xcb: {  	[sflag:s29] =	ssyncadd.s32 $0xFFFFF830  }
0xcc: {  	_ =	swait.ge [sflag:s2], $0x7D0  }
0xcd: {  	[sflag:s2] =	ssyncset.done $0x0  }
0xce: {  	[sflag:s2] =	ssyncadd.s32 $0xFFFFF830  }
0xcf: {  	_ =	swait.ge [sflag:s2], $0x7D0  }
0xd0: {  	[sflag:s2] =	ssyncset.done $0x0  }
0xd1: {  	[sflag:s2] =	ssyncadd.s32 $0xFFFFF830  }
0xd2: {  	[spmem:s1] =	stream.indirect.scatter.add.f32 [tilespmem:s31], [sflag:$0x2], $0x10, s8, s6, $0xb8;
	[tilespmem:$0x8160] =	vst v63  }
0xd3: {  	_ =	swait.ge [sflag:s29], $0x7D0  }
0xd4: {  	[sflag:s29] =	ssyncset.done $0x0  }
0xd5: {  	[sflag:s29] =	ssyncadd.s32 $0xFFFFF830  }
0xd6: {  	[spmem:s3] =	stream.indirect.scatter.add.f32 [tilespmem:s0], [sflag:$0x2], $0x10, s8, s6, $0xb8;
	[tilespmem:$0x8160] =	vst v63  }
0xd7: {  	_ =	swait.ge [sflag:s29], $0x7D0  }
0xd8: {  	s15 =	stileid.u32;
	[sflag:s29] =	ssyncset.done $0x0  }
0xd9: {  	s10 =	sshll.u32 s15, $0x6;
	[sflag:s29] =	ssyncadd.s32 $0xFFFFF830  }
0xda: {  	s10 =	sor.u32 $0x1C02, s10;
	s17 =	sshrl.u32 s5, $0x3;
	[bflag:$0x0] =	sbarrier.arrive $0xFFFF  }
0xdb: {  	[hbm:s22], [sflag:s10] =	dma.local [spmem:s17], $0x4E2  }
0xdc: {  	s9 =	sadd.s32 $0x1, s9;
	_ =	swait.ge [sflag:s29], $0x4E2  }
0xdd: {  	p0 =	sne.s32 s9, s24;
	[sflag:s29] =	ssyncset.done $0x0  }
.Ltmp2:
0xde: {  	s18 =	sshrl.u32 s16, $0x3;
	[sflag:s29] =	ssyncadd.s32 $0xFFFFFB1E;
	(pc) =	sbr.rel @p0 .LBB2_1-.Ltmp2, $4  }
0xdf: {  	[hbm:s23], [sflag:s10] =	dma.local [spmem:s18], $0x4E2  }
0xe0: {  	_ =	swait.ge [sflag:s29], $0x4E2  }
0xe1: {  	[sflag:s29] =	ssyncset.done $0x0  }
0xe2: {  	[sflag:s29] =	ssyncadd.s32 $0xFFFFFB1E  }
0xe3: {  	_ =	sfence.sel $0x180000  }
0xe4: {  	[bflag:$0x0] =	sbarrier.arrive $0xFFFF  }
0xe5: {  	_ =	strace $0x9000004A  }
0xe6: {  	s0 =	stileid.u32;
	[bflag:$0x2] =	sbarrier.arrive $0xFFFF  }
0xe7: {  	p0 =	sne.s32 s0, $0x0;
	s0 =	rddreg [dreg:$0x3]  }
0xe8: {  	s0 =	sadd.s32 @!p0 $0x100000, s0  }
0xe9: {  	[sflag:s0] =	ssyncadd.tile.s32 @!p0 $0x1;
	_ =	shalt  }
.Lfunc_end2:
_tile_overlayer_lowered:
.L_overlay_start_2:
0xea: {  	(tag) =	ssettag $0x2  }
0xeb: {  	s0 =	rddreg [dreg:$0x0];
	s2 =	stileid.u32  }
0xec: {  	s1 =	rddreg [dreg:$0x1];
	p0 =	sne.s32 s2, $0x0  }
0xed: {  	s3 =	rddreg [dreg:$0x2];
	[bflag:$0x3] =	sbarrier.arrive $0xFFFF;
	s2 =	simm.s32 @!p0 $0x1C02  }
0xee: {  	[timem:s3], [sflag:s2] =	dma.local @!p0 [hbm:s0], s1  }
0xef: {  	s0 =	simm.s32 @!p0 $0x2  }
0xf0: {  	_ =	swait.ge @!p0 [sflag:s0], s1  }
0xf1: {  	s1 =	ssub.s32 @!p0 $0x0, s1;
	[sflag:s0] =	ssyncset.done @!p0 $0x0  }
0xf2: {  	[sflag:s0] =	ssyncadd.s32 @!p0 s1  }
0xf3: {  	[bflag:$0x3] =	sbarrier.arrive $0xFFFF  }
0xf4: {  	_ =	shalt  }

</sc_bundles>
